<compile_context>
chip_gen: v7x
topology: tpu7x:2x2x1
jax: 0.10.2.dev20260603
libtpu: 0.0.44.dev20260713+nightly
codegen_flags: <defaults>
</compile_context>

<pallas_src>
import jax
import jax.numpy as jnp
from jax import lax
from jax.experimental import pallas as pl
from jax.experimental.pallas import tpu as pltpu
from jax.experimental.pallas import tpu_sc as plsc

_NUM_EMB = 1000000
_D = 32
_R = 4
_SCALE = 10.0
_B = 4096 * 26
_NW = 32
_PER_W = _B // _NW
_C = 128
_NCH = _PER_W // _C


def _sc_body(x_hbm, emb_hbm, u0_hbm, u1_hbm, u2_hbm, u3_hbm, v_hbm, out_hbm,
             idx0, idx1, e0, e1,
             ua0, ub0, uc0, ud0, ua1, ub1, uc1, ud1, o0, o1, vs,
             sg0, sg1, sw0, sw1):
    wid = lax.axis_index("s") * 2 + lax.axis_index("c")
    base = wid * _PER_W
    u_hbms = (u0_hbm, u1_hbm, u2_hbm, u3_hbm)

    slots = ((idx0, e0, (ua0, ub0, uc0, ud0), o0, sg0, sw0),
             (idx1, e1, (ua1, ub1, uc1, ud1), o1, sg1, sw1))

    pltpu.sync_copy(v_hbm, vs)
    for r in range(_R):
        for h in range(2):
            vs[r, pl.ds(16 * h, 16)] = vs[r, pl.ds(16 * h, 16)] * _SCALE

    def fire(c, s):
        idx_v, e_v, u_v, _, sg, _ = slots[s]
        off = pl.multiple_of(base + c * _C, _C)
        pltpu.sync_copy(x_hbm.at[pl.ds(off, _C)], idx_v)
        pltpu.async_copy(emb_hbm.at[idx_v], e_v, sg)
        for r in range(_R):
            pltpu.async_copy(u_hbms[r].at[idx_v], u_v[r], sg)

    def wait_gathers(s):
        idx_v, e_v, u_v, _, sg, _ = slots[s]
        pltpu.make_async_copy(emb_hbm.at[idx_v], e_v, sg).wait()
        for r in range(_R):
            pltpu.make_async_copy(u_hbms[r].at[idx_v], u_v[r], sg).wait()

    def write_out(c, s):
        o_v, sw = slots[s][3], slots[s][5]
        off = pl.multiple_of((base + c * _C) // 4, _C // 4)
        pltpu.async_copy(o_v, out_hbm.at[pl.ds(off, _C // 4)], sw)

    def wait_write(c, s):
        o_v, sw = slots[s][3], slots[s][5]
        off = pl.multiple_of((base + c * _C) // 4, _C // 4)
        pltpu.make_async_copy(
            o_v, out_hbm.at[pl.ds(off, _C // 4)], sw).wait()

    def compute(s):
        _, e_v, u_v, o_v, _, _ = slots[s]

        def row_group(g, _, e_v=e_v, u_v=u_v, o_v=o_v):
            ur = [u_v[r][pl.ds(16 * g, 16)] for r in range(_R)]
            for j in range(16):
                i = g * 16 + j
                for h in range(2):
                    acc = e_v[i, pl.ds(16 * h, 16)] * _SCALE
                    for r in range(_R):
                        acc = acc + ur[r][j] * vs[r, pl.ds(16 * h, 16)]
                    o_v[4 * g + j // 4, pl.ds(32 * (j % 4) + 16 * h, 16)] = acc
            return 0

        lax.fori_loop(0, _C // 16, row_group, 0)

    fire(0, 0)
    fire(1, 1)

    def pair_body(p, _):
        for s in range(2):
            c = p * 2 + s
            wait_gathers(s)

            @pl.when(p >= 1)
            def _():
                wait_write(c - 2, s)

            compute(s)
            write_out(c, s)

            @pl.when(c + 2 < _NCH)
            def _():
                fire(c + 2, s)
        return 0

    lax.fori_loop(0, _NCH // 2, pair_body, 0)
    wait_write(_NCH - 2, 0)
    wait_write(_NCH - 1, 1)


@jax.jit
def kernel(x, emb_weight, lora_U, lora_V):
    x_flat = x.reshape(_B).astype(jnp.int32)
    emb_pad = jnp.pad(emb_weight, ((0, 0), (0, 128 - _D)))
    u_t = lora_U.T
    u_cols = [u_t[r] for r in range(_R)]
    v_pad = jnp.zeros((_R, 128), jnp.float32).at[:, :_D].set(lora_V)
    sc_call = pl.kernel(
        _sc_body,
        out_type=jax.ShapeDtypeStruct((_B // 4, 128), jnp.float32),
        mesh=plsc.VectorSubcoreMesh(core_axis_name="c", subcore_axis_name="s"),
        scratch_types=[
            pltpu.VMEM((_C,), jnp.int32),
            pltpu.VMEM((_C,), jnp.int32),
            pltpu.VMEM((_C, 128), jnp.float32),
            pltpu.VMEM((_C, 128), jnp.float32),
            pltpu.VMEM((_C,), jnp.float32),
            pltpu.VMEM((_C,), jnp.float32),
            pltpu.VMEM((_C,), jnp.float32),
            pltpu.VMEM((_C,), jnp.float32),
            pltpu.VMEM((_C,), jnp.float32),
            pltpu.VMEM((_C,), jnp.float32),
            pltpu.VMEM((_C,), jnp.float32),
            pltpu.VMEM((_C,), jnp.float32),
            pltpu.VMEM((_C // 4, 128), jnp.float32),
            pltpu.VMEM((_C // 4, 128), jnp.float32),
            pltpu.VMEM((_R, 128), jnp.float32),
            pltpu.SemaphoreType.DMA,
            pltpu.SemaphoreType.DMA,
            pltpu.SemaphoreType.DMA,
            pltpu.SemaphoreType.DMA,
        ],
        compiler_params=pltpu.CompilerParams(use_tc_tiling_on_sc=False,
                                             needs_layout_passes=False),
    )
    out = sc_call(x_flat, emb_pad, *u_cols, v_pad)
    return out.reshape(x.shape[0], x.shape[1], _D)

# --- scband reference (transcript-rebuilt; emitter-appended) ---
"""Pipeline reference for scband-scaled-embedding-4475355923059 (READ-ONLY COPY).

The authoritative reference and input builder live on the scoring server;
editing this copy changes nothing except your own understanding.
"""

import jax, jax.numpy as jnp
import numpy as np

NUM_EMBEDDINGS = 1000000
EMBEDDING_DIM = 32
LORA_RANK = 4
SCALE = 10.0
LORA_ALPHA = 1.0


def setup_inputs(seed: int = 0) -> dict:
    key = jax.random.key(seed)
    k1, k2, k3, k4 = jax.random.split(key, 4)
    # embedding table (initialized like nn.Embedding ~ N(0,1), then divided by scale)
    emb_weight = jax.random.normal(k1, (NUM_EMBEDDINGS, EMBEDDING_DIM), dtype=jnp.float32) / SCALE
    std = 1.0 / np.sqrt(EMBEDDING_DIM)
    lora_U = jax.random.normal(k2, (NUM_EMBEDDINGS, LORA_RANK), dtype=jnp.float32) * std
    lora_V = jax.random.normal(k3, (LORA_RANK, EMBEDDING_DIM), dtype=jnp.float32) * std
    x = jax.random.randint(k4, (4096, 26), 0, NUM_EMBEDDINGS, dtype=jnp.int64 if jax.config.jax_enable_x64 else jnp.int32)
    return {"x": x, "emb_weight": emb_weight, "lora_U": lora_U, "lora_V": lora_V}


def reference(x, emb_weight, lora_U, lora_V):
    # weight property: (embedding.weight + U @ V * alpha) * scale
    # lora_dropout is Identity (p=0.0); lora_enabled=True; lora_rank>0
    lora_update = (lora_U @ lora_V) * LORA_ALPHA
    weight = (emb_weight + lora_update) * SCALE
    # F.embedding(x, weight) -> gather rows
    return jnp.take(weight, x, axis=0)

if __name__ == "__main__":
    import jax
    _d = setup_inputs()
    print(jax.jit(kernel)(*tuple(_d.values())))

</pallas_src>

<mosaic_0001>
#map = affine_map<(d0, d1) -> (0)>
#map1 = affine_map<(d0, d1) -> (0, 0)>
module attributes {stable_mosaic.version = 14 : i64} {
  func.func @_sc_body(%arg0: i32, %arg1: i32, %arg2: memref<106496xi32, #tpu.memory_space<hbm>>, %arg3: memref<1000000x128xf32, #tpu.memory_space<hbm>>, %arg4: memref<1000000xf32, #tpu.memory_space<hbm>>, %arg5: memref<1000000xf32, #tpu.memory_space<hbm>>, %arg6: memref<1000000xf32, #tpu.memory_space<hbm>>, %arg7: memref<1000000xf32, #tpu.memory_space<hbm>>, %arg8: memref<4x128xf32, #tpu.memory_space<hbm>>, %arg9: memref<26624x128xf32, #tpu.memory_space<hbm>>, %arg10: memref<128xi32, #tpu.memory_space<vmem>>, %arg11: memref<128xi32, #tpu.memory_space<vmem>>, %arg12: memref<128x128xf32, #tpu.memory_space<vmem>>, %arg13: memref<128x128xf32, #tpu.memory_space<vmem>>, %arg14: memref<128xf32, #tpu.memory_space<vmem>>, %arg15: memref<128xf32, #tpu.memory_space<vmem>>, %arg16: memref<128xf32, #tpu.memory_space<vmem>>, %arg17: memref<128xf32, #tpu.memory_space<vmem>>, %arg18: memref<128xf32, #tpu.memory_space<vmem>>, %arg19: memref<128xf32, #tpu.memory_space<vmem>>, %arg20: memref<128xf32, #tpu.memory_space<vmem>>, %arg21: memref<128xf32, #tpu.memory_space<vmem>>, %arg22: memref<32x128xf32, #tpu.memory_space<vmem>>, %arg23: memref<32x128xf32, #tpu.memory_space<vmem>>, %arg24: memref<4x128xf32, #tpu.memory_space<vmem>>, %arg25: memref<!tpu.dma_semaphore, #tpu.memory_space<semaphore_mem>>, %arg26: memref<!tpu.dma_semaphore, #tpu.memory_space<semaphore_mem>>, %arg27: memref<!tpu.dma_semaphore, #tpu.memory_space<semaphore_mem>>, %arg28: memref<!tpu.dma_semaphore, #tpu.memory_space<semaphore_mem>>) attributes {dimension_semantics = [#tpu.dimension_semantics<core_parallel>, #tpu.dimension_semantics<subcore_parallel>], iteration_bounds = array<i64: 2, 16>, scalar_prefetch = 0 : i64, scratch_operands = 19 : i64, tpu.core_type = #tpu.core_type<sc_vector_subcore>, window_params = [{transform_indices = #map}, {transform_indices = #map1}, {transform_indices = #map}, {transform_indices = #map}, {transform_indices = #map}, {transform_indices = #map}, {transform_indices = #map1}, {transform_indices = #map1}]} {
    %mul3A = arith.constant 2 : i32
    %mul3A_0 = arith.muli %arg1, %mul3A : i32
    %add3A = arith.addi %mul3A_0, %arg0 : i32
    %mul3A_1 = arith.constant 3328 : i32
    %mul3A_2 = arith.muli %add3A, %mul3A_1 : i32
    "tpu.region"() ({
      %run_scoped3A = tpu.sem_alloc : memref<!tpu.dma_semaphore, #tpu.memory_space<semaphore_mem>>
      tpu.enqueue_dma source(%arg8 : memref<4x128xf32, #tpu.memory_space<hbm>>) target(%arg24 : memref<4x128xf32, #tpu.memory_space<vmem>>) target_semaphore(%run_scoped3A : memref<!tpu.dma_semaphore, #tpu.memory_space<semaphore_mem>>)
      tpu.wait_dma2 semaphore(%run_scoped3A : memref<!tpu.dma_semaphore, #tpu.memory_space<semaphore_mem>>) src(%arg8 : memref<4x128xf32, #tpu.memory_space<hbm>>) dst(%arg24 : memref<4x128xf32, #tpu.memory_space<vmem>>)
      tpu.yield
    }) : () -> ()
    %get3A = arith.constant 0 : i32
    %get3A_3 = arith.index_cast %get3A : i32 to index
    %get3A_4 = arith.constant 0 : index
    %get3A_5 = tpu.vector_load %arg24[%get3A_3, %get3A_4] {strides = array<i32>} : memref<4x128xf32, #tpu.memory_space<vmem>>, vector<16xf32>,
    %mul3A_6 = arith.constant 1.000000e+01 : f32
    %mul3A_7 = vector.broadcast %mul3A_6 : f32 to vector<16xf32>
    %mul3A_8 = arith.mulf %get3A_5, %mul3A_7 : vector<16xf32>
    %swap3A = arith.constant 0 : i32
    %swap3A_9 = arith.index_cast %swap3A : i32 to index
    %swap3A_10 = arith.constant 0 : index
    %swap3A_11 = tpu.vector_load %arg24[%swap3A_9, %swap3A_10] {strides = array<i32>} : memref<4x128xf32, #tpu.memory_space<vmem>>, vector<16xf32>,
    tpu.vector_store %arg24[%swap3A_9, %swap3A_10], %mul3A_8 {strides = array<i32>} : memref<4x128xf32, #tpu.memory_space<vmem>>, vector<16xf32>,
    %get3A_12 = arith.constant 0 : i32
    %get3A_13 = arith.index_cast %get3A_12 : i32 to index
    %get3A_14 = arith.constant 16 : index
    %get3A_15 = tpu.vector_load %arg24[%get3A_13, %get3A_14] {strides = array<i32>} : memref<4x128xf32, #tpu.memory_space<vmem>>, vector<16xf32>,
    %mul3A_16 = arith.constant 1.000000e+01 : f32
    %mul3A_17 = vector.broadcast %mul3A_16 : f32 to vector<16xf32>
    %mul3A_18 = arith.mulf %get3A_15, %mul3A_17 : vector<16xf32>
    %swap3A_19 = arith.constant 0 : i32
    %swap3A_20 = arith.index_cast %swap3A_19 : i32 to index
    %swap3A_21 = arith.constant 16 : index
    %swap3A_22 = tpu.vector_load %arg24[%swap3A_20, %swap3A_21] {strides = array<i32>} : memref<4x128xf32, #tpu.memory_space<vmem>>, vector<16xf32>,
    tpu.vector_store %arg24[%swap3A_20, %swap3A_21], %mul3A_18 {strides = array<i32>} : memref<4x128xf32, #tpu.memory_space<vmem>>, vector<16xf32>,
    %get3A_23 = arith.constant 1 : i32
    %get3A_24 = arith.index_cast %get3A_23 : i32 to index
    %get3A_25 = arith.constant 0 : index
    %get3A_26 = tpu.vector_load %arg24[%get3A_24, %get3A_25] {strides = array<i32>} : memref<4x128xf32, #tpu.memory_space<vmem>>, vector<16xf32>,
    %mul3A_27 = arith.constant 1.000000e+01 : f32
    %mul3A_28 = vector.broadcast %mul3A_27 : f32 to vector<16xf32>
    %mul3A_29 = arith.mulf %get3A_26, %mul3A_28 : vector<16xf32>
    %swap3A_30 = arith.constant 1 : i32
    %swap3A_31 = arith.index_cast %swap3A_30 : i32 to index
    %swap3A_32 = arith.constant 0 : index
    %swap3A_33 = tpu.vector_load %arg24[%swap3A_31, %swap3A_32] {strides = array<i32>} : memref<4x128xf32, #tpu.memory_space<vmem>>, vector<16xf32>,
    tpu.vector_store %arg24[%swap3A_31, %swap3A_32], %mul3A_29 {strides = array<i32>} : memref<4x128xf32, #tpu.memory_space<vmem>>, vector<16xf32>,
    %get3A_34 = arith.constant 1 : i32
    %get3A_35 = arith.index_cast %get3A_34 : i32 to index
    %get3A_36 = arith.constant 16 : index
    %get3A_37 = tpu.vector_load %arg24[%get3A_35, %get3A_36] {strides = array<i32>} : memref<4x128xf32, #tpu.memory_space<vmem>>, vector<16xf32>,
    %mul3A_38 = arith.constant 1.000000e+01 : f32
    %mul3A_39 = vector.broadcast %mul3A_38 : f32 to vector<16xf32>
    %mul3A_40 = arith.mulf %get3A_37, %mul3A_39 : vector<16xf32>
    %swap3A_41 = arith.constant 1 : i32
    %swap3A_42 = arith.index_cast %swap3A_41 : i32 to index
    %swap3A_43 = arith.constant 16 : index
    %swap3A_44 = tpu.vector_load %arg24[%swap3A_42, %swap3A_43] {strides = array<i32>} : memref<4x128xf32, #tpu.memory_space<vmem>>, vector<16xf32>,
    tpu.vector_store %arg24[%swap3A_42, %swap3A_43], %mul3A_40 {strides = array<i32>} : memref<4x128xf32, #tpu.memory_space<vmem>>, vector<16xf32>,
    %get3A_45 = arith.constant 2 : i32
    %get3A_46 = arith.index_cast %get3A_45 : i32 to index
    %get3A_47 = arith.constant 0 : index
    %get3A_48 = tpu.vector_load %arg24[%get3A_46, %get3A_47] {strides = array<i32>} : memref<4x128xf32, #tpu.memory_space<vmem>>, vector<16xf32>,
    %mul3A_49 = arith.constant 1.000000e+01 : f32
    %mul3A_50 = vector.broadcast %mul3A_49 : f32 to vector<16xf32>
    %mul3A_51 = arith.mulf %get3A_48, %mul3A_50 : vector<16xf32>
    %swap3A_52 = arith.constant 2 : i32
    %swap3A_53 = arith.index_cast %swap3A_52 : i32 to index
    %swap3A_54 = arith.constant 0 : index
    %swap3A_55 = tpu.vector_load %arg24[%swap3A_53, %swap3A_54] {strides = array<i32>} : memref<4x128xf32, #tpu.memory_space<vmem>>, vector<16xf32>,
    tpu.vector_store %arg24[%swap3A_53, %swap3A_54], %mul3A_51 {strides = array<i32>} : memref<4x128xf32, #tpu.memory_space<vmem>>, vector<16xf32>,
    %get3A_56 = arith.constant 2 : i32
    %get3A_57 = arith.index_cast %get3A_56 : i32 to index
    %get3A_58 = arith.constant 16 : index
    %get3A_59 = tpu.vector_load %arg24[%get3A_57, %get3A_58] {strides = array<i32>} : memref<4x128xf32, #tpu.memory_space<vmem>>, vector<16xf32>,
    %mul3A_60 = arith.constant 1.000000e+01 : f32
    %mul3A_61 = vector.broadcast %mul3A_60 : f32 to vector<16xf32>
    %mul3A_62 = arith.mulf %get3A_59, %mul3A_61 : vector<16xf32>
    %swap3A_63 = arith.constant 2 : i32
    %swap3A_64 = arith.index_cast %swap3A_63 : i32 to index
    %swap3A_65 = arith.constant 16 : index
    %swap3A_66 = tpu.vector_load %arg24[%swap3A_64, %swap3A_65] {strides = array<i32>} : memref<4x128xf32, #tpu.memory_space<vmem>>, vector<16xf32>,
    tpu.vector_store %arg24[%swap3A_64, %swap3A_65], %mul3A_62 {strides = array<i32>} : memref<4x128xf32, #tpu.memory_space<vmem>>, vector<16xf32>,
    %get3A_67 = arith.constant 3 : i32
    %get3A_68 = arith.index_cast %get3A_67 : i32 to index
    %get3A_69 = arith.constant 0 : index
    %get3A_70 = tpu.vector_load %arg24[%get3A_68, %get3A_69] {strides = array<i32>} : memref<4x128xf32, #tpu.memory_space<vmem>>, vector<16xf32>,
    %mul3A_71 = arith.constant 1.000000e+01 : f32
    %mul3A_72 = vector.broadcast %mul3A_71 : f32 to vector<16xf32>
    %mul3A_73 = arith.mulf %get3A_70, %mul3A_72 : vector<16xf32>
    %swap3A_74 = arith.constant 3 : i32
    %swap3A_75 = arith.index_cast %swap3A_74 : i32 to index
    %swap3A_76 = arith.constant 0 : index
    %swap3A_77 = tpu.vector_load %arg24[%swap3A_75, %swap3A_76] {strides = array<i32>} : memref<4x128xf32, #tpu.memory_space<vmem>>, vector<16xf32>,
    tpu.vector_store %arg24[%swap3A_75, %swap3A_76], %mul3A_73 {strides = array<i32>} : memref<4x128xf32, #tpu.memory_space<vmem>>, vector<16xf32>,
    %get3A_78 = arith.constant 3 : i32
    %get3A_79 = arith.index_cast %get3A_78 : i32 to index
    %get3A_80 = arith.constant 16 : index
    %get3A_81 = tpu.vector_load %arg24[%get3A_79, %get3A_80] {strides = array<i32>} : memref<4x128xf32, #tpu.memory_space<vmem>>, vector<16xf32>,
    %mul3A_82 = arith.constant 1.000000e+01 : f32
    %mul3A_83 = vector.broadcast %mul3A_82 : f32 to vector<16xf32>
    %mul3A_84 = arith.mulf %get3A_81, %mul3A_83 : vector<16xf32>
    %swap3A_85 = arith.constant 3 : i32
    %swap3A_86 = arith.index_cast %swap3A_85 : i32 to index
    %swap3A_87 = arith.constant 16 : index
    %swap3A_88 = tpu.vector_load %arg24[%swap3A_86, %swap3A_87] {strides = array<i32>} : memref<4x128xf32, #tpu.memory_space<vmem>>, vector<16xf32>,
    tpu.vector_store %arg24[%swap3A_86, %swap3A_87], %mul3A_84 {strides = array<i32>} : memref<4x128xf32, #tpu.memory_space<vmem>>, vector<16xf32>,
    %add3A_89 = arith.constant 0 : i32
    %add3A_90 = arith.addi %mul3A_2, %add3A_89 : i32
    %multiple_of3A = tpu.assume_multiple %add3A_90, 128 : i32
    "tpu.region"() ({
      %run_scoped3A = tpu.sem_alloc : memref<!tpu.dma_semaphore, #tpu.memory_space<semaphore_mem>>
      %dma_start3A_174 = tpu.memref_slice %arg2[%multiple_of3A] : memref<106496xi32, #tpu.memory_space<hbm>> -> memref<128xi32, #tpu.memory_space<hbm>>
      %dma_start3A_175 = tpu.memref_slice %arg2[%multiple_of3A] : memref<106496xi32, #tpu.memory_space<hbm>> -> memref<128xi32, #tpu.memory_space<hbm>>
      tpu.enqueue_dma source(%dma_start3A_175 : memref<128xi32, #tpu.memory_space<hbm>>) target(%arg10 : memref<128xi32, #tpu.memory_space<vmem>>) target_semaphore(%run_scoped3A : memref<!tpu.dma_semaphore, #tpu.memory_space<semaphore_mem>>)
      %dma_wait3A_176 = tpu.memref_slice %arg2[%multiple_of3A] : memref<106496xi32, #tpu.memory_space<hbm>> -> memref<128xi32, #tpu.memory_space<hbm>>
      %dma_wait3A_177 = tpu.memref_slice %arg2[%multiple_of3A] : memref<106496xi32, #tpu.memory_space<hbm>> -> memref<128xi32, #tpu.memory_space<hbm>>
      tpu.wait_dma2 semaphore(%run_scoped3A : memref<!tpu.dma_semaphore, #tpu.memory_space<semaphore_mem>>) src(%dma_wait3A_177 : memref<128xi32, #tpu.memory_space<hbm>>) dst(%arg10 : memref<128xi32, #tpu.memory_space<vmem>>)
      tpu.yield
    }) : () -> ()
    %dma_start3A = arith.constant 0 : i32
    %dma_start3A_91 = arith.constant 0 : i32
    %dma_start3A_92 = tpu.memref_slice %arg3[%dma_start3A, %dma_start3A_91] : memref<1000000x128xf32, #tpu.memory_space<hbm>> -> memref<1000000x128xf32, #tpu.memory_space<hbm>>
    tpu.enqueue_indirect_dma source(%dma_start3A_92 : memref<1000000x128xf32, #tpu.memory_space<hbm>>) target(%arg12 : memref<128x128xf32, #tpu.memory_space<vmem>>) offsets(%arg10 : memref<128xi32, #tpu.memory_space<vmem>>) semaphore(%arg25 : memref<!tpu.dma_semaphore, #tpu.memory_space<semaphore_mem>>)
    %dma_start3A_93 = arith.constant 0 : i32
    %dma_start3A_94 = tpu.memref_slice %arg4[%dma_start3A_93] : memref<1000000xf32, #tpu.memory_space<hbm>> -> memref<1000000xf32, #tpu.memory_space<hbm>>
    tpu.enqueue_indirect_dma source(%dma_start3A_94 : memref<1000000xf32, #tpu.memory_space<hbm>>) target(%arg14 : memref<128xf32, #tpu.memory_space<vmem>>) offsets(%arg10 : memref<128xi32, #tpu.memory_space<vmem>>) semaphore(%arg25 : memref<!tpu.dma_semaphore, #tpu.memory_space<semaphore_mem>>)
    %dma_start3A_95 = arith.constant 0 : i32
    %dma_start3A_96 = tpu.memref_slice %arg5[%dma_start3A_95] : memref<1000000xf32, #tpu.memory_space<hbm>> -> memref<1000000xf32, #tpu.memory_space<hbm>>
    tpu.enqueue_indirect_dma source(%dma_start3A_96 : memref<1000000xf32, #tpu.memory_space<hbm>>) target(%arg15 : memref<128xf32, #tpu.memory_space<vmem>>) offsets(%arg10 : memref<128xi32, #tpu.memory_space<vmem>>) semaphore(%arg25 : memref<!tpu.dma_semaphore, #tpu.memory_space<semaphore_mem>>)
    %dma_start3A_97 = arith.constant 0 : i32
    %dma_start3A_98 = tpu.memref_slice %arg6[%dma_start3A_97] : memref<1000000xf32, #tpu.memory_space<hbm>> -> memref<1000000xf32, #tpu.memory_space<hbm>>
    tpu.enqueue_indirect_dma source(%dma_start3A_98 : memref<1000000xf32, #tpu.memory_space<hbm>>) target(%arg16 : memref<128xf32, #tpu.memory_space<vmem>>) offsets(%arg10 : memref<128xi32, #tpu.memory_space<vmem>>) semaphore(%arg25 : memref<!tpu.dma_semaphore, #tpu.memory_space<semaphore_mem>>)
    %dma_start3A_99 = arith.constant 0 : i32
    %dma_start3A_100 = tpu.memref_slice %arg7[%dma_start3A_99] : memref<1000000xf32, #tpu.memory_space<hbm>> -> memref<1000000xf32, #tpu.memory_space<hbm>>
    tpu.enqueue_indirect_dma source(%dma_start3A_100 : memref<1000000xf32, #tpu.memory_space<hbm>>) target(%arg17 : memref<128xf32, #tpu.memory_space<vmem>>) offsets(%arg10 : memref<128xi32, #tpu.memory_space<vmem>>) semaphore(%arg25 : memref<!tpu.dma_semaphore, #tpu.memory_space<semaphore_mem>>)
    %add3A_101 = arith.constant 128 : i32
    %add3A_102 = arith.addi %mul3A_2, %add3A_101 : i32
    %multiple_of3A_103 = tpu.assume_multiple %add3A_102, 128 : i32
    "tpu.region"() ({
      %run_scoped3A = tpu.sem_alloc : memref<!tpu.dma_semaphore, #tpu.memory_space<semaphore_mem>>
      %dma_start3A_174 = tpu.memref_slice %arg2[%multiple_of3A_103] : memref<106496xi32, #tpu.memory_space<hbm>> -> memref<128xi32, #tpu.memory_space<hbm>>
      %dma_start3A_175 = tpu.memref_slice %arg2[%multiple_of3A_103] : memref<106496xi32, #tpu.memory_space<hbm>> -> memref<128xi32, #tpu.memory_space<hbm>>
      tpu.enqueue_dma source(%dma_start3A_175 : memref<128xi32, #tpu.memory_space<hbm>>) target(%arg11 : memref<128xi32, #tpu.memory_space<vmem>>) target_semaphore(%run_scoped3A : memref<!tpu.dma_semaphore, #tpu.memory_space<semaphore_mem>>)
      %dma_wait3A_176 = tpu.memref_slice %arg2[%multiple_of3A_103] : memref<106496xi32, #tpu.memory_space<hbm>> -> memref<128xi32, #tpu.memory_space<hbm>>
      %dma_wait3A_177 = tpu.memref_slice %arg2[%multiple_of3A_103] : memref<106496xi32, #tpu.memory_space<hbm>> -> memref<128xi32, #tpu.memory_space<hbm>>
      tpu.wait_dma2 semaphore(%run_scoped3A : memref<!tpu.dma_semaphore, #tpu.memory_space<semaphore_mem>>) src(%dma_wait3A_177 : memref<128xi32, #tpu.memory_space<hbm>>) dst(%arg11 : memref<128xi32, #tpu.memory_space<vmem>>)
      tpu.yield
    }) : () -> ()
    %dma_start3A_104 = arith.constant 0 : i32
    %dma_start3A_105 = arith.constant 0 : i32
    %dma_start3A_106 = tpu.memref_slice %arg3[%dma_start3A_104, %dma_start3A_105] : memref<1000000x128xf32, #tpu.memory_space<hbm>> -> memref<1000000x128xf32, #tpu.memory_space<hbm>>
    tpu.enqueue_indirect_dma source(%dma_start3A_106 : memref<1000000x128xf32, #tpu.memory_space<hbm>>) target(%arg13 : memref<128x128xf32, #tpu.memory_space<vmem>>) offsets(%arg11 : memref<128xi32, #tpu.memory_space<vmem>>) semaphore(%arg26 : memref<!tpu.dma_semaphore, #tpu.memory_space<semaphore_mem>>)
    %dma_start3A_107 = arith.constant 0 : i32
    %dma_start3A_108 = tpu.memref_slice %arg4[%dma_start3A_107] : memref<1000000xf32, #tpu.memory_space<hbm>> -> memref<1000000xf32, #tpu.memory_space<hbm>>
    tpu.enqueue_indirect_dma source(%dma_start3A_108 : memref<1000000xf32, #tpu.memory_space<hbm>>) target(%arg18 : memref<128xf32, #tpu.memory_space<vmem>>) offsets(%arg11 : memref<128xi32, #tpu.memory_space<vmem>>) semaphore(%arg26 : memref<!tpu.dma_semaphore, #tpu.memory_space<semaphore_mem>>)
    %dma_start3A_109 = arith.constant 0 : i32
    %dma_start3A_110 = tpu.memref_slice %arg5[%dma_start3A_109] : memref<1000000xf32, #tpu.memory_space<hbm>> -> memref<1000000xf32, #tpu.memory_space<hbm>>
    tpu.enqueue_indirect_dma source(%dma_start3A_110 : memref<1000000xf32, #tpu.memory_space<hbm>>) target(%arg19 : memref<128xf32, #tpu.memory_space<vmem>>) offsets(%arg11 : memref<128xi32, #tpu.memory_space<vmem>>) semaphore(%arg26 : memref<!tpu.dma_semaphore, #tpu.memory_space<semaphore_mem>>)
    %dma_start3A_111 = arith.constant 0 : i32
    %dma_start3A_112 = tpu.memref_slice %arg6[%dma_start3A_111] : memref<1000000xf32, #tpu.memory_space<hbm>> -> memref<1000000xf32, #tpu.memory_space<hbm>>
    tpu.enqueue_indirect_dma source(%dma_start3A_112 : memref<1000000xf32, #tpu.memory_space<hbm>>) target(%arg20 : memref<128xf32, #tpu.memory_space<vmem>>) offsets(%arg11 : memref<128xi32, #tpu.memory_space<vmem>>) semaphore(%arg26 : memref<!tpu.dma_semaphore, #tpu.memory_space<semaphore_mem>>)
    %dma_start3A_113 = arith.constant 0 : i32
    %dma_start3A_114 = tpu.memref_slice %arg7[%dma_start3A_113] : memref<1000000xf32, #tpu.memory_space<hbm>> -> memref<1000000xf32, #tpu.memory_space<hbm>>
    tpu.enqueue_indirect_dma source(%dma_start3A_114 : memref<1000000xf32, #tpu.memory_space<hbm>>) target(%arg21 : memref<128xf32, #tpu.memory_space<vmem>>) offsets(%arg11 : memref<128xi32, #tpu.memory_space<vmem>>) semaphore(%arg26 : memref<!tpu.dma_semaphore, #tpu.memory_space<semaphore_mem>>)
    %scan3A = arith.constant 0 : i32
    %scan3A_115 = arith.constant 0 : i32
    %scan3A_116 = arith.constant 13 : i32
    %scan3A_117 = arith.addi %scan3A_115, %scan3A_116 : i32
    %scan3A_118 = arith.constant 1 : i32
    %scan3A_119 = scf.for %scan3A_174 = %scan3A_115 to %scan3A_117 step %scan3A_118 iter_args(%scan3A_175 = %scan3A) -> (i32)  : i32 {
      %mul3A_176 = arith.constant 2 : i32
      %mul3A_177 = arith.muli %scan3A_174, %mul3A_176 : i32
      %add3A_178 = arith.constant 0 : i32
      %add3A_179 = arith.addi %mul3A_177, %add3A_178 : i32
      %dma_wait3A_180 = arith.constant 0 : i32
      %dma_wait3A_181 = arith.constant 0 : i32
      %dma_wait3A_182 = tpu.memref_slice %arg3[%dma_wait3A_180, %dma_wait3A_181] : memref<1000000x128xf32, #tpu.memory_space<hbm>> -> memref<1000000x128xf32, #tpu.memory_space<hbm>>
      tpu.wait_indirect_dma semaphore(%arg25 : memref<!tpu.dma_semaphore, #tpu.memory_space<semaphore_mem>>) src(%dma_wait3A_182 : memref<1000000x128xf32, #tpu.memory_space<hbm>>) dst(%arg12 : memref<128x128xf32, #tpu.memory_space<vmem>>)
      %dma_wait3A_183 = arith.constant 0 : i32
      %dma_wait3A_184 = tpu.memref_slice %arg4[%dma_wait3A_183] : memref<1000000xf32, #tpu.memory_space<hbm>> -> memref<1000000xf32, #tpu.memory_space<hbm>>
      tpu.wait_indirect_dma semaphore(%arg25 : memref<!tpu.dma_semaphore, #tpu.memory_space<semaphore_mem>>) src(%dma_wait3A_184 : memref<1000000xf32, #tpu.memory_space<hbm>>) dst(%arg14 : memref<128xf32, #tpu.memory_space<vmem>>)
      %dma_wait3A_185 = arith.constant 0 : i32
      %dma_wait3A_186 = tpu.memref_slice %arg5[%dma_wait3A_185] : memref<1000000xf32, #tpu.memory_space<hbm>> -> memref<1000000xf32, #tpu.memory_space<hbm>>
      tpu.wait_indirect_dma semaphore(%arg25 : memref<!tpu.dma_semaphore, #tpu.memory_space<semaphore_mem>>) src(%dma_wait3A_186 : memref<1000000xf32, #tpu.memory_space<hbm>>) dst(%arg15 : memref<128xf32, #tpu.memory_space<vmem>>)
      %dma_wait3A_187 = arith.constant 0 : i32
      %dma_wait3A_188 = tpu.memref_slice %arg6[%dma_wait3A_187] : memref<1000000xf32, #tpu.memory_space<hbm>> -> memref<1000000xf32, #tpu.memory_space<hbm>>
      tpu.wait_indirect_dma semaphore(%arg25 : memref<!tpu.dma_semaphore, #tpu.memory_space<semaphore_mem>>) src(%dma_wait3A_188 : memref<1000000xf32, #tpu.memory_space<hbm>>) dst(%arg16 : memref<128xf32, #tpu.memory_space<vmem>>)
      %dma_wait3A_189 = arith.constant 0 : i32
      %dma_wait3A_190 = tpu.memref_slice %arg7[%dma_wait3A_189] : memref<1000000xf32, #tpu.memory_space<hbm>> -> memref<1000000xf32, #tpu.memory_space<hbm>>
      tpu.wait_indirect_dma semaphore(%arg25 : memref<!tpu.dma_semaphore, #tpu.memory_space<semaphore_mem>>) src(%dma_wait3A_190 : memref<1000000xf32, #tpu.memory_space<hbm>>) dst(%arg17 : memref<128xf32, #tpu.memory_space<vmem>>)
      %ge3A = arith.constant 1 : i32
      %ge3A_191 = arith.cmpi sge, %scan3A_174, %ge3A : i32
      %convert_element_type3A = arith.extui %ge3A_191 : i1 to i32
      %cond3A = arith.constant 0 : i32
      %cond3A_192 = arith.cmpi ne, %convert_element_type3A, %cond3A : i32
      scf.if %cond3A_192 {
        %sub3A_305 = arith.constant 2 : i32
        %sub3A_306 = arith.subi %add3A_179, %sub3A_305 : i32
        %mul3A_307 = arith.constant 128 : i32
        %mul3A_308 = arith.muli %sub3A_306, %mul3A_307 : i32
        %add3A_309 = arith.addi %mul3A_2, %mul3A_308 : i32
        %jit3A_310 = arith.constant 4 : i32
        %div3A_311 = arith.divsi %add3A_309, %jit3A_310 : i32
        %sign3A_312 = arith.constant 0 : i32
        %sign3A_313 = arith.cmpi sgt, %add3A_309, %sign3A_312 : i32
        %sign3A_314 = arith.extui %sign3A_313 : i1 to i32
        %sign3A_315 = arith.constant 0 : i32
        %sign3A_316 = arith.cmpi slt, %add3A_309, %sign3A_315 : i32
        %sign3A_317 = arith.extui %sign3A_316 : i1 to i32
        %sign3A_318 = arith.subi %sign3A_314, %sign3A_317 : i32
        %sign3A_319 = arith.constant 0 : i32
        %sign3A_320 = arith.cmpi sgt, %jit3A_310, %sign3A_319 : i32
        %sign3A_321 = arith.extui %sign3A_320 : i1 to i32
        %sign3A_322 = arith.constant 0 : i32
        %sign3A_323 = arith.cmpi slt, %jit3A_310, %sign3A_322 : i32
        %sign3A_324 = arith.extui %sign3A_323 : i1 to i32
        %sign3A_325 = arith.subi %sign3A_321, %sign3A_324 : i32
        %ne3A_326 = arith.cmpi ne, %sign3A_318, %sign3A_325 : i32
        %rem3A_327 = arith.remsi %add3A_309, %jit3A_310 : i32
        %ne3A_328 = arith.constant 0 : i32
        %ne3A_329 = arith.cmpi ne, %rem3A_327, %ne3A_328 : i32
        %and3A_330 = arith.andi %ne3A_326, %ne3A_329 : i1
        %sub3A_331 = arith.constant 1 : i32
        %sub3A_332 = arith.subi %div3A_311, %sub3A_331 : i32
        %select_n3A_333 = arith.select %and3A_330, %sub3A_332, %div3A_311 : i32
        %multiple_of3A_334 = tpu.assume_multiple %select_n3A_333, 32 : i32
        %dma_wait3A_335 = arith.constant 0 : i32
        %dma_wait3A_336 = tpu.memref_slice %arg9[%multiple_of3A_334, %dma_wait3A_335] : memref<26624x128xf32, #tpu.memory_space<hbm>> -> memref<32x128xf32, #tpu.memory_space<hbm>>
        %dma_wait3A_337 = arith.constant 0 : i32
        %dma_wait3A_338 = tpu.memref_slice %arg9[%multiple_of3A_334, %dma_wait3A_337] : memref<26624x128xf32, #tpu.memory_space<hbm>> -> memref<32x128xf32, #tpu.memory_space<hbm>>
        tpu.wait_dma2 semaphore(%arg27 : memref<!tpu.dma_semaphore, #tpu.memory_space<semaphore_mem>>) src(%arg22 : memref<32x128xf32, #tpu.memory_space<vmem>>) dst(%dma_wait3A_338 : memref<32x128xf32, #tpu.memory_space<hbm>>)
      } else {
      }
      %scan3A_193 = arith.constant 0 : i32
      %scan3A_194 = arith.constant 0 : i32
      %scan3A_195 = arith.constant 8 : i32
      %scan3A_196 = arith.addi %scan3A_194, %scan3A_195 : i32
      %scan3A_197 = arith.constant 1 : i32
      %scan3A_198 = scf.for %scan3A_305 = %scan3A_194 to %scan3A_196 step %scan3A_197 iter_args(%scan3A_306 = %scan3A_193) -> (i32)  : i32 {
        %mul3A_307 = arith.constant 16 : i32
        %mul3A_308 = arith.muli %mul3A_307, %scan3A_305 : i32
        %get3A_309 = arith.index_cast %mul3A_308 : i32 to index
        %get3A_310 = tpu.vector_load %arg14[%get3A_309] {strides = array<i32>} : memref<128xf32, #tpu.memory_space<vmem>>, vector<16xf32>,
        %mul3A_311 = arith.constant 16 : i32
        %mul3A_312 = arith.muli %mul3A_311, %scan3A_305 : i32
        %get3A_313 = arith.index_cast %mul3A_312 : i32 to index
        %get3A_314 = tpu.vector_load %arg15[%get3A_313] {strides = array<i32>} : memref<128xf32, #tpu.memory_space<vmem>>, vector<16xf32>,
        %mul3A_315 = arith.constant 16 : i32
        %mul3A_316 = arith.muli %mul3A_315, %scan3A_305 : i32
        %get3A_317 = arith.index_cast %mul3A_316 : i32 to index
        %get3A_318 = tpu.vector_load %arg16[%get3A_317] {strides = array<i32>} : memref<128xf32, #tpu.memory_space<vmem>>, vector<16xf32>,
        %mul3A_319 = arith.constant 16 : i32
        %mul3A_320 = arith.muli %mul3A_319, %scan3A_305 : i32
        %get3A_321 = arith.index_cast %mul3A_320 : i32 to index
        %get3A_322 = tpu.vector_load %arg17[%get3A_321] {strides = array<i32>} : memref<128xf32, #tpu.memory_space<vmem>>, vector<16xf32>,
        %mul3A_323 = arith.constant 16 : i32
        %mul3A_324 = arith.muli %scan3A_305, %mul3A_323 : i32
        %add3A_325 = arith.constant 0 : i32
        %add3A_326 = arith.addi %mul3A_324, %add3A_325 : i32
        %get3A_327 = arith.index_cast %add3A_326 : i32 to index
        %get3A_328 = arith.constant 0 : index
        %get3A_329 = tpu.vector_load %arg12[%get3A_327, %get3A_328] {strides = array<i32>} : memref<128x128xf32, #tpu.memory_space<vmem>>, vector<16xf32>,
        %mul3A_330 = arith.constant 1.000000e+01 : f32
        %mul3A_331 = vector.broadcast %mul3A_330 : f32 to vector<16xf32>
        %mul3A_332 = arith.mulf %get3A_329, %mul3A_331 : vector<16xf32>
        %slice3A = vector.extract_strided_slice %get3A_310 {offsets = [0], sizes = [1], strides = [1]} : vector<16xf32> to vector<1xf32>
        %squeeze3A = vector.extract %slice3A[0] : f32 from vector<1xf32>
        %get3A_333 = arith.constant 0 : i32
        %get3A_334 = arith.index_cast %get3A_333 : i32 to index
        %get3A_335 = arith.constant 0 : index
        %get3A_336 = tpu.vector_load %arg24[%get3A_334, %get3A_335] {strides = array<i32>} : memref<4x128xf32, #tpu.memory_space<vmem>>, vector<16xf32>,
        %mul3A_337 = vector.broadcast %squeeze3A : f32 to vector<16xf32>
        %mul3A_338 = arith.mulf %mul3A_337, %get3A_336 : vector<16xf32>
        %add3A_339 = arith.addf %mul3A_332, %mul3A_338 : vector<16xf32>
        %slice3A_340 = vector.extract_strided_slice %get3A_314 {offsets = [0], sizes = [1], strides = [1]} : vector<16xf32> to vector<1xf32>
        %squeeze3A_341 = vector.extract %slice3A_340[0] : f32 from vector<1xf32>
        %get3A_342 = arith.constant 1 : i32
        %get3A_343 = arith.index_cast %get3A_342 : i32 to index
        %get3A_344 = arith.constant 0 : index
        %get3A_345 = tpu.vector_load %arg24[%get3A_343, %get3A_344] {strides = array<i32>} : memref<4x128xf32, #tpu.memory_space<vmem>>, vector<16xf32>,
        %mul3A_346 = vector.broadcast %squeeze3A_341 : f32 to vector<16xf32>
        %mul3A_347 = arith.mulf %mul3A_346, %get3A_345 : vector<16xf32>
        %add3A_348 = arith.addf %add3A_339, %mul3A_347 : vector<16xf32>
        %slice3A_349 = vector.extract_strided_slice %get3A_318 {offsets = [0], sizes = [1], strides = [1]} : vector<16xf32> to vector<1xf32>
        %squeeze3A_350 = vector.extract %slice3A_349[0] : f32 from vector<1xf32>
        %get3A_351 = arith.constant 2 : i32
        %get3A_352 = arith.index_cast %get3A_351 : i32 to index
        %get3A_353 = arith.constant 0 : index
        %get3A_354 = tpu.vector_load %arg24[%get3A_352, %get3A_353] {strides = array<i32>} : memref<4x128xf32, #tpu.memory_space<vmem>>, vector<16xf32>,
        %mul3A_355 = vector.broadcast %squeeze3A_350 : f32 to vector<16xf32>
        %mul3A_356 = arith.mulf %mul3A_355, %get3A_354 : vector<16xf32>
        %add3A_357 = arith.addf %add3A_348, %mul3A_356 : vector<16xf32>
        %slice3A_358 = vector.extract_strided_slice %get3A_322 {offsets = [0], sizes = [1], strides = [1]} : vector<16xf32> to vector<1xf32>
        %squeeze3A_359 = vector.extract %slice3A_358[0] : f32 from vector<1xf32>
        %get3A_360 = arith.constant 3 : i32
        %get3A_361 = arith.index_cast %get3A_360 : i32 to index
        %get3A_362 = arith.constant 0 : index
        %get3A_363 = tpu.vector_load %arg24[%get3A_361, %get3A_362] {strides = array<i32>} : memref<4x128xf32, #tpu.memory_space<vmem>>, vector<16xf32>,
        %mul3A_364 = vector.broadcast %squeeze3A_359 : f32 to vector<16xf32>
        %mul3A_365 = arith.mulf %mul3A_364, %get3A_363 : vector<16xf32>
        %add3A_366 = arith.addf %add3A_357, %mul3A_365 : vector<16xf32>
        %mul3A_367 = arith.constant 4 : i32
        %mul3A_368 = arith.muli %mul3A_367, %scan3A_305 : i32
        %add3A_369 = arith.constant 0 : i32
        %add3A_370 = arith.addi %mul3A_368, %add3A_369 : i32
        %swap3A_371 = arith.index_cast %add3A_370 : i32 to index
        %swap3A_372 = arith.constant 0 : index
        %swap3A_373 = tpu.vector_load %arg22[%swap3A_371, %swap3A_372] {strides = array<i32>} : memref<32x128xf32, #tpu.memory_space<vmem>>, vector<16xf32>,
        tpu.vector_store %arg22[%swap3A_371, %swap3A_372], %add3A_366 {strides = array<i32>} : memref<32x128xf32, #tpu.memory_space<vmem>>, vector<16xf32>,
        %get3A_374 = arith.index_cast %add3A_326 : i32 to index
        %get3A_375 = arith.constant 16 : index
        %get3A_376 = tpu.vector_load %arg12[%get3A_374, %get3A_375] {strides = array<i32>} : memref<128x128xf32, #tpu.memory_space<vmem>>, vector<16xf32>,
        %mul3A_377 = arith.constant 1.000000e+01 : f32
        %mul3A_378 = vector.broadcast %mul3A_377 : f32 to vector<16xf32>
        %mul3A_379 = arith.mulf %get3A_376, %mul3A_378 : vector<16xf32>
        %slice3A_380 = vector.extract_strided_slice %get3A_310 {offsets = [0], sizes = [1], strides = [1]} : vector<16xf32> to vector<1xf32>
        %squeeze3A_381 = vector.extract %slice3A_380[0] : f32 from vector<1xf32>
        %get3A_382 = arith.constant 0 : i32
        %get3A_383 = arith.index_cast %get3A_382 : i32 to index
        %get3A_384 = arith.constant 16 : index
        %get3A_385 = tpu.vector_load %arg24[%get3A_383, %get3A_384] {strides = array<i32>} : memref<4x128xf32, #tpu.memory_space<vmem>>, vector<16xf32>,
        %mul3A_386 = vector.broadcast %squeeze3A_381 : f32 to vector<16xf32>
        %mul3A_387 = arith.mulf %mul3A_386, %get3A_385 : vector<16xf32>
        %add3A_388 = arith.addf %mul3A_379, %mul3A_387 : vector<16xf32>
        %slice3A_389 = vector.extract_strided_slice %get3A_314 {offsets = [0], sizes = [1], strides = [1]} : vector<16xf32> to vector<1xf32>
        %squeeze3A_390 = vector.extract %slice3A_389[0] : f32 from vector<1xf32>
        %get3A_391 = arith.constant 1 : i32
        %get3A_392 = arith.index_cast %get3A_391 : i32 to index
        %get3A_393 = arith.constant 16 : index
        %get3A_394 = tpu.vector_load %arg24[%get3A_392, %get3A_393] {strides = array<i32>} : memref<4x128xf32, #tpu.memory_space<vmem>>, vector<16xf32>,
        %mul3A_395 = vector.broadcast %squeeze3A_390 : f32 to vector<16xf32>
        %mul3A_396 = arith.mulf %mul3A_395, %get3A_394 : vector<16xf32>
        %add3A_397 = arith.addf %add3A_388, %mul3A_396 : vector<16xf32>
        %slice3A_398 = vector.extract_strided_slice %get3A_318 {offsets = [0], sizes = [1], strides = [1]} : vector<16xf32> to vector<1xf32>
        %squeeze3A_399 = vector.extract %slice3A_398[0] : f32 from vector<1xf32>
        %get3A_400 = arith.constant 2 : i32
        %get3A_401 = arith.index_cast %get3A_400 : i32 to index
        %get3A_402 = arith.constant 16 : index
        %get3A_403 = tpu.vector_load %arg24[%get3A_401, %get3A_402] {strides = array<i32>} : memref<4x128xf32, #tpu.memory_space<vmem>>, vector<16xf32>,
        %mul3A_404 = vector.broadcast %squeeze3A_399 : f32 to vector<16xf32>
        %mul3A_405 = arith.mulf %mul3A_404, %get3A_403 : vector<16xf32>
        %add3A_406 = arith.addf %add3A_397, %mul3A_405 : vector<16xf32>
        %slice3A_407 = vector.extract_strided_slice %get3A_322 {offsets = [0], sizes = [1], strides = [1]} : vector<16xf32> to vector<1xf32>
        %squeeze3A_408 = vector.extract %slice3A_407[0] : f32 from vector<1xf32>
        %get3A_409 = arith.constant 3 : i32
        %get3A_410 = arith.index_cast %get3A_409 : i32 to index
        %get3A_411 = arith.constant 16 : index
        %get3A_412 = tpu.vector_load %arg24[%get3A_410, %get3A_411] {strides = array<i32>} : memref<4x128xf32, #tpu.memory_space<vmem>>, vector<16xf32>,
        %mul3A_413 = vector.broadcast %squeeze3A_408 : f32 to vector<16xf32>
        %mul3A_414 = arith.mulf %mul3A_413, %get3A_412 : vector<16xf32>
        %add3A_415 = arith.addf %add3A_406, %mul3A_414 : vector<16xf32>
        %mul3A_416 = arith.constant 4 : i32
        %mul3A_417 = arith.muli %mul3A_416, %scan3A_305 : i32
        %add3A_418 = arith.constant 0 : i32
        %add3A_419 = arith.addi %mul3A_417, %add3A_418 : i32
        %swap3A_420 = arith.index_cast %add3A_419 : i32 to index
        %swap3A_421 = arith.constant 16 : index
        %swap3A_422 = tpu.vector_load %arg22[%swap3A_420, %swap3A_421] {strides = array<i32>} : memref<32x128xf32, #tpu.memory_space<vmem>>, vector<16xf32>,
        tpu.vector_store %arg22[%swap3A_420, %swap3A_421], %add3A_415 {strides = array<i32>} : memref<32x128xf32, #tpu.memory_space<vmem>>, vector<16xf32>,
        %mul3A_423 = arith.constant 16 : i32
        %mul3A_424 = arith.muli %scan3A_305, %mul3A_423 : i32
        %add3A_425 = arith.constant 1 : i32
        %add3A_426 = arith.addi %mul3A_424, %add3A_425 : i32
        %get3A_427 = arith.index_cast %add3A_426 : i32 to index
        %get3A_428 = arith.constant 0 : index
        %get3A_429 = tpu.vector_load %arg12[%get3A_427, %get3A_428] {strides = array<i32>} : memref<128x128xf32, #tpu.memory_space<vmem>>, vector<16xf32>,
        %mul3A_430 = arith.constant 1.000000e+01 : f32
        %mul3A_431 = vector.broadcast %mul3A_430 : f32 to vector<16xf32>
        %mul3A_432 = arith.mulf %get3A_429, %mul3A_431 : vector<16xf32>
        %slice3A_433 = vector.extract_strided_slice %get3A_310 {offsets = [1], sizes = [1], strides = [1]} : vector<16xf32> to vector<1xf32>
        %squeeze3A_434 = vector.extract %slice3A_433[0] : f32 from vector<1xf32>
        %get3A_435 = arith.constant 0 : i32
        %get3A_436 = arith.index_cast %get3A_435 : i32 to index
        %get3A_437 = arith.constant 0 : index
        %get3A_438 = tpu.vector_load %arg24[%get3A_436, %get3A_437] {strides = array<i32>} : memref<4x128xf32, #tpu.memory_space<vmem>>, vector<16xf32>,
        %mul3A_439 = vector.broadcast %squeeze3A_434 : f32 to vector<16xf32>
        %mul3A_440 = arith.mulf %mul3A_439, %get3A_438 : vector<16xf32>
        %add3A_441 = arith.addf %mul3A_432, %mul3A_440 : vector<16xf32>
        %slice3A_442 = vector.extract_strided_slice %get3A_314 {offsets = [1], sizes = [1], strides = [1]} : vector<16xf32> to vector<1xf32>
        %squeeze3A_443 = vector.extract %slice3A_442[0] : f32 from vector<1xf32>
        %get3A_444 = arith.constant 1 : i32
        %get3A_445 = arith.index_cast %get3A_444 : i32 to index
        %get3A_446 = arith.constant 0 : index
        %get3A_447 = tpu.vector_load %arg24[%get3A_445, %get3A_446] {strides = array<i32>} : memref<4x128xf32, #tpu.memory_space<vmem>>, vector<16xf32>,
        %mul3A_448 = vector.broadcast %squeeze3A_443 : f32 to vector<16xf32>
        %mul3A_449 = arith.mulf %mul3A_448, %get3A_447 : vector<16xf32>
        %add3A_450 = arith.addf %add3A_441, %mul3A_449 : vector<16xf32>
        %slice3A_451 = vector.extract_strided_slice %get3A_318 {offsets = [1], sizes = [1], strides = [1]} : vector<16xf32> to vector<1xf32>
        %squeeze3A_452 = vector.extract %slice3A_451[0] : f32 from vector<1xf32>
        %get3A_453 = arith.constant 2 : i32
        %get3A_454 = arith.index_cast %get3A_453 : i32 to index
        %get3A_455 = arith.constant 0 : index
        %get3A_456 = tpu.vector_load %arg24[%get3A_454, %get3A_455] {strides = array<i32>} : memref<4x128xf32, #tpu.memory_space<vmem>>, vector<16xf32>,
        %mul3A_457 = vector.broadcast %squeeze3A_452 : f32 to vector<16xf32>
        %mul3A_458 = arith.mulf %mul3A_457, %get3A_456 : vector<16xf32>
        %add3A_459 = arith.addf %add3A_450, %mul3A_458 : vector<16xf32>
        %slice3A_460 = vector.extract_strided_slice %get3A_322 {offsets = [1], sizes = [1], strides = [1]} : vector<16xf32> to vector<1xf32>
        %squeeze3A_461 = vector.extract %slice3A_460[0] : f32 from vector<1xf32>
        %get3A_462 = arith.constant 3 : i32
        %get3A_463 = arith.index_cast %get3A_462 : i32 to index
        %get3A_464 = arith.constant 0 : index
        %get3A_465 = tpu.vector_load %arg24[%get3A_463, %get3A_464] {strides = array<i32>} : memref<4x128xf32, #tpu.memory_space<vmem>>, vector<16xf32>,
        %mul3A_466 = vector.broadcast %squeeze3A_461 : f32 to vector<16xf32>
        %mul3A_467 = arith.mulf %mul3A_466, %get3A_465 : vector<16xf32>
        %add3A_468 = arith.addf %add3A_459, %mul3A_467 : vector<16xf32>
        %mul3A_469 = arith.constant 4 : i32
        %mul3A_470 = arith.muli %mul3A_469, %scan3A_305 : i32
        %add3A_471 = arith.constant 0 : i32
        %add3A_472 = arith.addi %mul3A_470, %add3A_471 : i32
        %swap3A_473 = arith.index_cast %add3A_472 : i32 to index
        %swap3A_474 = arith.constant 32 : index
        %swap3A_475 = tpu.vector_load %arg22[%swap3A_473, %swap3A_474] {strides = array<i32>} : memref<32x128xf32, #tpu.memory_space<vmem>>, vector<16xf32>,
        tpu.vector_store %arg22[%swap3A_473, %swap3A_474], %add3A_468 {strides = array<i32>} : memref<32x128xf32, #tpu.memory_space<vmem>>, vector<16xf32>,
        %get3A_476 = arith.index_cast %add3A_426 : i32 to index
        %get3A_477 = arith.constant 16 : index
        %get3A_478 = tpu.vector_load %arg12[%get3A_476, %get3A_477] {strides = array<i32>} : memref<128x128xf32, #tpu.memory_space<vmem>>, vector<16xf32>,
        %mul3A_479 = arith.constant 1.000000e+01 : f32
        %mul3A_480 = vector.broadcast %mul3A_479 : f32 to vector<16xf32>
        %mul3A_481 = arith.mulf %get3A_478, %mul3A_480 : vector<16xf32>
        %slice3A_482 = vector.extract_strided_slice %get3A_310 {offsets = [1], sizes = [1], strides = [1]} : vector<16xf32> to vector<1xf32>
        %squeeze3A_483 = vector.extract %slice3A_482[0] : f32 from vector<1xf32>
        %get3A_484 = arith.constant 0 : i32
        %get3A_485 = arith.index_cast %get3A_484 : i32 to index
        %get3A_486 = arith.constant 16 : index
        %get3A_487 = tpu.vector_load %arg24[%get3A_485, %get3A_486] {strides = array<i32>} : memref<4x128xf32, #tpu.memory_space<vmem>>, vector<16xf32>,
        %mul3A_488 = vector.broadcast %squeeze3A_483 : f32 to vector<16xf32>
        %mul3A_489 = arith.mulf %mul3A_488, %get3A_487 : vector<16xf32>
        %add3A_490 = arith.addf %mul3A_481, %mul3A_489 : vector<16xf32>
        %slice3A_491 = vector.extract_strided_slice %get3A_314 {offsets = [1], sizes = [1], strides = [1]} : vector<16xf32> to vector<1xf32>
        %squeeze3A_492 = vector.extract %slice3A_491[0] : f32 from vector<1xf32>
        %get3A_493 = arith.constant 1 : i32
        %get3A_494 = arith.index_cast %get3A_493 : i32 to index
        %get3A_495 = arith.constant 16 : index
        %get3A_496 = tpu.vector_load %arg24[%get3A_494, %get3A_495] {strides = array<i32>} : memref<4x128xf32, #tpu.memory_space<vmem>>, vector<16xf32>,
        %mul3A_497 = vector.broadcast %squeeze3A_492 : f32 to vector<16xf32>
        %mul3A_498 = arith.mulf %mul3A_497, %get3A_496 : vector<16xf32>
        %add3A_499 = arith.addf %add3A_490, %mul3A_498 : vector<16xf32>
        %slice3A_500 = vector.extract_strided_slice %get3A_318 {offsets = [1], sizes = [1], strides = [1]} : vector<16xf32> to vector<1xf32>
        %squeeze3A_501 = vector.extract %slice3A_500[0] : f32 from vector<1xf32>
        %get3A_502 = arith.constant 2 : i32
        %get3A_503 = arith.index_cast %get3A_502 : i32 to index
        %get3A_504 = arith.constant 16 : index
        %get3A_505 = tpu.vector_load %arg24[%get3A_503, %get3A_504] {strides = array<i32>} : memref<4x128xf32, #tpu.memory_space<vmem>>, vector<16xf32>,
        %mul3A_506 = vector.broadcast %squeeze3A_501 : f32 to vector<16xf32>
        %mul3A_507 = arith.mulf %mul3A_506, %get3A_505 : vector<16xf32>
        %add3A_508 = arith.addf %add3A_499, %mul3A_507 : vector<16xf32>
        %slice3A_509 = vector.extract_strided_slice %get3A_322 {offsets = [1], sizes = [1], strides = [1]} : vector<16xf32> to vector<1xf32>
        %squeeze3A_510 = vector.extract %slice3A_509[0] : f32 from vector<1xf32>
        %get3A_511 = arith.constant 3 : i32
        %get3A_512 = arith.index_cast %get3A_511 : i32 to index
        %get3A_513 = arith.constant 16 : index
        %get3A_514 = tpu.vector_load %arg24[%get3A_512, %get3A_513] {strides = array<i32>} : memref<4x128xf32, #tpu.memory_space<vmem>>, vector<16xf32>,
        %mul3A_515 = vector.broadcast %squeeze3A_510 : f32 to vector<16xf32>
        %mul3A_516 = arith.mulf %mul3A_515, %get3A_514 : vector<16xf32>
        %add3A_517 = arith.addf %add3A_508, %mul3A_516 : vector<16xf32>
        %mul3A_518 = arith.constant 4 : i32
        %mul3A_519 = arith.muli %mul3A_518, %scan3A_305 : i32
        %add3A_520 = arith.constant 0 : i32
        %add3A_521 = arith.addi %mul3A_519, %add3A_520 : i32
        %swap3A_522 = arith.index_cast %add3A_521 : i32 to index
        %swap3A_523 = arith.constant 48 : index
        %swap3A_524 = tpu.vector_load %arg22[%swap3A_522, %swap3A_523] {strides = array<i32>} : memref<32x128xf32, #tpu.memory_space<vmem>>, vector<16xf32>,
        tpu.vector_store %arg22[%swap3A_522, %swap3A_523], %add3A_517 {strides = array<i32>} : memref<32x128xf32, #tpu.memory_space<vmem>>, vector<16xf32>,
        %mul3A_525 = arith.constant 16 : i32
        %mul3A_526 = arith.muli %scan3A_305, %mul3A_525 : i32
        %add3A_527 = arith.constant 2 : i32
        %add3A_528 = arith.addi %mul3A_526, %add3A_527 : i32
        %get3A_529 = arith.index_cast %add3A_528 : i32 to index
        %get3A_530 = arith.constant 0 : index
        %get3A_531 = tpu.vector_load %arg12[%get3A_529, %get3A_530] {strides = array<i32>} : memref<128x128xf32, #tpu.memory_space<vmem>>, vector<16xf32>,
        %mul3A_532 = arith.constant 1.000000e+01 : f32
        %mul3A_533 = vector.broadcast %mul3A_532 : f32 to vector<16xf32>
        %mul3A_534 = arith.mulf %get3A_531, %mul3A_533 : vector<16xf32>
        %slice3A_535 = vector.extract_strided_slice %get3A_310 {offsets = [2], sizes = [1], strides = [1]} : vector<16xf32> to vector<1xf32>
        %squeeze3A_536 = vector.extract %slice3A_535[0] : f32 from vector<1xf32>
        %get3A_537 = arith.constant 0 : i32
        %get3A_538 = arith.index_cast %get3A_537 : i32 to index
        %get3A_539 = arith.constant 0 : index
        %get3A_540 = tpu.vector_load %arg24[%get3A_538, %get3A_539] {strides = array<i32>} : memref<4x128xf32, #tpu.memory_space<vmem>>, vector<16xf32>,
        %mul3A_541 = vector.broadcast %squeeze3A_536 : f32 to vector<16xf32>
        %mul3A_542 = arith.mulf %mul3A_541, %get3A_540 : vector<16xf32>
        %add3A_543 = arith.addf %mul3A_534, %mul3A_542 : vector<16xf32>
        %slice3A_544 = vector.extract_strided_slice %get3A_314 {offsets = [2], sizes = [1], strides = [1]} : vector<16xf32> to vector<1xf32>
        %squeeze3A_545 = vector.extract %slice3A_544[0] : f32 from vector<1xf32>
        %get3A_546 = arith.constant 1 : i32
        %get3A_547 = arith.index_cast %get3A_546 : i32 to index
        %get3A_548 = arith.constant 0 : index
        %get3A_549 = tpu.vector_load %arg24[%get3A_547, %get3A_548] {strides = array<i32>} : memref<4x128xf32, #tpu.memory_space<vmem>>, vector<16xf32>,
        %mul3A_550 = vector.broadcast %squeeze3A_545 : f32 to vector<16xf32>
        %mul3A_551 = arith.mulf %mul3A_550, %get3A_549 : vector<16xf32>
        %add3A_552 = arith.addf %add3A_543, %mul3A_551 : vector<16xf32>
        %slice3A_553 = vector.extract_strided_slice %get3A_318 {offsets = [2], sizes = [1], strides = [1]} : vector<16xf32> to vector<1xf32>
        %squeeze3A_554 = vector.extract %slice3A_553[0] : f32 from vector<1xf32>
        %get3A_555 = arith.constant 2 : i32
        %get3A_556 = arith.index_cast %get3A_555 : i32 to index
        %get3A_557 = arith.constant 0 : index
        %get3A_558 = tpu.vector_load %arg24[%get3A_556, %get3A_557] {strides = array<i32>} : memref<4x128xf32, #tpu.memory_space<vmem>>, vector<16xf32>,
        %mul3A_559 = vector.broadcast %squeeze3A_554 : f32 to vector<16xf32>
        %mul3A_560 = arith.mulf %mul3A_559, %get3A_558 : vector<16xf32>
        %add3A_561 = arith.addf %add3A_552, %mul3A_560 : vector<16xf32>
        %slice3A_562 = vector.extract_strided_slice %get3A_322 {offsets = [2], sizes = [1], strides = [1]} : vector<16xf32> to vector<1xf32>
        %squeeze3A_563 = vector.extract %slice3A_562[0] : f32 from vector<1xf32>
        %get3A_564 = arith.constant 3 : i32
        %get3A_565 = arith.index_cast %get3A_564 : i32 to index
        %get3A_566 = arith.constant 0 : index
        %get3A_567 = tpu.vector_load %arg24[%get3A_565, %get3A_566] {strides = array<i32>} : memref<4x128xf32, #tpu.memory_space<vmem>>, vector<16xf32>,
        %mul3A_568 = vector.broadcast %squeeze3A_563 : f32 to vector<16xf32>
        %mul3A_569 = arith.mulf %mul3A_568, %get3A_567 : vector<16xf32>
        %add3A_570 = arith.addf %add3A_561, %mul3A_569 : vector<16xf32>
        %mul3A_571 = arith.constant 4 : i32
        %mul3A_572 = arith.muli %mul3A_571, %scan3A_305 : i32
        %add3A_573 = arith.constant 0 : i32
        %add3A_574 = arith.addi %mul3A_572, %add3A_573 : i32
        %swap3A_575 = arith.index_cast %add3A_574 : i32 to index
        %swap3A_576 = arith.constant 64 : index
        %swap3A_577 = tpu.vector_load %arg22[%swap3A_575, %swap3A_576] {strides = array<i32>} : memref<32x128xf32, #tpu.memory_space<vmem>>, vector<16xf32>,
        tpu.vector_store %arg22[%swap3A_575, %swap3A_576], %add3A_570 {strides = array<i32>} : memref<32x128xf32, #tpu.memory_space<vmem>>, vector<16xf32>,
        %get3A_578 = arith.index_cast %add3A_528 : i32 to index
        %get3A_579 = arith.constant 16 : index
        %get3A_580 = tpu.vector_load %arg12[%get3A_578, %get3A_579] {strides = array<i32>} : memref<128x128xf32, #tpu.memory_space<vmem>>, vector<16xf32>,
        %mul3A_581 = arith.constant 1.000000e+01 : f32
        %mul3A_582 = vector.broadcast %mul3A_581 : f32 to vector<16xf32>
        %mul3A_583 = arith.mulf %get3A_580, %mul3A_582 : vector<16xf32>
        %slice3A_584 = vector.extract_strided_slice %get3A_310 {offsets = [2], sizes = [1], strides = [1]} : vector<16xf32> to vector<1xf32>
        %squeeze3A_585 = vector.extract %slice3A_584[0] : f32 from vector<1xf32>
        %get3A_586 = arith.constant 0 : i32
        %get3A_587 = arith.index_cast %get3A_586 : i32 to index
        %get3A_588 = arith.constant 16 : index
        %get3A_589 = tpu.vector_load %arg24[%get3A_587, %get3A_588] {strides = array<i32>} : memref<4x128xf32, #tpu.memory_space<vmem>>, vector<16xf32>,
        %mul3A_590 = vector.broadcast %squeeze3A_585 : f32 to vector<16xf32>
        %mul3A_591 = arith.mulf %mul3A_590, %get3A_589 : vector<16xf32>
        %add3A_592 = arith.addf %mul3A_583, %mul3A_591 : vector<16xf32>
        %slice3A_593 = vector.extract_strided_slice %get3A_314 {offsets = [2], sizes = [1], strides = [1]} : vector<16xf32> to vector<1xf32>
        %squeeze3A_594 = vector.extract %slice3A_593[0] : f32 from vector<1xf32>
        %get3A_595 = arith.constant 1 : i32
        %get3A_596 = arith.index_cast %get3A_595 : i32 to index
        %get3A_597 = arith.constant 16 : index
        %get3A_598 = tpu.vector_load %arg24[%get3A_596, %get3A_597] {strides = array<i32>} : memref<4x128xf32, #tpu.memory_space<vmem>>, vector<16xf32>,
        %mul3A_599 = vector.broadcast %squeeze3A_594 : f32 to vector<16xf32>
        %mul3A_600 = arith.mulf %mul3A_599, %get3A_598 : vector<16xf32>
        %add3A_601 = arith.addf %add3A_592, %mul3A_600 : vector<16xf32>
        %slice3A_602 = vector.extract_strided_slice %get3A_318 {offsets = [2], sizes = [1], strides = [1]} : vector<16xf32> to vector<1xf32>
        %squeeze3A_603 = vector.extract %slice3A_602[0] : f32 from vector<1xf32>
        %get3A_604 = arith.constant 2 : i32
        %get3A_605 = arith.index_cast %get3A_604 : i32 to index
        %get3A_606 = arith.constant 16 : index
        %get3A_607 = tpu.vector_load %arg24[%get3A_605, %get3A_606] {strides = array<i32>} : memref<4x128xf32, #tpu.memory_space<vmem>>, vector<16xf32>,
        %mul3A_608 = vector.broadcast %squeeze3A_603 : f32 to vector<16xf32>
        %mul3A_609 = arith.mulf %mul3A_608, %get3A_607 : vector<16xf32>
        %add3A_610 = arith.addf %add3A_601, %mul3A_609 : vector<16xf32>
        %slice3A_611 = vector.extract_strided_slice %get3A_322 {offsets = [2], sizes = [1], strides = [1]} : vector<16xf32> to vector<1xf32>
        %squeeze3A_612 = vector.extract %slice3A_611[0] : f32 from vector<1xf32>
        %get3A_613 = arith.constant 3 : i32
        %get3A_614 = arith.index_cast %get3A_613 : i32 to index
        %get3A_615 = arith.constant 16 : index
        %get3A_616 = tpu.vector_load %arg24[%get3A_614, %get3A_615] {strides = array<i32>} : memref<4x128xf32, #tpu.memory_space<vmem>>, vector<16xf32>,
        %mul3A_617 = vector.broadcast %squeeze3A_612 : f32 to vector<16xf32>
        %mul3A_618 = arith.mulf %mul3A_617, %get3A_616 : vector<16xf32>
        %add3A_619 = arith.addf %add3A_610, %mul3A_618 : vector<16xf32>
        %mul3A_620 = arith.constant 4 : i32
        %mul3A_621 = arith.muli %mul3A_620, %scan3A_305 : i32
        %add3A_622 = arith.constant 0 : i32
        %add3A_623 = arith.addi %mul3A_621, %add3A_622 : i32
        %swap3A_624 = arith.index_cast %add3A_623 : i32 to index
        %swap3A_625 = arith.constant 80 : index
        %swap3A_626 = tpu.vector_load %arg22[%swap3A_624, %swap3A_625] {strides = array<i32>} : memref<32x128xf32, #tpu.memory_space<vmem>>, vector<16xf32>,
        tpu.vector_store %arg22[%swap3A_624, %swap3A_625], %add3A_619 {strides = array<i32>} : memref<32x128xf32, #tpu.memory_space<vmem>>, vector<16xf32>,
        %mul3A_627 = arith.constant 16 : i32
        %mul3A_628 = arith.muli %scan3A_305, %mul3A_627 : i32
        %add3A_629 = arith.constant 3 : i32
        %add3A_630 = arith.addi %mul3A_628, %add3A_629 : i32
        %get3A_631 = arith.index_cast %add3A_630 : i32 to index
        %get3A_632 = arith.constant 0 : index
        %get3A_633 = tpu.vector_load %arg12[%get3A_631, %get3A_632] {strides = array<i32>} : memref<128x128xf32, #tpu.memory_space<vmem>>, vector<16xf32>,
        %mul3A_634 = arith.constant 1.000000e+01 : f32
        %mul3A_635 = vector.broadcast %mul3A_634 : f32 to vector<16xf32>
        %mul3A_636 = arith.mulf %get3A_633, %mul3A_635 : vector<16xf32>
        %slice3A_637 = vector.extract_strided_slice %get3A_310 {offsets = [3], sizes = [1], strides = [1]} : vector<16xf32> to vector<1xf32>
        %squeeze3A_638 = vector.extract %slice3A_637[0] : f32 from vector<1xf32>
        %get3A_639 = arith.constant 0 : i32
        %get3A_640 = arith.index_cast %get3A_639 : i32 to index
        %get3A_641 = arith.constant 0 : index
        %get3A_642 = tpu.vector_load %arg24[%get3A_640, %get3A_641] {strides = array<i32>} : memref<4x128xf32, #tpu.memory_space<vmem>>, vector<16xf32>,
        %mul3A_643 = vector.broadcast %squeeze3A_638 : f32 to vector<16xf32>
        %mul3A_644 = arith.mulf %mul3A_643, %get3A_642 : vector<16xf32>
        %add3A_645 = arith.addf %mul3A_636, %mul3A_644 : vector<16xf32>
        %slice3A_646 = vector.extract_strided_slice %get3A_314 {offsets = [3], sizes = [1], strides = [1]} : vector<16xf32> to vector<1xf32>
        %squeeze3A_647 = vector.extract %slice3A_646[0] : f32 from vector<1xf32>
        %get3A_648 = arith.constant 1 : i32
        %get3A_649 = arith.index_cast %get3A_648 : i32 to index
        %get3A_650 = arith.constant 0 : index
        %get3A_651 = tpu.vector_load %arg24[%get3A_649, %get3A_650] {strides = array<i32>} : memref<4x128xf32, #tpu.memory_space<vmem>>, vector<16xf32>,
        %mul3A_652 = vector.broadcast %squeeze3A_647 : f32 to vector<16xf32>
        %mul3A_653 = arith.mulf %mul3A_652, %get3A_651 : vector<16xf32>
        %add3A_654 = arith.addf %add3A_645, %mul3A_653 : vector<16xf32>
        %slice3A_655 = vector.extract_strided_slice %get3A_318 {offsets = [3], sizes = [1], strides = [1]} : vector<16xf32> to vector<1xf32>
        %squeeze3A_656 = vector.extract %slice3A_655[0] : f32 from vector<1xf32>
        %get3A_657 = arith.constant 2 : i32
        %get3A_658 = arith.index_cast %get3A_657 : i32 to index
        %get3A_659 = arith.constant 0 : index
        %get3A_660 = tpu.vector_load %arg24[%get3A_658, %get3A_659] {strides = array<i32>} : memref<4x128xf32, #tpu.memory_space<vmem>>, vector<16xf32>,
        %mul3A_661 = vector.broadcast %squeeze3A_656 : f32 to vector<16xf32>
        %mul3A_662 = arith.mulf %mul3A_661, %get3A_660 : vector<16xf32>
        %add3A_663 = arith.addf %add3A_654, %mul3A_662 : vector<16xf32>
        %slice3A_664 = vector.extract_strided_slice %get3A_322 {offsets = [3], sizes = [1], strides = [1]} : vector<16xf32> to vector<1xf32>
        %squeeze3A_665 = vector.extract %slice3A_664[0] : f32 from vector<1xf32>
        %get3A_666 = arith.constant 3 : i32
        %get3A_667 = arith.index_cast %get3A_666 : i32 to index
        %get3A_668 = arith.constant 0 : index
        %get3A_669 = tpu.vector_load %arg24[%get3A_667, %get3A_668] {strides = array<i32>} : memref<4x128xf32, #tpu.memory_space<vmem>>, vector<16xf32>,
        %mul3A_670 = vector.broadcast %squeeze3A_665 : f32 to vector<16xf32>
        %mul3A_671 = arith.mulf %mul3A_670, %get3A_669 : vector<16xf32>
        %add3A_672 = arith.addf %add3A_663, %mul3A_671 : vector<16xf32>
        %mul3A_673 = arith.constant 4 : i32
        %mul3A_674 = arith.muli %mul3A_673, %scan3A_305 : i32
        %add3A_675 = arith.constant 0 : i32
        %add3A_676 = arith.addi %mul3A_674, %add3A_675 : i32
        %swap3A_677 = arith.index_cast %add3A_676 : i32 to index
        %swap3A_678 = arith.constant 96 : index
        %swap3A_679 = tpu.vector_load %arg22[%swap3A_677, %swap3A_678] {strides = array<i32>} : memref<32x128xf32, #tpu.memory_space<vmem>>, vector<16xf32>,
        tpu.vector_store %arg22[%swap3A_677, %swap3A_678], %add3A_672 {strides = array<i32>} : memref<32x128xf32, #tpu.memory_space<vmem>>, vector<16xf32>,
        %get3A_680 = arith.index_cast %add3A_630 : i32 to index
        %get3A_681 = arith.constant 16 : index
        %get3A_682 = tpu.vector_load %arg12[%get3A_680, %get3A_681] {strides = array<i32>} : memref<128x128xf32, #tpu.memory_space<vmem>>, vector<16xf32>,
        %mul3A_683 = arith.constant 1.000000e+01 : f32
        %mul3A_684 = vector.broadcast %mul3A_683 : f32 to vector<16xf32>
        %mul3A_685 = arith.mulf %get3A_682, %mul3A_684 : vector<16xf32>
        %slice3A_686 = vector.extract_strided_slice %get3A_310 {offsets = [3], sizes = [1], strides = [1]} : vector<16xf32> to vector<1xf32>
        %squeeze3A_687 = vector.extract %slice3A_686[0] : f32 from vector<1xf32>
        %get3A_688 = arith.constant 0 : i32
        %get3A_689 = arith.index_cast %get3A_688 : i32 to index
        %get3A_690 = arith.constant 16 : index
        %get3A_691 = tpu.vector_load %arg24[%get3A_689, %get3A_690] {strides = array<i32>} : memref<4x128xf32, #tpu.memory_space<vmem>>, vector<16xf32>,
        %mul3A_692 = vector.broadcast %squeeze3A_687 : f32 to vector<16xf32>
        %mul3A_693 = arith.mulf %mul3A_692, %get3A_691 : vector<16xf32>
        %add3A_694 = arith.addf %mul3A_685, %mul3A_693 : vector<16xf32>
        %slice3A_695 = vector.extract_strided_slice %get3A_314 {offsets = [3], sizes = [1], strides = [1]} : vector<16xf32> to vector<1xf32>
        %squeeze3A_696 = vector.extract %slice3A_695[0] : f32 from vector<1xf32>
        %get3A_697 = arith.constant 1 : i32
        %get3A_698 = arith.index_cast %get3A_697 : i32 to index
        %get3A_699 = arith.constant 16 : index
        %get3A_700 = tpu.vector_load %arg24[%get3A_698, %get3A_699] {strides = array<i32>} : memref<4x128xf32, #tpu.memory_space<vmem>>, vector<16xf32>,
        %mul3A_701 = vector.broadcast %squeeze3A_696 : f32 to vector<16xf32>
        %mul3A_702 = arith.mulf %mul3A_701, %get3A_700 : vector<16xf32>
        %add3A_703 = arith.addf %add3A_694, %mul3A_702 : vector<16xf32>
        %slice3A_704 = vector.extract_strided_slice %get3A_318 {offsets = [3], sizes = [1], strides = [1]} : vector<16xf32> to vector<1xf32>
        %squeeze3A_705 = vector.extract %slice3A_704[0] : f32 from vector<1xf32>
        %get3A_706 = arith.constant 2 : i32
        %get3A_707 = arith.index_cast %get3A_706 : i32 to index
        %get3A_708 = arith.constant 16 : index
        %get3A_709 = tpu.vector_load %arg24[%get3A_707, %get3A_708] {strides = array<i32>} : memref<4x128xf32, #tpu.memory_space<vmem>>, vector<16xf32>,
        %mul3A_710 = vector.broadcast %squeeze3A_705 : f32 to vector<16xf32>
        %mul3A_711 = arith.mulf %mul3A_710, %get3A_709 : vector<16xf32>
        %add3A_712 = arith.addf %add3A_703, %mul3A_711 : vector<16xf32>
        %slice3A_713 = vector.extract_strided_slice %get3A_322 {offsets = [3], sizes = [1], strides = [1]} : vector<16xf32> to vector<1xf32>
        %squeeze3A_714 = vector.extract %slice3A_713[0] : f32 from vector<1xf32>
        %get3A_715 = arith.constant 3 : i32
        %get3A_716 = arith.index_cast %get3A_715 : i32 to index
        %get3A_717 = arith.constant 16 : index
        %get3A_718 = tpu.vector_load %arg24[%get3A_716, %get3A_717] {strides = array<i32>} : memref<4x128xf32, #tpu.memory_space<vmem>>, vector<16xf32>,
        %mul3A_719 = vector.broadcast %squeeze3A_714 : f32 to vector<16xf32>
        %mul3A_720 = arith.mulf %mul3A_719, %get3A_718 : vector<16xf32>
        %add3A_721 = arith.addf %add3A_712, %mul3A_720 : vector<16xf32>
        %mul3A_722 = arith.constant 4 : i32
        %mul3A_723 = arith.muli %mul3A_722, %scan3A_305 : i32
        %add3A_724 = arith.constant 0 : i32
        %add3A_725 = arith.addi %mul3A_723, %add3A_724 : i32
        %swap3A_726 = arith.index_cast %add3A_725 : i32 to index
        %swap3A_727 = arith.constant 112 : index
        %swap3A_728 = tpu.vector_load %arg22[%swap3A_726, %swap3A_727] {strides = array<i32>} : memref<32x128xf32, #tpu.memory_space<vmem>>, vector<16xf32>,
        tpu.vector_store %arg22[%swap3A_726, %swap3A_727], %add3A_721 {strides = array<i32>} : memref<32x128xf32, #tpu.memory_space<vmem>>, vector<16xf32>,
        %mul3A_729 = arith.constant 16 : i32
        %mul3A_730 = arith.muli %scan3A_305, %mul3A_729 : i32
        %add3A_731 = arith.constant 4 : i32
        %add3A_732 = arith.addi %mul3A_730, %add3A_731 : i32
        %get3A_733 = arith.index_cast %add3A_732 : i32 to index
        %get3A_734 = arith.constant 0 : index
        %get3A_735 = tpu.vector_load %arg12[%get3A_733, %get3A_734] {strides = array<i32>} : memref<128x128xf32, #tpu.memory_space<vmem>>, vector<16xf32>,
        %mul3A_736 = arith.constant 1.000000e+01 : f32
        %mul3A_737 = vector.broadcast %mul3A_736 : f32 to vector<16xf32>
        %mul3A_738 = arith.mulf %get3A_735, %mul3A_737 : vector<16xf32>
        %slice3A_739 = vector.extract_strided_slice %get3A_310 {offsets = [4], sizes = [1], strides = [1]} : vector<16xf32> to vector<1xf32>
        %squeeze3A_740 = vector.extract %slice3A_739[0] : f32 from vector<1xf32>
        %get3A_741 = arith.constant 0 : i32
        %get3A_742 = arith.index_cast %get3A_741 : i32 to index
        %get3A_743 = arith.constant 0 : index
        %get3A_744 = tpu.vector_load %arg24[%get3A_742, %get3A_743] {strides = array<i32>} : memref<4x128xf32, #tpu.memory_space<vmem>>, vector<16xf32>,
        %mul3A_745 = vector.broadcast %squeeze3A_740 : f32 to vector<16xf32>
        %mul3A_746 = arith.mulf %mul3A_745, %get3A_744 : vector<16xf32>
        %add3A_747 = arith.addf %mul3A_738, %mul3A_746 : vector<16xf32>
        %slice3A_748 = vector.extract_strided_slice %get3A_314 {offsets = [4], sizes = [1], strides = [1]} : vector<16xf32> to vector<1xf32>
        %squeeze3A_749 = vector.extract %slice3A_748[0] : f32 from vector<1xf32>
        %get3A_750 = arith.constant 1 : i32
        %get3A_751 = arith.index_cast %get3A_750 : i32 to index
        %get3A_752 = arith.constant 0 : index
        %get3A_753 = tpu.vector_load %arg24[%get3A_751, %get3A_752] {strides = array<i32>} : memref<4x128xf32, #tpu.memory_space<vmem>>, vector<16xf32>,
        %mul3A_754 = vector.broadcast %squeeze3A_749 : f32 to vector<16xf32>
        %mul3A_755 = arith.mulf %mul3A_754, %get3A_753 : vector<16xf32>
        %add3A_756 = arith.addf %add3A_747, %mul3A_755 : vector<16xf32>
        %slice3A_757 = vector.extract_strided_slice %get3A_318 {offsets = [4], sizes = [1], strides = [1]} : vector<16xf32> to vector<1xf32>
        %squeeze3A_758 = vector.extract %slice3A_757[0] : f32 from vector<1xf32>
        %get3A_759 = arith.constant 2 : i32
        %get3A_760 = arith.index_cast %get3A_759 : i32 to index
        %get3A_761 = arith.constant 0 : index
        %get3A_762 = tpu.vector_load %arg24[%get3A_760, %get3A_761] {strides = array<i32>} : memref<4x128xf32, #tpu.memory_space<vmem>>, vector<16xf32>,
        %mul3A_763 = vector.broadcast %squeeze3A_758 : f32 to vector<16xf32>
        %mul3A_764 = arith.mulf %mul3A_763, %get3A_762 : vector<16xf32>
        %add3A_765 = arith.addf %add3A_756, %mul3A_764 : vector<16xf32>
        %slice3A_766 = vector.extract_strided_slice %get3A_322 {offsets = [4], sizes = [1], strides = [1]} : vector<16xf32> to vector<1xf32>
        %squeeze3A_767 = vector.extract %slice3A_766[0] : f32 from vector<1xf32>
        %get3A_768 = arith.constant 3 : i32
        %get3A_769 = arith.index_cast %get3A_768 : i32 to index
        %get3A_770 = arith.constant 0 : index
        %get3A_771 = tpu.vector_load %arg24[%get3A_769, %get3A_770] {strides = array<i32>} : memref<4x128xf32, #tpu.memory_space<vmem>>, vector<16xf32>,
        %mul3A_772 = vector.broadcast %squeeze3A_767 : f32 to vector<16xf32>
        %mul3A_773 = arith.mulf %mul3A_772, %get3A_771 : vector<16xf32>
        %add3A_774 = arith.addf %add3A_765, %mul3A_773 : vector<16xf32>
        %mul3A_775 = arith.constant 4 : i32
        %mul3A_776 = arith.muli %mul3A_775, %scan3A_305 : i32
        %add3A_777 = arith.constant 1 : i32
        %add3A_778 = arith.addi %mul3A_776, %add3A_777 : i32
        %swap3A_779 = arith.index_cast %add3A_778 : i32 to index
        %swap3A_780 = arith.constant 0 : index
        %swap3A_781 = tpu.vector_load %arg22[%swap3A_779, %swap3A_780] {strides = array<i32>} : memref<32x128xf32, #tpu.memory_space<vmem>>, vector<16xf32>,
        tpu.vector_store %arg22[%swap3A_779, %swap3A_780], %add3A_774 {strides = array<i32>} : memref<32x128xf32, #tpu.memory_space<vmem>>, vector<16xf32>,
        %get3A_782 = arith.index_cast %add3A_732 : i32 to index
        %get3A_783 = arith.constant 16 : index
        %get3A_784 = tpu.vector_load %arg12[%get3A_782, %get3A_783] {strides = array<i32>} : memref<128x128xf32, #tpu.memory_space<vmem>>, vector<16xf32>,
        %mul3A_785 = arith.constant 1.000000e+01 : f32
        %mul3A_786 = vector.broadcast %mul3A_785 : f32 to vector<16xf32>
        %mul3A_787 = arith.mulf %get3A_784, %mul3A_786 : vector<16xf32>
        %slice3A_788 = vector.extract_strided_slice %get3A_310 {offsets = [4], sizes = [1], strides = [1]} : vector<16xf32> to vector<1xf32>
        %squeeze3A_789 = vector.extract %slice3A_788[0] : f32 from vector<1xf32>
        %get3A_790 = arith.constant 0 : i32
        %get3A_791 = arith.index_cast %get3A_790 : i32 to index
        %get3A_792 = arith.constant 16 : index
        %get3A_793 = tpu.vector_load %arg24[%get3A_791, %get3A_792] {strides = array<i32>} : memref<4x128xf32, #tpu.memory_space<vmem>>, vector<16xf32>,
        %mul3A_794 = vector.broadcast %squeeze3A_789 : f32 to vector<16xf32>
        %mul3A_795 = arith.mulf %mul3A_794, %get3A_793 : vector<16xf32>
        %add3A_796 = arith.addf %mul3A_787, %mul3A_795 : vector<16xf32>
        %slice3A_797 = vector.extract_strided_slice %get3A_314 {offsets = [4], sizes = [1], strides = [1]} : vector<16xf32> to vector<1xf32>
        %squeeze3A_798 = vector.extract %slice3A_797[0] : f32 from vector<1xf32>
        %get3A_799 = arith.constant 1 : i32
        %get3A_800 = arith.index_cast %get3A_799 : i32 to index
        %get3A_801 = arith.constant 16 : index
        %get3A_802 = tpu.vector_load %arg24[%get3A_800, %get3A_801] {strides = array<i32>} : memref<4x128xf32, #tpu.memory_space<vmem>>, vector<16xf32>,
        %mul3A_803 = vector.broadcast %squeeze3A_798 : f32 to vector<16xf32>
        %mul3A_804 = arith.mulf %mul3A_803, %get3A_802 : vector<16xf32>
        %add3A_805 = arith.addf %add3A_796, %mul3A_804 : vector<16xf32>
        %slice3A_806 = vector.extract_strided_slice %get3A_318 {offsets = [4], sizes = [1], strides = [1]} : vector<16xf32> to vector<1xf32>
        %squeeze3A_807 = vector.extract %slice3A_806[0] : f32 from vector<1xf32>
        %get3A_808 = arith.constant 2 : i32
        %get3A_809 = arith.index_cast %get3A_808 : i32 to index
        %get3A_810 = arith.constant 16 : index
        %get3A_811 = tpu.vector_load %arg24[%get3A_809, %get3A_810] {strides = array<i32>} : memref<4x128xf32, #tpu.memory_space<vmem>>, vector<16xf32>,
        %mul3A_812 = vector.broadcast %squeeze3A_807 : f32 to vector<16xf32>
        %mul3A_813 = arith.mulf %mul3A_812, %get3A_811 : vector<16xf32>
        %add3A_814 = arith.addf %add3A_805, %mul3A_813 : vector<16xf32>
        %slice3A_815 = vector.extract_strided_slice %get3A_322 {offsets = [4], sizes = [1], strides = [1]} : vector<16xf32> to vector<1xf32>
        %squeeze3A_816 = vector.extract %slice3A_815[0] : f32 from vector<1xf32>
        %get3A_817 = arith.constant 3 : i32
        %get3A_818 = arith.index_cast %get3A_817 : i32 to index
        %get3A_819 = arith.constant 16 : index
        %get3A_820 = tpu.vector_load %arg24[%get3A_818, %get3A_819] {strides = array<i32>} : memref<4x128xf32, #tpu.memory_space<vmem>>, vector<16xf32>,
        %mul3A_821 = vector.broadcast %squeeze3A_816 : f32 to vector<16xf32>
        %mul3A_822 = arith.mulf %mul3A_821, %get3A_820 : vector<16xf32>
        %add3A_823 = arith.addf %add3A_814, %mul3A_822 : vector<16xf32>
        %mul3A_824 = arith.constant 4 : i32
        %mul3A_825 = arith.muli %mul3A_824, %scan3A_305 : i32
        %add3A_826 = arith.constant 1 : i32
        %add3A_827 = arith.addi %mul3A_825, %add3A_826 : i32
        %swap3A_828 = arith.index_cast %add3A_827 : i32 to index
        %swap3A_829 = arith.constant 16 : index
        %swap3A_830 = tpu.vector_load %arg22[%swap3A_828, %swap3A_829] {strides = array<i32>} : memref<32x128xf32, #tpu.memory_space<vmem>>, vector<16xf32>,
        tpu.vector_store %arg22[%swap3A_828, %swap3A_829], %add3A_823 {strides = array<i32>} : memref<32x128xf32, #tpu.memory_space<vmem>>, vector<16xf32>,
        %mul3A_831 = arith.constant 16 : i32
        %mul3A_832 = arith.muli %scan3A_305, %mul3A_831 : i32
        %add3A_833 = arith.constant 5 : i32
        %add3A_834 = arith.addi %mul3A_832, %add3A_833 : i32
        %get3A_835 = arith.index_cast %add3A_834 : i32 to index
        %get3A_836 = arith.constant 0 : index
        %get3A_837 = tpu.vector_load %arg12[%get3A_835, %get3A_836] {strides = array<i32>} : memref<128x128xf32, #tpu.memory_space<vmem>>, vector<16xf32>,
        %mul3A_838 = arith.constant 1.000000e+01 : f32
        %mul3A_839 = vector.broadcast %mul3A_838 : f32 to vector<16xf32>
        %mul3A_840 = arith.mulf %get3A_837, %mul3A_839 : vector<16xf32>
        %slice3A_841 = vector.extract_strided_slice %get3A_310 {offsets = [5], sizes = [1], strides = [1]} : vector<16xf32> to vector<1xf32>
        %squeeze3A_842 = vector.extract %slice3A_841[0] : f32 from vector<1xf32>
        %get3A_843 = arith.constant 0 : i32
        %get3A_844 = arith.index_cast %get3A_843 : i32 to index
        %get3A_845 = arith.constant 0 : index
        %get3A_846 = tpu.vector_load %arg24[%get3A_844, %get3A_845] {strides = array<i32>} : memref<4x128xf32, #tpu.memory_space<vmem>>, vector<16xf32>,
        %mul3A_847 = vector.broadcast %squeeze3A_842 : f32 to vector<16xf32>
        %mul3A_848 = arith.mulf %mul3A_847, %get3A_846 : vector<16xf32>
        %add3A_849 = arith.addf %mul3A_840, %mul3A_848 : vector<16xf32>
        %slice3A_850 = vector.extract_strided_slice %get3A_314 {offsets = [5], sizes = [1], strides = [1]} : vector<16xf32> to vector<1xf32>
        %squeeze3A_851 = vector.extract %slice3A_850[0] : f32 from vector<1xf32>
        %get3A_852 = arith.constant 1 : i32
        %get3A_853 = arith.index_cast %get3A_852 : i32 to index
        %get3A_854 = arith.constant 0 : index
        %get3A_855 = tpu.vector_load %arg24[%get3A_853, %get3A_854] {strides = array<i32>} : memref<4x128xf32, #tpu.memory_space<vmem>>, vector<16xf32>,
        %mul3A_856 = vector.broadcast %squeeze3A_851 : f32 to vector<16xf32>
        %mul3A_857 = arith.mulf %mul3A_856, %get3A_855 : vector<16xf32>
        %add3A_858 = arith.addf %add3A_849, %mul3A_857 : vector<16xf32>
        %slice3A_859 = vector.extract_strided_slice %get3A_318 {offsets = [5], sizes = [1], strides = [1]} : vector<16xf32> to vector<1xf32>
        %squeeze3A_860 = vector.extract %slice3A_859[0] : f32 from vector<1xf32>
        %get3A_861 = arith.constant 2 : i32
        %get3A_862 = arith.index_cast %get3A_861 : i32 to index
        %get3A_863 = arith.constant 0 : index
        %get3A_864 = tpu.vector_load %arg24[%get3A_862, %get3A_863] {strides = array<i32>} : memref<4x128xf32, #tpu.memory_space<vmem>>, vector<16xf32>,
        %mul3A_865 = vector.broadcast %squeeze3A_860 : f32 to vector<16xf32>
        %mul3A_866 = arith.mulf %mul3A_865, %get3A_864 : vector<16xf32>
        %add3A_867 = arith.addf %add3A_858, %mul3A_866 : vector<16xf32>
        %slice3A_868 = vector.extract_strided_slice %get3A_322 {offsets = [5], sizes = [1], strides = [1]} : vector<16xf32> to vector<1xf32>
        %squeeze3A_869 = vector.extract %slice3A_868[0] : f32 from vector<1xf32>
        %get3A_870 = arith.constant 3 : i32
        %get3A_871 = arith.index_cast %get3A_870 : i32 to index
        %get3A_872 = arith.constant 0 : index
        %get3A_873 = tpu.vector_load %arg24[%get3A_871, %get3A_872] {strides = array<i32>} : memref<4x128xf32, #tpu.memory_space<vmem>>, vector<16xf32>,
        %mul3A_874 = vector.broadcast %squeeze3A_869 : f32 to vector<16xf32>
        %mul3A_875 = arith.mulf %mul3A_874, %get3A_873 : vector<16xf32>
        %add3A_876 = arith.addf %add3A_867, %mul3A_875 : vector<16xf32>
        %mul3A_877 = arith.constant 4 : i32
        %mul3A_878 = arith.muli %mul3A_877, %scan3A_305 : i32
        %add3A_879 = arith.constant 1 : i32
        %add3A_880 = arith.addi %mul3A_878, %add3A_879 : i32
        %swap3A_881 = arith.index_cast %add3A_880 : i32 to index
        %swap3A_882 = arith.constant 32 : index
        %swap3A_883 = tpu.vector_load %arg22[%swap3A_881, %swap3A_882] {strides = array<i32>} : memref<32x128xf32, #tpu.memory_space<vmem>>, vector<16xf32>,
        tpu.vector_store %arg22[%swap3A_881, %swap3A_882], %add3A_876 {strides = array<i32>} : memref<32x128xf32, #tpu.memory_space<vmem>>, vector<16xf32>,
        %get3A_884 = arith.index_cast %add3A_834 : i32 to index
        %get3A_885 = arith.constant 16 : index
        %get3A_886 = tpu.vector_load %arg12[%get3A_884, %get3A_885] {strides = array<i32>} : memref<128x128xf32, #tpu.memory_space<vmem>>, vector<16xf32>,
        %mul3A_887 = arith.constant 1.000000e+01 : f32
        %mul3A_888 = vector.broadcast %mul3A_887 : f32 to vector<16xf32>
        %mul3A_889 = arith.mulf %get3A_886, %mul3A_888 : vector<16xf32>
        %slice3A_890 = vector.extract_strided_slice %get3A_310 {offsets = [5], sizes = [1], strides = [1]} : vector<16xf32> to vector<1xf32>
        %squeeze3A_891 = vector.extract %slice3A_890[0] : f32 from vector<1xf32>
        %get3A_892 = arith.constant 0 : i32
        %get3A_893 = arith.index_cast %get3A_892 : i32 to index
        %get3A_894 = arith.constant 16 : index
        %get3A_895 = tpu.vector_load %arg24[%get3A_893, %get3A_894] {strides = array<i32>} : memref<4x128xf32, #tpu.memory_space<vmem>>, vector<16xf32>,
        %mul3A_896 = vector.broadcast %squeeze3A_891 : f32 to vector<16xf32>
        %mul3A_897 = arith.mulf %mul3A_896, %get3A_895 : vector<16xf32>
        %add3A_898 = arith.addf %mul3A_889, %mul3A_897 : vector<16xf32>
        %slice3A_899 = vector.extract_strided_slice %get3A_314 {offsets = [5], sizes = [1], strides = [1]} : vector<16xf32> to vector<1xf32>
        %squeeze3A_900 = vector.extract %slice3A_899[0] : f32 from vector<1xf32>
        %get3A_901 = arith.constant 1 : i32
        %get3A_902 = arith.index_cast %get3A_901 : i32 to index
        %get3A_903 = arith.constant 16 : index
        %get3A_904 = tpu.vector_load %arg24[%get3A_902, %get3A_903] {strides = array<i32>} : memref<4x128xf32, #tpu.memory_space<vmem>>, vector<16xf32>,
        %mul3A_905 = vector.broadcast %squeeze3A_900 : f32 to vector<16xf32>
        %mul3A_906 = arith.mulf %mul3A_905, %get3A_904 : vector<16xf32>
        %add3A_907 = arith.addf %add3A_898, %mul3A_906 : vector<16xf32>
        %slice3A_908 = vector.extract_strided_slice %get3A_318 {offsets = [5], sizes = [1], strides = [1]} : vector<16xf32> to vector<1xf32>
        %squeeze3A_909 = vector.extract %slice3A_908[0] : f32 from vector<1xf32>
        %get3A_910 = arith.constant 2 : i32
        %get3A_911 = arith.index_cast %get3A_910 : i32 to index
        %get3A_912 = arith.constant 16 : index
        %get3A_913 = tpu.vector_load %arg24[%get3A_911, %get3A_912] {strides = array<i32>} : memref<4x128xf32, #tpu.memory_space<vmem>>, vector<16xf32>,
        %mul3A_914 = vector.broadcast %squeeze3A_909 : f32 to vector<16xf32>
        %mul3A_915 = arith.mulf %mul3A_914, %get3A_913 : vector<16xf32>
        %add3A_916 = arith.addf %add3A_907, %mul3A_915 : vector<16xf32>
        %slice3A_917 = vector.extract_strided_slice %get3A_322 {offsets = [5], sizes = [1], strides = [1]} : vector<16xf32> to vector<1xf32>
        %squeeze3A_918 = vector.extract %slice3A_917[0] : f32 from vector<1xf32>
        %get3A_919 = arith.constant 3 : i32
        %get3A_920 = arith.index_cast %get3A_919 : i32 to index
        %get3A_921 = arith.constant 16 : index
        %get3A_922 = tpu.vector_load %arg24[%get3A_920, %get3A_921] {strides = array<i32>} : memref<4x128xf32, #tpu.memory_space<vmem>>, vector<16xf32>,
        %mul3A_923 = vector.broadcast %squeeze3A_918 : f32 to vector<16xf32>
        %mul3A_924 = arith.mulf %mul3A_923, %get3A_922 : vector<16xf32>
        %add3A_925 = arith.addf %add3A_916, %mul3A_924 : vector<16xf32>
        %mul3A_926 = arith.constant 4 : i32
        %mul3A_927 = arith.muli %mul3A_926, %scan3A_305 : i32
        %add3A_928 = arith.constant 1 : i32
        %add3A_929 = arith.addi %mul3A_927, %add3A_928 : i32
        %swap3A_930 = arith.index_cast %add3A_929 : i32 to index
        %swap3A_931 = arith.constant 48 : index
        %swap3A_932 = tpu.vector_load %arg22[%swap3A_930, %swap3A_931] {strides = array<i32>} : memref<32x128xf32, #tpu.memory_space<vmem>>, vector<16xf32>,
        tpu.vector_store %arg22[%swap3A_930, %swap3A_931], %add3A_925 {strides = array<i32>} : memref<32x128xf32, #tpu.memory_space<vmem>>, vector<16xf32>,
        %mul3A_933 = arith.constant 16 : i32
        %mul3A_934 = arith.muli %scan3A_305, %mul3A_933 : i32
        %add3A_935 = arith.constant 6 : i32
        %add3A_936 = arith.addi %mul3A_934, %add3A_935 : i32
        %get3A_937 = arith.index_cast %add3A_936 : i32 to index
        %get3A_938 = arith.constant 0 : index
        %get3A_939 = tpu.vector_load %arg12[%get3A_937, %get3A_938] {strides = array<i32>} : memref<128x128xf32, #tpu.memory_space<vmem>>, vector<16xf32>,
        %mul3A_940 = arith.constant 1.000000e+01 : f32
        %mul3A_941 = vector.broadcast %mul3A_940 : f32 to vector<16xf32>
        %mul3A_942 = arith.mulf %get3A_939, %mul3A_941 : vector<16xf32>
        %slice3A_943 = vector.extract_strided_slice %get3A_310 {offsets = [6], sizes = [1], strides = [1]} : vector<16xf32> to vector<1xf32>
        %squeeze3A_944 = vector.extract %slice3A_943[0] : f32 from vector<1xf32>
        %get3A_945 = arith.constant 0 : i32
        %get3A_946 = arith.index_cast %get3A_945 : i32 to index
        %get3A_947 = arith.constant 0 : index
        %get3A_948 = tpu.vector_load %arg24[%get3A_946, %get3A_947] {strides = array<i32>} : memref<4x128xf32, #tpu.memory_space<vmem>>, vector<16xf32>,
        %mul3A_949 = vector.broadcast %squeeze3A_944 : f32 to vector<16xf32>
        %mul3A_950 = arith.mulf %mul3A_949, %get3A_948 : vector<16xf32>
        %add3A_951 = arith.addf %mul3A_942, %mul3A_950 : vector<16xf32>
        %slice3A_952 = vector.extract_strided_slice %get3A_314 {offsets = [6], sizes = [1], strides = [1]} : vector<16xf32> to vector<1xf32>
        %squeeze3A_953 = vector.extract %slice3A_952[0] : f32 from vector<1xf32>
        %get3A_954 = arith.constant 1 : i32
        %get3A_955 = arith.index_cast %get3A_954 : i32 to index
        %get3A_956 = arith.constant 0 : index
        %get3A_957 = tpu.vector_load %arg24[%get3A_955, %get3A_956] {strides = array<i32>} : memref<4x128xf32, #tpu.memory_space<vmem>>, vector<16xf32>,
        %mul3A_958 = vector.broadcast %squeeze3A_953 : f32 to vector<16xf32>
        %mul3A_959 = arith.mulf %mul3A_958, %get3A_957 : vector<16xf32>
        %add3A_960 = arith.addf %add3A_951, %mul3A_959 : vector<16xf32>
        %slice3A_961 = vector.extract_strided_slice %get3A_318 {offsets = [6], sizes = [1], strides = [1]} : vector<16xf32> to vector<1xf32>
        %squeeze3A_962 = vector.extract %slice3A_961[0] : f32 from vector<1xf32>
        %get3A_963 = arith.constant 2 : i32
        %get3A_964 = arith.index_cast %get3A_963 : i32 to index
        %get3A_965 = arith.constant 0 : index
        %get3A_966 = tpu.vector_load %arg24[%get3A_964, %get3A_965] {strides = array<i32>} : memref<4x128xf32, #tpu.memory_space<vmem>>, vector<16xf32>,
        %mul3A_967 = vector.broadcast %squeeze3A_962 : f32 to vector<16xf32>
        %mul3A_968 = arith.mulf %mul3A_967, %get3A_966 : vector<16xf32>
        %add3A_969 = arith.addf %add3A_960, %mul3A_968 : vector<16xf32>
        %slice3A_970 = vector.extract_strided_slice %get3A_322 {offsets = [6], sizes = [1], strides = [1]} : vector<16xf32> to vector<1xf32>
        %squeeze3A_971 = vector.extract %slice3A_970[0] : f32 from vector<1xf32>
        %get3A_972 = arith.constant 3 : i32
        %get3A_973 = arith.index_cast %get3A_972 : i32 to index
        %get3A_974 = arith.constant 0 : index
        %get3A_975 = tpu.vector_load %arg24[%get3A_973, %get3A_974] {strides = array<i32>} : memref<4x128xf32, #tpu.memory_space<vmem>>, vector<16xf32>,
        %mul3A_976 = vector.broadcast %squeeze3A_971 : f32 to vector<16xf32>
        %mul3A_977 = arith.mulf %mul3A_976, %get3A_975 : vector<16xf32>
        %add3A_978 = arith.addf %add3A_969, %mul3A_977 : vector<16xf32>
        %mul3A_979 = arith.constant 4 : i32
        %mul3A_980 = arith.muli %mul3A_979, %scan3A_305 : i32
        %add3A_981 = arith.constant 1 : i32
        %add3A_982 = arith.addi %mul3A_980, %add3A_981 : i32
        %swap3A_983 = arith.index_cast %add3A_982 : i32 to index
        %swap3A_984 = arith.constant 64 : index
        %swap3A_985 = tpu.vector_load %arg22[%swap3A_983, %swap3A_984] {strides = array<i32>} : memref<32x128xf32, #tpu.memory_space<vmem>>, vector<16xf32>,
        tpu.vector_store %arg22[%swap3A_983, %swap3A_984], %add3A_978 {strides = array<i32>} : memref<32x128xf32, #tpu.memory_space<vmem>>, vector<16xf32>,
        %get3A_986 = arith.index_cast %add3A_936 : i32 to index
        %get3A_987 = arith.constant 16 : index
        %get3A_988 = tpu.vector_load %arg12[%get3A_986, %get3A_987] {strides = array<i32>} : memref<128x128xf32, #tpu.memory_space<vmem>>, vector<16xf32>,
        %mul3A_989 = arith.constant 1.000000e+01 : f32
        %mul3A_990 = vector.broadcast %mul3A_989 : f32 to vector<16xf32>
        %mul3A_991 = arith.mulf %get3A_988, %mul3A_990 : vector<16xf32>
        %slice3A_992 = vector.extract_strided_slice %get3A_310 {offsets = [6], sizes = [1], strides = [1]} : vector<16xf32> to vector<1xf32>
        %squeeze3A_993 = vector.extract %slice3A_992[0] : f32 from vector<1xf32>
        %get3A_994 = arith.constant 0 : i32
        %get3A_995 = arith.index_cast %get3A_994 : i32 to index
        %get3A_996 = arith.constant 16 : index
        %get3A_997 = tpu.vector_load %arg24[%get3A_995, %get3A_996] {strides = array<i32>} : memref<4x128xf32, #tpu.memory_space<vmem>>, vector<16xf32>,
        %mul3A_998 = vector.broadcast %squeeze3A_993 : f32 to vector<16xf32>
        %mul3A_999 = arith.mulf %mul3A_998, %get3A_997 : vector<16xf32>
        %add3A_1000 = arith.addf %mul3A_991, %mul3A_999 : vector<16xf32>
        %slice3A_1001 = vector.extract_strided_slice %get3A_314 {offsets = [6], sizes = [1], strides = [1]} : vector<16xf32> to vector<1xf32>
        %squeeze3A_1002 = vector.extract %slice3A_1001[0] : f32 from vector<1xf32>
        %get3A_1003 = arith.constant 1 : i32
        %get3A_1004 = arith.index_cast %get3A_1003 : i32 to index
        %get3A_1005 = arith.constant 16 : index
        %get3A_1006 = tpu.vector_load %arg24[%get3A_1004, %get3A_1005] {strides = array<i32>} : memref<4x128xf32, #tpu.memory_space<vmem>>, vector<16xf32>,
        %mul3A_1007 = vector.broadcast %squeeze3A_1002 : f32 to vector<16xf32>
        %mul3A_1008 = arith.mulf %mul3A_1007, %get3A_1006 : vector<16xf32>
        %add3A_1009 = arith.addf %add3A_1000, %mul3A_1008 : vector<16xf32>
        %slice3A_1010 = vector.extract_strided_slice %get3A_318 {offsets = [6], sizes = [1], strides = [1]} : vector<16xf32> to vector<1xf32>
        %squeeze3A_1011 = vector.extract %slice3A_1010[0] : f32 from vector<1xf32>
        %get3A_1012 = arith.constant 2 : i32
        %get3A_1013 = arith.index_cast %get3A_1012 : i32 to index
        %get3A_1014 = arith.constant 16 : index
        %get3A_1015 = tpu.vector_load %arg24[%get3A_1013, %get3A_1014] {strides = array<i32>} : memref<4x128xf32, #tpu.memory_space<vmem>>, vector<16xf32>,
        %mul3A_1016 = vector.broadcast %squeeze3A_1011 : f32 to vector<16xf32>
        %mul3A_1017 = arith.mulf %mul3A_1016, %get3A_1015 : vector<16xf32>
        %add3A_1018 = arith.addf %add3A_1009, %mul3A_1017 : vector<16xf32>
        %slice3A_1019 = vector.extract_strided_slice %get3A_322 {offsets = [6], sizes = [1], strides = [1]} : vector<16xf32> to vector<1xf32>
        %squeeze3A_1020 = vector.extract %slice3A_1019[0] : f32 from vector<1xf32>
        %get3A_1021 = arith.constant 3 : i32
        %get3A_1022 = arith.index_cast %get3A_1021 : i32 to index
        %get3A_1023 = arith.constant 16 : index
        %get3A_1024 = tpu.vector_load %arg24[%get3A_1022, %get3A_1023] {strides = array<i32>} : memref<4x128xf32, #tpu.memory_space<vmem>>, vector<16xf32>,
        %mul3A_1025 = vector.broadcast %squeeze3A_1020 : f32 to vector<16xf32>
        %mul3A_1026 = arith.mulf %mul3A_1025, %get3A_1024 : vector<16xf32>
        %add3A_1027 = arith.addf %add3A_1018, %mul3A_1026 : vector<16xf32>
        %mul3A_1028 = arith.constant 4 : i32
        %mul3A_1029 = arith.muli %mul3A_1028, %scan3A_305 : i32
        %add3A_1030 = arith.constant 1 : i32
        %add3A_1031 = arith.addi %mul3A_1029, %add3A_1030 : i32
        %swap3A_1032 = arith.index_cast %add3A_1031 : i32 to index
        %swap3A_1033 = arith.constant 80 : index
        %swap3A_1034 = tpu.vector_load %arg22[%swap3A_1032, %swap3A_1033] {strides = array<i32>} : memref<32x128xf32, #tpu.memory_space<vmem>>, vector<16xf32>,
        tpu.vector_store %arg22[%swap3A_1032, %swap3A_1033], %add3A_1027 {strides = array<i32>} : memref<32x128xf32, #tpu.memory_space<vmem>>, vector<16xf32>,
        %mul3A_1035 = arith.constant 16 : i32
        %mul3A_1036 = arith.muli %scan3A_305, %mul3A_1035 : i32
        %add3A_1037 = arith.constant 7 : i32
        %add3A_1038 = arith.addi %mul3A_1036, %add3A_1037 : i32
        %get3A_1039 = arith.index_cast %add3A_1038 : i32 to index
        %get3A_1040 = arith.constant 0 : index
        %get3A_1041 = tpu.vector_load %arg12[%get3A_1039, %get3A_1040] {strides = array<i32>} : memref<128x128xf32, #tpu.memory_space<vmem>>, vector<16xf32>,
        %mul3A_1042 = arith.constant 1.000000e+01 : f32
        %mul3A_1043 = vector.broadcast %mul3A_1042 : f32 to vector<16xf32>
        %mul3A_1044 = arith.mulf %get3A_1041, %mul3A_1043 : vector<16xf32>
        %slice3A_1045 = vector.extract_strided_slice %get3A_310 {offsets = [7], sizes = [1], strides = [1]} : vector<16xf32> to vector<1xf32>
        %squeeze3A_1046 = vector.extract %slice3A_1045[0] : f32 from vector<1xf32>
        %get3A_1047 = arith.constant 0 : i32
        %get3A_1048 = arith.index_cast %get3A_1047 : i32 to index
        %get3A_1049 = arith.constant 0 : index
        %get3A_1050 = tpu.vector_load %arg24[%get3A_1048, %get3A_1049] {strides = array<i32>} : memref<4x128xf32, #tpu.memory_space<vmem>>, vector<16xf32>,
        %mul3A_1051 = vector.broadcast %squeeze3A_1046 : f32 to vector<16xf32>
        %mul3A_1052 = arith.mulf %mul3A_1051, %get3A_1050 : vector<16xf32>
        %add3A_1053 = arith.addf %mul3A_1044, %mul3A_1052 : vector<16xf32>
        %slice3A_1054 = vector.extract_strided_slice %get3A_314 {offsets = [7], sizes = [1], strides = [1]} : vector<16xf32> to vector<1xf32>
        %squeeze3A_1055 = vector.extract %slice3A_1054[0] : f32 from vector<1xf32>
        %get3A_1056 = arith.constant 1 : i32
        %get3A_1057 = arith.index_cast %get3A_1056 : i32 to index
        %get3A_1058 = arith.constant 0 : index
        %get3A_1059 = tpu.vector_load %arg24[%get3A_1057, %get3A_1058] {strides = array<i32>} : memref<4x128xf32, #tpu.memory_space<vmem>>, vector<16xf32>,
        %mul3A_1060 = vector.broadcast %squeeze3A_1055 : f32 to vector<16xf32>
        %mul3A_1061 = arith.mulf %mul3A_1060, %get3A_1059 : vector<16xf32>
        %add3A_1062 = arith.addf %add3A_1053, %mul3A_1061 : vector<16xf32>
        %slice3A_1063 = vector.extract_strided_slice %get3A_318 {offsets = [7], sizes = [1], strides = [1]} : vector<16xf32> to vector<1xf32>
        %squeeze3A_1064 = vector.extract %slice3A_1063[0] : f32 from vector<1xf32>
        %get3A_1065 = arith.constant 2 : i32
        %get3A_1066 = arith.index_cast %get3A_1065 : i32 to index
        %get3A_1067 = arith.constant 0 : index
        %get3A_1068 = tpu.vector_load %arg24[%get3A_1066, %get3A_1067] {strides = array<i32>} : memref<4x128xf32, #tpu.memory_space<vmem>>, vector<16xf32>,
        %mul3A_1069 = vector.broadcast %squeeze3A_1064 : f32 to vector<16xf32>
        %mul3A_1070 = arith.mulf %mul3A_1069, %get3A_1068 : vector<16xf32>
        %add3A_1071 = arith.addf %add3A_1062, %mul3A_1070 : vector<16xf32>
        %slice3A_1072 = vector.extract_strided_slice %get3A_322 {offsets = [7], sizes = [1], strides = [1]} : vector<16xf32> to vector<1xf32>
        %squeeze3A_1073 = vector.extract %slice3A_1072[0] : f32 from vector<1xf32>
        %get3A_1074 = arith.constant 3 : i32
        %get3A_1075 = arith.index_cast %get3A_1074 : i32 to index
        %get3A_1076 = arith.constant 0 : index
        %get3A_1077 = tpu.vector_load %arg24[%get3A_1075, %get3A_1076] {strides = array<i32>} : memref<4x128xf32, #tpu.memory_space<vmem>>, vector<16xf32>,
        %mul3A_1078 = vector.broadcast %squeeze3A_1073 : f32 to vector<16xf32>
        %mul3A_1079 = arith.mulf %mul3A_1078, %get3A_1077 : vector<16xf32>
        %add3A_1080 = arith.addf %add3A_1071, %mul3A_1079 : vector<16xf32>
        %mul3A_1081 = arith.constant 4 : i32
        %mul3A_1082 = arith.muli %mul3A_1081, %scan3A_305 : i32
        %add3A_1083 = arith.constant 1 : i32
        %add3A_1084 = arith.addi %mul3A_1082, %add3A_1083 : i32
        %swap3A_1085 = arith.index_cast %add3A_1084 : i32 to index
        %swap3A_1086 = arith.constant 96 : index
        %swap3A_1087 = tpu.vector_load %arg22[%swap3A_1085, %swap3A_1086] {strides = array<i32>} : memref<32x128xf32, #tpu.memory_space<vmem>>, vector<16xf32>,
        tpu.vector_store %arg22[%swap3A_1085, %swap3A_1086], %add3A_1080 {strides = array<i32>} : memref<32x128xf32, #tpu.memory_space<vmem>>, vector<16xf32>,
        %get3A_1088 = arith.index_cast %add3A_1038 : i32 to index
        %get3A_1089 = arith.constant 16 : index
        %get3A_1090 = tpu.vector_load %arg12[%get3A_1088, %get3A_1089] {strides = array<i32>} : memref<128x128xf32, #tpu.memory_space<vmem>>, vector<16xf32>,
        %mul3A_1091 = arith.constant 1.000000e+01 : f32
        %mul3A_1092 = vector.broadcast %mul3A_1091 : f32 to vector<16xf32>
        %mul3A_1093 = arith.mulf %get3A_1090, %mul3A_1092 : vector<16xf32>
        %slice3A_1094 = vector.extract_strided_slice %get3A_310 {offsets = [7], sizes = [1], strides = [1]} : vector<16xf32> to vector<1xf32>
        %squeeze3A_1095 = vector.extract %slice3A_1094[0] : f32 from vector<1xf32>
        %get3A_1096 = arith.constant 0 : i32
        %get3A_1097 = arith.index_cast %get3A_1096 : i32 to index
        %get3A_1098 = arith.constant 16 : index
        %get3A_1099 = tpu.vector_load %arg24[%get3A_1097, %get3A_1098] {strides = array<i32>} : memref<4x128xf32, #tpu.memory_space<vmem>>, vector<16xf32>,
        %mul3A_1100 = vector.broadcast %squeeze3A_1095 : f32 to vector<16xf32>
        %mul3A_1101 = arith.mulf %mul3A_1100, %get3A_1099 : vector<16xf32>
        %add3A_1102 = arith.addf %mul3A_1093, %mul3A_1101 : vector<16xf32>
        %slice3A_1103 = vector.extract_strided_slice %get3A_314 {offsets = [7], sizes = [1], strides = [1]} : vector<16xf32> to vector<1xf32>
        %squeeze3A_1104 = vector.extract %slice3A_1103[0] : f32 from vector<1xf32>
        %get3A_1105 = arith.constant 1 : i32
        %get3A_1106 = arith.index_cast %get3A_1105 : i32 to index
        %get3A_1107 = arith.constant 16 : index
        %get3A_1108 = tpu.vector_load %arg24[%get3A_1106, %get3A_1107] {strides = array<i32>} : memref<4x128xf32, #tpu.memory_space<vmem>>, vector<16xf32>,
        %mul3A_1109 = vector.broadcast %squeeze3A_1104 : f32 to vector<16xf32>
        %mul3A_1110 = arith.mulf %mul3A_1109, %get3A_1108 : vector<16xf32>
        %add3A_1111 = arith.addf %add3A_1102, %mul3A_1110 : vector<16xf32>
        %slice3A_1112 = vector.extract_strided_slice %get3A_318 {offsets = [7], sizes = [1], strides = [1]} : vector<16xf32> to vector<1xf32>
        %squeeze3A_1113 = vector.extract %slice3A_1112[0] : f32 from vector<1xf32>
        %get3A_1114 = arith.constant 2 : i32
        %get3A_1115 = arith.index_cast %get3A_1114 : i32 to index
        %get3A_1116 = arith.constant 16 : index
        %get3A_1117 = tpu.vector_load %arg24[%get3A_1115, %get3A_1116] {strides = array<i32>} : memref<4x128xf32, #tpu.memory_space<vmem>>, vector<16xf32>,
        %mul3A_1118 = vector.broadcast %squeeze3A_1113 : f32 to vector<16xf32>
        %mul3A_1119 = arith.mulf %mul3A_1118, %get3A_1117 : vector<16xf32>
        %add3A_1120 = arith.addf %add3A_1111, %mul3A_1119 : vector<16xf32>
        %slice3A_1121 = vector.extract_strided_slice %get3A_322 {offsets = [7], sizes = [1], strides = [1]} : vector<16xf32> to vector<1xf32>
        %squeeze3A_1122 = vector.extract %slice3A_1121[0] : f32 from vector<1xf32>
        %get3A_1123 = arith.constant 3 : i32
        %get3A_1124 = arith.index_cast %get3A_1123 : i32 to index
        %get3A_1125 = arith.constant 16 : index
        %get3A_1126 = tpu.vector_load %arg24[%get3A_1124, %get3A_1125] {strides = array<i32>} : memref<4x128xf32, #tpu.memory_space<vmem>>, vector<16xf32>,
        %mul3A_1127 = vector.broadcast %squeeze3A_1122 : f32 to vector<16xf32>
        %mul3A_1128 = arith.mulf %mul3A_1127, %get3A_1126 : vector<16xf32>
        %add3A_1129 = arith.addf %add3A_1120, %mul3A_1128 : vector<16xf32>
        %mul3A_1130 = arith.constant 4 : i32
        %mul3A_1131 = arith.muli %mul3A_1130, %scan3A_305 : i32
        %add3A_1132 = arith.constant 1 : i32
        %add3A_1133 = arith.addi %mul3A_1131, %add3A_1132 : i32
        %swap3A_1134 = arith.index_cast %add3A_1133 : i32 to index
        %swap3A_1135 = arith.constant 112 : index
        %swap3A_1136 = tpu.vector_load %arg22[%swap3A_1134, %swap3A_1135] {strides = array<i32>} : memref<32x128xf32, #tpu.memory_space<vmem>>, vector<16xf32>,
        tpu.vector_store %arg22[%swap3A_1134, %swap3A_1135], %add3A_1129 {strides = array<i32>} : memref<32x128xf32, #tpu.memory_space<vmem>>, vector<16xf32>,
        %mul3A_1137 = arith.constant 16 : i32
        %mul3A_1138 = arith.muli %scan3A_305, %mul3A_1137 : i32
        %add3A_1139 = arith.constant 8 : i32
        %add3A_1140 = arith.addi %mul3A_1138, %add3A_1139 : i32
        %get3A_1141 = arith.index_cast %add3A_1140 : i32 to index
        %get3A_1142 = arith.constant 0 : index
        %get3A_1143 = tpu.vector_load %arg12[%get3A_1141, %get3A_1142] {strides = array<i32>} : memref<128x128xf32, #tpu.memory_space<vmem>>, vector<16xf32>,
        %mul3A_1144 = arith.constant 1.000000e+01 : f32
        %mul3A_1145 = vector.broadcast %mul3A_1144 : f32 to vector<16xf32>
        %mul3A_1146 = arith.mulf %get3A_1143, %mul3A_1145 : vector<16xf32>
        %slice3A_1147 = vector.extract_strided_slice %get3A_310 {offsets = [8], sizes = [1], strides = [1]} : vector<16xf32> to vector<1xf32>
        %squeeze3A_1148 = vector.extract %slice3A_1147[0] : f32 from vector<1xf32>
        %get3A_1149 = arith.constant 0 : i32
        %get3A_1150 = arith.index_cast %get3A_1149 : i32 to index
        %get3A_1151 = arith.constant 0 : index
        %get3A_1152 = tpu.vector_load %arg24[%get3A_1150, %get3A_1151] {strides = array<i32>} : memref<4x128xf32, #tpu.memory_space<vmem>>, vector<16xf32>,
        %mul3A_1153 = vector.broadcast %squeeze3A_1148 : f32 to vector<16xf32>
        %mul3A_1154 = arith.mulf %mul3A_1153, %get3A_1152 : vector<16xf32>
        %add3A_1155 = arith.addf %mul3A_1146, %mul3A_1154 : vector<16xf32>
        %slice3A_1156 = vector.extract_strided_slice %get3A_314 {offsets = [8], sizes = [1], strides = [1]} : vector<16xf32> to vector<1xf32>
        %squeeze3A_1157 = vector.extract %slice3A_1156[0] : f32 from vector<1xf32>
        %get3A_1158 = arith.constant 1 : i32
        %get3A_1159 = arith.index_cast %get3A_1158 : i32 to index
        %get3A_1160 = arith.constant 0 : index
        %get3A_1161 = tpu.vector_load %arg24[%get3A_1159, %get3A_1160] {strides = array<i32>} : memref<4x128xf32, #tpu.memory_space<vmem>>, vector<16xf32>,
        %mul3A_1162 = vector.broadcast %squeeze3A_1157 : f32 to vector<16xf32>
        %mul3A_1163 = arith.mulf %mul3A_1162, %get3A_1161 : vector<16xf32>
        %add3A_1164 = arith.addf %add3A_1155, %mul3A_1163 : vector<16xf32>
        %slice3A_1165 = vector.extract_strided_slice %get3A_318 {offsets = [8], sizes = [1], strides = [1]} : vector<16xf32> to vector<1xf32>
        %squeeze3A_1166 = vector.extract %slice3A_1165[0] : f32 from vector<1xf32>
        %get3A_1167 = arith.constant 2 : i32
        %get3A_1168 = arith.index_cast %get3A_1167 : i32 to index
        %get3A_1169 = arith.constant 0 : index
        %get3A_1170 = tpu.vector_load %arg24[%get3A_1168, %get3A_1169] {strides = array<i32>} : memref<4x128xf32, #tpu.memory_space<vmem>>, vector<16xf32>,
        %mul3A_1171 = vector.broadcast %squeeze3A_1166 : f32 to vector<16xf32>
        %mul3A_1172 = arith.mulf %mul3A_1171, %get3A_1170 : vector<16xf32>
        %add3A_1173 = arith.addf %add3A_1164, %mul3A_1172 : vector<16xf32>
        %slice3A_1174 = vector.extract_strided_slice %get3A_322 {offsets = [8], sizes = [1], strides = [1]} : vector<16xf32> to vector<1xf32>
        %squeeze3A_1175 = vector.extract %slice3A_1174[0] : f32 from vector<1xf32>
        %get3A_1176 = arith.constant 3 : i32
        %get3A_1177 = arith.index_cast %get3A_1176 : i32 to index
        %get3A_1178 = arith.constant 0 : index
        %get3A_1179 = tpu.vector_load %arg24[%get3A_1177, %get3A_1178] {strides = array<i32>} : memref<4x128xf32, #tpu.memory_space<vmem>>, vector<16xf32>,
        %mul3A_1180 = vector.broadcast %squeeze3A_1175 : f32 to vector<16xf32>
        %mul3A_1181 = arith.mulf %mul3A_1180, %get3A_1179 : vector<16xf32>
        %add3A_1182 = arith.addf %add3A_1173, %mul3A_1181 : vector<16xf32>
        %mul3A_1183 = arith.constant 4 : i32
        %mul3A_1184 = arith.muli %mul3A_1183, %scan3A_305 : i32
        %add3A_1185 = arith.constant 2 : i32
        %add3A_1186 = arith.addi %mul3A_1184, %add3A_1185 : i32
        %swap3A_1187 = arith.index_cast %add3A_1186 : i32 to index
        %swap3A_1188 = arith.constant 0 : index
        %swap3A_1189 = tpu.vector_load %arg22[%swap3A_1187, %swap3A_1188] {strides = array<i32>} : memref<32x128xf32, #tpu.memory_space<vmem>>, vector<16xf32>,
        tpu.vector_store %arg22[%swap3A_1187, %swap3A_1188], %add3A_1182 {strides = array<i32>} : memref<32x128xf32, #tpu.memory_space<vmem>>, vector<16xf32>,
        %get3A_1190 = arith.index_cast %add3A_1140 : i32 to index
        %get3A_1191 = arith.constant 16 : index
        %get3A_1192 = tpu.vector_load %arg12[%get3A_1190, %get3A_1191] {strides = array<i32>} : memref<128x128xf32, #tpu.memory_space<vmem>>, vector<16xf32>,
        %mul3A_1193 = arith.constant 1.000000e+01 : f32
        %mul3A_1194 = vector.broadcast %mul3A_1193 : f32 to vector<16xf32>
        %mul3A_1195 = arith.mulf %get3A_1192, %mul3A_1194 : vector<16xf32>
        %slice3A_1196 = vector.extract_strided_slice %get3A_310 {offsets = [8], sizes = [1], strides = [1]} : vector<16xf32> to vector<1xf32>
        %squeeze3A_1197 = vector.extract %slice3A_1196[0] : f32 from vector<1xf32>
        %get3A_1198 = arith.constant 0 : i32
        %get3A_1199 = arith.index_cast %get3A_1198 : i32 to index
        %get3A_1200 = arith.constant 16 : index
        %get3A_1201 = tpu.vector_load %arg24[%get3A_1199, %get3A_1200] {strides = array<i32>} : memref<4x128xf32, #tpu.memory_space<vmem>>, vector<16xf32>,
        %mul3A_1202 = vector.broadcast %squeeze3A_1197 : f32 to vector<16xf32>
        %mul3A_1203 = arith.mulf %mul3A_1202, %get3A_1201 : vector<16xf32>
        %add3A_1204 = arith.addf %mul3A_1195, %mul3A_1203 : vector<16xf32>
        %slice3A_1205 = vector.extract_strided_slice %get3A_314 {offsets = [8], sizes = [1], strides = [1]} : vector<16xf32> to vector<1xf32>
        %squeeze3A_1206 = vector.extract %slice3A_1205[0] : f32 from vector<1xf32>
        %get3A_1207 = arith.constant 1 : i32
        %get3A_1208 = arith.index_cast %get3A_1207 : i32 to index
        %get3A_1209 = arith.constant 16 : index
        %get3A_1210 = tpu.vector_load %arg24[%get3A_1208, %get3A_1209] {strides = array<i32>} : memref<4x128xf32, #tpu.memory_space<vmem>>, vector<16xf32>,
        %mul3A_1211 = vector.broadcast %squeeze3A_1206 : f32 to vector<16xf32>
        %mul3A_1212 = arith.mulf %mul3A_1211, %get3A_1210 : vector<16xf32>
        %add3A_1213 = arith.addf %add3A_1204, %mul3A_1212 : vector<16xf32>
        %slice3A_1214 = vector.extract_strided_slice %get3A_318 {offsets = [8], sizes = [1], strides = [1]} : vector<16xf32> to vector<1xf32>
        %squeeze3A_1215 = vector.extract %slice3A_1214[0] : f32 from vector<1xf32>
        %get3A_1216 = arith.constant 2 : i32
        %get3A_1217 = arith.index_cast %get3A_1216 : i32 to index
        %get3A_1218 = arith.constant 16 : index
        %get3A_1219 = tpu.vector_load %arg24[%get3A_1217, %get3A_1218] {strides = array<i32>} : memref<4x128xf32, #tpu.memory_space<vmem>>, vector<16xf32>,
        %mul3A_1220 = vector.broadcast %squeeze3A_1215 : f32 to vector<16xf32>
        %mul3A_1221 = arith.mulf %mul3A_1220, %get3A_1219 : vector<16xf32>
        %add3A_1222 = arith.addf %add3A_1213, %mul3A_1221 : vector<16xf32>
        %slice3A_1223 = vector.extract_strided_slice %get3A_322 {offsets = [8], sizes = [1], strides = [1]} : vector<16xf32> to vector<1xf32>
        %squeeze3A_1224 = vector.extract %slice3A_1223[0] : f32 from vector<1xf32>
        %get3A_1225 = arith.constant 3 : i32
        %get3A_1226 = arith.index_cast %get3A_1225 : i32 to index
        %get3A_1227 = arith.constant 16 : index
        %get3A_1228 = tpu.vector_load %arg24[%get3A_1226, %get3A_1227] {strides = array<i32>} : memref<4x128xf32, #tpu.memory_space<vmem>>, vector<16xf32>,
        %mul3A_1229 = vector.broadcast %squeeze3A_1224 : f32 to vector<16xf32>
        %mul3A_1230 = arith.mulf %mul3A_1229, %get3A_1228 : vector<16xf32>
        %add3A_1231 = arith.addf %add3A_1222, %mul3A_1230 : vector<16xf32>
        %mul3A_1232 = arith.constant 4 : i32
        %mul3A_1233 = arith.muli %mul3A_1232, %scan3A_305 : i32
        %add3A_1234 = arith.constant 2 : i32
        %add3A_1235 = arith.addi %mul3A_1233, %add3A_1234 : i32
        %swap3A_1236 = arith.index_cast %add3A_1235 : i32 to index
        %swap3A_1237 = arith.constant 16 : index
        %swap3A_1238 = tpu.vector_load %arg22[%swap3A_1236, %swap3A_1237] {strides = array<i32>} : memref<32x128xf32, #tpu.memory_space<vmem>>, vector<16xf32>,
        tpu.vector_store %arg22[%swap3A_1236, %swap3A_1237], %add3A_1231 {strides = array<i32>} : memref<32x128xf32, #tpu.memory_space<vmem>>, vector<16xf32>,
        %mul3A_1239 = arith.constant 16 : i32
        %mul3A_1240 = arith.muli %scan3A_305, %mul3A_1239 : i32
        %add3A_1241 = arith.constant 9 : i32
        %add3A_1242 = arith.addi %mul3A_1240, %add3A_1241 : i32
        %get3A_1243 = arith.index_cast %add3A_1242 : i32 to index
        %get3A_1244 = arith.constant 0 : index
        %get3A_1245 = tpu.vector_load %arg12[%get3A_1243, %get3A_1244] {strides = array<i32>} : memref<128x128xf32, #tpu.memory_space<vmem>>, vector<16xf32>,
        %mul3A_1246 = arith.constant 1.000000e+01 : f32
        %mul3A_1247 = vector.broadcast %mul3A_1246 : f32 to vector<16xf32>
        %mul3A_1248 = arith.mulf %get3A_1245, %mul3A_1247 : vector<16xf32>
        %slice3A_1249 = vector.extract_strided_slice %get3A_310 {offsets = [9], sizes = [1], strides = [1]} : vector<16xf32> to vector<1xf32>
        %squeeze3A_1250 = vector.extract %slice3A_1249[0] : f32 from vector<1xf32>
        %get3A_1251 = arith.constant 0 : i32
        %get3A_1252 = arith.index_cast %get3A_1251 : i32 to index
        %get3A_1253 = arith.constant 0 : index
        %get3A_1254 = tpu.vector_load %arg24[%get3A_1252, %get3A_1253] {strides = array<i32>} : memref<4x128xf32, #tpu.memory_space<vmem>>, vector<16xf32>,
        %mul3A_1255 = vector.broadcast %squeeze3A_1250 : f32 to vector<16xf32>
        %mul3A_1256 = arith.mulf %mul3A_1255, %get3A_1254 : vector<16xf32>
        %add3A_1257 = arith.addf %mul3A_1248, %mul3A_1256 : vector<16xf32>
        %slice3A_1258 = vector.extract_strided_slice %get3A_314 {offsets = [9], sizes = [1], strides = [1]} : vector<16xf32> to vector<1xf32>
        %squeeze3A_1259 = vector.extract %slice3A_1258[0] : f32 from vector<1xf32>
        %get3A_1260 = arith.constant 1 : i32
        %get3A_1261 = arith.index_cast %get3A_1260 : i32 to index
        %get3A_1262 = arith.constant 0 : index
        %get3A_1263 = tpu.vector_load %arg24[%get3A_1261, %get3A_1262] {strides = array<i32>} : memref<4x128xf32, #tpu.memory_space<vmem>>, vector<16xf32>,
        %mul3A_1264 = vector.broadcast %squeeze3A_1259 : f32 to vector<16xf32>
        %mul3A_1265 = arith.mulf %mul3A_1264, %get3A_1263 : vector<16xf32>
        %add3A_1266 = arith.addf %add3A_1257, %mul3A_1265 : vector<16xf32>
        %slice3A_1267 = vector.extract_strided_slice %get3A_318 {offsets = [9], sizes = [1], strides = [1]} : vector<16xf32> to vector<1xf32>
        %squeeze3A_1268 = vector.extract %slice3A_1267[0] : f32 from vector<1xf32>
        %get3A_1269 = arith.constant 2 : i32
        %get3A_1270 = arith.index_cast %get3A_1269 : i32 to index
        %get3A_1271 = arith.constant 0 : index
        %get3A_1272 = tpu.vector_load %arg24[%get3A_1270, %get3A_1271] {strides = array<i32>} : memref<4x128xf32, #tpu.memory_space<vmem>>, vector<16xf32>,
        %mul3A_1273 = vector.broadcast %squeeze3A_1268 : f32 to vector<16xf32>
        %mul3A_1274 = arith.mulf %mul3A_1273, %get3A_1272 : vector<16xf32>
        %add3A_1275 = arith.addf %add3A_1266, %mul3A_1274 : vector<16xf32>
        %slice3A_1276 = vector.extract_strided_slice %get3A_322 {offsets = [9], sizes = [1], strides = [1]} : vector<16xf32> to vector<1xf32>
        %squeeze3A_1277 = vector.extract %slice3A_1276[0] : f32 from vector<1xf32>
        %get3A_1278 = arith.constant 3 : i32
        %get3A_1279 = arith.index_cast %get3A_1278 : i32 to index
        %get3A_1280 = arith.constant 0 : index
        %get3A_1281 = tpu.vector_load %arg24[%get3A_1279, %get3A_1280] {strides = array<i32>} : memref<4x128xf32, #tpu.memory_space<vmem>>, vector<16xf32>,
        %mul3A_1282 = vector.broadcast %squeeze3A_1277 : f32 to vector<16xf32>
        %mul3A_1283 = arith.mulf %mul3A_1282, %get3A_1281 : vector<16xf32>
        %add3A_1284 = arith.addf %add3A_1275, %mul3A_1283 : vector<16xf32>
        %mul3A_1285 = arith.constant 4 : i32
        %mul3A_1286 = arith.muli %mul3A_1285, %scan3A_305 : i32
        %add3A_1287 = arith.constant 2 : i32
        %add3A_1288 = arith.addi %mul3A_1286, %add3A_1287 : i32
        %swap3A_1289 = arith.index_cast %add3A_1288 : i32 to index
        %swap3A_1290 = arith.constant 32 : index
        %swap3A_1291 = tpu.vector_load %arg22[%swap3A_1289, %swap3A_1290] {strides = array<i32>} : memref<32x128xf32, #tpu.memory_space<vmem>>, vector<16xf32>,
        tpu.vector_store %arg22[%swap3A_1289, %swap3A_1290], %add3A_1284 {strides = array<i32>} : memref<32x128xf32, #tpu.memory_space<vmem>>, vector<16xf32>,
        %get3A_1292 = arith.index_cast %add3A_1242 : i32 to index
        %get3A_1293 = arith.constant 16 : index
        %get3A_1294 = tpu.vector_load %arg12[%get3A_1292, %get3A_1293] {strides = array<i32>} : memref<128x128xf32, #tpu.memory_space<vmem>>, vector<16xf32>,
        %mul3A_1295 = arith.constant 1.000000e+01 : f32
        %mul3A_1296 = vector.broadcast %mul3A_1295 : f32 to vector<16xf32>
        %mul3A_1297 = arith.mulf %get3A_1294, %mul3A_1296 : vector<16xf32>
        %slice3A_1298 = vector.extract_strided_slice %get3A_310 {offsets = [9], sizes = [1], strides = [1]} : vector<16xf32> to vector<1xf32>
        %squeeze3A_1299 = vector.extract %slice3A_1298[0] : f32 from vector<1xf32>
        %get3A_1300 = arith.constant 0 : i32
        %get3A_1301 = arith.index_cast %get3A_1300 : i32 to index
        %get3A_1302 = arith.constant 16 : index
        %get3A_1303 = tpu.vector_load %arg24[%get3A_1301, %get3A_1302] {strides = array<i32>} : memref<4x128xf32, #tpu.memory_space<vmem>>, vector<16xf32>,
        %mul3A_1304 = vector.broadcast %squeeze3A_1299 : f32 to vector<16xf32>
        %mul3A_1305 = arith.mulf %mul3A_1304, %get3A_1303 : vector<16xf32>
        %add3A_1306 = arith.addf %mul3A_1297, %mul3A_1305 : vector<16xf32>
        %slice3A_1307 = vector.extract_strided_slice %get3A_314 {offsets = [9], sizes = [1], strides = [1]} : vector<16xf32> to vector<1xf32>
        %squeeze3A_1308 = vector.extract %slice3A_1307[0] : f32 from vector<1xf32>
        %get3A_1309 = arith.constant 1 : i32
        %get3A_1310 = arith.index_cast %get3A_1309 : i32 to index
        %get3A_1311 = arith.constant 16 : index
        %get3A_1312 = tpu.vector_load %arg24[%get3A_1310, %get3A_1311] {strides = array<i32>} : memref<4x128xf32, #tpu.memory_space<vmem>>, vector<16xf32>,
        %mul3A_1313 = vector.broadcast %squeeze3A_1308 : f32 to vector<16xf32>
        %mul3A_1314 = arith.mulf %mul3A_1313, %get3A_1312 : vector<16xf32>
        %add3A_1315 = arith.addf %add3A_1306, %mul3A_1314 : vector<16xf32>
        %slice3A_1316 = vector.extract_strided_slice %get3A_318 {offsets = [9], sizes = [1], strides = [1]} : vector<16xf32> to vector<1xf32>
        %squeeze3A_1317 = vector.extract %slice3A_1316[0] : f32 from vector<1xf32>
        %get3A_1318 = arith.constant 2 : i32
        %get3A_1319 = arith.index_cast %get3A_1318 : i32 to index
        %get3A_1320 = arith.constant 16 : index
        %get3A_1321 = tpu.vector_load %arg24[%get3A_1319, %get3A_1320] {strides = array<i32>} : memref<4x128xf32, #tpu.memory_space<vmem>>, vector<16xf32>,
        %mul3A_1322 = vector.broadcast %squeeze3A_1317 : f32 to vector<16xf32>
        %mul3A_1323 = arith.mulf %mul3A_1322, %get3A_1321 : vector<16xf32>
        %add3A_1324 = arith.addf %add3A_1315, %mul3A_1323 : vector<16xf32>
        %slice3A_1325 = vector.extract_strided_slice %get3A_322 {offsets = [9], sizes = [1], strides = [1]} : vector<16xf32> to vector<1xf32>
        %squeeze3A_1326 = vector.extract %slice3A_1325[0] : f32 from vector<1xf32>
        %get3A_1327 = arith.constant 3 : i32
        %get3A_1328 = arith.index_cast %get3A_1327 : i32 to index
        %get3A_1329 = arith.constant 16 : index
        %get3A_1330 = tpu.vector_load %arg24[%get3A_1328, %get3A_1329] {strides = array<i32>} : memref<4x128xf32, #tpu.memory_space<vmem>>, vector<16xf32>,
        %mul3A_1331 = vector.broadcast %squeeze3A_1326 : f32 to vector<16xf32>
        %mul3A_1332 = arith.mulf %mul3A_1331, %get3A_1330 : vector<16xf32>
        %add3A_1333 = arith.addf %add3A_1324, %mul3A_1332 : vector<16xf32>
        %mul3A_1334 = arith.constant 4 : i32
        %mul3A_1335 = arith.muli %mul3A_1334, %scan3A_305 : i32
        %add3A_1336 = arith.constant 2 : i32
        %add3A_1337 = arith.addi %mul3A_1335, %add3A_1336 : i32
        %swap3A_1338 = arith.index_cast %add3A_1337 : i32 to index
        %swap3A_1339 = arith.constant 48 : index
        %swap3A_1340 = tpu.vector_load %arg22[%swap3A_1338, %swap3A_1339] {strides = array<i32>} : memref<32x128xf32, #tpu.memory_space<vmem>>, vector<16xf32>,
        tpu.vector_store %arg22[%swap3A_1338, %swap3A_1339], %add3A_1333 {strides = array<i32>} : memref<32x128xf32, #tpu.memory_space<vmem>>, vector<16xf32>,
        %mul3A_1341 = arith.constant 16 : i32
        %mul3A_1342 = arith.muli %scan3A_305, %mul3A_1341 : i32
        %add3A_1343 = arith.constant 10 : i32
        %add3A_1344 = arith.addi %mul3A_1342, %add3A_1343 : i32
        %get3A_1345 = arith.index_cast %add3A_1344 : i32 to index
        %get3A_1346 = arith.constant 0 : index
        %get3A_1347 = tpu.vector_load %arg12[%get3A_1345, %get3A_1346] {strides = array<i32>} : memref<128x128xf32, #tpu.memory_space<vmem>>, vector<16xf32>,
        %mul3A_1348 = arith.constant 1.000000e+01 : f32
        %mul3A_1349 = vector.broadcast %mul3A_1348 : f32 to vector<16xf32>
        %mul3A_1350 = arith.mulf %get3A_1347, %mul3A_1349 : vector<16xf32>
        %slice3A_1351 = vector.extract_strided_slice %get3A_310 {offsets = [10], sizes = [1], strides = [1]} : vector<16xf32> to vector<1xf32>
        %squeeze3A_1352 = vector.extract %slice3A_1351[0] : f32 from vector<1xf32>
        %get3A_1353 = arith.constant 0 : i32
        %get3A_1354 = arith.index_cast %get3A_1353 : i32 to index
        %get3A_1355 = arith.constant 0 : index
        %get3A_1356 = tpu.vector_load %arg24[%get3A_1354, %get3A_1355] {strides = array<i32>} : memref<4x128xf32, #tpu.memory_space<vmem>>, vector<16xf32>,
        %mul3A_1357 = vector.broadcast %squeeze3A_1352 : f32 to vector<16xf32>
        %mul3A_1358 = arith.mulf %mul3A_1357, %get3A_1356 : vector<16xf32>
        %add3A_1359 = arith.addf %mul3A_1350, %mul3A_1358 : vector<16xf32>
        %slice3A_1360 = vector.extract_strided_slice %get3A_314 {offsets = [10], sizes = [1], strides = [1]} : vector<16xf32> to vector<1xf32>
        %squeeze3A_1361 = vector.extract %slice3A_1360[0] : f32 from vector<1xf32>
        %get3A_1362 = arith.constant 1 : i32
        %get3A_1363 = arith.index_cast %get3A_1362 : i32 to index
        %get3A_1364 = arith.constant 0 : index
        %get3A_1365 = tpu.vector_load %arg24[%get3A_1363, %get3A_1364] {strides = array<i32>} : memref<4x128xf32, #tpu.memory_space<vmem>>, vector<16xf32>,
        %mul3A_1366 = vector.broadcast %squeeze3A_1361 : f32 to vector<16xf32>
        %mul3A_1367 = arith.mulf %mul3A_1366, %get3A_1365 : vector<16xf32>
        %add3A_1368 = arith.addf %add3A_1359, %mul3A_1367 : vector<16xf32>
        %slice3A_1369 = vector.extract_strided_slice %get3A_318 {offsets = [10], sizes = [1], strides = [1]} : vector<16xf32> to vector<1xf32>
        %squeeze3A_1370 = vector.extract %slice3A_1369[0] : f32 from vector<1xf32>
        %get3A_1371 = arith.constant 2 : i32
        %get3A_1372 = arith.index_cast %get3A_1371 : i32 to index
        %get3A_1373 = arith.constant 0 : index
        %get3A_1374 = tpu.vector_load %arg24[%get3A_1372, %get3A_1373] {strides = array<i32>} : memref<4x128xf32, #tpu.memory_space<vmem>>, vector<16xf32>,
        %mul3A_1375 = vector.broadcast %squeeze3A_1370 : f32 to vector<16xf32>
        %mul3A_1376 = arith.mulf %mul3A_1375, %get3A_1374 : vector<16xf32>
        %add3A_1377 = arith.addf %add3A_1368, %mul3A_1376 : vector<16xf32>
        %slice3A_1378 = vector.extract_strided_slice %get3A_322 {offsets = [10], sizes = [1], strides = [1]} : vector<16xf32> to vector<1xf32>
        %squeeze3A_1379 = vector.extract %slice3A_1378[0] : f32 from vector<1xf32>
        %get3A_1380 = arith.constant 3 : i32
        %get3A_1381 = arith.index_cast %get3A_1380 : i32 to index
        %get3A_1382 = arith.constant 0 : index
        %get3A_1383 = tpu.vector_load %arg24[%get3A_1381, %get3A_1382] {strides = array<i32>} : memref<4x128xf32, #tpu.memory_space<vmem>>, vector<16xf32>,
        %mul3A_1384 = vector.broadcast %squeeze3A_1379 : f32 to vector<16xf32>
        %mul3A_1385 = arith.mulf %mul3A_1384, %get3A_1383 : vector<16xf32>
        %add3A_1386 = arith.addf %add3A_1377, %mul3A_1385 : vector<16xf32>
        %mul3A_1387 = arith.constant 4 : i32
        %mul3A_1388 = arith.muli %mul3A_1387, %scan3A_305 : i32
        %add3A_1389 = arith.constant 2 : i32
        %add3A_1390 = arith.addi %mul3A_1388, %add3A_1389 : i32
        %swap3A_1391 = arith.index_cast %add3A_1390 : i32 to index
        %swap3A_1392 = arith.constant 64 : index
        %swap3A_1393 = tpu.vector_load %arg22[%swap3A_1391, %swap3A_1392] {strides = array<i32>} : memref<32x128xf32, #tpu.memory_space<vmem>>, vector<16xf32>,
        tpu.vector_store %arg22[%swap3A_1391, %swap3A_1392], %add3A_1386 {strides = array<i32>} : memref<32x128xf32, #tpu.memory_space<vmem>>, vector<16xf32>,
        %get3A_1394 = arith.index_cast %add3A_1344 : i32 to index
        %get3A_1395 = arith.constant 16 : index
        %get3A_1396 = tpu.vector_load %arg12[%get3A_1394, %get3A_1395] {strides = array<i32>} : memref<128x128xf32, #tpu.memory_space<vmem>>, vector<16xf32>,
        %mul3A_1397 = arith.constant 1.000000e+01 : f32
        %mul3A_1398 = vector.broadcast %mul3A_1397 : f32 to vector<16xf32>
        %mul3A_1399 = arith.mulf %get3A_1396, %mul3A_1398 : vector<16xf32>
        %slice3A_1400 = vector.extract_strided_slice %get3A_310 {offsets = [10], sizes = [1], strides = [1]} : vector<16xf32> to vector<1xf32>
        %squeeze3A_1401 = vector.extract %slice3A_1400[0] : f32 from vector<1xf32>
        %get3A_1402 = arith.constant 0 : i32
        %get3A_1403 = arith.index_cast %get3A_1402 : i32 to index
        %get3A_1404 = arith.constant 16 : index
        %get3A_1405 = tpu.vector_load %arg24[%get3A_1403, %get3A_1404] {strides = array<i32>} : memref<4x128xf32, #tpu.memory_space<vmem>>, vector<16xf32>,
        %mul3A_1406 = vector.broadcast %squeeze3A_1401 : f32 to vector<16xf32>
        %mul3A_1407 = arith.mulf %mul3A_1406, %get3A_1405 : vector<16xf32>
        %add3A_1408 = arith.addf %mul3A_1399, %mul3A_1407 : vector<16xf32>
        %slice3A_1409 = vector.extract_strided_slice %get3A_314 {offsets = [10], sizes = [1], strides = [1]} : vector<16xf32> to vector<1xf32>
        %squeeze3A_1410 = vector.extract %slice3A_1409[0] : f32 from vector<1xf32>
        %get3A_1411 = arith.constant 1 : i32
        %get3A_1412 = arith.index_cast %get3A_1411 : i32 to index
        %get3A_1413 = arith.constant 16 : index
        %get3A_1414 = tpu.vector_load %arg24[%get3A_1412, %get3A_1413] {strides = array<i32>} : memref<4x128xf32, #tpu.memory_space<vmem>>, vector<16xf32>,
        %mul3A_1415 = vector.broadcast %squeeze3A_1410 : f32 to vector<16xf32>
        %mul3A_1416 = arith.mulf %mul3A_1415, %get3A_1414 : vector<16xf32>
        %add3A_1417 = arith.addf %add3A_1408, %mul3A_1416 : vector<16xf32>
        %slice3A_1418 = vector.extract_strided_slice %get3A_318 {offsets = [10], sizes = [1], strides = [1]} : vector<16xf32> to vector<1xf32>
        %squeeze3A_1419 = vector.extract %slice3A_1418[0] : f32 from vector<1xf32>
        %get3A_1420 = arith.constant 2 : i32
        %get3A_1421 = arith.index_cast %get3A_1420 : i32 to index
        %get3A_1422 = arith.constant 16 : index
        %get3A_1423 = tpu.vector_load %arg24[%get3A_1421, %get3A_1422] {strides = array<i32>} : memref<4x128xf32, #tpu.memory_space<vmem>>, vector<16xf32>,
        %mul3A_1424 = vector.broadcast %squeeze3A_1419 : f32 to vector<16xf32>
        %mul3A_1425 = arith.mulf %mul3A_1424, %get3A_1423 : vector<16xf32>
        %add3A_1426 = arith.addf %add3A_1417, %mul3A_1425 : vector<16xf32>
        %slice3A_1427 = vector.extract_strided_slice %get3A_322 {offsets = [10], sizes = [1], strides = [1]} : vector<16xf32> to vector<1xf32>
        %squeeze3A_1428 = vector.extract %slice3A_1427[0] : f32 from vector<1xf32>
        %get3A_1429 = arith.constant 3 : i32
        %get3A_1430 = arith.index_cast %get3A_1429 : i32 to index
        %get3A_1431 = arith.constant 16 : index
        %get3A_1432 = tpu.vector_load %arg24[%get3A_1430, %get3A_1431] {strides = array<i32>} : memref<4x128xf32, #tpu.memory_space<vmem>>, vector<16xf32>,
        %mul3A_1433 = vector.broadcast %squeeze3A_1428 : f32 to vector<16xf32>
        %mul3A_1434 = arith.mulf %mul3A_1433, %get3A_1432 : vector<16xf32>
        %add3A_1435 = arith.addf %add3A_1426, %mul3A_1434 : vector<16xf32>
        %mul3A_1436 = arith.constant 4 : i32
        %mul3A_1437 = arith.muli %mul3A_1436, %scan3A_305 : i32
        %add3A_1438 = arith.constant 2 : i32
        %add3A_1439 = arith.addi %mul3A_1437, %add3A_1438 : i32
        %swap3A_1440 = arith.index_cast %add3A_1439 : i32 to index
        %swap3A_1441 = arith.constant 80 : index
        %swap3A_1442 = tpu.vector_load %arg22[%swap3A_1440, %swap3A_1441] {strides = array<i32>} : memref<32x128xf32, #tpu.memory_space<vmem>>, vector<16xf32>,
        tpu.vector_store %arg22[%swap3A_1440, %swap3A_1441], %add3A_1435 {strides = array<i32>} : memref<32x128xf32, #tpu.memory_space<vmem>>, vector<16xf32>,
        %mul3A_1443 = arith.constant 16 : i32
        %mul3A_1444 = arith.muli %scan3A_305, %mul3A_1443 : i32
        %add3A_1445 = arith.constant 11 : i32
        %add3A_1446 = arith.addi %mul3A_1444, %add3A_1445 : i32
        %get3A_1447 = arith.index_cast %add3A_1446 : i32 to index
        %get3A_1448 = arith.constant 0 : index
        %get3A_1449 = tpu.vector_load %arg12[%get3A_1447, %get3A_1448] {strides = array<i32>} : memref<128x128xf32, #tpu.memory_space<vmem>>, vector<16xf32>,
        %mul3A_1450 = arith.constant 1.000000e+01 : f32
        %mul3A_1451 = vector.broadcast %mul3A_1450 : f32 to vector<16xf32>
        %mul3A_1452 = arith.mulf %get3A_1449, %mul3A_1451 : vector<16xf32>
        %slice3A_1453 = vector.extract_strided_slice %get3A_310 {offsets = [11], sizes = [1], strides = [1]} : vector<16xf32> to vector<1xf32>
        %squeeze3A_1454 = vector.extract %slice3A_1453[0] : f32 from vector<1xf32>
        %get3A_1455 = arith.constant 0 : i32
        %get3A_1456 = arith.index_cast %get3A_1455 : i32 to index
        %get3A_1457 = arith.constant 0 : index
        %get3A_1458 = tpu.vector_load %arg24[%get3A_1456, %get3A_1457] {strides = array<i32>} : memref<4x128xf32, #tpu.memory_space<vmem>>, vector<16xf32>,
        %mul3A_1459 = vector.broadcast %squeeze3A_1454 : f32 to vector<16xf32>
        %mul3A_1460 = arith.mulf %mul3A_1459, %get3A_1458 : vector<16xf32>
        %add3A_1461 = arith.addf %mul3A_1452, %mul3A_1460 : vector<16xf32>
        %slice3A_1462 = vector.extract_strided_slice %get3A_314 {offsets = [11], sizes = [1], strides = [1]} : vector<16xf32> to vector<1xf32>
        %squeeze3A_1463 = vector.extract %slice3A_1462[0] : f32 from vector<1xf32>
        %get3A_1464 = arith.constant 1 : i32
        %get3A_1465 = arith.index_cast %get3A_1464 : i32 to index
        %get3A_1466 = arith.constant 0 : index
        %get3A_1467 = tpu.vector_load %arg24[%get3A_1465, %get3A_1466] {strides = array<i32>} : memref<4x128xf32, #tpu.memory_space<vmem>>, vector<16xf32>,
        %mul3A_1468 = vector.broadcast %squeeze3A_1463 : f32 to vector<16xf32>
        %mul3A_1469 = arith.mulf %mul3A_1468, %get3A_1467 : vector<16xf32>
        %add3A_1470 = arith.addf %add3A_1461, %mul3A_1469 : vector<16xf32>
        %slice3A_1471 = vector.extract_strided_slice %get3A_318 {offsets = [11], sizes = [1], strides = [1]} : vector<16xf32> to vector<1xf32>
        %squeeze3A_1472 = vector.extract %slice3A_1471[0] : f32 from vector<1xf32>
        %get3A_1473 = arith.constant 2 : i32
        %get3A_1474 = arith.index_cast %get3A_1473 : i32 to index
        %get3A_1475 = arith.constant 0 : index
        %get3A_1476 = tpu.vector_load %arg24[%get3A_1474, %get3A_1475] {strides = array<i32>} : memref<4x128xf32, #tpu.memory_space<vmem>>, vector<16xf32>,
        %mul3A_1477 = vector.broadcast %squeeze3A_1472 : f32 to vector<16xf32>
        %mul3A_1478 = arith.mulf %mul3A_1477, %get3A_1476 : vector<16xf32>
        %add3A_1479 = arith.addf %add3A_1470, %mul3A_1478 : vector<16xf32>
        %slice3A_1480 = vector.extract_strided_slice %get3A_322 {offsets = [11], sizes = [1], strides = [1]} : vector<16xf32> to vector<1xf32>
        %squeeze3A_1481 = vector.extract %slice3A_1480[0] : f32 from vector<1xf32>
        %get3A_1482 = arith.constant 3 : i32
        %get3A_1483 = arith.index_cast %get3A_1482 : i32 to index
        %get3A_1484 = arith.constant 0 : index
        %get3A_1485 = tpu.vector_load %arg24[%get3A_1483, %get3A_1484] {strides = array<i32>} : memref<4x128xf32, #tpu.memory_space<vmem>>, vector<16xf32>,
        %mul3A_1486 = vector.broadcast %squeeze3A_1481 : f32 to vector<16xf32>
        %mul3A_1487 = arith.mulf %mul3A_1486, %get3A_1485 : vector<16xf32>
        %add3A_1488 = arith.addf %add3A_1479, %mul3A_1487 : vector<16xf32>
        %mul3A_1489 = arith.constant 4 : i32
        %mul3A_1490 = arith.muli %mul3A_1489, %scan3A_305 : i32
        %add3A_1491 = arith.constant 2 : i32
        %add3A_1492 = arith.addi %mul3A_1490, %add3A_1491 : i32
        %swap3A_1493 = arith.index_cast %add3A_1492 : i32 to index
        %swap3A_1494 = arith.constant 96 : index
        %swap3A_1495 = tpu.vector_load %arg22[%swap3A_1493, %swap3A_1494] {strides = array<i32>} : memref<32x128xf32, #tpu.memory_space<vmem>>, vector<16xf32>,
        tpu.vector_store %arg22[%swap3A_1493, %swap3A_1494], %add3A_1488 {strides = array<i32>} : memref<32x128xf32, #tpu.memory_space<vmem>>, vector<16xf32>,
        %get3A_1496 = arith.index_cast %add3A_1446 : i32 to index
        %get3A_1497 = arith.constant 16 : index
        %get3A_1498 = tpu.vector_load %arg12[%get3A_1496, %get3A_1497] {strides = array<i32>} : memref<128x128xf32, #tpu.memory_space<vmem>>, vector<16xf32>,
        %mul3A_1499 = arith.constant 1.000000e+01 : f32
        %mul3A_1500 = vector.broadcast %mul3A_1499 : f32 to vector<16xf32>
        %mul3A_1501 = arith.mulf %get3A_1498, %mul3A_1500 : vector<16xf32>
        %slice3A_1502 = vector.extract_strided_slice %get3A_310 {offsets = [11], sizes = [1], strides = [1]} : vector<16xf32> to vector<1xf32>
        %squeeze3A_1503 = vector.extract %slice3A_1502[0] : f32 from vector<1xf32>
        %get3A_1504 = arith.constant 0 : i32
        %get3A_1505 = arith.index_cast %get3A_1504 : i32 to index
        %get3A_1506 = arith.constant 16 : index
        %get3A_1507 = tpu.vector_load %arg24[%get3A_1505, %get3A_1506] {strides = array<i32>} : memref<4x128xf32, #tpu.memory_space<vmem>>, vector<16xf32>,
        %mul3A_1508 = vector.broadcast %squeeze3A_1503 : f32 to vector<16xf32>
        %mul3A_1509 = arith.mulf %mul3A_1508, %get3A_1507 : vector<16xf32>
        %add3A_1510 = arith.addf %mul3A_1501, %mul3A_1509 : vector<16xf32>
        %slice3A_1511 = vector.extract_strided_slice %get3A_314 {offsets = [11], sizes = [1], strides = [1]} : vector<16xf32> to vector<1xf32>
        %squeeze3A_1512 = vector.extract %slice3A_1511[0] : f32 from vector<1xf32>
        %get3A_1513 = arith.constant 1 : i32
        %get3A_1514 = arith.index_cast %get3A_1513 : i32 to index
        %get3A_1515 = arith.constant 16 : index
        %get3A_1516 = tpu.vector_load %arg24[%get3A_1514, %get3A_1515] {strides = array<i32>} : memref<4x128xf32, #tpu.memory_space<vmem>>, vector<16xf32>,
        %mul3A_1517 = vector.broadcast %squeeze3A_1512 : f32 to vector<16xf32>
        %mul3A_1518 = arith.mulf %mul3A_1517, %get3A_1516 : vector<16xf32>
        %add3A_1519 = arith.addf %add3A_1510, %mul3A_1518 : vector<16xf32>
        %slice3A_1520 = vector.extract_strided_slice %get3A_318 {offsets = [11], sizes = [1], strides = [1]} : vector<16xf32> to vector<1xf32>
        %squeeze3A_1521 = vector.extract %slice3A_1520[0] : f32 from vector<1xf32>
        %get3A_1522 = arith.constant 2 : i32
        %get3A_1523 = arith.index_cast %get3A_1522 : i32 to index
        %get3A_1524 = arith.constant 16 : index
        %get3A_1525 = tpu.vector_load %arg24[%get3A_1523, %get3A_1524] {strides = array<i32>} : memref<4x128xf32, #tpu.memory_space<vmem>>, vector<16xf32>,
        %mul3A_1526 = vector.broadcast %squeeze3A_1521 : f32 to vector<16xf32>
        %mul3A_1527 = arith.mulf %mul3A_1526, %get3A_1525 : vector<16xf32>
        %add3A_1528 = arith.addf %add3A_1519, %mul3A_1527 : vector<16xf32>
        %slice3A_1529 = vector.extract_strided_slice %get3A_322 {offsets = [11], sizes = [1], strides = [1]} : vector<16xf32> to vector<1xf32>
        %squeeze3A_1530 = vector.extract %slice3A_1529[0] : f32 from vector<1xf32>
        %get3A_1531 = arith.constant 3 : i32
        %get3A_1532 = arith.index_cast %get3A_1531 : i32 to index
        %get3A_1533 = arith.constant 16 : index
        %get3A_1534 = tpu.vector_load %arg24[%get3A_1532, %get3A_1533] {strides = array<i32>} : memref<4x128xf32, #tpu.memory_space<vmem>>, vector<16xf32>,
        %mul3A_1535 = vector.broadcast %squeeze3A_1530 : f32 to vector<16xf32>
        %mul3A_1536 = arith.mulf %mul3A_1535, %get3A_1534 : vector<16xf32>
        %add3A_1537 = arith.addf %add3A_1528, %mul3A_1536 : vector<16xf32>
        %mul3A_1538 = arith.constant 4 : i32
        %mul3A_1539 = arith.muli %mul3A_1538, %scan3A_305 : i32
        %add3A_1540 = arith.constant 2 : i32
        %add3A_1541 = arith.addi %mul3A_1539, %add3A_1540 : i32
        %swap3A_1542 = arith.index_cast %add3A_1541 : i32 to index
        %swap3A_1543 = arith.constant 112 : index
        %swap3A_1544 = tpu.vector_load %arg22[%swap3A_1542, %swap3A_1543] {strides = array<i32>} : memref<32x128xf32, #tpu.memory_space<vmem>>, vector<16xf32>,
        tpu.vector_store %arg22[%swap3A_1542, %swap3A_1543], %add3A_1537 {strides = array<i32>} : memref<32x128xf32, #tpu.memory_space<vmem>>, vector<16xf32>,
        %mul3A_1545 = arith.constant 16 : i32
        %mul3A_1546 = arith.muli %scan3A_305, %mul3A_1545 : i32
        %add3A_1547 = arith.constant 12 : i32
        %add3A_1548 = arith.addi %mul3A_1546, %add3A_1547 : i32
        %get3A_1549 = arith.index_cast %add3A_1548 : i32 to index
        %get3A_1550 = arith.constant 0 : index
        %get3A_1551 = tpu.vector_load %arg12[%get3A_1549, %get3A_1550] {strides = array<i32>} : memref<128x128xf32, #tpu.memory_space<vmem>>, vector<16xf32>,
        %mul3A_1552 = arith.constant 1.000000e+01 : f32
        %mul3A_1553 = vector.broadcast %mul3A_1552 : f32 to vector<16xf32>
        %mul3A_1554 = arith.mulf %get3A_1551, %mul3A_1553 : vector<16xf32>
        %slice3A_1555 = vector.extract_strided_slice %get3A_310 {offsets = [12], sizes = [1], strides = [1]} : vector<16xf32> to vector<1xf32>
        %squeeze3A_1556 = vector.extract %slice3A_1555[0] : f32 from vector<1xf32>
        %get3A_1557 = arith.constant 0 : i32
        %get3A_1558 = arith.index_cast %get3A_1557 : i32 to index
        %get3A_1559 = arith.constant 0 : index
        %get3A_1560 = tpu.vector_load %arg24[%get3A_1558, %get3A_1559] {strides = array<i32>} : memref<4x128xf32, #tpu.memory_space<vmem>>, vector<16xf32>,
        %mul3A_1561 = vector.broadcast %squeeze3A_1556 : f32 to vector<16xf32>
        %mul3A_1562 = arith.mulf %mul3A_1561, %get3A_1560 : vector<16xf32>
        %add3A_1563 = arith.addf %mul3A_1554, %mul3A_1562 : vector<16xf32>
        %slice3A_1564 = vector.extract_strided_slice %get3A_314 {offsets = [12], sizes = [1], strides = [1]} : vector<16xf32> to vector<1xf32>
        %squeeze3A_1565 = vector.extract %slice3A_1564[0] : f32 from vector<1xf32>
        %get3A_1566 = arith.constant 1 : i32
        %get3A_1567 = arith.index_cast %get3A_1566 : i32 to index
        %get3A_1568 = arith.constant 0 : index
        %get3A_1569 = tpu.vector_load %arg24[%get3A_1567, %get3A_1568] {strides = array<i32>} : memref<4x128xf32, #tpu.memory_space<vmem>>, vector<16xf32>,
        %mul3A_1570 = vector.broadcast %squeeze3A_1565 : f32 to vector<16xf32>
        %mul3A_1571 = arith.mulf %mul3A_1570, %get3A_1569 : vector<16xf32>
        %add3A_1572 = arith.addf %add3A_1563, %mul3A_1571 : vector<16xf32>
        %slice3A_1573 = vector.extract_strided_slice %get3A_318 {offsets = [12], sizes = [1], strides = [1]} : vector<16xf32> to vector<1xf32>
        %squeeze3A_1574 = vector.extract %slice3A_1573[0] : f32 from vector<1xf32>
        %get3A_1575 = arith.constant 2 : i32
        %get3A_1576 = arith.index_cast %get3A_1575 : i32 to index
        %get3A_1577 = arith.constant 0 : index
        %get3A_1578 = tpu.vector_load %arg24[%get3A_1576, %get3A_1577] {strides = array<i32>} : memref<4x128xf32, #tpu.memory_space<vmem>>, vector<16xf32>,
        %mul3A_1579 = vector.broadcast %squeeze3A_1574 : f32 to vector<16xf32>
        %mul3A_1580 = arith.mulf %mul3A_1579, %get3A_1578 : vector<16xf32>
        %add3A_1581 = arith.addf %add3A_1572, %mul3A_1580 : vector<16xf32>
        %slice3A_1582 = vector.extract_strided_slice %get3A_322 {offsets = [12], sizes = [1], strides = [1]} : vector<16xf32> to vector<1xf32>
        %squeeze3A_1583 = vector.extract %slice3A_1582[0] : f32 from vector<1xf32>
        %get3A_1584 = arith.constant 3 : i32
        %get3A_1585 = arith.index_cast %get3A_1584 : i32 to index
        %get3A_1586 = arith.constant 0 : index
        %get3A_1587 = tpu.vector_load %arg24[%get3A_1585, %get3A_1586] {strides = array<i32>} : memref<4x128xf32, #tpu.memory_space<vmem>>, vector<16xf32>,
        %mul3A_1588 = vector.broadcast %squeeze3A_1583 : f32 to vector<16xf32>
        %mul3A_1589 = arith.mulf %mul3A_1588, %get3A_1587 : vector<16xf32>
        %add3A_1590 = arith.addf %add3A_1581, %mul3A_1589 : vector<16xf32>
        %mul3A_1591 = arith.constant 4 : i32
        %mul3A_1592 = arith.muli %mul3A_1591, %scan3A_305 : i32
        %add3A_1593 = arith.constant 3 : i32
        %add3A_1594 = arith.addi %mul3A_1592, %add3A_1593 : i32
        %swap3A_1595 = arith.index_cast %add3A_1594 : i32 to index
        %swap3A_1596 = arith.constant 0 : index
        %swap3A_1597 = tpu.vector_load %arg22[%swap3A_1595, %swap3A_1596] {strides = array<i32>} : memref<32x128xf32, #tpu.memory_space<vmem>>, vector<16xf32>,
        tpu.vector_store %arg22[%swap3A_1595, %swap3A_1596], %add3A_1590 {strides = array<i32>} : memref<32x128xf32, #tpu.memory_space<vmem>>, vector<16xf32>,
        %get3A_1598 = arith.index_cast %add3A_1548 : i32 to index
        %get3A_1599 = arith.constant 16 : index
        %get3A_1600 = tpu.vector_load %arg12[%get3A_1598, %get3A_1599] {strides = array<i32>} : memref<128x128xf32, #tpu.memory_space<vmem>>, vector<16xf32>,
        %mul3A_1601 = arith.constant 1.000000e+01 : f32
        %mul3A_1602 = vector.broadcast %mul3A_1601 : f32 to vector<16xf32>
        %mul3A_1603 = arith.mulf %get3A_1600, %mul3A_1602 : vector<16xf32>
        %slice3A_1604 = vector.extract_strided_slice %get3A_310 {offsets = [12], sizes = [1], strides = [1]} : vector<16xf32> to vector<1xf32>
        %squeeze3A_1605 = vector.extract %slice3A_1604[0] : f32 from vector<1xf32>
        %get3A_1606 = arith.constant 0 : i32
        %get3A_1607 = arith.index_cast %get3A_1606 : i32 to index
        %get3A_1608 = arith.constant 16 : index
        %get3A_1609 = tpu.vector_load %arg24[%get3A_1607, %get3A_1608] {strides = array<i32>} : memref<4x128xf32, #tpu.memory_space<vmem>>, vector<16xf32>,
        %mul3A_1610 = vector.broadcast %squeeze3A_1605 : f32 to vector<16xf32>
        %mul3A_1611 = arith.mulf %mul3A_1610, %get3A_1609 : vector<16xf32>
        %add3A_1612 = arith.addf %mul3A_1603, %mul3A_1611 : vector<16xf32>
        %slice3A_1613 = vector.extract_strided_slice %get3A_314 {offsets = [12], sizes = [1], strides = [1]} : vector<16xf32> to vector<1xf32>
        %squeeze3A_1614 = vector.extract %slice3A_1613[0] : f32 from vector<1xf32>
        %get3A_1615 = arith.constant 1 : i32
        %get3A_1616 = arith.index_cast %get3A_1615 : i32 to index
        %get3A_1617 = arith.constant 16 : index
        %get3A_1618 = tpu.vector_load %arg24[%get3A_1616, %get3A_1617] {strides = array<i32>} : memref<4x128xf32, #tpu.memory_space<vmem>>, vector<16xf32>,
        %mul3A_1619 = vector.broadcast %squeeze3A_1614 : f32 to vector<16xf32>
        %mul3A_1620 = arith.mulf %mul3A_1619, %get3A_1618 : vector<16xf32>
        %add3A_1621 = arith.addf %add3A_1612, %mul3A_1620 : vector<16xf32>
        %slice3A_1622 = vector.extract_strided_slice %get3A_318 {offsets = [12], sizes = [1], strides = [1]} : vector<16xf32> to vector<1xf32>
        %squeeze3A_1623 = vector.extract %slice3A_1622[0] : f32 from vector<1xf32>
        %get3A_1624 = arith.constant 2 : i32
        %get3A_1625 = arith.index_cast %get3A_1624 : i32 to index
        %get3A_1626 = arith.constant 16 : index
        %get3A_1627 = tpu.vector_load %arg24[%get3A_1625, %get3A_1626] {strides = array<i32>} : memref<4x128xf32, #tpu.memory_space<vmem>>, vector<16xf32>,
        %mul3A_1628 = vector.broadcast %squeeze3A_1623 : f32 to vector<16xf32>
        %mul3A_1629 = arith.mulf %mul3A_1628, %get3A_1627 : vector<16xf32>
        %add3A_1630 = arith.addf %add3A_1621, %mul3A_1629 : vector<16xf32>
        %slice3A_1631 = vector.extract_strided_slice %get3A_322 {offsets = [12], sizes = [1], strides = [1]} : vector<16xf32> to vector<1xf32>
        %squeeze3A_1632 = vector.extract %slice3A_1631[0] : f32 from vector<1xf32>
        %get3A_1633 = arith.constant 3 : i32
        %get3A_1634 = arith.index_cast %get3A_1633 : i32 to index
        %get3A_1635 = arith.constant 16 : index
        %get3A_1636 = tpu.vector_load %arg24[%get3A_1634, %get3A_1635] {strides = array<i32>} : memref<4x128xf32, #tpu.memory_space<vmem>>, vector<16xf32>,
        %mul3A_1637 = vector.broadcast %squeeze3A_1632 : f32 to vector<16xf32>
        %mul3A_1638 = arith.mulf %mul3A_1637, %get3A_1636 : vector<16xf32>
        %add3A_1639 = arith.addf %add3A_1630, %mul3A_1638 : vector<16xf32>
        %mul3A_1640 = arith.constant 4 : i32
        %mul3A_1641 = arith.muli %mul3A_1640, %scan3A_305 : i32
        %add3A_1642 = arith.constant 3 : i32
        %add3A_1643 = arith.addi %mul3A_1641, %add3A_1642 : i32
        %swap3A_1644 = arith.index_cast %add3A_1643 : i32 to index
        %swap3A_1645 = arith.constant 16 : index
        %swap3A_1646 = tpu.vector_load %arg22[%swap3A_1644, %swap3A_1645] {strides = array<i32>} : memref<32x128xf32, #tpu.memory_space<vmem>>, vector<16xf32>,
        tpu.vector_store %arg22[%swap3A_1644, %swap3A_1645], %add3A_1639 {strides = array<i32>} : memref<32x128xf32, #tpu.memory_space<vmem>>, vector<16xf32>,
        %mul3A_1647 = arith.constant 16 : i32
        %mul3A_1648 = arith.muli %scan3A_305, %mul3A_1647 : i32
        %add3A_1649 = arith.constant 13 : i32
        %add3A_1650 = arith.addi %mul3A_1648, %add3A_1649 : i32
        %get3A_1651 = arith.index_cast %add3A_1650 : i32 to index
        %get3A_1652 = arith.constant 0 : index
        %get3A_1653 = tpu.vector_load %arg12[%get3A_1651, %get3A_1652] {strides = array<i32>} : memref<128x128xf32, #tpu.memory_space<vmem>>, vector<16xf32>,
        %mul3A_1654 = arith.constant 1.000000e+01 : f32
        %mul3A_1655 = vector.broadcast %mul3A_1654 : f32 to vector<16xf32>
        %mul3A_1656 = arith.mulf %get3A_1653, %mul3A_1655 : vector<16xf32>
        %slice3A_1657 = vector.extract_strided_slice %get3A_310 {offsets = [13], sizes = [1], strides = [1]} : vector<16xf32> to vector<1xf32>
        %squeeze3A_1658 = vector.extract %slice3A_1657[0] : f32 from vector<1xf32>
        %get3A_1659 = arith.constant 0 : i32
        %get3A_1660 = arith.index_cast %get3A_1659 : i32 to index
        %get3A_1661 = arith.constant 0 : index
        %get3A_1662 = tpu.vector_load %arg24[%get3A_1660, %get3A_1661] {strides = array<i32>} : memref<4x128xf32, #tpu.memory_space<vmem>>, vector<16xf32>,
        %mul3A_1663 = vector.broadcast %squeeze3A_1658 : f32 to vector<16xf32>
        %mul3A_1664 = arith.mulf %mul3A_1663, %get3A_1662 : vector<16xf32>
        %add3A_1665 = arith.addf %mul3A_1656, %mul3A_1664 : vector<16xf32>
        %slice3A_1666 = vector.extract_strided_slice %get3A_314 {offsets = [13], sizes = [1], strides = [1]} : vector<16xf32> to vector<1xf32>
        %squeeze3A_1667 = vector.extract %slice3A_1666[0] : f32 from vector<1xf32>
        %get3A_1668 = arith.constant 1 : i32
        %get3A_1669 = arith.index_cast %get3A_1668 : i32 to index
        %get3A_1670 = arith.constant 0 : index
        %get3A_1671 = tpu.vector_load %arg24[%get3A_1669, %get3A_1670] {strides = array<i32>} : memref<4x128xf32, #tpu.memory_space<vmem>>, vector<16xf32>,
        %mul3A_1672 = vector.broadcast %squeeze3A_1667 : f32 to vector<16xf32>
        %mul3A_1673 = arith.mulf %mul3A_1672, %get3A_1671 : vector<16xf32>
        %add3A_1674 = arith.addf %add3A_1665, %mul3A_1673 : vector<16xf32>
        %slice3A_1675 = vector.extract_strided_slice %get3A_318 {offsets = [13], sizes = [1], strides = [1]} : vector<16xf32> to vector<1xf32>
        %squeeze3A_1676 = vector.extract %slice3A_1675[0] : f32 from vector<1xf32>
        %get3A_1677 = arith.constant 2 : i32
        %get3A_1678 = arith.index_cast %get3A_1677 : i32 to index
        %get3A_1679 = arith.constant 0 : index
        %get3A_1680 = tpu.vector_load %arg24[%get3A_1678, %get3A_1679] {strides = array<i32>} : memref<4x128xf32, #tpu.memory_space<vmem>>, vector<16xf32>,
        %mul3A_1681 = vector.broadcast %squeeze3A_1676 : f32 to vector<16xf32>
        %mul3A_1682 = arith.mulf %mul3A_1681, %get3A_1680 : vector<16xf32>
        %add3A_1683 = arith.addf %add3A_1674, %mul3A_1682 : vector<16xf32>
        %slice3A_1684 = vector.extract_strided_slice %get3A_322 {offsets = [13], sizes = [1], strides = [1]} : vector<16xf32> to vector<1xf32>
        %squeeze3A_1685 = vector.extract %slice3A_1684[0] : f32 from vector<1xf32>
        %get3A_1686 = arith.constant 3 : i32
        %get3A_1687 = arith.index_cast %get3A_1686 : i32 to index
        %get3A_1688 = arith.constant 0 : index
        %get3A_1689 = tpu.vector_load %arg24[%get3A_1687, %get3A_1688] {strides = array<i32>} : memref<4x128xf32, #tpu.memory_space<vmem>>, vector<16xf32>,
        %mul3A_1690 = vector.broadcast %squeeze3A_1685 : f32 to vector<16xf32>
        %mul3A_1691 = arith.mulf %mul3A_1690, %get3A_1689 : vector<16xf32>
        %add3A_1692 = arith.addf %add3A_1683, %mul3A_1691 : vector<16xf32>
        %mul3A_1693 = arith.constant 4 : i32
        %mul3A_1694 = arith.muli %mul3A_1693, %scan3A_305 : i32
        %add3A_1695 = arith.constant 3 : i32
        %add3A_1696 = arith.addi %mul3A_1694, %add3A_1695 : i32
        %swap3A_1697 = arith.index_cast %add3A_1696 : i32 to index
        %swap3A_1698 = arith.constant 32 : index
        %swap3A_1699 = tpu.vector_load %arg22[%swap3A_1697, %swap3A_1698] {strides = array<i32>} : memref<32x128xf32, #tpu.memory_space<vmem>>, vector<16xf32>,
        tpu.vector_store %arg22[%swap3A_1697, %swap3A_1698], %add3A_1692 {strides = array<i32>} : memref<32x128xf32, #tpu.memory_space<vmem>>, vector<16xf32>,
        %get3A_1700 = arith.index_cast %add3A_1650 : i32 to index
        %get3A_1701 = arith.constant 16 : index
        %get3A_1702 = tpu.vector_load %arg12[%get3A_1700, %get3A_1701] {strides = array<i32>} : memref<128x128xf32, #tpu.memory_space<vmem>>, vector<16xf32>,
        %mul3A_1703 = arith.constant 1.000000e+01 : f32
        %mul3A_1704 = vector.broadcast %mul3A_1703 : f32 to vector<16xf32>
        %mul3A_1705 = arith.mulf %get3A_1702, %mul3A_1704 : vector<16xf32>
        %slice3A_1706 = vector.extract_strided_slice %get3A_310 {offsets = [13], sizes = [1], strides = [1]} : vector<16xf32> to vector<1xf32>
        %squeeze3A_1707 = vector.extract %slice3A_1706[0] : f32 from vector<1xf32>
        %get3A_1708 = arith.constant 0 : i32
        %get3A_1709 = arith.index_cast %get3A_1708 : i32 to index
        %get3A_1710 = arith.constant 16 : index
        %get3A_1711 = tpu.vector_load %arg24[%get3A_1709, %get3A_1710] {strides = array<i32>} : memref<4x128xf32, #tpu.memory_space<vmem>>, vector<16xf32>,
        %mul3A_1712 = vector.broadcast %squeeze3A_1707 : f32 to vector<16xf32>
        %mul3A_1713 = arith.mulf %mul3A_1712, %get3A_1711 : vector<16xf32>
        %add3A_1714 = arith.addf %mul3A_1705, %mul3A_1713 : vector<16xf32>
        %slice3A_1715 = vector.extract_strided_slice %get3A_314 {offsets = [13], sizes = [1], strides = [1]} : vector<16xf32> to vector<1xf32>
        %squeeze3A_1716 = vector.extract %slice3A_1715[0] : f32 from vector<1xf32>
        %get3A_1717 = arith.constant 1 : i32
        %get3A_1718 = arith.index_cast %get3A_1717 : i32 to index
        %get3A_1719 = arith.constant 16 : index
        %get3A_1720 = tpu.vector_load %arg24[%get3A_1718, %get3A_1719] {strides = array<i32>} : memref<4x128xf32, #tpu.memory_space<vmem>>, vector<16xf32>,
        %mul3A_1721 = vector.broadcast %squeeze3A_1716 : f32 to vector<16xf32>
        %mul3A_1722 = arith.mulf %mul3A_1721, %get3A_1720 : vector<16xf32>
        %add3A_1723 = arith.addf %add3A_1714, %mul3A_1722 : vector<16xf32>
        %slice3A_1724 = vector.extract_strided_slice %get3A_318 {offsets = [13], sizes = [1], strides = [1]} : vector<16xf32> to vector<1xf32>
        %squeeze3A_1725 = vector.extract %slice3A_1724[0] : f32 from vector<1xf32>
        %get3A_1726 = arith.constant 2 : i32
        %get3A_1727 = arith.index_cast %get3A_1726 : i32 to index
        %get3A_1728 = arith.constant 16 : index
        %get3A_1729 = tpu.vector_load %arg24[%get3A_1727, %get3A_1728] {strides = array<i32>} : memref<4x128xf32, #tpu.memory_space<vmem>>, vector<16xf32>,
        %mul3A_1730 = vector.broadcast %squeeze3A_1725 : f32 to vector<16xf32>
        %mul3A_1731 = arith.mulf %mul3A_1730, %get3A_1729 : vector<16xf32>
        %add3A_1732 = arith.addf %add3A_1723, %mul3A_1731 : vector<16xf32>
        %slice3A_1733 = vector.extract_strided_slice %get3A_322 {offsets = [13], sizes = [1], strides = [1]} : vector<16xf32> to vector<1xf32>
        %squeeze3A_1734 = vector.extract %slice3A_1733[0] : f32 from vector<1xf32>
        %get3A_1735 = arith.constant 3 : i32
        %get3A_1736 = arith.index_cast %get3A_1735 : i32 to index
        %get3A_1737 = arith.constant 16 : index
        %get3A_1738 = tpu.vector_load %arg24[%get3A_1736, %get3A_1737] {strides = array<i32>} : memref<4x128xf32, #tpu.memory_space<vmem>>, vector<16xf32>,
        %mul3A_1739 = vector.broadcast %squeeze3A_1734 : f32 to vector<16xf32>
        %mul3A_1740 = arith.mulf %mul3A_1739, %get3A_1738 : vector<16xf32>
        %add3A_1741 = arith.addf %add3A_1732, %mul3A_1740 : vector<16xf32>
        %mul3A_1742 = arith.constant 4 : i32
        %mul3A_1743 = arith.muli %mul3A_1742, %scan3A_305 : i32
        %add3A_1744 = arith.constant 3 : i32
        %add3A_1745 = arith.addi %mul3A_1743, %add3A_1744 : i32
        %swap3A_1746 = arith.index_cast %add3A_1745 : i32 to index
        %swap3A_1747 = arith.constant 48 : index
        %swap3A_1748 = tpu.vector_load %arg22[%swap3A_1746, %swap3A_1747] {strides = array<i32>} : memref<32x128xf32, #tpu.memory_space<vmem>>, vector<16xf32>,
        tpu.vector_store %arg22[%swap3A_1746, %swap3A_1747], %add3A_1741 {strides = array<i32>} : memref<32x128xf32, #tpu.memory_space<vmem>>, vector<16xf32>,
        %mul3A_1749 = arith.constant 16 : i32
        %mul3A_1750 = arith.muli %scan3A_305, %mul3A_1749 : i32
        %add3A_1751 = arith.constant 14 : i32
        %add3A_1752 = arith.addi %mul3A_1750, %add3A_1751 : i32
        %get3A_1753 = arith.index_cast %add3A_1752 : i32 to index
        %get3A_1754 = arith.constant 0 : index
        %get3A_1755 = tpu.vector_load %arg12[%get3A_1753, %get3A_1754] {strides = array<i32>} : memref<128x128xf32, #tpu.memory_space<vmem>>, vector<16xf32>,
        %mul3A_1756 = arith.constant 1.000000e+01 : f32
        %mul3A_1757 = vector.broadcast %mul3A_1756 : f32 to vector<16xf32>
        %mul3A_1758 = arith.mulf %get3A_1755, %mul3A_1757 : vector<16xf32>
        %slice3A_1759 = vector.extract_strided_slice %get3A_310 {offsets = [14], sizes = [1], strides = [1]} : vector<16xf32> to vector<1xf32>
        %squeeze3A_1760 = vector.extract %slice3A_1759[0] : f32 from vector<1xf32>
        %get3A_1761 = arith.constant 0 : i32
        %get3A_1762 = arith.index_cast %get3A_1761 : i32 to index
        %get3A_1763 = arith.constant 0 : index
        %get3A_1764 = tpu.vector_load %arg24[%get3A_1762, %get3A_1763] {strides = array<i32>} : memref<4x128xf32, #tpu.memory_space<vmem>>, vector<16xf32>,
        %mul3A_1765 = vector.broadcast %squeeze3A_1760 : f32 to vector<16xf32>
        %mul3A_1766 = arith.mulf %mul3A_1765, %get3A_1764 : vector<16xf32>
        %add3A_1767 = arith.addf %mul3A_1758, %mul3A_1766 : vector<16xf32>
        %slice3A_1768 = vector.extract_strided_slice %get3A_314 {offsets = [14], sizes = [1], strides = [1]} : vector<16xf32> to vector<1xf32>
        %squeeze3A_1769 = vector.extract %slice3A_1768[0] : f32 from vector<1xf32>
        %get3A_1770 = arith.constant 1 : i32
        %get3A_1771 = arith.index_cast %get3A_1770 : i32 to index
        %get3A_1772 = arith.constant 0 : index
        %get3A_1773 = tpu.vector_load %arg24[%get3A_1771, %get3A_1772] {strides = array<i32>} : memref<4x128xf32, #tpu.memory_space<vmem>>, vector<16xf32>,
        %mul3A_1774 = vector.broadcast %squeeze3A_1769 : f32 to vector<16xf32>
        %mul3A_1775 = arith.mulf %mul3A_1774, %get3A_1773 : vector<16xf32>
        %add3A_1776 = arith.addf %add3A_1767, %mul3A_1775 : vector<16xf32>
        %slice3A_1777 = vector.extract_strided_slice %get3A_318 {offsets = [14], sizes = [1], strides = [1]} : vector<16xf32> to vector<1xf32>
        %squeeze3A_1778 = vector.extract %slice3A_1777[0] : f32 from vector<1xf32>
        %get3A_1779 = arith.constant 2 : i32
        %get3A_1780 = arith.index_cast %get3A_1779 : i32 to index
        %get3A_1781 = arith.constant 0 : index
        %get3A_1782 = tpu.vector_load %arg24[%get3A_1780, %get3A_1781] {strides = array<i32>} : memref<4x128xf32, #tpu.memory_space<vmem>>, vector<16xf32>,
        %mul3A_1783 = vector.broadcast %squeeze3A_1778 : f32 to vector<16xf32>
        %mul3A_1784 = arith.mulf %mul3A_1783, %get3A_1782 : vector<16xf32>
        %add3A_1785 = arith.addf %add3A_1776, %mul3A_1784 : vector<16xf32>
        %slice3A_1786 = vector.extract_strided_slice %get3A_322 {offsets = [14], sizes = [1], strides = [1]} : vector<16xf32> to vector<1xf32>
        %squeeze3A_1787 = vector.extract %slice3A_1786[0] : f32 from vector<1xf32>
        %get3A_1788 = arith.constant 3 : i32
        %get3A_1789 = arith.index_cast %get3A_1788 : i32 to index
        %get3A_1790 = arith.constant 0 : index
        %get3A_1791 = tpu.vector_load %arg24[%get3A_1789, %get3A_1790] {strides = array<i32>} : memref<4x128xf32, #tpu.memory_space<vmem>>, vector<16xf32>,
        %mul3A_1792 = vector.broadcast %squeeze3A_1787 : f32 to vector<16xf32>
        %mul3A_1793 = arith.mulf %mul3A_1792, %get3A_1791 : vector<16xf32>
        %add3A_1794 = arith.addf %add3A_1785, %mul3A_1793 : vector<16xf32>
        %mul3A_1795 = arith.constant 4 : i32
        %mul3A_1796 = arith.muli %mul3A_1795, %scan3A_305 : i32
        %add3A_1797 = arith.constant 3 : i32
        %add3A_1798 = arith.addi %mul3A_1796, %add3A_1797 : i32
        %swap3A_1799 = arith.index_cast %add3A_1798 : i32 to index
        %swap3A_1800 = arith.constant 64 : index
        %swap3A_1801 = tpu.vector_load %arg22[%swap3A_1799, %swap3A_1800] {strides = array<i32>} : memref<32x128xf32, #tpu.memory_space<vmem>>, vector<16xf32>,
        tpu.vector_store %arg22[%swap3A_1799, %swap3A_1800], %add3A_1794 {strides = array<i32>} : memref<32x128xf32, #tpu.memory_space<vmem>>, vector<16xf32>,
        %get3A_1802 = arith.index_cast %add3A_1752 : i32 to index
        %get3A_1803 = arith.constant 16 : index
        %get3A_1804 = tpu.vector_load %arg12[%get3A_1802, %get3A_1803] {strides = array<i32>} : memref<128x128xf32, #tpu.memory_space<vmem>>, vector<16xf32>,
        %mul3A_1805 = arith.constant 1.000000e+01 : f32
        %mul3A_1806 = vector.broadcast %mul3A_1805 : f32 to vector<16xf32>
        %mul3A_1807 = arith.mulf %get3A_1804, %mul3A_1806 : vector<16xf32>
        %slice3A_1808 = vector.extract_strided_slice %get3A_310 {offsets = [14], sizes = [1], strides = [1]} : vector<16xf32> to vector<1xf32>
        %squeeze3A_1809 = vector.extract %slice3A_1808[0] : f32 from vector<1xf32>
        %get3A_1810 = arith.constant 0 : i32
        %get3A_1811 = arith.index_cast %get3A_1810 : i32 to index
        %get3A_1812 = arith.constant 16 : index
        %get3A_1813 = tpu.vector_load %arg24[%get3A_1811, %get3A_1812] {strides = array<i32>} : memref<4x128xf32, #tpu.memory_space<vmem>>, vector<16xf32>,
        %mul3A_1814 = vector.broadcast %squeeze3A_1809 : f32 to vector<16xf32>
        %mul3A_1815 = arith.mulf %mul3A_1814, %get3A_1813 : vector<16xf32>
        %add3A_1816 = arith.addf %mul3A_1807, %mul3A_1815 : vector<16xf32>
        %slice3A_1817 = vector.extract_strided_slice %get3A_314 {offsets = [14], sizes = [1], strides = [1]} : vector<16xf32> to vector<1xf32>
        %squeeze3A_1818 = vector.extract %slice3A_1817[0] : f32 from vector<1xf32>
        %get3A_1819 = arith.constant 1 : i32
        %get3A_1820 = arith.index_cast %get3A_1819 : i32 to index
        %get3A_1821 = arith.constant 16 : index
        %get3A_1822 = tpu.vector_load %arg24[%get3A_1820, %get3A_1821] {strides = array<i32>} : memref<4x128xf32, #tpu.memory_space<vmem>>, vector<16xf32>,
        %mul3A_1823 = vector.broadcast %squeeze3A_1818 : f32 to vector<16xf32>
        %mul3A_1824 = arith.mulf %mul3A_1823, %get3A_1822 : vector<16xf32>
        %add3A_1825 = arith.addf %add3A_1816, %mul3A_1824 : vector<16xf32>
        %slice3A_1826 = vector.extract_strided_slice %get3A_318 {offsets = [14], sizes = [1], strides = [1]} : vector<16xf32> to vector<1xf32>
        %squeeze3A_1827 = vector.extract %slice3A_1826[0] : f32 from vector<1xf32>
        %get3A_1828 = arith.constant 2 : i32
        %get3A_1829 = arith.index_cast %get3A_1828 : i32 to index
        %get3A_1830 = arith.constant 16 : index
        %get3A_1831 = tpu.vector_load %arg24[%get3A_1829, %get3A_1830] {strides = array<i32>} : memref<4x128xf32, #tpu.memory_space<vmem>>, vector<16xf32>,
        %mul3A_1832 = vector.broadcast %squeeze3A_1827 : f32 to vector<16xf32>
        %mul3A_1833 = arith.mulf %mul3A_1832, %get3A_1831 : vector<16xf32>
        %add3A_1834 = arith.addf %add3A_1825, %mul3A_1833 : vector<16xf32>
        %slice3A_1835 = vector.extract_strided_slice %get3A_322 {offsets = [14], sizes = [1], strides = [1]} : vector<16xf32> to vector<1xf32>
        %squeeze3A_1836 = vector.extract %slice3A_1835[0] : f32 from vector<1xf32>
        %get3A_1837 = arith.constant 3 : i32
        %get3A_1838 = arith.index_cast %get3A_1837 : i32 to index
        %get3A_1839 = arith.constant 16 : index
        %get3A_1840 = tpu.vector_load %arg24[%get3A_1838, %get3A_1839] {strides = array<i32>} : memref<4x128xf32, #tpu.memory_space<vmem>>, vector<16xf32>,
        %mul3A_1841 = vector.broadcast %squeeze3A_1836 : f32 to vector<16xf32>
        %mul3A_1842 = arith.mulf %mul3A_1841, %get3A_1840 : vector<16xf32>
        %add3A_1843 = arith.addf %add3A_1834, %mul3A_1842 : vector<16xf32>
        %mul3A_1844 = arith.constant 4 : i32
        %mul3A_1845 = arith.muli %mul3A_1844, %scan3A_305 : i32
        %add3A_1846 = arith.constant 3 : i32
        %add3A_1847 = arith.addi %mul3A_1845, %add3A_1846 : i32
        %swap3A_1848 = arith.index_cast %add3A_1847 : i32 to index
        %swap3A_1849 = arith.constant 80 : index
        %swap3A_1850 = tpu.vector_load %arg22[%swap3A_1848, %swap3A_1849] {strides = array<i32>} : memref<32x128xf32, #tpu.memory_space<vmem>>, vector<16xf32>,
        tpu.vector_store %arg22[%swap3A_1848, %swap3A_1849], %add3A_1843 {strides = array<i32>} : memref<32x128xf32, #tpu.memory_space<vmem>>, vector<16xf32>,
        %mul3A_1851 = arith.constant 16 : i32
        %mul3A_1852 = arith.muli %scan3A_305, %mul3A_1851 : i32
        %add3A_1853 = arith.constant 15 : i32
        %add3A_1854 = arith.addi %mul3A_1852, %add3A_1853 : i32
        %get3A_1855 = arith.index_cast %add3A_1854 : i32 to index
        %get3A_1856 = arith.constant 0 : index
        %get3A_1857 = tpu.vector_load %arg12[%get3A_1855, %get3A_1856] {strides = array<i32>} : memref<128x128xf32, #tpu.memory_space<vmem>>, vector<16xf32>,
        %mul3A_1858 = arith.constant 1.000000e+01 : f32
        %mul3A_1859 = vector.broadcast %mul3A_1858 : f32 to vector<16xf32>
        %mul3A_1860 = arith.mulf %get3A_1857, %mul3A_1859 : vector<16xf32>
        %slice3A_1861 = vector.extract_strided_slice %get3A_310 {offsets = [15], sizes = [1], strides = [1]} : vector<16xf32> to vector<1xf32>
        %squeeze3A_1862 = vector.extract %slice3A_1861[0] : f32 from vector<1xf32>
        %get3A_1863 = arith.constant 0 : i32
        %get3A_1864 = arith.index_cast %get3A_1863 : i32 to index
        %get3A_1865 = arith.constant 0 : index
        %get3A_1866 = tpu.vector_load %arg24[%get3A_1864, %get3A_1865] {strides = array<i32>} : memref<4x128xf32, #tpu.memory_space<vmem>>, vector<16xf32>,
        %mul3A_1867 = vector.broadcast %squeeze3A_1862 : f32 to vector<16xf32>
        %mul3A_1868 = arith.mulf %mul3A_1867, %get3A_1866 : vector<16xf32>
        %add3A_1869 = arith.addf %mul3A_1860, %mul3A_1868 : vector<16xf32>
        %slice3A_1870 = vector.extract_strided_slice %get3A_314 {offsets = [15], sizes = [1], strides = [1]} : vector<16xf32> to vector<1xf32>
        %squeeze3A_1871 = vector.extract %slice3A_1870[0] : f32 from vector<1xf32>
        %get3A_1872 = arith.constant 1 : i32
        %get3A_1873 = arith.index_cast %get3A_1872 : i32 to index
        %get3A_1874 = arith.constant 0 : index
        %get3A_1875 = tpu.vector_load %arg24[%get3A_1873, %get3A_1874] {strides = array<i32>} : memref<4x128xf32, #tpu.memory_space<vmem>>, vector<16xf32>,
        %mul3A_1876 = vector.broadcast %squeeze3A_1871 : f32 to vector<16xf32>
        %mul3A_1877 = arith.mulf %mul3A_1876, %get3A_1875 : vector<16xf32>
        %add3A_1878 = arith.addf %add3A_1869, %mul3A_1877 : vector<16xf32>
        %slice3A_1879 = vector.extract_strided_slice %get3A_318 {offsets = [15], sizes = [1], strides = [1]} : vector<16xf32> to vector<1xf32>
        %squeeze3A_1880 = vector.extract %slice3A_1879[0] : f32 from vector<1xf32>
        %get3A_1881 = arith.constant 2 : i32
        %get3A_1882 = arith.index_cast %get3A_1881 : i32 to index
        %get3A_1883 = arith.constant 0 : index
        %get3A_1884 = tpu.vector_load %arg24[%get3A_1882, %get3A_1883] {strides = array<i32>} : memref<4x128xf32, #tpu.memory_space<vmem>>, vector<16xf32>,
        %mul3A_1885 = vector.broadcast %squeeze3A_1880 : f32 to vector<16xf32>
        %mul3A_1886 = arith.mulf %mul3A_1885, %get3A_1884 : vector<16xf32>
        %add3A_1887 = arith.addf %add3A_1878, %mul3A_1886 : vector<16xf32>
        %slice3A_1888 = vector.extract_strided_slice %get3A_322 {offsets = [15], sizes = [1], strides = [1]} : vector<16xf32> to vector<1xf32>
        %squeeze3A_1889 = vector.extract %slice3A_1888[0] : f32 from vector<1xf32>
        %get3A_1890 = arith.constant 3 : i32
        %get3A_1891 = arith.index_cast %get3A_1890 : i32 to index
        %get3A_1892 = arith.constant 0 : index
        %get3A_1893 = tpu.vector_load %arg24[%get3A_1891, %get3A_1892] {strides = array<i32>} : memref<4x128xf32, #tpu.memory_space<vmem>>, vector<16xf32>,
        %mul3A_1894 = vector.broadcast %squeeze3A_1889 : f32 to vector<16xf32>
        %mul3A_1895 = arith.mulf %mul3A_1894, %get3A_1893 : vector<16xf32>
        %add3A_1896 = arith.addf %add3A_1887, %mul3A_1895 : vector<16xf32>
        %mul3A_1897 = arith.constant 4 : i32
        %mul3A_1898 = arith.muli %mul3A_1897, %scan3A_305 : i32
        %add3A_1899 = arith.constant 3 : i32
        %add3A_1900 = arith.addi %mul3A_1898, %add3A_1899 : i32
        %swap3A_1901 = arith.index_cast %add3A_1900 : i32 to index
        %swap3A_1902 = arith.constant 96 : index
        %swap3A_1903 = tpu.vector_load %arg22[%swap3A_1901, %swap3A_1902] {strides = array<i32>} : memref<32x128xf32, #tpu.memory_space<vmem>>, vector<16xf32>,
        tpu.vector_store %arg22[%swap3A_1901, %swap3A_1902], %add3A_1896 {strides = array<i32>} : memref<32x128xf32, #tpu.memory_space<vmem>>, vector<16xf32>,
        %get3A_1904 = arith.index_cast %add3A_1854 : i32 to index
        %get3A_1905 = arith.constant 16 : index
        %get3A_1906 = tpu.vector_load %arg12[%get3A_1904, %get3A_1905] {strides = array<i32>} : memref<128x128xf32, #tpu.memory_space<vmem>>, vector<16xf32>,
        %mul3A_1907 = arith.constant 1.000000e+01 : f32
        %mul3A_1908 = vector.broadcast %mul3A_1907 : f32 to vector<16xf32>
        %mul3A_1909 = arith.mulf %get3A_1906, %mul3A_1908 : vector<16xf32>
        %slice3A_1910 = vector.extract_strided_slice %get3A_310 {offsets = [15], sizes = [1], strides = [1]} : vector<16xf32> to vector<1xf32>
        %squeeze3A_1911 = vector.extract %slice3A_1910[0] : f32 from vector<1xf32>
        %get3A_1912 = arith.constant 0 : i32
        %get3A_1913 = arith.index_cast %get3A_1912 : i32 to index
        %get3A_1914 = arith.constant 16 : index
        %get3A_1915 = tpu.vector_load %arg24[%get3A_1913, %get3A_1914] {strides = array<i32>} : memref<4x128xf32, #tpu.memory_space<vmem>>, vector<16xf32>,
        %mul3A_1916 = vector.broadcast %squeeze3A_1911 : f32 to vector<16xf32>
        %mul3A_1917 = arith.mulf %mul3A_1916, %get3A_1915 : vector<16xf32>
        %add3A_1918 = arith.addf %mul3A_1909, %mul3A_1917 : vector<16xf32>
        %slice3A_1919 = vector.extract_strided_slice %get3A_314 {offsets = [15], sizes = [1], strides = [1]} : vector<16xf32> to vector<1xf32>
        %squeeze3A_1920 = vector.extract %slice3A_1919[0] : f32 from vector<1xf32>
        %get3A_1921 = arith.constant 1 : i32
        %get3A_1922 = arith.index_cast %get3A_1921 : i32 to index
        %get3A_1923 = arith.constant 16 : index
        %get3A_1924 = tpu.vector_load %arg24[%get3A_1922, %get3A_1923] {strides = array<i32>} : memref<4x128xf32, #tpu.memory_space<vmem>>, vector<16xf32>,
        %mul3A_1925 = vector.broadcast %squeeze3A_1920 : f32 to vector<16xf32>
        %mul3A_1926 = arith.mulf %mul3A_1925, %get3A_1924 : vector<16xf32>
        %add3A_1927 = arith.addf %add3A_1918, %mul3A_1926 : vector<16xf32>
        %slice3A_1928 = vector.extract_strided_slice %get3A_318 {offsets = [15], sizes = [1], strides = [1]} : vector<16xf32> to vector<1xf32>
        %squeeze3A_1929 = vector.extract %slice3A_1928[0] : f32 from vector<1xf32>
        %get3A_1930 = arith.constant 2 : i32
        %get3A_1931 = arith.index_cast %get3A_1930 : i32 to index
        %get3A_1932 = arith.constant 16 : index
        %get3A_1933 = tpu.vector_load %arg24[%get3A_1931, %get3A_1932] {strides = array<i32>} : memref<4x128xf32, #tpu.memory_space<vmem>>, vector<16xf32>,
        %mul3A_1934 = vector.broadcast %squeeze3A_1929 : f32 to vector<16xf32>
        %mul3A_1935 = arith.mulf %mul3A_1934, %get3A_1933 : vector<16xf32>
        %add3A_1936 = arith.addf %add3A_1927, %mul3A_1935 : vector<16xf32>
        %slice3A_1937 = vector.extract_strided_slice %get3A_322 {offsets = [15], sizes = [1], strides = [1]} : vector<16xf32> to vector<1xf32>
        %squeeze3A_1938 = vector.extract %slice3A_1937[0] : f32 from vector<1xf32>
        %get3A_1939 = arith.constant 3 : i32
        %get3A_1940 = arith.index_cast %get3A_1939 : i32 to index
        %get3A_1941 = arith.constant 16 : index
        %get3A_1942 = tpu.vector_load %arg24[%get3A_1940, %get3A_1941] {strides = array<i32>} : memref<4x128xf32, #tpu.memory_space<vmem>>, vector<16xf32>,
        %mul3A_1943 = vector.broadcast %squeeze3A_1938 : f32 to vector<16xf32>
        %mul3A_1944 = arith.mulf %mul3A_1943, %get3A_1942 : vector<16xf32>
        %add3A_1945 = arith.addf %add3A_1936, %mul3A_1944 : vector<16xf32>
        %mul3A_1946 = arith.constant 4 : i32
        %mul3A_1947 = arith.muli %mul3A_1946, %scan3A_305 : i32
        %add3A_1948 = arith.constant 3 : i32
        %add3A_1949 = arith.addi %mul3A_1947, %add3A_1948 : i32
        %swap3A_1950 = arith.index_cast %add3A_1949 : i32 to index
        %swap3A_1951 = arith.constant 112 : index
        %swap3A_1952 = tpu.vector_load %arg22[%swap3A_1950, %swap3A_1951] {strides = array<i32>} : memref<32x128xf32, #tpu.memory_space<vmem>>, vector<16xf32>,
        tpu.vector_store %arg22[%swap3A_1950, %swap3A_1951], %add3A_1945 {strides = array<i32>} : memref<32x128xf32, #tpu.memory_space<vmem>>, vector<16xf32>,
        %scan3A_1953 = arith.constant 0 : i32
        scf.yield %scan3A_1953 : i32
      }
      %scan3A_199 = arith.constant 8 : i32
      %mul3A_200 = arith.constant 128 : i32
      %mul3A_201 = arith.muli %add3A_179, %mul3A_200 : i32
      %add3A_202 = arith.addi %mul3A_2, %mul3A_201 : i32
      %jit3A_203 = arith.constant 4 : i32
      %div3A_204 = arith.divsi %add3A_202, %jit3A_203 : i32
      %sign3A_205 = arith.constant 0 : i32
      %sign3A_206 = arith.cmpi sgt, %add3A_202, %sign3A_205 : i32
      %sign3A_207 = arith.extui %sign3A_206 : i1 to i32
      %sign3A_208 = arith.constant 0 : i32
      %sign3A_209 = arith.cmpi slt, %add3A_202, %sign3A_208 : i32
      %sign3A_210 = arith.extui %sign3A_209 : i1 to i32
      %sign3A_211 = arith.subi %sign3A_207, %sign3A_210 : i32
      %sign3A_212 = arith.constant 0 : i32
      %sign3A_213 = arith.cmpi sgt, %jit3A_203, %sign3A_212 : i32
      %sign3A_214 = arith.extui %sign3A_213 : i1 to i32
      %sign3A_215 = arith.constant 0 : i32
      %sign3A_216 = arith.cmpi slt, %jit3A_203, %sign3A_215 : i32
      %sign3A_217 = arith.extui %sign3A_216 : i1 to i32
      %sign3A_218 = arith.subi %sign3A_214, %sign3A_217 : i32
      %ne3A_219 = arith.cmpi ne, %sign3A_211, %sign3A_218 : i32
      %rem3A_220 = arith.remsi %add3A_202, %jit3A_203 : i32
      %ne3A_221 = arith.constant 0 : i32
      %ne3A_222 = arith.cmpi ne, %rem3A_220, %ne3A_221 : i32
      %and3A_223 = arith.andi %ne3A_219, %ne3A_222 : i1
      %sub3A_224 = arith.constant 1 : i32
      %sub3A_225 = arith.subi %div3A_204, %sub3A_224 : i32
      %select_n3A_226 = arith.select %and3A_223, %sub3A_225, %div3A_204 : i32
      %multiple_of3A_227 = tpu.assume_multiple %select_n3A_226, 32 : i32
      %dma_start3A_228 = arith.constant 0 : i32
      %dma_start3A_229 = tpu.memref_slice %arg9[%multiple_of3A_227, %dma_start3A_228] : memref<26624x128xf32, #tpu.memory_space<hbm>> -> memref<32x128xf32, #tpu.memory_space<hbm>>
      %dma_start3A_230 = arith.constant 0 : i32
      %dma_start3A_231 = tpu.memref_slice %arg9[%multiple_of3A_227, %dma_start3A_230] : memref<26624x128xf32, #tpu.memory_space<hbm>> -> memref<32x128xf32, #tpu.memory_space<hbm>>
      tpu.enqueue_dma source(%arg22 : memref<32x128xf32, #tpu.memory_space<vmem>>) target(%dma_start3A_231 : memref<32x128xf32, #tpu.memory_space<hbm>>) target_semaphore(%arg27 : memref<!tpu.dma_semaphore, #tpu.memory_space<semaphore_mem>>)
      %add3A_232 = arith.constant 2 : i32
      %add3A_233 = arith.addi %add3A_179, %add3A_232 : i32
      %lt3A = arith.constant 26 : i32
      %lt3A_234 = arith.cmpi slt, %add3A_233, %lt3A : i32
      %convert_element_type3A_235 = arith.extui %lt3A_234 : i1 to i32
      %cond3A_236 = arith.constant 0 : i32
      %cond3A_237 = arith.cmpi ne, %convert_element_type3A_235, %cond3A_236 : i32
      scf.if %cond3A_237 {
        %add3A_305 = arith.constant 2 : i32
        %add3A_306 = arith.addi %add3A_179, %add3A_305 : i32
        %mul3A_307 = arith.constant 128 : i32
        %mul3A_308 = arith.muli %add3A_306, %mul3A_307 : i32
        %add3A_309 = arith.addi %mul3A_2, %mul3A_308 : i32
        %multiple_of3A_310 = tpu.assume_multiple %add3A_309, 128 : i32
        "tpu.region"() ({
          %run_scoped3A = tpu.sem_alloc : memref<!tpu.dma_semaphore, #tpu.memory_space<semaphore_mem>>
          %dma_start3A_322 = tpu.memref_slice %arg2[%multiple_of3A_310] : memref<106496xi32, #tpu.memory_space<hbm>> -> memref<128xi32, #tpu.memory_space<hbm>>
          %dma_start3A_323 = tpu.memref_slice %arg2[%multiple_of3A_310] : memref<106496xi32, #tpu.memory_space<hbm>> -> memref<128xi32, #tpu.memory_space<hbm>>
          tpu.enqueue_dma source(%dma_start3A_323 : memref<128xi32, #tpu.memory_space<hbm>>) target(%arg10 : memref<128xi32, #tpu.memory_space<vmem>>) target_semaphore(%run_scoped3A : memref<!tpu.dma_semaphore, #tpu.memory_space<semaphore_mem>>)
          %dma_wait3A_324 = tpu.memref_slice %arg2[%multiple_of3A_310] : memref<106496xi32, #tpu.memory_space<hbm>> -> memref<128xi32, #tpu.memory_space<hbm>>
          %dma_wait3A_325 = tpu.memref_slice %arg2[%multiple_of3A_310] : memref<106496xi32, #tpu.memory_space<hbm>> -> memref<128xi32, #tpu.memory_space<hbm>>
          tpu.wait_dma2 semaphore(%run_scoped3A : memref<!tpu.dma_semaphore, #tpu.memory_space<semaphore_mem>>) src(%dma_wait3A_325 : memref<128xi32, #tpu.memory_space<hbm>>) dst(%arg10 : memref<128xi32, #tpu.memory_space<vmem>>)
          tpu.yield
        }) : () -> ()
        %dma_start3A_311 = arith.constant 0 : i32
        %dma_start3A_312 = arith.constant 0 : i32
        %dma_start3A_313 = tpu.memref_slice %arg3[%dma_start3A_311, %dma_start3A_312] : memref<1000000x128xf32, #tpu.memory_space<hbm>> -> memref<1000000x128xf32, #tpu.memory_space<hbm>>
        tpu.enqueue_indirect_dma source(%dma_start3A_313 : memref<1000000x128xf32, #tpu.memory_space<hbm>>) target(%arg12 : memref<128x128xf32, #tpu.memory_space<vmem>>) offsets(%arg10 : memref<128xi32, #tpu.memory_space<vmem>>) semaphore(%arg25 : memref<!tpu.dma_semaphore, #tpu.memory_space<semaphore_mem>>)
        %dma_start3A_314 = arith.constant 0 : i32
        %dma_start3A_315 = tpu.memref_slice %arg4[%dma_start3A_314] : memref<1000000xf32, #tpu.memory_space<hbm>> -> memref<1000000xf32, #tpu.memory_space<hbm>>
        tpu.enqueue_indirect_dma source(%dma_start3A_315 : memref<1000000xf32, #tpu.memory_space<hbm>>) target(%arg14 : memref<128xf32, #tpu.memory_space<vmem>>) offsets(%arg10 : memref<128xi32, #tpu.memory_space<vmem>>) semaphore(%arg25 : memref<!tpu.dma_semaphore, #tpu.memory_space<semaphore_mem>>)
        %dma_start3A_316 = arith.constant 0 : i32
        %dma_start3A_317 = tpu.memref_slice %arg5[%dma_start3A_316] : memref<1000000xf32, #tpu.memory_space<hbm>> -> memref<1000000xf32, #tpu.memory_space<hbm>>
        tpu.enqueue_indirect_dma source(%dma_start3A_317 : memref<1000000xf32, #tpu.memory_space<hbm>>) target(%arg15 : memref<128xf32, #tpu.memory_space<vmem>>) offsets(%arg10 : memref<128xi32, #tpu.memory_space<vmem>>) semaphore(%arg25 : memref<!tpu.dma_semaphore, #tpu.memory_space<semaphore_mem>>)
        %dma_start3A_318 = arith.constant 0 : i32
        %dma_start3A_319 = tpu.memref_slice %arg6[%dma_start3A_318] : memref<1000000xf32, #tpu.memory_space<hbm>> -> memref<1000000xf32, #tpu.memory_space<hbm>>
        tpu.enqueue_indirect_dma source(%dma_start3A_319 : memref<1000000xf32, #tpu.memory_space<hbm>>) target(%arg16 : memref<128xf32, #tpu.memory_space<vmem>>) offsets(%arg10 : memref<128xi32, #tpu.memory_space<vmem>>) semaphore(%arg25 : memref<!tpu.dma_semaphore, #tpu.memory_space<semaphore_mem>>)
        %dma_start3A_320 = arith.constant 0 : i32
        %dma_start3A_321 = tpu.memref_slice %arg7[%dma_start3A_320] : memref<1000000xf32, #tpu.memory_space<hbm>> -> memref<1000000xf32, #tpu.memory_space<hbm>>
        tpu.enqueue_indirect_dma source(%dma_start3A_321 : memref<1000000xf32, #tpu.memory_space<hbm>>) target(%arg17 : memref<128xf32, #tpu.memory_space<vmem>>) offsets(%arg10 : memref<128xi32, #tpu.memory_space<vmem>>) semaphore(%arg25 : memref<!tpu.dma_semaphore, #tpu.memory_space<semaphore_mem>>)
      } else {
      }
      %mul3A_238 = arith.constant 2 : i32
      %mul3A_239 = arith.muli %scan3A_174, %mul3A_238 : i32
      %add3A_240 = arith.constant 1 : i32
      %add3A_241 = arith.addi %mul3A_239, %add3A_240 : i32
      %dma_wait3A_242 = arith.constant 0 : i32
      %dma_wait3A_243 = arith.constant 0 : i32
      %dma_wait3A_244 = tpu.memref_slice %arg3[%dma_wait3A_242, %dma_wait3A_243] : memref<1000000x128xf32, #tpu.memory_space<hbm>> -> memref<1000000x128xf32, #tpu.memory_space<hbm>>
      tpu.wait_indirect_dma semaphore(%arg26 : memref<!tpu.dma_semaphore, #tpu.memory_space<semaphore_mem>>) src(%dma_wait3A_244 : memref<1000000x128xf32, #tpu.memory_space<hbm>>) dst(%arg13 : memref<128x128xf32, #tpu.memory_space<vmem>>)
      %dma_wait3A_245 = arith.constant 0 : i32
      %dma_wait3A_246 = tpu.memref_slice %arg4[%dma_wait3A_245] : memref<1000000xf32, #tpu.memory_space<hbm>> -> memref<1000000xf32, #tpu.memory_space<hbm>>
      tpu.wait_indirect_dma semaphore(%arg26 : memref<!tpu.dma_semaphore, #tpu.memory_space<semaphore_mem>>) src(%dma_wait3A_246 : memref<1000000xf32, #tpu.memory_space<hbm>>) dst(%arg18 : memref<128xf32, #tpu.memory_space<vmem>>)
      %dma_wait3A_247 = arith.constant 0 : i32
      %dma_wait3A_248 = tpu.memref_slice %arg5[%dma_wait3A_247] : memref<1000000xf32, #tpu.memory_space<hbm>> -> memref<1000000xf32, #tpu.memory_space<hbm>>
      tpu.wait_indirect_dma semaphore(%arg26 : memref<!tpu.dma_semaphore, #tpu.memory_space<semaphore_mem>>) src(%dma_wait3A_248 : memref<1000000xf32, #tpu.memory_space<hbm>>) dst(%arg19 : memref<128xf32, #tpu.memory_space<vmem>>)
      %dma_wait3A_249 = arith.constant 0 : i32
      %dma_wait3A_250 = tpu.memref_slice %arg6[%dma_wait3A_249] : memref<1000000xf32, #tpu.memory_space<hbm>> -> memref<1000000xf32, #tpu.memory_space<hbm>>
      tpu.wait_indirect_dma semaphore(%arg26 : memref<!tpu.dma_semaphore, #tpu.memory_space<semaphore_mem>>) src(%dma_wait3A_250 : memref<1000000xf32, #tpu.memory_space<hbm>>) dst(%arg20 : memref<128xf32, #tpu.memory_space<vmem>>)
      %dma_wait3A_251 = arith.constant 0 : i32
      %dma_wait3A_252 = tpu.memref_slice %arg7[%dma_wait3A_251] : memref<1000000xf32, #tpu.memory_space<hbm>> -> memref<1000000xf32, #tpu.memory_space<hbm>>
      tpu.wait_indirect_dma semaphore(%arg26 : memref<!tpu.dma_semaphore, #tpu.memory_space<semaphore_mem>>) src(%dma_wait3A_252 : memref<1000000xf32, #tpu.memory_space<hbm>>) dst(%arg21 : memref<128xf32, #tpu.memory_space<vmem>>)
      %ge3A_253 = arith.constant 1 : i32
      %ge3A_254 = arith.cmpi sge, %scan3A_174, %ge3A_253 : i32
      %convert_element_type3A_255 = arith.extui %ge3A_254 : i1 to i32
      %cond3A_256 = arith.constant 0 : i32
      %cond3A_257 = arith.cmpi ne, %convert_element_type3A_255, %cond3A_256 : i32
      scf.if %cond3A_257 {
        %sub3A_305 = arith.constant 2 : i32
        %sub3A_306 = arith.subi %add3A_241, %sub3A_305 : i32
        %mul3A_307 = arith.constant 128 : i32
        %mul3A_308 = arith.muli %sub3A_306, %mul3A_307 : i32
        %add3A_309 = arith.addi %mul3A_2, %mul3A_308 : i32
        %jit3A_310 = arith.constant 4 : i32
        %div3A_311 = arith.divsi %add3A_309, %jit3A_310 : i32
        %sign3A_312 = arith.constant 0 : i32
        %sign3A_313 = arith.cmpi sgt, %add3A_309, %sign3A_312 : i32
        %sign3A_314 = arith.extui %sign3A_313 : i1 to i32
        %sign3A_315 = arith.constant 0 : i32
        %sign3A_316 = arith.cmpi slt, %add3A_309, %sign3A_315 : i32
        %sign3A_317 = arith.extui %sign3A_316 : i1 to i32
        %sign3A_318 = arith.subi %sign3A_314, %sign3A_317 : i32
        %sign3A_319 = arith.constant 0 : i32
        %sign3A_320 = arith.cmpi sgt, %jit3A_310, %sign3A_319 : i32
        %sign3A_321 = arith.extui %sign3A_320 : i1 to i32
        %sign3A_322 = arith.constant 0 : i32
        %sign3A_323 = arith.cmpi slt, %jit3A_310, %sign3A_322 : i32
        %sign3A_324 = arith.extui %sign3A_323 : i1 to i32
        %sign3A_325 = arith.subi %sign3A_321, %sign3A_324 : i32
        %ne3A_326 = arith.cmpi ne, %sign3A_318, %sign3A_325 : i32
        %rem3A_327 = arith.remsi %add3A_309, %jit3A_310 : i32
        %ne3A_328 = arith.constant 0 : i32
        %ne3A_329 = arith.cmpi ne, %rem3A_327, %ne3A_328 : i32
        %and3A_330 = arith.andi %ne3A_326, %ne3A_329 : i1
        %sub3A_331 = arith.constant 1 : i32
        %sub3A_332 = arith.subi %div3A_311, %sub3A_331 : i32
        %select_n3A_333 = arith.select %and3A_330, %sub3A_332, %div3A_311 : i32
        %multiple_of3A_334 = tpu.assume_multiple %select_n3A_333, 32 : i32
        %dma_wait3A_335 = arith.constant 0 : i32
        %dma_wait3A_336 = tpu.memref_slice %arg9[%multiple_of3A_334, %dma_wait3A_335] : memref<26624x128xf32, #tpu.memory_space<hbm>> -> memref<32x128xf32, #tpu.memory_space<hbm>>
        %dma_wait3A_337 = arith.constant 0 : i32
        %dma_wait3A_338 = tpu.memref_slice %arg9[%multiple_of3A_334, %dma_wait3A_337] : memref<26624x128xf32, #tpu.memory_space<hbm>> -> memref<32x128xf32, #tpu.memory_space<hbm>>
        tpu.wait_dma2 semaphore(%arg28 : memref<!tpu.dma_semaphore, #tpu.memory_space<semaphore_mem>>) src(%arg23 : memref<32x128xf32, #tpu.memory_space<vmem>>) dst(%dma_wait3A_338 : memref<32x128xf32, #tpu.memory_space<hbm>>)
      } else {
      }
      %scan3A_258 = arith.constant 0 : i32
      %scan3A_259 = arith.constant 0 : i32
      %scan3A_260 = arith.constant 8 : i32
      %scan3A_261 = arith.addi %scan3A_259, %scan3A_260 : i32
      %scan3A_262 = arith.constant 1 : i32
      %scan3A_263 = scf.for %scan3A_305 = %scan3A_259 to %scan3A_261 step %scan3A_262 iter_args(%scan3A_306 = %scan3A_258) -> (i32)  : i32 {
        %mul3A_307 = arith.constant 16 : i32
        %mul3A_308 = arith.muli %mul3A_307, %scan3A_305 : i32
        %get3A_309 = arith.index_cast %mul3A_308 : i32 to index
        %get3A_310 = tpu.vector_load %arg18[%get3A_309] {strides = array<i32>} : memref<128xf32, #tpu.memory_space<vmem>>, vector<16xf32>,
        %mul3A_311 = arith.constant 16 : i32
        %mul3A_312 = arith.muli %mul3A_311, %scan3A_305 : i32
        %get3A_313 = arith.index_cast %mul3A_312 : i32 to index
        %get3A_314 = tpu.vector_load %arg19[%get3A_313] {strides = array<i32>} : memref<128xf32, #tpu.memory_space<vmem>>, vector<16xf32>,
        %mul3A_315 = arith.constant 16 : i32
        %mul3A_316 = arith.muli %mul3A_315, %scan3A_305 : i32
        %get3A_317 = arith.index_cast %mul3A_316 : i32 to index
        %get3A_318 = tpu.vector_load %arg20[%get3A_317] {strides = array<i32>} : memref<128xf32, #tpu.memory_space<vmem>>, vector<16xf32>,
        %mul3A_319 = arith.constant 16 : i32
        %mul3A_320 = arith.muli %mul3A_319, %scan3A_305 : i32
        %get3A_321 = arith.index_cast %mul3A_320 : i32 to index
        %get3A_322 = tpu.vector_load %arg21[%get3A_321] {strides = array<i32>} : memref<128xf32, #tpu.memory_space<vmem>>, vector<16xf32>,
        %mul3A_323 = arith.constant 16 : i32
        %mul3A_324 = arith.muli %scan3A_305, %mul3A_323 : i32
        %add3A_325 = arith.constant 0 : i32
        %add3A_326 = arith.addi %mul3A_324, %add3A_325 : i32
        %get3A_327 = arith.index_cast %add3A_326 : i32 to index
        %get3A_328 = arith.constant 0 : index
        %get3A_329 = tpu.vector_load %arg13[%get3A_327, %get3A_328] {strides = array<i32>} : memref<128x128xf32, #tpu.memory_space<vmem>>, vector<16xf32>,
        %mul3A_330 = arith.constant 1.000000e+01 : f32
        %mul3A_331 = vector.broadcast %mul3A_330 : f32 to vector<16xf32>
        %mul3A_332 = arith.mulf %get3A_329, %mul3A_331 : vector<16xf32>
        %slice3A = vector.extract_strided_slice %get3A_310 {offsets = [0], sizes = [1], strides = [1]} : vector<16xf32> to vector<1xf32>
        %squeeze3A = vector.extract %slice3A[0] : f32 from vector<1xf32>
        %get3A_333 = arith.constant 0 : i32
        %get3A_334 = arith.index_cast %get3A_333 : i32 to index
        %get3A_335 = arith.constant 0 : index
        %get3A_336 = tpu.vector_load %arg24[%get3A_334, %get3A_335] {strides = array<i32>} : memref<4x128xf32, #tpu.memory_space<vmem>>, vector<16xf32>,
        %mul3A_337 = vector.broadcast %squeeze3A : f32 to vector<16xf32>
        %mul3A_338 = arith.mulf %mul3A_337, %get3A_336 : vector<16xf32>
        %add3A_339 = arith.addf %mul3A_332, %mul3A_338 : vector<16xf32>
        %slice3A_340 = vector.extract_strided_slice %get3A_314 {offsets = [0], sizes = [1], strides = [1]} : vector<16xf32> to vector<1xf32>
        %squeeze3A_341 = vector.extract %slice3A_340[0] : f32 from vector<1xf32>
        %get3A_342 = arith.constant 1 : i32
        %get3A_343 = arith.index_cast %get3A_342 : i32 to index
        %get3A_344 = arith.constant 0 : index
        %get3A_345 = tpu.vector_load %arg24[%get3A_343, %get3A_344] {strides = array<i32>} : memref<4x128xf32, #tpu.memory_space<vmem>>, vector<16xf32>,
        %mul3A_346 = vector.broadcast %squeeze3A_341 : f32 to vector<16xf32>
        %mul3A_347 = arith.mulf %mul3A_346, %get3A_345 : vector<16xf32>
        %add3A_348 = arith.addf %add3A_339, %mul3A_347 : vector<16xf32>
        %slice3A_349 = vector.extract_strided_slice %get3A_318 {offsets = [0], sizes = [1], strides = [1]} : vector<16xf32> to vector<1xf32>
        %squeeze3A_350 = vector.extract %slice3A_349[0] : f32 from vector<1xf32>
        %get3A_351 = arith.constant 2 : i32
        %get3A_352 = arith.index_cast %get3A_351 : i32 to index
        %get3A_353 = arith.constant 0 : index
        %get3A_354 = tpu.vector_load %arg24[%get3A_352, %get3A_353] {strides = array<i32>} : memref<4x128xf32, #tpu.memory_space<vmem>>, vector<16xf32>,
        %mul3A_355 = vector.broadcast %squeeze3A_350 : f32 to vector<16xf32>
        %mul3A_356 = arith.mulf %mul3A_355, %get3A_354 : vector<16xf32>
        %add3A_357 = arith.addf %add3A_348, %mul3A_356 : vector<16xf32>
        %slice3A_358 = vector.extract_strided_slice %get3A_322 {offsets = [0], sizes = [1], strides = [1]} : vector<16xf32> to vector<1xf32>
        %squeeze3A_359 = vector.extract %slice3A_358[0] : f32 from vector<1xf32>
        %get3A_360 = arith.constant 3 : i32
        %get3A_361 = arith.index_cast %get3A_360 : i32 to index
        %get3A_362 = arith.constant 0 : index
        %get3A_363 = tpu.vector_load %arg24[%get3A_361, %get3A_362] {strides = array<i32>} : memref<4x128xf32, #tpu.memory_space<vmem>>, vector<16xf32>,
        %mul3A_364 = vector.broadcast %squeeze3A_359 : f32 to vector<16xf32>
        %mul3A_365 = arith.mulf %mul3A_364, %get3A_363 : vector<16xf32>
        %add3A_366 = arith.addf %add3A_357, %mul3A_365 : vector<16xf32>
        %mul3A_367 = arith.constant 4 : i32
        %mul3A_368 = arith.muli %mul3A_367, %scan3A_305 : i32
        %add3A_369 = arith.constant 0 : i32
        %add3A_370 = arith.addi %mul3A_368, %add3A_369 : i32
        %swap3A_371 = arith.index_cast %add3A_370 : i32 to index
        %swap3A_372 = arith.constant 0 : index
        %swap3A_373 = tpu.vector_load %arg23[%swap3A_371, %swap3A_372] {strides = array<i32>} : memref<32x128xf32, #tpu.memory_space<vmem>>, vector<16xf32>,
        tpu.vector_store %arg23[%swap3A_371, %swap3A_372], %add3A_366 {strides = array<i32>} : memref<32x128xf32, #tpu.memory_space<vmem>>, vector<16xf32>,
        %get3A_374 = arith.index_cast %add3A_326 : i32 to index
        %get3A_375 = arith.constant 16 : index
        %get3A_376 = tpu.vector_load %arg13[%get3A_374, %get3A_375] {strides = array<i32>} : memref<128x128xf32, #tpu.memory_space<vmem>>, vector<16xf32>,
        %mul3A_377 = arith.constant 1.000000e+01 : f32
        %mul3A_378 = vector.broadcast %mul3A_377 : f32 to vector<16xf32>
        %mul3A_379 = arith.mulf %get3A_376, %mul3A_378 : vector<16xf32>
        %slice3A_380 = vector.extract_strided_slice %get3A_310 {offsets = [0], sizes = [1], strides = [1]} : vector<16xf32> to vector<1xf32>
        %squeeze3A_381 = vector.extract %slice3A_380[0] : f32 from vector<1xf32>
        %get3A_382 = arith.constant 0 : i32
        %get3A_383 = arith.index_cast %get3A_382 : i32 to index
        %get3A_384 = arith.constant 16 : index
        %get3A_385 = tpu.vector_load %arg24[%get3A_383, %get3A_384] {strides = array<i32>} : memref<4x128xf32, #tpu.memory_space<vmem>>, vector<16xf32>,
        %mul3A_386 = vector.broadcast %squeeze3A_381 : f32 to vector<16xf32>
        %mul3A_387 = arith.mulf %mul3A_386, %get3A_385 : vector<16xf32>
        %add3A_388 = arith.addf %mul3A_379, %mul3A_387 : vector<16xf32>
        %slice3A_389 = vector.extract_strided_slice %get3A_314 {offsets = [0], sizes = [1], strides = [1]} : vector<16xf32> to vector<1xf32>
        %squeeze3A_390 = vector.extract %slice3A_389[0] : f32 from vector<1xf32>
        %get3A_391 = arith.constant 1 : i32
        %get3A_392 = arith.index_cast %get3A_391 : i32 to index
        %get3A_393 = arith.constant 16 : index
        %get3A_394 = tpu.vector_load %arg24[%get3A_392, %get3A_393] {strides = array<i32>} : memref<4x128xf32, #tpu.memory_space<vmem>>, vector<16xf32>,
        %mul3A_395 = vector.broadcast %squeeze3A_390 : f32 to vector<16xf32>
        %mul3A_396 = arith.mulf %mul3A_395, %get3A_394 : vector<16xf32>
        %add3A_397 = arith.addf %add3A_388, %mul3A_396 : vector<16xf32>
        %slice3A_398 = vector.extract_strided_slice %get3A_318 {offsets = [0], sizes = [1], strides = [1]} : vector<16xf32> to vector<1xf32>
        %squeeze3A_399 = vector.extract %slice3A_398[0] : f32 from vector<1xf32>
        %get3A_400 = arith.constant 2 : i32
        %get3A_401 = arith.index_cast %get3A_400 : i32 to index
        %get3A_402 = arith.constant 16 : index
        %get3A_403 = tpu.vector_load %arg24[%get3A_401, %get3A_402] {strides = array<i32>} : memref<4x128xf32, #tpu.memory_space<vmem>>, vector<16xf32>,
        %mul3A_404 = vector.broadcast %squeeze3A_399 : f32 to vector<16xf32>
        %mul3A_405 = arith.mulf %mul3A_404, %get3A_403 : vector<16xf32>
        %add3A_406 = arith.addf %add3A_397, %mul3A_405 : vector<16xf32>
        %slice3A_407 = vector.extract_strided_slice %get3A_322 {offsets = [0], sizes = [1], strides = [1]} : vector<16xf32> to vector<1xf32>
        %squeeze3A_408 = vector.extract %slice3A_407[0] : f32 from vector<1xf32>
        %get3A_409 = arith.constant 3 : i32
        %get3A_410 = arith.index_cast %get3A_409 : i32 to index
        %get3A_411 = arith.constant 16 : index
        %get3A_412 = tpu.vector_load %arg24[%get3A_410, %get3A_411] {strides = array<i32>} : memref<4x128xf32, #tpu.memory_space<vmem>>, vector<16xf32>,
        %mul3A_413 = vector.broadcast %squeeze3A_408 : f32 to vector<16xf32>
        %mul3A_414 = arith.mulf %mul3A_413, %get3A_412 : vector<16xf32>
        %add3A_415 = arith.addf %add3A_406, %mul3A_414 : vector<16xf32>
        %mul3A_416 = arith.constant 4 : i32
        %mul3A_417 = arith.muli %mul3A_416, %scan3A_305 : i32
        %add3A_418 = arith.constant 0 : i32
        %add3A_419 = arith.addi %mul3A_417, %add3A_418 : i32
        %swap3A_420 = arith.index_cast %add3A_419 : i32 to index
        %swap3A_421 = arith.constant 16 : index
        %swap3A_422 = tpu.vector_load %arg23[%swap3A_420, %swap3A_421] {strides = array<i32>} : memref<32x128xf32, #tpu.memory_space<vmem>>, vector<16xf32>,
        tpu.vector_store %arg23[%swap3A_420, %swap3A_421], %add3A_415 {strides = array<i32>} : memref<32x128xf32, #tpu.memory_space<vmem>>, vector<16xf32>,
        %mul3A_423 = arith.constant 16 : i32
        %mul3A_424 = arith.muli %scan3A_305, %mul3A_423 : i32
        %add3A_425 = arith.constant 1 : i32
        %add3A_426 = arith.addi %mul3A_424, %add3A_425 : i32
        %get3A_427 = arith.index_cast %add3A_426 : i32 to index
        %get3A_428 = arith.constant 0 : index
        %get3A_429 = tpu.vector_load %arg13[%get3A_427, %get3A_428] {strides = array<i32>} : memref<128x128xf32, #tpu.memory_space<vmem>>, vector<16xf32>,
        %mul3A_430 = arith.constant 1.000000e+01 : f32
        %mul3A_431 = vector.broadcast %mul3A_430 : f32 to vector<16xf32>
        %mul3A_432 = arith.mulf %get3A_429, %mul3A_431 : vector<16xf32>
        %slice3A_433 = vector.extract_strided_slice %get3A_310 {offsets = [1], sizes = [1], strides = [1]} : vector<16xf32> to vector<1xf32>
        %squeeze3A_434 = vector.extract %slice3A_433[0] : f32 from vector<1xf32>
        %get3A_435 = arith.constant 0 : i32
        %get3A_436 = arith.index_cast %get3A_435 : i32 to index
        %get3A_437 = arith.constant 0 : index
        %get3A_438 = tpu.vector_load %arg24[%get3A_436, %get3A_437] {strides = array<i32>} : memref<4x128xf32, #tpu.memory_space<vmem>>, vector<16xf32>,
        %mul3A_439 = vector.broadcast %squeeze3A_434 : f32 to vector<16xf32>
        %mul3A_440 = arith.mulf %mul3A_439, %get3A_438 : vector<16xf32>
        %add3A_441 = arith.addf %mul3A_432, %mul3A_440 : vector<16xf32>
        %slice3A_442 = vector.extract_strided_slice %get3A_314 {offsets = [1], sizes = [1], strides = [1]} : vector<16xf32> to vector<1xf32>
        %squeeze3A_443 = vector.extract %slice3A_442[0] : f32 from vector<1xf32>
        %get3A_444 = arith.constant 1 : i32
        %get3A_445 = arith.index_cast %get3A_444 : i32 to index
        %get3A_446 = arith.constant 0 : index
        %get3A_447 = tpu.vector_load %arg24[%get3A_445, %get3A_446] {strides = array<i32>} : memref<4x128xf32, #tpu.memory_space<vmem>>, vector<16xf32>,
        %mul3A_448 = vector.broadcast %squeeze3A_443 : f32 to vector<16xf32>
        %mul3A_449 = arith.mulf %mul3A_448, %get3A_447 : vector<16xf32>
        %add3A_450 = arith.addf %add3A_441, %mul3A_449 : vector<16xf32>
        %slice3A_451 = vector.extract_strided_slice %get3A_318 {offsets = [1], sizes = [1], strides = [1]} : vector<16xf32> to vector<1xf32>
        %squeeze3A_452 = vector.extract %slice3A_451[0] : f32 from vector<1xf32>
        %get3A_453 = arith.constant 2 : i32
        %get3A_454 = arith.index_cast %get3A_453 : i32 to index
        %get3A_455 = arith.constant 0 : index
        %get3A_456 = tpu.vector_load %arg24[%get3A_454, %get3A_455] {strides = array<i32>} : memref<4x128xf32, #tpu.memory_space<vmem>>, vector<16xf32>,
        %mul3A_457 = vector.broadcast %squeeze3A_452 : f32 to vector<16xf32>
        %mul3A_458 = arith.mulf %mul3A_457, %get3A_456 : vector<16xf32>
        %add3A_459 = arith.addf %add3A_450, %mul3A_458 : vector<16xf32>
        %slice3A_460 = vector.extract_strided_slice %get3A_322 {offsets = [1], sizes = [1], strides = [1]} : vector<16xf32> to vector<1xf32>
        %squeeze3A_461 = vector.extract %slice3A_460[0] : f32 from vector<1xf32>
        %get3A_462 = arith.constant 3 : i32
        %get3A_463 = arith.index_cast %get3A_462 : i32 to index
        %get3A_464 = arith.constant 0 : index
        %get3A_465 = tpu.vector_load %arg24[%get3A_463, %get3A_464] {strides = array<i32>} : memref<4x128xf32, #tpu.memory_space<vmem>>, vector<16xf32>,
        %mul3A_466 = vector.broadcast %squeeze3A_461 : f32 to vector<16xf32>
        %mul3A_467 = arith.mulf %mul3A_466, %get3A_465 : vector<16xf32>
        %add3A_468 = arith.addf %add3A_459, %mul3A_467 : vector<16xf32>
        %mul3A_469 = arith.constant 4 : i32
        %mul3A_470 = arith.muli %mul3A_469, %scan3A_305 : i32
        %add3A_471 = arith.constant 0 : i32
        %add3A_472 = arith.addi %mul3A_470, %add3A_471 : i32
        %swap3A_473 = arith.index_cast %add3A_472 : i32 to index
        %swap3A_474 = arith.constant 32 : index
        %swap3A_475 = tpu.vector_load %arg23[%swap3A_473, %swap3A_474] {strides = array<i32>} : memref<32x128xf32, #tpu.memory_space<vmem>>, vector<16xf32>,
        tpu.vector_store %arg23[%swap3A_473, %swap3A_474], %add3A_468 {strides = array<i32>} : memref<32x128xf32, #tpu.memory_space<vmem>>, vector<16xf32>,
        %get3A_476 = arith.index_cast %add3A_426 : i32 to index
        %get3A_477 = arith.constant 16 : index
        %get3A_478 = tpu.vector_load %arg13[%get3A_476, %get3A_477] {strides = array<i32>} : memref<128x128xf32, #tpu.memory_space<vmem>>, vector<16xf32>,
        %mul3A_479 = arith.constant 1.000000e+01 : f32
        %mul3A_480 = vector.broadcast %mul3A_479 : f32 to vector<16xf32>
        %mul3A_481 = arith.mulf %get3A_478, %mul3A_480 : vector<16xf32>
        %slice3A_482 = vector.extract_strided_slice %get3A_310 {offsets = [1], sizes = [1], strides = [1]} : vector<16xf32> to vector<1xf32>
        %squeeze3A_483 = vector.extract %slice3A_482[0] : f32 from vector<1xf32>
        %get3A_484 = arith.constant 0 : i32
        %get3A_485 = arith.index_cast %get3A_484 : i32 to index
        %get3A_486 = arith.constant 16 : index
        %get3A_487 = tpu.vector_load %arg24[%get3A_485, %get3A_486] {strides = array<i32>} : memref<4x128xf32, #tpu.memory_space<vmem>>, vector<16xf32>,
        %mul3A_488 = vector.broadcast %squeeze3A_483 : f32 to vector<16xf32>
        %mul3A_489 = arith.mulf %mul3A_488, %get3A_487 : vector<16xf32>
        %add3A_490 = arith.addf %mul3A_481, %mul3A_489 : vector<16xf32>
        %slice3A_491 = vector.extract_strided_slice %get3A_314 {offsets = [1], sizes = [1], strides = [1]} : vector<16xf32> to vector<1xf32>
        %squeeze3A_492 = vector.extract %slice3A_491[0] : f32 from vector<1xf32>
        %get3A_493 = arith.constant 1 : i32
        %get3A_494 = arith.index_cast %get3A_493 : i32 to index
        %get3A_495 = arith.constant 16 : index
        %get3A_496 = tpu.vector_load %arg24[%get3A_494, %get3A_495] {strides = array<i32>} : memref<4x128xf32, #tpu.memory_space<vmem>>, vector<16xf32>,
        %mul3A_497 = vector.broadcast %squeeze3A_492 : f32 to vector<16xf32>
        %mul3A_498 = arith.mulf %mul3A_497, %get3A_496 : vector<16xf32>
        %add3A_499 = arith.addf %add3A_490, %mul3A_498 : vector<16xf32>
        %slice3A_500 = vector.extract_strided_slice %get3A_318 {offsets = [1], sizes = [1], strides = [1]} : vector<16xf32> to vector<1xf32>
        %squeeze3A_501 = vector.extract %slice3A_500[0] : f32 from vector<1xf32>
        %get3A_502 = arith.constant 2 : i32
        %get3A_503 = arith.index_cast %get3A_502 : i32 to index
        %get3A_504 = arith.constant 16 : index
        %get3A_505 = tpu.vector_load %arg24[%get3A_503, %get3A_504] {strides = array<i32>} : memref<4x128xf32, #tpu.memory_space<vmem>>, vector<16xf32>,
        %mul3A_506 = vector.broadcast %squeeze3A_501 : f32 to vector<16xf32>
        %mul3A_507 = arith.mulf %mul3A_506, %get3A_505 : vector<16xf32>
        %add3A_508 = arith.addf %add3A_499, %mul3A_507 : vector<16xf32>
        %slice3A_509 = vector.extract_strided_slice %get3A_322 {offsets = [1], sizes = [1], strides = [1]} : vector<16xf32> to vector<1xf32>
        %squeeze3A_510 = vector.extract %slice3A_509[0] : f32 from vector<1xf32>
        %get3A_511 = arith.constant 3 : i32
        %get3A_512 = arith.index_cast %get3A_511 : i32 to index
        %get3A_513 = arith.constant 16 : index
        %get3A_514 = tpu.vector_load %arg24[%get3A_512, %get3A_513] {strides = array<i32>} : memref<4x128xf32, #tpu.memory_space<vmem>>, vector<16xf32>,
        %mul3A_515 = vector.broadcast %squeeze3A_510 : f32 to vector<16xf32>
        %mul3A_516 = arith.mulf %mul3A_515, %get3A_514 : vector<16xf32>
        %add3A_517 = arith.addf %add3A_508, %mul3A_516 : vector<16xf32>
        %mul3A_518 = arith.constant 4 : i32
        %mul3A_519 = arith.muli %mul3A_518, %scan3A_305 : i32
        %add3A_520 = arith.constant 0 : i32
        %add3A_521 = arith.addi %mul3A_519, %add3A_520 : i32
        %swap3A_522 = arith.index_cast %add3A_521 : i32 to index
        %swap3A_523 = arith.constant 48 : index
        %swap3A_524 = tpu.vector_load %arg23[%swap3A_522, %swap3A_523] {strides = array<i32>} : memref<32x128xf32, #tpu.memory_space<vmem>>, vector<16xf32>,
        tpu.vector_store %arg23[%swap3A_522, %swap3A_523], %add3A_517 {strides = array<i32>} : memref<32x128xf32, #tpu.memory_space<vmem>>, vector<16xf32>,
        %mul3A_525 = arith.constant 16 : i32
        %mul3A_526 = arith.muli %scan3A_305, %mul3A_525 : i32
        %add3A_527 = arith.constant 2 : i32
        %add3A_528 = arith.addi %mul3A_526, %add3A_527 : i32
        %get3A_529 = arith.index_cast %add3A_528 : i32 to index
        %get3A_530 = arith.constant 0 : index
        %get3A_531 = tpu.vector_load %arg13[%get3A_529, %get3A_530] {strides = array<i32>} : memref<128x128xf32, #tpu.memory_space<vmem>>, vector<16xf32>,
        %mul3A_532 = arith.constant 1.000000e+01 : f32
        %mul3A_533 = vector.broadcast %mul3A_532 : f32 to vector<16xf32>
        %mul3A_534 = arith.mulf %get3A_531, %mul3A_533 : vector<16xf32>
        %slice3A_535 = vector.extract_strided_slice %get3A_310 {offsets = [2], sizes = [1], strides = [1]} : vector<16xf32> to vector<1xf32>
        %squeeze3A_536 = vector.extract %slice3A_535[0] : f32 from vector<1xf32>
        %get3A_537 = arith.constant 0 : i32
        %get3A_538 = arith.index_cast %get3A_537 : i32 to index
        %get3A_539 = arith.constant 0 : index
        %get3A_540 = tpu.vector_load %arg24[%get3A_538, %get3A_539] {strides = array<i32>} : memref<4x128xf32, #tpu.memory_space<vmem>>, vector<16xf32>,
        %mul3A_541 = vector.broadcast %squeeze3A_536 : f32 to vector<16xf32>
        %mul3A_542 = arith.mulf %mul3A_541, %get3A_540 : vector<16xf32>
        %add3A_543 = arith.addf %mul3A_534, %mul3A_542 : vector<16xf32>
        %slice3A_544 = vector.extract_strided_slice %get3A_314 {offsets = [2], sizes = [1], strides = [1]} : vector<16xf32> to vector<1xf32>
        %squeeze3A_545 = vector.extract %slice3A_544[0] : f32 from vector<1xf32>
        %get3A_546 = arith.constant 1 : i32
        %get3A_547 = arith.index_cast %get3A_546 : i32 to index
        %get3A_548 = arith.constant 0 : index
        %get3A_549 = tpu.vector_load %arg24[%get3A_547, %get3A_548] {strides = array<i32>} : memref<4x128xf32, #tpu.memory_space<vmem>>, vector<16xf32>,
        %mul3A_550 = vector.broadcast %squeeze3A_545 : f32 to vector<16xf32>
        %mul3A_551 = arith.mulf %mul3A_550, %get3A_549 : vector<16xf32>
        %add3A_552 = arith.addf %add3A_543, %mul3A_551 : vector<16xf32>
        %slice3A_553 = vector.extract_strided_slice %get3A_318 {offsets = [2], sizes = [1], strides = [1]} : vector<16xf32> to vector<1xf32>
        %squeeze3A_554 = vector.extract %slice3A_553[0] : f32 from vector<1xf32>
        %get3A_555 = arith.constant 2 : i32
        %get3A_556 = arith.index_cast %get3A_555 : i32 to index
        %get3A_557 = arith.constant 0 : index
        %get3A_558 = tpu.vector_load %arg24[%get3A_556, %get3A_557] {strides = array<i32>} : memref<4x128xf32, #tpu.memory_space<vmem>>, vector<16xf32>,
        %mul3A_559 = vector.broadcast %squeeze3A_554 : f32 to vector<16xf32>
        %mul3A_560 = arith.mulf %mul3A_559, %get3A_558 : vector<16xf32>
        %add3A_561 = arith.addf %add3A_552, %mul3A_560 : vector<16xf32>
        %slice3A_562 = vector.extract_strided_slice %get3A_322 {offsets = [2], sizes = [1], strides = [1]} : vector<16xf32> to vector<1xf32>
        %squeeze3A_563 = vector.extract %slice3A_562[0] : f32 from vector<1xf32>
        %get3A_564 = arith.constant 3 : i32
        %get3A_565 = arith.index_cast %get3A_564 : i32 to index
        %get3A_566 = arith.constant 0 : index
        %get3A_567 = tpu.vector_load %arg24[%get3A_565, %get3A_566] {strides = array<i32>} : memref<4x128xf32, #tpu.memory_space<vmem>>, vector<16xf32>,
        %mul3A_568 = vector.broadcast %squeeze3A_563 : f32 to vector<16xf32>
        %mul3A_569 = arith.mulf %mul3A_568, %get3A_567 : vector<16xf32>
        %add3A_570 = arith.addf %add3A_561, %mul3A_569 : vector<16xf32>
        %mul3A_571 = arith.constant 4 : i32
        %mul3A_572 = arith.muli %mul3A_571, %scan3A_305 : i32
        %add3A_573 = arith.constant 0 : i32
        %add3A_574 = arith.addi %mul3A_572, %add3A_573 : i32
        %swap3A_575 = arith.index_cast %add3A_574 : i32 to index
        %swap3A_576 = arith.constant 64 : index
        %swap3A_577 = tpu.vector_load %arg23[%swap3A_575, %swap3A_576] {strides = array<i32>} : memref<32x128xf32, #tpu.memory_space<vmem>>, vector<16xf32>,
        tpu.vector_store %arg23[%swap3A_575, %swap3A_576], %add3A_570 {strides = array<i32>} : memref<32x128xf32, #tpu.memory_space<vmem>>, vector<16xf32>,
        %get3A_578 = arith.index_cast %add3A_528 : i32 to index
        %get3A_579 = arith.constant 16 : index
        %get3A_580 = tpu.vector_load %arg13[%get3A_578, %get3A_579] {strides = array<i32>} : memref<128x128xf32, #tpu.memory_space<vmem>>, vector<16xf32>,
        %mul3A_581 = arith.constant 1.000000e+01 : f32
        %mul3A_582 = vector.broadcast %mul3A_581 : f32 to vector<16xf32>
        %mul3A_583 = arith.mulf %get3A_580, %mul3A_582 : vector<16xf32>
        %slice3A_584 = vector.extract_strided_slice %get3A_310 {offsets = [2], sizes = [1], strides = [1]} : vector<16xf32> to vector<1xf32>
        %squeeze3A_585 = vector.extract %slice3A_584[0] : f32 from vector<1xf32>
        %get3A_586 = arith.constant 0 : i32
        %get3A_587 = arith.index_cast %get3A_586 : i32 to index
        %get3A_588 = arith.constant 16 : index
        %get3A_589 = tpu.vector_load %arg24[%get3A_587, %get3A_588] {strides = array<i32>} : memref<4x128xf32, #tpu.memory_space<vmem>>, vector<16xf32>,
        %mul3A_590 = vector.broadcast %squeeze3A_585 : f32 to vector<16xf32>
        %mul3A_591 = arith.mulf %mul3A_590, %get3A_589 : vector<16xf32>
        %add3A_592 = arith.addf %mul3A_583, %mul3A_591 : vector<16xf32>
        %slice3A_593 = vector.extract_strided_slice %get3A_314 {offsets = [2], sizes = [1], strides = [1]} : vector<16xf32> to vector<1xf32>
        %squeeze3A_594 = vector.extract %slice3A_593[0] : f32 from vector<1xf32>
        %get3A_595 = arith.constant 1 : i32
        %get3A_596 = arith.index_cast %get3A_595 : i32 to index
        %get3A_597 = arith.constant 16 : index
        %get3A_598 = tpu.vector_load %arg24[%get3A_596, %get3A_597] {strides = array<i32>} : memref<4x128xf32, #tpu.memory_space<vmem>>, vector<16xf32>,
        %mul3A_599 = vector.broadcast %squeeze3A_594 : f32 to vector<16xf32>
        %mul3A_600 = arith.mulf %mul3A_599, %get3A_598 : vector<16xf32>
        %add3A_601 = arith.addf %add3A_592, %mul3A_600 : vector<16xf32>
        %slice3A_602 = vector.extract_strided_slice %get3A_318 {offsets = [2], sizes = [1], strides = [1]} : vector<16xf32> to vector<1xf32>
        %squeeze3A_603 = vector.extract %slice3A_602[0] : f32 from vector<1xf32>
        %get3A_604 = arith.constant 2 : i32
        %get3A_605 = arith.index_cast %get3A_604 : i32 to index
        %get3A_606 = arith.constant 16 : index
        %get3A_607 = tpu.vector_load %arg24[%get3A_605, %get3A_606] {strides = array<i32>} : memref<4x128xf32, #tpu.memory_space<vmem>>, vector<16xf32>,
        %mul3A_608 = vector.broadcast %squeeze3A_603 : f32 to vector<16xf32>
        %mul3A_609 = arith.mulf %mul3A_608, %get3A_607 : vector<16xf32>
        %add3A_610 = arith.addf %add3A_601, %mul3A_609 : vector<16xf32>
        %slice3A_611 = vector.extract_strided_slice %get3A_322 {offsets = [2], sizes = [1], strides = [1]} : vector<16xf32> to vector<1xf32>
        %squeeze3A_612 = vector.extract %slice3A_611[0] : f32 from vector<1xf32>
        %get3A_613 = arith.constant 3 : i32
        %get3A_614 = arith.index_cast %get3A_613 : i32 to index
        %get3A_615 = arith.constant 16 : index
        %get3A_616 = tpu.vector_load %arg24[%get3A_614, %get3A_615] {strides = array<i32>} : memref<4x128xf32, #tpu.memory_space<vmem>>, vector<16xf32>,
        %mul3A_617 = vector.broadcast %squeeze3A_612 : f32 to vector<16xf32>
        %mul3A_618 = arith.mulf %mul3A_617, %get3A_616 : vector<16xf32>
        %add3A_619 = arith.addf %add3A_610, %mul3A_618 : vector<16xf32>
        %mul3A_620 = arith.constant 4 : i32
        %mul3A_621 = arith.muli %mul3A_620, %scan3A_305 : i32
        %add3A_622 = arith.constant 0 : i32
        %add3A_623 = arith.addi %mul3A_621, %add3A_622 : i32
        %swap3A_624 = arith.index_cast %add3A_623 : i32 to index
        %swap3A_625 = arith.constant 80 : index
        %swap3A_626 = tpu.vector_load %arg23[%swap3A_624, %swap3A_625] {strides = array<i32>} : memref<32x128xf32, #tpu.memory_space<vmem>>, vector<16xf32>,
        tpu.vector_store %arg23[%swap3A_624, %swap3A_625], %add3A_619 {strides = array<i32>} : memref<32x128xf32, #tpu.memory_space<vmem>>, vector<16xf32>,
        %mul3A_627 = arith.constant 16 : i32
        %mul3A_628 = arith.muli %scan3A_305, %mul3A_627 : i32
        %add3A_629 = arith.constant 3 : i32
        %add3A_630 = arith.addi %mul3A_628, %add3A_629 : i32
        %get3A_631 = arith.index_cast %add3A_630 : i32 to index
        %get3A_632 = arith.constant 0 : index
        %get3A_633 = tpu.vector_load %arg13[%get3A_631, %get3A_632] {strides = array<i32>} : memref<128x128xf32, #tpu.memory_space<vmem>>, vector<16xf32>,
        %mul3A_634 = arith.constant 1.000000e+01 : f32
        %mul3A_635 = vector.broadcast %mul3A_634 : f32 to vector<16xf32>
        %mul3A_636 = arith.mulf %get3A_633, %mul3A_635 : vector<16xf32>
        %slice3A_637 = vector.extract_strided_slice %get3A_310 {offsets = [3], sizes = [1], strides = [1]} : vector<16xf32> to vector<1xf32>
        %squeeze3A_638 = vector.extract %slice3A_637[0] : f32 from vector<1xf32>
        %get3A_639 = arith.constant 0 : i32
        %get3A_640 = arith.index_cast %get3A_639 : i32 to index
        %get3A_641 = arith.constant 0 : index
        %get3A_642 = tpu.vector_load %arg24[%get3A_640, %get3A_641] {strides = array<i32>} : memref<4x128xf32, #tpu.memory_space<vmem>>, vector<16xf32>,
        %mul3A_643 = vector.broadcast %squeeze3A_638 : f32 to vector<16xf32>
        %mul3A_644 = arith.mulf %mul3A_643, %get3A_642 : vector<16xf32>
        %add3A_645 = arith.addf %mul3A_636, %mul3A_644 : vector<16xf32>
        %slice3A_646 = vector.extract_strided_slice %get3A_314 {offsets = [3], sizes = [1], strides = [1]} : vector<16xf32> to vector<1xf32>
        %squeeze3A_647 = vector.extract %slice3A_646[0] : f32 from vector<1xf32>
        %get3A_648 = arith.constant 1 : i32
        %get3A_649 = arith.index_cast %get3A_648 : i32 to index
        %get3A_650 = arith.constant 0 : index
        %get3A_651 = tpu.vector_load %arg24[%get3A_649, %get3A_650] {strides = array<i32>} : memref<4x128xf32, #tpu.memory_space<vmem>>, vector<16xf32>,
        %mul3A_652 = vector.broadcast %squeeze3A_647 : f32 to vector<16xf32>
        %mul3A_653 = arith.mulf %mul3A_652, %get3A_651 : vector<16xf32>
        %add3A_654 = arith.addf %add3A_645, %mul3A_653 : vector<16xf32>
        %slice3A_655 = vector.extract_strided_slice %get3A_318 {offsets = [3], sizes = [1], strides = [1]} : vector<16xf32> to vector<1xf32>
        %squeeze3A_656 = vector.extract %slice3A_655[0] : f32 from vector<1xf32>
        %get3A_657 = arith.constant 2 : i32
        %get3A_658 = arith.index_cast %get3A_657 : i32 to index
        %get3A_659 = arith.constant 0 : index
        %get3A_660 = tpu.vector_load %arg24[%get3A_658, %get3A_659] {strides = array<i32>} : memref<4x128xf32, #tpu.memory_space<vmem>>, vector<16xf32>,
        %mul3A_661 = vector.broadcast %squeeze3A_656 : f32 to vector<16xf32>
        %mul3A_662 = arith.mulf %mul3A_661, %get3A_660 : vector<16xf32>
        %add3A_663 = arith.addf %add3A_654, %mul3A_662 : vector<16xf32>
        %slice3A_664 = vector.extract_strided_slice %get3A_322 {offsets = [3], sizes = [1], strides = [1]} : vector<16xf32> to vector<1xf32>
        %squeeze3A_665 = vector.extract %slice3A_664[0] : f32 from vector<1xf32>
        %get3A_666 = arith.constant 3 : i32
        %get3A_667 = arith.index_cast %get3A_666 : i32 to index
        %get3A_668 = arith.constant 0 : index
        %get3A_669 = tpu.vector_load %arg24[%get3A_667, %get3A_668] {strides = array<i32>} : memref<4x128xf32, #tpu.memory_space<vmem>>, vector<16xf32>,
        %mul3A_670 = vector.broadcast %squeeze3A_665 : f32 to vector<16xf32>
        %mul3A_671 = arith.mulf %mul3A_670, %get3A_669 : vector<16xf32>
        %add3A_672 = arith.addf %add3A_663, %mul3A_671 : vector<16xf32>
        %mul3A_673 = arith.constant 4 : i32
        %mul3A_674 = arith.muli %mul3A_673, %scan3A_305 : i32
        %add3A_675 = arith.constant 0 : i32
        %add3A_676 = arith.addi %mul3A_674, %add3A_675 : i32
        %swap3A_677 = arith.index_cast %add3A_676 : i32 to index
        %swap3A_678 = arith.constant 96 : index
        %swap3A_679 = tpu.vector_load %arg23[%swap3A_677, %swap3A_678] {strides = array<i32>} : memref<32x128xf32, #tpu.memory_space<vmem>>, vector<16xf32>,
        tpu.vector_store %arg23[%swap3A_677, %swap3A_678], %add3A_672 {strides = array<i32>} : memref<32x128xf32, #tpu.memory_space<vmem>>, vector<16xf32>,
        %get3A_680 = arith.index_cast %add3A_630 : i32 to index
        %get3A_681 = arith.constant 16 : index
        %get3A_682 = tpu.vector_load %arg13[%get3A_680, %get3A_681] {strides = array<i32>} : memref<128x128xf32, #tpu.memory_space<vmem>>, vector<16xf32>,
        %mul3A_683 = arith.constant 1.000000e+01 : f32
        %mul3A_684 = vector.broadcast %mul3A_683 : f32 to vector<16xf32>
        %mul3A_685 = arith.mulf %get3A_682, %mul3A_684 : vector<16xf32>
        %slice3A_686 = vector.extract_strided_slice %get3A_310 {offsets = [3], sizes = [1], strides = [1]} : vector<16xf32> to vector<1xf32>
        %squeeze3A_687 = vector.extract %slice3A_686[0] : f32 from vector<1xf32>
        %get3A_688 = arith.constant 0 : i32
        %get3A_689 = arith.index_cast %get3A_688 : i32 to index
        %get3A_690 = arith.constant 16 : index
        %get3A_691 = tpu.vector_load %arg24[%get3A_689, %get3A_690] {strides = array<i32>} : memref<4x128xf32, #tpu.memory_space<vmem>>, vector<16xf32>,
        %mul3A_692 = vector.broadcast %squeeze3A_687 : f32 to vector<16xf32>
        %mul3A_693 = arith.mulf %mul3A_692, %get3A_691 : vector<16xf32>
        %add3A_694 = arith.addf %mul3A_685, %mul3A_693 : vector<16xf32>
        %slice3A_695 = vector.extract_strided_slice %get3A_314 {offsets = [3], sizes = [1], strides = [1]} : vector<16xf32> to vector<1xf32>
        %squeeze3A_696 = vector.extract %slice3A_695[0] : f32 from vector<1xf32>
        %get3A_697 = arith.constant 1 : i32
        %get3A_698 = arith.index_cast %get3A_697 : i32 to index
        %get3A_699 = arith.constant 16 : index
        %get3A_700 = tpu.vector_load %arg24[%get3A_698, %get3A_699] {strides = array<i32>} : memref<4x128xf32, #tpu.memory_space<vmem>>, vector<16xf32>,
        %mul3A_701 = vector.broadcast %squeeze3A_696 : f32 to vector<16xf32>
        %mul3A_702 = arith.mulf %mul3A_701, %get3A_700 : vector<16xf32>
        %add3A_703 = arith.addf %add3A_694, %mul3A_702 : vector<16xf32>
        %slice3A_704 = vector.extract_strided_slice %get3A_318 {offsets = [3], sizes = [1], strides = [1]} : vector<16xf32> to vector<1xf32>
        %squeeze3A_705 = vector.extract %slice3A_704[0] : f32 from vector<1xf32>
        %get3A_706 = arith.constant 2 : i32
        %get3A_707 = arith.index_cast %get3A_706 : i32 to index
        %get3A_708 = arith.constant 16 : index
        %get3A_709 = tpu.vector_load %arg24[%get3A_707, %get3A_708] {strides = array<i32>} : memref<4x128xf32, #tpu.memory_space<vmem>>, vector<16xf32>,
        %mul3A_710 = vector.broadcast %squeeze3A_705 : f32 to vector<16xf32>
        %mul3A_711 = arith.mulf %mul3A_710, %get3A_709 : vector<16xf32>
        %add3A_712 = arith.addf %add3A_703, %mul3A_711 : vector<16xf32>
        %slice3A_713 = vector.extract_strided_slice %get3A_322 {offsets = [3], sizes = [1], strides = [1]} : vector<16xf32> to vector<1xf32>
        %squeeze3A_714 = vector.extract %slice3A_713[0] : f32 from vector<1xf32>
        %get3A_715 = arith.constant 3 : i32
        %get3A_716 = arith.index_cast %get3A_715 : i32 to index
        %get3A_717 = arith.constant 16 : index
        %get3A_718 = tpu.vector_load %arg24[%get3A_716, %get3A_717] {strides = array<i32>} : memref<4x128xf32, #tpu.memory_space<vmem>>, vector<16xf32>,
        %mul3A_719 = vector.broadcast %squeeze3A_714 : f32 to vector<16xf32>
        %mul3A_720 = arith.mulf %mul3A_719, %get3A_718 : vector<16xf32>
        %add3A_721 = arith.addf %add3A_712, %mul3A_720 : vector<16xf32>
        %mul3A_722 = arith.constant 4 : i32
        %mul3A_723 = arith.muli %mul3A_722, %scan3A_305 : i32
        %add3A_724 = arith.constant 0 : i32
        %add3A_725 = arith.addi %mul3A_723, %add3A_724 : i32
        %swap3A_726 = arith.index_cast %add3A_725 : i32 to index
        %swap3A_727 = arith.constant 112 : index
        %swap3A_728 = tpu.vector_load %arg23[%swap3A_726, %swap3A_727] {strides = array<i32>} : memref<32x128xf32, #tpu.memory_space<vmem>>, vector<16xf32>,
        tpu.vector_store %arg23[%swap3A_726, %swap3A_727], %add3A_721 {strides = array<i32>} : memref<32x128xf32, #tpu.memory_space<vmem>>, vector<16xf32>,
        %mul3A_729 = arith.constant 16 : i32
        %mul3A_730 = arith.muli %scan3A_305, %mul3A_729 : i32
        %add3A_731 = arith.constant 4 : i32
        %add3A_732 = arith.addi %mul3A_730, %add3A_731 : i32
        %get3A_733 = arith.index_cast %add3A_732 : i32 to index
        %get3A_734 = arith.constant 0 : index
        %get3A_735 = tpu.vector_load %arg13[%get3A_733, %get3A_734] {strides = array<i32>} : memref<128x128xf32, #tpu.memory_space<vmem>>, vector<16xf32>,
        %mul3A_736 = arith.constant 1.000000e+01 : f32
        %mul3A_737 = vector.broadcast %mul3A_736 : f32 to vector<16xf32>
        %mul3A_738 = arith.mulf %get3A_735, %mul3A_737 : vector<16xf32>
        %slice3A_739 = vector.extract_strided_slice %get3A_310 {offsets = [4], sizes = [1], strides = [1]} : vector<16xf32> to vector<1xf32>
        %squeeze3A_740 = vector.extract %slice3A_739[0] : f32 from vector<1xf32>
        %get3A_741 = arith.constant 0 : i32
        %get3A_742 = arith.index_cast %get3A_741 : i32 to index
        %get3A_743 = arith.constant 0 : index
        %get3A_744 = tpu.vector_load %arg24[%get3A_742, %get3A_743] {strides = array<i32>} : memref<4x128xf32, #tpu.memory_space<vmem>>, vector<16xf32>,
        %mul3A_745 = vector.broadcast %squeeze3A_740 : f32 to vector<16xf32>
        %mul3A_746 = arith.mulf %mul3A_745, %get3A_744 : vector<16xf32>
        %add3A_747 = arith.addf %mul3A_738, %mul3A_746 : vector<16xf32>
        %slice3A_748 = vector.extract_strided_slice %get3A_314 {offsets = [4], sizes = [1], strides = [1]} : vector<16xf32> to vector<1xf32>
        %squeeze3A_749 = vector.extract %slice3A_748[0] : f32 from vector<1xf32>
        %get3A_750 = arith.constant 1 : i32
        %get3A_751 = arith.index_cast %get3A_750 : i32 to index
        %get3A_752 = arith.constant 0 : index
        %get3A_753 = tpu.vector_load %arg24[%get3A_751, %get3A_752] {strides = array<i32>} : memref<4x128xf32, #tpu.memory_space<vmem>>, vector<16xf32>,
        %mul3A_754 = vector.broadcast %squeeze3A_749 : f32 to vector<16xf32>
        %mul3A_755 = arith.mulf %mul3A_754, %get3A_753 : vector<16xf32>
        %add3A_756 = arith.addf %add3A_747, %mul3A_755 : vector<16xf32>
        %slice3A_757 = vector.extract_strided_slice %get3A_318 {offsets = [4], sizes = [1], strides = [1]} : vector<16xf32> to vector<1xf32>
        %squeeze3A_758 = vector.extract %slice3A_757[0] : f32 from vector<1xf32>
        %get3A_759 = arith.constant 2 : i32
        %get3A_760 = arith.index_cast %get3A_759 : i32 to index
        %get3A_761 = arith.constant 0 : index
        %get3A_762 = tpu.vector_load %arg24[%get3A_760, %get3A_761] {strides = array<i32>} : memref<4x128xf32, #tpu.memory_space<vmem>>, vector<16xf32>,
        %mul3A_763 = vector.broadcast %squeeze3A_758 : f32 to vector<16xf32>
        %mul3A_764 = arith.mulf %mul3A_763, %get3A_762 : vector<16xf32>
        %add3A_765 = arith.addf %add3A_756, %mul3A_764 : vector<16xf32>
        %slice3A_766 = vector.extract_strided_slice %get3A_322 {offsets = [4], sizes = [1], strides = [1]} : vector<16xf32> to vector<1xf32>
        %squeeze3A_767 = vector.extract %slice3A_766[0] : f32 from vector<1xf32>
        %get3A_768 = arith.constant 3 : i32
        %get3A_769 = arith.index_cast %get3A_768 : i32 to index
        %get3A_770 = arith.constant 0 : index
        %get3A_771 = tpu.vector_load %arg24[%get3A_769, %get3A_770] {strides = array<i32>} : memref<4x128xf32, #tpu.memory_space<vmem>>, vector<16xf32>,
        %mul3A_772 = vector.broadcast %squeeze3A_767 : f32 to vector<16xf32>
        %mul3A_773 = arith.mulf %mul3A_772, %get3A_771 : vector<16xf32>
        %add3A_774 = arith.addf %add3A_765, %mul3A_773 : vector<16xf32>
        %mul3A_775 = arith.constant 4 : i32
        %mul3A_776 = arith.muli %mul3A_775, %scan3A_305 : i32
        %add3A_777 = arith.constant 1 : i32
        %add3A_778 = arith.addi %mul3A_776, %add3A_777 : i32
        %swap3A_779 = arith.index_cast %add3A_778 : i32 to index
        %swap3A_780 = arith.constant 0 : index
        %swap3A_781 = tpu.vector_load %arg23[%swap3A_779, %swap3A_780] {strides = array<i32>} : memref<32x128xf32, #tpu.memory_space<vmem>>, vector<16xf32>,
        tpu.vector_store %arg23[%swap3A_779, %swap3A_780], %add3A_774 {strides = array<i32>} : memref<32x128xf32, #tpu.memory_space<vmem>>, vector<16xf32>,
        %get3A_782 = arith.index_cast %add3A_732 : i32 to index
        %get3A_783 = arith.constant 16 : index
        %get3A_784 = tpu.vector_load %arg13[%get3A_782, %get3A_783] {strides = array<i32>} : memref<128x128xf32, #tpu.memory_space<vmem>>, vector<16xf32>,
        %mul3A_785 = arith.constant 1.000000e+01 : f32
        %mul3A_786 = vector.broadcast %mul3A_785 : f32 to vector<16xf32>
        %mul3A_787 = arith.mulf %get3A_784, %mul3A_786 : vector<16xf32>
        %slice3A_788 = vector.extract_strided_slice %get3A_310 {offsets = [4], sizes = [1], strides = [1]} : vector<16xf32> to vector<1xf32>
        %squeeze3A_789 = vector.extract %slice3A_788[0] : f32 from vector<1xf32>
        %get3A_790 = arith.constant 0 : i32
        %get3A_791 = arith.index_cast %get3A_790 : i32 to index
        %get3A_792 = arith.constant 16 : index
        %get3A_793 = tpu.vector_load %arg24[%get3A_791, %get3A_792] {strides = array<i32>} : memref<4x128xf32, #tpu.memory_space<vmem>>, vector<16xf32>,
        %mul3A_794 = vector.broadcast %squeeze3A_789 : f32 to vector<16xf32>
        %mul3A_795 = arith.mulf %mul3A_794, %get3A_793 : vector<16xf32>
        %add3A_796 = arith.addf %mul3A_787, %mul3A_795 : vector<16xf32>
        %slice3A_797 = vector.extract_strided_slice %get3A_314 {offsets = [4], sizes = [1], strides = [1]} : vector<16xf32> to vector<1xf32>
        %squeeze3A_798 = vector.extract %slice3A_797[0] : f32 from vector<1xf32>
        %get3A_799 = arith.constant 1 : i32
        %get3A_800 = arith.index_cast %get3A_799 : i32 to index
        %get3A_801 = arith.constant 16 : index
        %get3A_802 = tpu.vector_load %arg24[%get3A_800, %get3A_801] {strides = array<i32>} : memref<4x128xf32, #tpu.memory_space<vmem>>, vector<16xf32>,
        %mul3A_803 = vector.broadcast %squeeze3A_798 : f32 to vector<16xf32>
        %mul3A_804 = arith.mulf %mul3A_803, %get3A_802 : vector<16xf32>
        %add3A_805 = arith.addf %add3A_796, %mul3A_804 : vector<16xf32>
        %slice3A_806 = vector.extract_strided_slice %get3A_318 {offsets = [4], sizes = [1], strides = [1]} : vector<16xf32> to vector<1xf32>
        %squeeze3A_807 = vector.extract %slice3A_806[0] : f32 from vector<1xf32>
        %get3A_808 = arith.constant 2 : i32
        %get3A_809 = arith.index_cast %get3A_808 : i32 to index
        %get3A_810 = arith.constant 16 : index
        %get3A_811 = tpu.vector_load %arg24[%get3A_809, %get3A_810] {strides = array<i32>} : memref<4x128xf32, #tpu.memory_space<vmem>>, vector<16xf32>,
        %mul3A_812 = vector.broadcast %squeeze3A_807 : f32 to vector<16xf32>
        %mul3A_813 = arith.mulf %mul3A_812, %get3A_811 : vector<16xf32>
        %add3A_814 = arith.addf %add3A_805, %mul3A_813 : vector<16xf32>
        %slice3A_815 = vector.extract_strided_slice %get3A_322 {offsets = [4], sizes = [1], strides = [1]} : vector<16xf32> to vector<1xf32>
        %squeeze3A_816 = vector.extract %slice3A_815[0] : f32 from vector<1xf32>
        %get3A_817 = arith.constant 3 : i32
        %get3A_818 = arith.index_cast %get3A_817 : i32 to index
        %get3A_819 = arith.constant 16 : index
        %get3A_820 = tpu.vector_load %arg24[%get3A_818, %get3A_819] {strides = array<i32>} : memref<4x128xf32, #tpu.memory_space<vmem>>, vector<16xf32>,
        %mul3A_821 = vector.broadcast %squeeze3A_816 : f32 to vector<16xf32>
        %mul3A_822 = arith.mulf %mul3A_821, %get3A_820 : vector<16xf32>
        %add3A_823 = arith.addf %add3A_814, %mul3A_822 : vector<16xf32>
        %mul3A_824 = arith.constant 4 : i32
        %mul3A_825 = arith.muli %mul3A_824, %scan3A_305 : i32
        %add3A_826 = arith.constant 1 : i32
        %add3A_827 = arith.addi %mul3A_825, %add3A_826 : i32
        %swap3A_828 = arith.index_cast %add3A_827 : i32 to index
        %swap3A_829 = arith.constant 16 : index
        %swap3A_830 = tpu.vector_load %arg23[%swap3A_828, %swap3A_829] {strides = array<i32>} : memref<32x128xf32, #tpu.memory_space<vmem>>, vector<16xf32>,
        tpu.vector_store %arg23[%swap3A_828, %swap3A_829], %add3A_823 {strides = array<i32>} : memref<32x128xf32, #tpu.memory_space<vmem>>, vector<16xf32>,
        %mul3A_831 = arith.constant 16 : i32
        %mul3A_832 = arith.muli %scan3A_305, %mul3A_831 : i32
        %add3A_833 = arith.constant 5 : i32
        %add3A_834 = arith.addi %mul3A_832, %add3A_833 : i32
        %get3A_835 = arith.index_cast %add3A_834 : i32 to index
        %get3A_836 = arith.constant 0 : index
        %get3A_837 = tpu.vector_load %arg13[%get3A_835, %get3A_836] {strides = array<i32>} : memref<128x128xf32, #tpu.memory_space<vmem>>, vector<16xf32>,
        %mul3A_838 = arith.constant 1.000000e+01 : f32
        %mul3A_839 = vector.broadcast %mul3A_838 : f32 to vector<16xf32>
        %mul3A_840 = arith.mulf %get3A_837, %mul3A_839 : vector<16xf32>
        %slice3A_841 = vector.extract_strided_slice %get3A_310 {offsets = [5], sizes = [1], strides = [1]} : vector<16xf32> to vector<1xf32>
        %squeeze3A_842 = vector.extract %slice3A_841[0] : f32 from vector<1xf32>
        %get3A_843 = arith.constant 0 : i32
        %get3A_844 = arith.index_cast %get3A_843 : i32 to index
        %get3A_845 = arith.constant 0 : index
        %get3A_846 = tpu.vector_load %arg24[%get3A_844, %get3A_845] {strides = array<i32>} : memref<4x128xf32, #tpu.memory_space<vmem>>, vector<16xf32>,
        %mul3A_847 = vector.broadcast %squeeze3A_842 : f32 to vector<16xf32>
        %mul3A_848 = arith.mulf %mul3A_847, %get3A_846 : vector<16xf32>
        %add3A_849 = arith.addf %mul3A_840, %mul3A_848 : vector<16xf32>
        %slice3A_850 = vector.extract_strided_slice %get3A_314 {offsets = [5], sizes = [1], strides = [1]} : vector<16xf32> to vector<1xf32>
        %squeeze3A_851 = vector.extract %slice3A_850[0] : f32 from vector<1xf32>
        %get3A_852 = arith.constant 1 : i32
        %get3A_853 = arith.index_cast %get3A_852 : i32 to index
        %get3A_854 = arith.constant 0 : index
        %get3A_855 = tpu.vector_load %arg24[%get3A_853, %get3A_854] {strides = array<i32>} : memref<4x128xf32, #tpu.memory_space<vmem>>, vector<16xf32>,
        %mul3A_856 = vector.broadcast %squeeze3A_851 : f32 to vector<16xf32>
        %mul3A_857 = arith.mulf %mul3A_856, %get3A_855 : vector<16xf32>
        %add3A_858 = arith.addf %add3A_849, %mul3A_857 : vector<16xf32>
        %slice3A_859 = vector.extract_strided_slice %get3A_318 {offsets = [5], sizes = [1], strides = [1]} : vector<16xf32> to vector<1xf32>
        %squeeze3A_860 = vector.extract %slice3A_859[0] : f32 from vector<1xf32>
        %get3A_861 = arith.constant 2 : i32
        %get3A_862 = arith.index_cast %get3A_861 : i32 to index
        %get3A_863 = arith.constant 0 : index
        %get3A_864 = tpu.vector_load %arg24[%get3A_862, %get3A_863] {strides = array<i32>} : memref<4x128xf32, #tpu.memory_space<vmem>>, vector<16xf32>,
        %mul3A_865 = vector.broadcast %squeeze3A_860 : f32 to vector<16xf32>
        %mul3A_866 = arith.mulf %mul3A_865, %get3A_864 : vector<16xf32>
        %add3A_867 = arith.addf %add3A_858, %mul3A_866 : vector<16xf32>
        %slice3A_868 = vector.extract_strided_slice %get3A_322 {offsets = [5], sizes = [1], strides = [1]} : vector<16xf32> to vector<1xf32>
        %squeeze3A_869 = vector.extract %slice3A_868[0] : f32 from vector<1xf32>
        %get3A_870 = arith.constant 3 : i32
        %get3A_871 = arith.index_cast %get3A_870 : i32 to index
        %get3A_872 = arith.constant 0 : index
        %get3A_873 = tpu.vector_load %arg24[%get3A_871, %get3A_872] {strides = array<i32>} : memref<4x128xf32, #tpu.memory_space<vmem>>, vector<16xf32>,
        %mul3A_874 = vector.broadcast %squeeze3A_869 : f32 to vector<16xf32>
        %mul3A_875 = arith.mulf %mul3A_874, %get3A_873 : vector<16xf32>
        %add3A_876 = arith.addf %add3A_867, %mul3A_875 : vector<16xf32>
        %mul3A_877 = arith.constant 4 : i32
        %mul3A_878 = arith.muli %mul3A_877, %scan3A_305 : i32
        %add3A_879 = arith.constant 1 : i32
        %add3A_880 = arith.addi %mul3A_878, %add3A_879 : i32
        %swap3A_881 = arith.index_cast %add3A_880 : i32 to index
        %swap3A_882 = arith.constant 32 : index
        %swap3A_883 = tpu.vector_load %arg23[%swap3A_881, %swap3A_882] {strides = array<i32>} : memref<32x128xf32, #tpu.memory_space<vmem>>, vector<16xf32>,
        tpu.vector_store %arg23[%swap3A_881, %swap3A_882], %add3A_876 {strides = array<i32>} : memref<32x128xf32, #tpu.memory_space<vmem>>, vector<16xf32>,
        %get3A_884 = arith.index_cast %add3A_834 : i32 to index
        %get3A_885 = arith.constant 16 : index
        %get3A_886 = tpu.vector_load %arg13[%get3A_884, %get3A_885] {strides = array<i32>} : memref<128x128xf32, #tpu.memory_space<vmem>>, vector<16xf32>,
        %mul3A_887 = arith.constant 1.000000e+01 : f32
        %mul3A_888 = vector.broadcast %mul3A_887 : f32 to vector<16xf32>
        %mul3A_889 = arith.mulf %get3A_886, %mul3A_888 : vector<16xf32>
        %slice3A_890 = vector.extract_strided_slice %get3A_310 {offsets = [5], sizes = [1], strides = [1]} : vector<16xf32> to vector<1xf32>
        %squeeze3A_891 = vector.extract %slice3A_890[0] : f32 from vector<1xf32>
        %get3A_892 = arith.constant 0 : i32
        %get3A_893 = arith.index_cast %get3A_892 : i32 to index
        %get3A_894 = arith.constant 16 : index
        %get3A_895 = tpu.vector_load %arg24[%get3A_893, %get3A_894] {strides = array<i32>} : memref<4x128xf32, #tpu.memory_space<vmem>>, vector<16xf32>,
        %mul3A_896 = vector.broadcast %squeeze3A_891 : f32 to vector<16xf32>
        %mul3A_897 = arith.mulf %mul3A_896, %get3A_895 : vector<16xf32>
        %add3A_898 = arith.addf %mul3A_889, %mul3A_897 : vector<16xf32>
        %slice3A_899 = vector.extract_strided_slice %get3A_314 {offsets = [5], sizes = [1], strides = [1]} : vector<16xf32> to vector<1xf32>
        %squeeze3A_900 = vector.extract %slice3A_899[0] : f32 from vector<1xf32>
        %get3A_901 = arith.constant 1 : i32
        %get3A_902 = arith.index_cast %get3A_901 : i32 to index
        %get3A_903 = arith.constant 16 : index
        %get3A_904 = tpu.vector_load %arg24[%get3A_902, %get3A_903] {strides = array<i32>} : memref<4x128xf32, #tpu.memory_space<vmem>>, vector<16xf32>,
        %mul3A_905 = vector.broadcast %squeeze3A_900 : f32 to vector<16xf32>
        %mul3A_906 = arith.mulf %mul3A_905, %get3A_904 : vector<16xf32>
        %add3A_907 = arith.addf %add3A_898, %mul3A_906 : vector<16xf32>
        %slice3A_908 = vector.extract_strided_slice %get3A_318 {offsets = [5], sizes = [1], strides = [1]} : vector<16xf32> to vector<1xf32>
        %squeeze3A_909 = vector.extract %slice3A_908[0] : f32 from vector<1xf32>
        %get3A_910 = arith.constant 2 : i32
        %get3A_911 = arith.index_cast %get3A_910 : i32 to index
        %get3A_912 = arith.constant 16 : index
        %get3A_913 = tpu.vector_load %arg24[%get3A_911, %get3A_912] {strides = array<i32>} : memref<4x128xf32, #tpu.memory_space<vmem>>, vector<16xf32>,
        %mul3A_914 = vector.broadcast %squeeze3A_909 : f32 to vector<16xf32>
        %mul3A_915 = arith.mulf %mul3A_914, %get3A_913 : vector<16xf32>
        %add3A_916 = arith.addf %add3A_907, %mul3A_915 : vector<16xf32>
        %slice3A_917 = vector.extract_strided_slice %get3A_322 {offsets = [5], sizes = [1], strides = [1]} : vector<16xf32> to vector<1xf32>
        %squeeze3A_918 = vector.extract %slice3A_917[0] : f32 from vector<1xf32>
        %get3A_919 = arith.constant 3 : i32
        %get3A_920 = arith.index_cast %get3A_919 : i32 to index
        %get3A_921 = arith.constant 16 : index
        %get3A_922 = tpu.vector_load %arg24[%get3A_920, %get3A_921] {strides = array<i32>} : memref<4x128xf32, #tpu.memory_space<vmem>>, vector<16xf32>,
        %mul3A_923 = vector.broadcast %squeeze3A_918 : f32 to vector<16xf32>
        %mul3A_924 = arith.mulf %mul3A_923, %get3A_922 : vector<16xf32>
        %add3A_925 = arith.addf %add3A_916, %mul3A_924 : vector<16xf32>
        %mul3A_926 = arith.constant 4 : i32
        %mul3A_927 = arith.muli %mul3A_926, %scan3A_305 : i32
        %add3A_928 = arith.constant 1 : i32
        %add3A_929 = arith.addi %mul3A_927, %add3A_928 : i32
        %swap3A_930 = arith.index_cast %add3A_929 : i32 to index
        %swap3A_931 = arith.constant 48 : index
        %swap3A_932 = tpu.vector_load %arg23[%swap3A_930, %swap3A_931] {strides = array<i32>} : memref<32x128xf32, #tpu.memory_space<vmem>>, vector<16xf32>,
        tpu.vector_store %arg23[%swap3A_930, %swap3A_931], %add3A_925 {strides = array<i32>} : memref<32x128xf32, #tpu.memory_space<vmem>>, vector<16xf32>,
        %mul3A_933 = arith.constant 16 : i32
        %mul3A_934 = arith.muli %scan3A_305, %mul3A_933 : i32
        %add3A_935 = arith.constant 6 : i32
        %add3A_936 = arith.addi %mul3A_934, %add3A_935 : i32
        %get3A_937 = arith.index_cast %add3A_936 : i32 to index
        %get3A_938 = arith.constant 0 : index
        %get3A_939 = tpu.vector_load %arg13[%get3A_937, %get3A_938] {strides = array<i32>} : memref<128x128xf32, #tpu.memory_space<vmem>>, vector<16xf32>,
        %mul3A_940 = arith.constant 1.000000e+01 : f32
        %mul3A_941 = vector.broadcast %mul3A_940 : f32 to vector<16xf32>
        %mul3A_942 = arith.mulf %get3A_939, %mul3A_941 : vector<16xf32>
        %slice3A_943 = vector.extract_strided_slice %get3A_310 {offsets = [6], sizes = [1], strides = [1]} : vector<16xf32> to vector<1xf32>
        %squeeze3A_944 = vector.extract %slice3A_943[0] : f32 from vector<1xf32>
        %get3A_945 = arith.constant 0 : i32
        %get3A_946 = arith.index_cast %get3A_945 : i32 to index
        %get3A_947 = arith.constant 0 : index
        %get3A_948 = tpu.vector_load %arg24[%get3A_946, %get3A_947] {strides = array<i32>} : memref<4x128xf32, #tpu.memory_space<vmem>>, vector<16xf32>,
        %mul3A_949 = vector.broadcast %squeeze3A_944 : f32 to vector<16xf32>
        %mul3A_950 = arith.mulf %mul3A_949, %get3A_948 : vector<16xf32>
        %add3A_951 = arith.addf %mul3A_942, %mul3A_950 : vector<16xf32>
        %slice3A_952 = vector.extract_strided_slice %get3A_314 {offsets = [6], sizes = [1], strides = [1]} : vector<16xf32> to vector<1xf32>
        %squeeze3A_953 = vector.extract %slice3A_952[0] : f32 from vector<1xf32>
        %get3A_954 = arith.constant 1 : i32
        %get3A_955 = arith.index_cast %get3A_954 : i32 to index
        %get3A_956 = arith.constant 0 : index
        %get3A_957 = tpu.vector_load %arg24[%get3A_955, %get3A_956] {strides = array<i32>} : memref<4x128xf32, #tpu.memory_space<vmem>>, vector<16xf32>,
        %mul3A_958 = vector.broadcast %squeeze3A_953 : f32 to vector<16xf32>
        %mul3A_959 = arith.mulf %mul3A_958, %get3A_957 : vector<16xf32>
        %add3A_960 = arith.addf %add3A_951, %mul3A_959 : vector<16xf32>
        %slice3A_961 = vector.extract_strided_slice %get3A_318 {offsets = [6], sizes = [1], strides = [1]} : vector<16xf32> to vector<1xf32>
        %squeeze3A_962 = vector.extract %slice3A_961[0] : f32 from vector<1xf32>
        %get3A_963 = arith.constant 2 : i32
        %get3A_964 = arith.index_cast %get3A_963 : i32 to index
        %get3A_965 = arith.constant 0 : index
        %get3A_966 = tpu.vector_load %arg24[%get3A_964, %get3A_965] {strides = array<i32>} : memref<4x128xf32, #tpu.memory_space<vmem>>, vector<16xf32>,
        %mul3A_967 = vector.broadcast %squeeze3A_962 : f32 to vector<16xf32>
        %mul3A_968 = arith.mulf %mul3A_967, %get3A_966 : vector<16xf32>
        %add3A_969 = arith.addf %add3A_960, %mul3A_968 : vector<16xf32>
        %slice3A_970 = vector.extract_strided_slice %get3A_322 {offsets = [6], sizes = [1], strides = [1]} : vector<16xf32> to vector<1xf32>
        %squeeze3A_971 = vector.extract %slice3A_970[0] : f32 from vector<1xf32>
        %get3A_972 = arith.constant 3 : i32
        %get3A_973 = arith.index_cast %get3A_972 : i32 to index
        %get3A_974 = arith.constant 0 : index
        %get3A_975 = tpu.vector_load %arg24[%get3A_973, %get3A_974] {strides = array<i32>} : memref<4x128xf32, #tpu.memory_space<vmem>>, vector<16xf32>,
        %mul3A_976 = vector.broadcast %squeeze3A_971 : f32 to vector<16xf32>
        %mul3A_977 = arith.mulf %mul3A_976, %get3A_975 : vector<16xf32>
        %add3A_978 = arith.addf %add3A_969, %mul3A_977 : vector<16xf32>
        %mul3A_979 = arith.constant 4 : i32
        %mul3A_980 = arith.muli %mul3A_979, %scan3A_305 : i32
        %add3A_981 = arith.constant 1 : i32
        %add3A_982 = arith.addi %mul3A_980, %add3A_981 : i32
        %swap3A_983 = arith.index_cast %add3A_982 : i32 to index
        %swap3A_984 = arith.constant 64 : index
        %swap3A_985 = tpu.vector_load %arg23[%swap3A_983, %swap3A_984] {strides = array<i32>} : memref<32x128xf32, #tpu.memory_space<vmem>>, vector<16xf32>,
        tpu.vector_store %arg23[%swap3A_983, %swap3A_984], %add3A_978 {strides = array<i32>} : memref<32x128xf32, #tpu.memory_space<vmem>>, vector<16xf32>,
        %get3A_986 = arith.index_cast %add3A_936 : i32 to index
        %get3A_987 = arith.constant 16 : index
        %get3A_988 = tpu.vector_load %arg13[%get3A_986, %get3A_987] {strides = array<i32>} : memref<128x128xf32, #tpu.memory_space<vmem>>, vector<16xf32>,
        %mul3A_989 = arith.constant 1.000000e+01 : f32
        %mul3A_990 = vector.broadcast %mul3A_989 : f32 to vector<16xf32>
        %mul3A_991 = arith.mulf %get3A_988, %mul3A_990 : vector<16xf32>
        %slice3A_992 = vector.extract_strided_slice %get3A_310 {offsets = [6], sizes = [1], strides = [1]} : vector<16xf32> to vector<1xf32>
        %squeeze3A_993 = vector.extract %slice3A_992[0] : f32 from vector<1xf32>
        %get3A_994 = arith.constant 0 : i32
        %get3A_995 = arith.index_cast %get3A_994 : i32 to index
        %get3A_996 = arith.constant 16 : index
        %get3A_997 = tpu.vector_load %arg24[%get3A_995, %get3A_996] {strides = array<i32>} : memref<4x128xf32, #tpu.memory_space<vmem>>, vector<16xf32>,
        %mul3A_998 = vector.broadcast %squeeze3A_993 : f32 to vector<16xf32>
        %mul3A_999 = arith.mulf %mul3A_998, %get3A_997 : vector<16xf32>
        %add3A_1000 = arith.addf %mul3A_991, %mul3A_999 : vector<16xf32>
        %slice3A_1001 = vector.extract_strided_slice %get3A_314 {offsets = [6], sizes = [1], strides = [1]} : vector<16xf32> to vector<1xf32>
        %squeeze3A_1002 = vector.extract %slice3A_1001[0] : f32 from vector<1xf32>
        %get3A_1003 = arith.constant 1 : i32
        %get3A_1004 = arith.index_cast %get3A_1003 : i32 to index
        %get3A_1005 = arith.constant 16 : index
        %get3A_1006 = tpu.vector_load %arg24[%get3A_1004, %get3A_1005] {strides = array<i32>} : memref<4x128xf32, #tpu.memory_space<vmem>>, vector<16xf32>,
        %mul3A_1007 = vector.broadcast %squeeze3A_1002 : f32 to vector<16xf32>
        %mul3A_1008 = arith.mulf %mul3A_1007, %get3A_1006 : vector<16xf32>
        %add3A_1009 = arith.addf %add3A_1000, %mul3A_1008 : vector<16xf32>
        %slice3A_1010 = vector.extract_strided_slice %get3A_318 {offsets = [6], sizes = [1], strides = [1]} : vector<16xf32> to vector<1xf32>
        %squeeze3A_1011 = vector.extract %slice3A_1010[0] : f32 from vector<1xf32>
        %get3A_1012 = arith.constant 2 : i32
        %get3A_1013 = arith.index_cast %get3A_1012 : i32 to index
        %get3A_1014 = arith.constant 16 : index
        %get3A_1015 = tpu.vector_load %arg24[%get3A_1013, %get3A_1014] {strides = array<i32>} : memref<4x128xf32, #tpu.memory_space<vmem>>, vector<16xf32>,
        %mul3A_1016 = vector.broadcast %squeeze3A_1011 : f32 to vector<16xf32>
        %mul3A_1017 = arith.mulf %mul3A_1016, %get3A_1015 : vector<16xf32>
        %add3A_1018 = arith.addf %add3A_1009, %mul3A_1017 : vector<16xf32>
        %slice3A_1019 = vector.extract_strided_slice %get3A_322 {offsets = [6], sizes = [1], strides = [1]} : vector<16xf32> to vector<1xf32>
        %squeeze3A_1020 = vector.extract %slice3A_1019[0] : f32 from vector<1xf32>
        %get3A_1021 = arith.constant 3 : i32
        %get3A_1022 = arith.index_cast %get3A_1021 : i32 to index
        %get3A_1023 = arith.constant 16 : index
        %get3A_1024 = tpu.vector_load %arg24[%get3A_1022, %get3A_1023] {strides = array<i32>} : memref<4x128xf32, #tpu.memory_space<vmem>>, vector<16xf32>,
        %mul3A_1025 = vector.broadcast %squeeze3A_1020 : f32 to vector<16xf32>
        %mul3A_1026 = arith.mulf %mul3A_1025, %get3A_1024 : vector<16xf32>
        %add3A_1027 = arith.addf %add3A_1018, %mul3A_1026 : vector<16xf32>
        %mul3A_1028 = arith.constant 4 : i32
        %mul3A_1029 = arith.muli %mul3A_1028, %scan3A_305 : i32
        %add3A_1030 = arith.constant 1 : i32
        %add3A_1031 = arith.addi %mul3A_1029, %add3A_1030 : i32
        %swap3A_1032 = arith.index_cast %add3A_1031 : i32 to index
        %swap3A_1033 = arith.constant 80 : index
        %swap3A_1034 = tpu.vector_load %arg23[%swap3A_1032, %swap3A_1033] {strides = array<i32>} : memref<32x128xf32, #tpu.memory_space<vmem>>, vector<16xf32>,
        tpu.vector_store %arg23[%swap3A_1032, %swap3A_1033], %add3A_1027 {strides = array<i32>} : memref<32x128xf32, #tpu.memory_space<vmem>>, vector<16xf32>,
        %mul3A_1035 = arith.constant 16 : i32
        %mul3A_1036 = arith.muli %scan3A_305, %mul3A_1035 : i32
        %add3A_1037 = arith.constant 7 : i32
        %add3A_1038 = arith.addi %mul3A_1036, %add3A_1037 : i32
        %get3A_1039 = arith.index_cast %add3A_1038 : i32 to index
        %get3A_1040 = arith.constant 0 : index
        %get3A_1041 = tpu.vector_load %arg13[%get3A_1039, %get3A_1040] {strides = array<i32>} : memref<128x128xf32, #tpu.memory_space<vmem>>, vector<16xf32>,
        %mul3A_1042 = arith.constant 1.000000e+01 : f32
        %mul3A_1043 = vector.broadcast %mul3A_1042 : f32 to vector<16xf32>
        %mul3A_1044 = arith.mulf %get3A_1041, %mul3A_1043 : vector<16xf32>
        %slice3A_1045 = vector.extract_strided_slice %get3A_310 {offsets = [7], sizes = [1], strides = [1]} : vector<16xf32> to vector<1xf32>
        %squeeze3A_1046 = vector.extract %slice3A_1045[0] : f32 from vector<1xf32>
        %get3A_1047 = arith.constant 0 : i32
        %get3A_1048 = arith.index_cast %get3A_1047 : i32 to index
        %get3A_1049 = arith.constant 0 : index
        %get3A_1050 = tpu.vector_load %arg24[%get3A_1048, %get3A_1049] {strides = array<i32>} : memref<4x128xf32, #tpu.memory_space<vmem>>, vector<16xf32>,
        %mul3A_1051 = vector.broadcast %squeeze3A_1046 : f32 to vector<16xf32>
        %mul3A_1052 = arith.mulf %mul3A_1051, %get3A_1050 : vector<16xf32>
        %add3A_1053 = arith.addf %mul3A_1044, %mul3A_1052 : vector<16xf32>
        %slice3A_1054 = vector.extract_strided_slice %get3A_314 {offsets = [7], sizes = [1], strides = [1]} : vector<16xf32> to vector<1xf32>
        %squeeze3A_1055 = vector.extract %slice3A_1054[0] : f32 from vector<1xf32>
        %get3A_1056 = arith.constant 1 : i32
        %get3A_1057 = arith.index_cast %get3A_1056 : i32 to index
        %get3A_1058 = arith.constant 0 : index
        %get3A_1059 = tpu.vector_load %arg24[%get3A_1057, %get3A_1058] {strides = array<i32>} : memref<4x128xf32, #tpu.memory_space<vmem>>, vector<16xf32>,
        %mul3A_1060 = vector.broadcast %squeeze3A_1055 : f32 to vector<16xf32>
        %mul3A_1061 = arith.mulf %mul3A_1060, %get3A_1059 : vector<16xf32>
        %add3A_1062 = arith.addf %add3A_1053, %mul3A_1061 : vector<16xf32>
        %slice3A_1063 = vector.extract_strided_slice %get3A_318 {offsets = [7], sizes = [1], strides = [1]} : vector<16xf32> to vector<1xf32>
        %squeeze3A_1064 = vector.extract %slice3A_1063[0] : f32 from vector<1xf32>
        %get3A_1065 = arith.constant 2 : i32
        %get3A_1066 = arith.index_cast %get3A_1065 : i32 to index
        %get3A_1067 = arith.constant 0 : index
        %get3A_1068 = tpu.vector_load %arg24[%get3A_1066, %get3A_1067] {strides = array<i32>} : memref<4x128xf32, #tpu.memory_space<vmem>>, vector<16xf32>,
        %mul3A_1069 = vector.broadcast %squeeze3A_1064 : f32 to vector<16xf32>
        %mul3A_1070 = arith.mulf %mul3A_1069, %get3A_1068 : vector<16xf32>
        %add3A_1071 = arith.addf %add3A_1062, %mul3A_1070 : vector<16xf32>
        %slice3A_1072 = vector.extract_strided_slice %get3A_322 {offsets = [7], sizes = [1], strides = [1]} : vector<16xf32> to vector<1xf32>
        %squeeze3A_1073 = vector.extract %slice3A_1072[0] : f32 from vector<1xf32>
        %get3A_1074 = arith.constant 3 : i32
        %get3A_1075 = arith.index_cast %get3A_1074 : i32 to index
        %get3A_1076 = arith.constant 0 : index
        %get3A_1077 = tpu.vector_load %arg24[%get3A_1075, %get3A_1076] {strides = array<i32>} : memref<4x128xf32, #tpu.memory_space<vmem>>, vector<16xf32>,
        %mul3A_1078 = vector.broadcast %squeeze3A_1073 : f32 to vector<16xf32>
        %mul3A_1079 = arith.mulf %mul3A_1078, %get3A_1077 : vector<16xf32>
        %add3A_1080 = arith.addf %add3A_1071, %mul3A_1079 : vector<16xf32>
        %mul3A_1081 = arith.constant 4 : i32
        %mul3A_1082 = arith.muli %mul3A_1081, %scan3A_305 : i32
        %add3A_1083 = arith.constant 1 : i32
        %add3A_1084 = arith.addi %mul3A_1082, %add3A_1083 : i32
        %swap3A_1085 = arith.index_cast %add3A_1084 : i32 to index
        %swap3A_1086 = arith.constant 96 : index
        %swap3A_1087 = tpu.vector_load %arg23[%swap3A_1085, %swap3A_1086] {strides = array<i32>} : memref<32x128xf32, #tpu.memory_space<vmem>>, vector<16xf32>,
        tpu.vector_store %arg23[%swap3A_1085, %swap3A_1086], %add3A_1080 {strides = array<i32>} : memref<32x128xf32, #tpu.memory_space<vmem>>, vector<16xf32>,
        %get3A_1088 = arith.index_cast %add3A_1038 : i32 to index
        %get3A_1089 = arith.constant 16 : index
        %get3A_1090 = tpu.vector_load %arg13[%get3A_1088, %get3A_1089] {strides = array<i32>} : memref<128x128xf32, #tpu.memory_space<vmem>>, vector<16xf32>,
        %mul3A_1091 = arith.constant 1.000000e+01 : f32
        %mul3A_1092 = vector.broadcast %mul3A_1091 : f32 to vector<16xf32>
        %mul3A_1093 = arith.mulf %get3A_1090, %mul3A_1092 : vector<16xf32>
        %slice3A_1094 = vector.extract_strided_slice %get3A_310 {offsets = [7], sizes = [1], strides = [1]} : vector<16xf32> to vector<1xf32>
        %squeeze3A_1095 = vector.extract %slice3A_1094[0] : f32 from vector<1xf32>
        %get3A_1096 = arith.constant 0 : i32
        %get3A_1097 = arith.index_cast %get3A_1096 : i32 to index
        %get3A_1098 = arith.constant 16 : index
        %get3A_1099 = tpu.vector_load %arg24[%get3A_1097, %get3A_1098] {strides = array<i32>} : memref<4x128xf32, #tpu.memory_space<vmem>>, vector<16xf32>,
        %mul3A_1100 = vector.broadcast %squeeze3A_1095 : f32 to vector<16xf32>
        %mul3A_1101 = arith.mulf %mul3A_1100, %get3A_1099 : vector<16xf32>
        %add3A_1102 = arith.addf %mul3A_1093, %mul3A_1101 : vector<16xf32>
        %slice3A_1103 = vector.extract_strided_slice %get3A_314 {offsets = [7], sizes = [1], strides = [1]} : vector<16xf32> to vector<1xf32>
        %squeeze3A_1104 = vector.extract %slice3A_1103[0] : f32 from vector<1xf32>
        %get3A_1105 = arith.constant 1 : i32
        %get3A_1106 = arith.index_cast %get3A_1105 : i32 to index
        %get3A_1107 = arith.constant 16 : index
        %get3A_1108 = tpu.vector_load %arg24[%get3A_1106, %get3A_1107] {strides = array<i32>} : memref<4x128xf32, #tpu.memory_space<vmem>>, vector<16xf32>,
        %mul3A_1109 = vector.broadcast %squeeze3A_1104 : f32 to vector<16xf32>
        %mul3A_1110 = arith.mulf %mul3A_1109, %get3A_1108 : vector<16xf32>
        %add3A_1111 = arith.addf %add3A_1102, %mul3A_1110 : vector<16xf32>
        %slice3A_1112 = vector.extract_strided_slice %get3A_318 {offsets = [7], sizes = [1], strides = [1]} : vector<16xf32> to vector<1xf32>
        %squeeze3A_1113 = vector.extract %slice3A_1112[0] : f32 from vector<1xf32>
        %get3A_1114 = arith.constant 2 : i32
        %get3A_1115 = arith.index_cast %get3A_1114 : i32 to index
        %get3A_1116 = arith.constant 16 : index
        %get3A_1117 = tpu.vector_load %arg24[%get3A_1115, %get3A_1116] {strides = array<i32>} : memref<4x128xf32, #tpu.memory_space<vmem>>, vector<16xf32>,
        %mul3A_1118 = vector.broadcast %squeeze3A_1113 : f32 to vector<16xf32>
        %mul3A_1119 = arith.mulf %mul3A_1118, %get3A_1117 : vector<16xf32>
        %add3A_1120 = arith.addf %add3A_1111, %mul3A_1119 : vector<16xf32>
        %slice3A_1121 = vector.extract_strided_slice %get3A_322 {offsets = [7], sizes = [1], strides = [1]} : vector<16xf32> to vector<1xf32>
        %squeeze3A_1122 = vector.extract %slice3A_1121[0] : f32 from vector<1xf32>
        %get3A_1123 = arith.constant 3 : i32
        %get3A_1124 = arith.index_cast %get3A_1123 : i32 to index
        %get3A_1125 = arith.constant 16 : index
        %get3A_1126 = tpu.vector_load %arg24[%get3A_1124, %get3A_1125] {strides = array<i32>} : memref<4x128xf32, #tpu.memory_space<vmem>>, vector<16xf32>,
        %mul3A_1127 = vector.broadcast %squeeze3A_1122 : f32 to vector<16xf32>
        %mul3A_1128 = arith.mulf %mul3A_1127, %get3A_1126 : vector<16xf32>
        %add3A_1129 = arith.addf %add3A_1120, %mul3A_1128 : vector<16xf32>
        %mul3A_1130 = arith.constant 4 : i32
        %mul3A_1131 = arith.muli %mul3A_1130, %scan3A_305 : i32
        %add3A_1132 = arith.constant 1 : i32
        %add3A_1133 = arith.addi %mul3A_1131, %add3A_1132 : i32
        %swap3A_1134 = arith.index_cast %add3A_1133 : i32 to index
        %swap3A_1135 = arith.constant 112 : index
        %swap3A_1136 = tpu.vector_load %arg23[%swap3A_1134, %swap3A_1135] {strides = array<i32>} : memref<32x128xf32, #tpu.memory_space<vmem>>, vector<16xf32>,
        tpu.vector_store %arg23[%swap3A_1134, %swap3A_1135], %add3A_1129 {strides = array<i32>} : memref<32x128xf32, #tpu.memory_space<vmem>>, vector<16xf32>,
        %mul3A_1137 = arith.constant 16 : i32
        %mul3A_1138 = arith.muli %scan3A_305, %mul3A_1137 : i32
        %add3A_1139 = arith.constant 8 : i32
        %add3A_1140 = arith.addi %mul3A_1138, %add3A_1139 : i32
        %get3A_1141 = arith.index_cast %add3A_1140 : i32 to index
        %get3A_1142 = arith.constant 0 : index
        %get3A_1143 = tpu.vector_load %arg13[%get3A_1141, %get3A_1142] {strides = array<i32>} : memref<128x128xf32, #tpu.memory_space<vmem>>, vector<16xf32>,
        %mul3A_1144 = arith.constant 1.000000e+01 : f32
        %mul3A_1145 = vector.broadcast %mul3A_1144 : f32 to vector<16xf32>
        %mul3A_1146 = arith.mulf %get3A_1143, %mul3A_1145 : vector<16xf32>
        %slice3A_1147 = vector.extract_strided_slice %get3A_310 {offsets = [8], sizes = [1], strides = [1]} : vector<16xf32> to vector<1xf32>
        %squeeze3A_1148 = vector.extract %slice3A_1147[0] : f32 from vector<1xf32>
        %get3A_1149 = arith.constant 0 : i32
        %get3A_1150 = arith.index_cast %get3A_1149 : i32 to index
        %get3A_1151 = arith.constant 0 : index
        %get3A_1152 = tpu.vector_load %arg24[%get3A_1150, %get3A_1151] {strides = array<i32>} : memref<4x128xf32, #tpu.memory_space<vmem>>, vector<16xf32>,
        %mul3A_1153 = vector.broadcast %squeeze3A_1148 : f32 to vector<16xf32>
        %mul3A_1154 = arith.mulf %mul3A_1153, %get3A_1152 : vector<16xf32>
        %add3A_1155 = arith.addf %mul3A_1146, %mul3A_1154 : vector<16xf32>
        %slice3A_1156 = vector.extract_strided_slice %get3A_314 {offsets = [8], sizes = [1], strides = [1]} : vector<16xf32> to vector<1xf32>
        %squeeze3A_1157 = vector.extract %slice3A_1156[0] : f32 from vector<1xf32>
        %get3A_1158 = arith.constant 1 : i32
        %get3A_1159 = arith.index_cast %get3A_1158 : i32 to index
        %get3A_1160 = arith.constant 0 : index
        %get3A_1161 = tpu.vector_load %arg24[%get3A_1159, %get3A_1160] {strides = array<i32>} : memref<4x128xf32, #tpu.memory_space<vmem>>, vector<16xf32>,
        %mul3A_1162 = vector.broadcast %squeeze3A_1157 : f32 to vector<16xf32>
        %mul3A_1163 = arith.mulf %mul3A_1162, %get3A_1161 : vector<16xf32>
        %add3A_1164 = arith.addf %add3A_1155, %mul3A_1163 : vector<16xf32>
        %slice3A_1165 = vector.extract_strided_slice %get3A_318 {offsets = [8], sizes = [1], strides = [1]} : vector<16xf32> to vector<1xf32>
        %squeeze3A_1166 = vector.extract %slice3A_1165[0] : f32 from vector<1xf32>
        %get3A_1167 = arith.constant 2 : i32
        %get3A_1168 = arith.index_cast %get3A_1167 : i32 to index
        %get3A_1169 = arith.constant 0 : index
        %get3A_1170 = tpu.vector_load %arg24[%get3A_1168, %get3A_1169] {strides = array<i32>} : memref<4x128xf32, #tpu.memory_space<vmem>>, vector<16xf32>,
        %mul3A_1171 = vector.broadcast %squeeze3A_1166 : f32 to vector<16xf32>
        %mul3A_1172 = arith.mulf %mul3A_1171, %get3A_1170 : vector<16xf32>
        %add3A_1173 = arith.addf %add3A_1164, %mul3A_1172 : vector<16xf32>
        %slice3A_1174 = vector.extract_strided_slice %get3A_322 {offsets = [8], sizes = [1], strides = [1]} : vector<16xf32> to vector<1xf32>
        %squeeze3A_1175 = vector.extract %slice3A_1174[0] : f32 from vector<1xf32>
        %get3A_1176 = arith.constant 3 : i32
        %get3A_1177 = arith.index_cast %get3A_1176 : i32 to index
        %get3A_1178 = arith.constant 0 : index
        %get3A_1179 = tpu.vector_load %arg24[%get3A_1177, %get3A_1178] {strides = array<i32>} : memref<4x128xf32, #tpu.memory_space<vmem>>, vector<16xf32>,
        %mul3A_1180 = vector.broadcast %squeeze3A_1175 : f32 to vector<16xf32>
        %mul3A_1181 = arith.mulf %mul3A_1180, %get3A_1179 : vector<16xf32>
        %add3A_1182 = arith.addf %add3A_1173, %mul3A_1181 : vector<16xf32>
        %mul3A_1183 = arith.constant 4 : i32
        %mul3A_1184 = arith.muli %mul3A_1183, %scan3A_305 : i32
        %add3A_1185 = arith.constant 2 : i32
        %add3A_1186 = arith.addi %mul3A_1184, %add3A_1185 : i32
        %swap3A_1187 = arith.index_cast %add3A_1186 : i32 to index
        %swap3A_1188 = arith.constant 0 : index
        %swap3A_1189 = tpu.vector_load %arg23[%swap3A_1187, %swap3A_1188] {strides = array<i32>} : memref<32x128xf32, #tpu.memory_space<vmem>>, vector<16xf32>,
        tpu.vector_store %arg23[%swap3A_1187, %swap3A_1188], %add3A_1182 {strides = array<i32>} : memref<32x128xf32, #tpu.memory_space<vmem>>, vector<16xf32>,
        %get3A_1190 = arith.index_cast %add3A_1140 : i32 to index
        %get3A_1191 = arith.constant 16 : index
        %get3A_1192 = tpu.vector_load %arg13[%get3A_1190, %get3A_1191] {strides = array<i32>} : memref<128x128xf32, #tpu.memory_space<vmem>>, vector<16xf32>,
        %mul3A_1193 = arith.constant 1.000000e+01 : f32
        %mul3A_1194 = vector.broadcast %mul3A_1193 : f32 to vector<16xf32>
        %mul3A_1195 = arith.mulf %get3A_1192, %mul3A_1194 : vector<16xf32>
        %slice3A_1196 = vector.extract_strided_slice %get3A_310 {offsets = [8], sizes = [1], strides = [1]} : vector<16xf32> to vector<1xf32>
        %squeeze3A_1197 = vector.extract %slice3A_1196[0] : f32 from vector<1xf32>
        %get3A_1198 = arith.constant 0 : i32
        %get3A_1199 = arith.index_cast %get3A_1198 : i32 to index
        %get3A_1200 = arith.constant 16 : index
        %get3A_1201 = tpu.vector_load %arg24[%get3A_1199, %get3A_1200] {strides = array<i32>} : memref<4x128xf32, #tpu.memory_space<vmem>>, vector<16xf32>,
        %mul3A_1202 = vector.broadcast %squeeze3A_1197 : f32 to vector<16xf32>
        %mul3A_1203 = arith.mulf %mul3A_1202, %get3A_1201 : vector<16xf32>
        %add3A_1204 = arith.addf %mul3A_1195, %mul3A_1203 : vector<16xf32>
        %slice3A_1205 = vector.extract_strided_slice %get3A_314 {offsets = [8], sizes = [1], strides = [1]} : vector<16xf32> to vector<1xf32>
        %squeeze3A_1206 = vector.extract %slice3A_1205[0] : f32 from vector<1xf32>
        %get3A_1207 = arith.constant 1 : i32
        %get3A_1208 = arith.index_cast %get3A_1207 : i32 to index
        %get3A_1209 = arith.constant 16 : index
        %get3A_1210 = tpu.vector_load %arg24[%get3A_1208, %get3A_1209] {strides = array<i32>} : memref<4x128xf32, #tpu.memory_space<vmem>>, vector<16xf32>,
        %mul3A_1211 = vector.broadcast %squeeze3A_1206 : f32 to vector<16xf32>
        %mul3A_1212 = arith.mulf %mul3A_1211, %get3A_1210 : vector<16xf32>
        %add3A_1213 = arith.addf %add3A_1204, %mul3A_1212 : vector<16xf32>
        %slice3A_1214 = vector.extract_strided_slice %get3A_318 {offsets = [8], sizes = [1], strides = [1]} : vector<16xf32> to vector<1xf32>
        %squeeze3A_1215 = vector.extract %slice3A_1214[0] : f32 from vector<1xf32>
        %get3A_1216 = arith.constant 2 : i32
        %get3A_1217 = arith.index_cast %get3A_1216 : i32 to index
        %get3A_1218 = arith.constant 16 : index
        %get3A_1219 = tpu.vector_load %arg24[%get3A_1217, %get3A_1218] {strides = array<i32>} : memref<4x128xf32, #tpu.memory_space<vmem>>, vector<16xf32>,
        %mul3A_1220 = vector.broadcast %squeeze3A_1215 : f32 to vector<16xf32>
        %mul3A_1221 = arith.mulf %mul3A_1220, %get3A_1219 : vector<16xf32>
        %add3A_1222 = arith.addf %add3A_1213, %mul3A_1221 : vector<16xf32>
        %slice3A_1223 = vector.extract_strided_slice %get3A_322 {offsets = [8], sizes = [1], strides = [1]} : vector<16xf32> to vector<1xf32>
        %squeeze3A_1224 = vector.extract %slice3A_1223[0] : f32 from vector<1xf32>
        %get3A_1225 = arith.constant 3 : i32
        %get3A_1226 = arith.index_cast %get3A_1225 : i32 to index
        %get3A_1227 = arith.constant 16 : index
        %get3A_1228 = tpu.vector_load %arg24[%get3A_1226, %get3A_1227] {strides = array<i32>} : memref<4x128xf32, #tpu.memory_space<vmem>>, vector<16xf32>,
        %mul3A_1229 = vector.broadcast %squeeze3A_1224 : f32 to vector<16xf32>
        %mul3A_1230 = arith.mulf %mul3A_1229, %get3A_1228 : vector<16xf32>
        %add3A_1231 = arith.addf %add3A_1222, %mul3A_1230 : vector<16xf32>
        %mul3A_1232 = arith.constant 4 : i32
        %mul3A_1233 = arith.muli %mul3A_1232, %scan3A_305 : i32
        %add3A_1234 = arith.constant 2 : i32
        %add3A_1235 = arith.addi %mul3A_1233, %add3A_1234 : i32
        %swap3A_1236 = arith.index_cast %add3A_1235 : i32 to index
        %swap3A_1237 = arith.constant 16 : index
        %swap3A_1238 = tpu.vector_load %arg23[%swap3A_1236, %swap3A_1237] {strides = array<i32>} : memref<32x128xf32, #tpu.memory_space<vmem>>, vector<16xf32>,
        tpu.vector_store %arg23[%swap3A_1236, %swap3A_1237], %add3A_1231 {strides = array<i32>} : memref<32x128xf32, #tpu.memory_space<vmem>>, vector<16xf32>,
        %mul3A_1239 = arith.constant 16 : i32
        %mul3A_1240 = arith.muli %scan3A_305, %mul3A_1239 : i32
        %add3A_1241 = arith.constant 9 : i32
        %add3A_1242 = arith.addi %mul3A_1240, %add3A_1241 : i32
        %get3A_1243 = arith.index_cast %add3A_1242 : i32 to index
        %get3A_1244 = arith.constant 0 : index
        %get3A_1245 = tpu.vector_load %arg13[%get3A_1243, %get3A_1244] {strides = array<i32>} : memref<128x128xf32, #tpu.memory_space<vmem>>, vector<16xf32>,
        %mul3A_1246 = arith.constant 1.000000e+01 : f32
        %mul3A_1247 = vector.broadcast %mul3A_1246 : f32 to vector<16xf32>
        %mul3A_1248 = arith.mulf %get3A_1245, %mul3A_1247 : vector<16xf32>
        %slice3A_1249 = vector.extract_strided_slice %get3A_310 {offsets = [9], sizes = [1], strides = [1]} : vector<16xf32> to vector<1xf32>
        %squeeze3A_1250 = vector.extract %slice3A_1249[0] : f32 from vector<1xf32>
        %get3A_1251 = arith.constant 0 : i32
        %get3A_1252 = arith.index_cast %get3A_1251 : i32 to index
        %get3A_1253 = arith.constant 0 : index
        %get3A_1254 = tpu.vector_load %arg24[%get3A_1252, %get3A_1253] {strides = array<i32>} : memref<4x128xf32, #tpu.memory_space<vmem>>, vector<16xf32>,
        %mul3A_1255 = vector.broadcast %squeeze3A_1250 : f32 to vector<16xf32>
        %mul3A_1256 = arith.mulf %mul3A_1255, %get3A_1254 : vector<16xf32>
        %add3A_1257 = arith.addf %mul3A_1248, %mul3A_1256 : vector<16xf32>
        %slice3A_1258 = vector.extract_strided_slice %get3A_314 {offsets = [9], sizes = [1], strides = [1]} : vector<16xf32> to vector<1xf32>
        %squeeze3A_1259 = vector.extract %slice3A_1258[0] : f32 from vector<1xf32>
        %get3A_1260 = arith.constant 1 : i32
        %get3A_1261 = arith.index_cast %get3A_1260 : i32 to index
        %get3A_1262 = arith.constant 0 : index
        %get3A_1263 = tpu.vector_load %arg24[%get3A_1261, %get3A_1262] {strides = array<i32>} : memref<4x128xf32, #tpu.memory_space<vmem>>, vector<16xf32>,
        %mul3A_1264 = vector.broadcast %squeeze3A_1259 : f32 to vector<16xf32>
        %mul3A_1265 = arith.mulf %mul3A_1264, %get3A_1263 : vector<16xf32>
        %add3A_1266 = arith.addf %add3A_1257, %mul3A_1265 : vector<16xf32>
        %slice3A_1267 = vector.extract_strided_slice %get3A_318 {offsets = [9], sizes = [1], strides = [1]} : vector<16xf32> to vector<1xf32>
        %squeeze3A_1268 = vector.extract %slice3A_1267[0] : f32 from vector<1xf32>
        %get3A_1269 = arith.constant 2 : i32
        %get3A_1270 = arith.index_cast %get3A_1269 : i32 to index
        %get3A_1271 = arith.constant 0 : index
        %get3A_1272 = tpu.vector_load %arg24[%get3A_1270, %get3A_1271] {strides = array<i32>} : memref<4x128xf32, #tpu.memory_space<vmem>>, vector<16xf32>,
        %mul3A_1273 = vector.broadcast %squeeze3A_1268 : f32 to vector<16xf32>
        %mul3A_1274 = arith.mulf %mul3A_1273, %get3A_1272 : vector<16xf32>
        %add3A_1275 = arith.addf %add3A_1266, %mul3A_1274 : vector<16xf32>
        %slice3A_1276 = vector.extract_strided_slice %get3A_322 {offsets = [9], sizes = [1], strides = [1]} : vector<16xf32> to vector<1xf32>
        %squeeze3A_1277 = vector.extract %slice3A_1276[0] : f32 from vector<1xf32>
        %get3A_1278 = arith.constant 3 : i32
        %get3A_1279 = arith.index_cast %get3A_1278 : i32 to index
        %get3A_1280 = arith.constant 0 : index
        %get3A_1281 = tpu.vector_load %arg24[%get3A_1279, %get3A_1280] {strides = array<i32>} : memref<4x128xf32, #tpu.memory_space<vmem>>, vector<16xf32>,
        %mul3A_1282 = vector.broadcast %squeeze3A_1277 : f32 to vector<16xf32>
        %mul3A_1283 = arith.mulf %mul3A_1282, %get3A_1281 : vector<16xf32>
        %add3A_1284 = arith.addf %add3A_1275, %mul3A_1283 : vector<16xf32>
        %mul3A_1285 = arith.constant 4 : i32
        %mul3A_1286 = arith.muli %mul3A_1285, %scan3A_305 : i32
        %add3A_1287 = arith.constant 2 : i32
        %add3A_1288 = arith.addi %mul3A_1286, %add3A_1287 : i32
        %swap3A_1289 = arith.index_cast %add3A_1288 : i32 to index
        %swap3A_1290 = arith.constant 32 : index
        %swap3A_1291 = tpu.vector_load %arg23[%swap3A_1289, %swap3A_1290] {strides = array<i32>} : memref<32x128xf32, #tpu.memory_space<vmem>>, vector<16xf32>,
        tpu.vector_store %arg23[%swap3A_1289, %swap3A_1290], %add3A_1284 {strides = array<i32>} : memref<32x128xf32, #tpu.memory_space<vmem>>, vector<16xf32>,
        %get3A_1292 = arith.index_cast %add3A_1242 : i32 to index
        %get3A_1293 = arith.constant 16 : index
        %get3A_1294 = tpu.vector_load %arg13[%get3A_1292, %get3A_1293] {strides = array<i32>} : memref<128x128xf32, #tpu.memory_space<vmem>>, vector<16xf32>,
        %mul3A_1295 = arith.constant 1.000000e+01 : f32
        %mul3A_1296 = vector.broadcast %mul3A_1295 : f32 to vector<16xf32>
        %mul3A_1297 = arith.mulf %get3A_1294, %mul3A_1296 : vector<16xf32>
        %slice3A_1298 = vector.extract_strided_slice %get3A_310 {offsets = [9], sizes = [1], strides = [1]} : vector<16xf32> to vector<1xf32>
        %squeeze3A_1299 = vector.extract %slice3A_1298[0] : f32 from vector<1xf32>
        %get3A_1300 = arith.constant 0 : i32
        %get3A_1301 = arith.index_cast %get3A_1300 : i32 to index
        %get3A_1302 = arith.constant 16 : index
        %get3A_1303 = tpu.vector_load %arg24[%get3A_1301, %get3A_1302] {strides = array<i32>} : memref<4x128xf32, #tpu.memory_space<vmem>>, vector<16xf32>,
        %mul3A_1304 = vector.broadcast %squeeze3A_1299 : f32 to vector<16xf32>
        %mul3A_1305 = arith.mulf %mul3A_1304, %get3A_1303 : vector<16xf32>
        %add3A_1306 = arith.addf %mul3A_1297, %mul3A_1305 : vector<16xf32>
        %slice3A_1307 = vector.extract_strided_slice %get3A_314 {offsets = [9], sizes = [1], strides = [1]} : vector<16xf32> to vector<1xf32>
        %squeeze3A_1308 = vector.extract %slice3A_1307[0] : f32 from vector<1xf32>
        %get3A_1309 = arith.constant 1 : i32
        %get3A_1310 = arith.index_cast %get3A_1309 : i32 to index
        %get3A_1311 = arith.constant 16 : index
        %get3A_1312 = tpu.vector_load %arg24[%get3A_1310, %get3A_1311] {strides = array<i32>} : memref<4x128xf32, #tpu.memory_space<vmem>>, vector<16xf32>,
        %mul3A_1313 = vector.broadcast %squeeze3A_1308 : f32 to vector<16xf32>
        %mul3A_1314 = arith.mulf %mul3A_1313, %get3A_1312 : vector<16xf32>
        %add3A_1315 = arith.addf %add3A_1306, %mul3A_1314 : vector<16xf32>
        %slice3A_1316 = vector.extract_strided_slice %get3A_318 {offsets = [9], sizes = [1], strides = [1]} : vector<16xf32> to vector<1xf32>
        %squeeze3A_1317 = vector.extract %slice3A_1316[0] : f32 from vector<1xf32>
        %get3A_1318 = arith.constant 2 : i32
        %get3A_1319 = arith.index_cast %get3A_1318 : i32 to index
        %get3A_1320 = arith.constant 16 : index
        %get3A_1321 = tpu.vector_load %arg24[%get3A_1319, %get3A_1320] {strides = array<i32>} : memref<4x128xf32, #tpu.memory_space<vmem>>, vector<16xf32>,
        %mul3A_1322 = vector.broadcast %squeeze3A_1317 : f32 to vector<16xf32>
        %mul3A_1323 = arith.mulf %mul3A_1322, %get3A_1321 : vector<16xf32>
        %add3A_1324 = arith.addf %add3A_1315, %mul3A_1323 : vector<16xf32>
        %slice3A_1325 = vector.extract_strided_slice %get3A_322 {offsets = [9], sizes = [1], strides = [1]} : vector<16xf32> to vector<1xf32>
        %squeeze3A_1326 = vector.extract %slice3A_1325[0] : f32 from vector<1xf32>
        %get3A_1327 = arith.constant 3 : i32
        %get3A_1328 = arith.index_cast %get3A_1327 : i32 to index
        %get3A_1329 = arith.constant 16 : index
        %get3A_1330 = tpu.vector_load %arg24[%get3A_1328, %get3A_1329] {strides = array<i32>} : memref<4x128xf32, #tpu.memory_space<vmem>>, vector<16xf32>,
        %mul3A_1331 = vector.broadcast %squeeze3A_1326 : f32 to vector<16xf32>
        %mul3A_1332 = arith.mulf %mul3A_1331, %get3A_1330 : vector<16xf32>
        %add3A_1333 = arith.addf %add3A_1324, %mul3A_1332 : vector<16xf32>
        %mul3A_1334 = arith.constant 4 : i32
        %mul3A_1335 = arith.muli %mul3A_1334, %scan3A_305 : i32
        %add3A_1336 = arith.constant 2 : i32
        %add3A_1337 = arith.addi %mul3A_1335, %add3A_1336 : i32
        %swap3A_1338 = arith.index_cast %add3A_1337 : i32 to index
        %swap3A_1339 = arith.constant 48 : index
        %swap3A_1340 = tpu.vector_load %arg23[%swap3A_1338, %swap3A_1339] {strides = array<i32>} : memref<32x128xf32, #tpu.memory_space<vmem>>, vector<16xf32>,
        tpu.vector_store %arg23[%swap3A_1338, %swap3A_1339], %add3A_1333 {strides = array<i32>} : memref<32x128xf32, #tpu.memory_space<vmem>>, vector<16xf32>,
        %mul3A_1341 = arith.constant 16 : i32
        %mul3A_1342 = arith.muli %scan3A_305, %mul3A_1341 : i32
        %add3A_1343 = arith.constant 10 : i32
        %add3A_1344 = arith.addi %mul3A_1342, %add3A_1343 : i32
        %get3A_1345 = arith.index_cast %add3A_1344 : i32 to index
        %get3A_1346 = arith.constant 0 : index
        %get3A_1347 = tpu.vector_load %arg13[%get3A_1345, %get3A_1346] {strides = array<i32>} : memref<128x128xf32, #tpu.memory_space<vmem>>, vector<16xf32>,
        %mul3A_1348 = arith.constant 1.000000e+01 : f32
        %mul3A_1349 = vector.broadcast %mul3A_1348 : f32 to vector<16xf32>
        %mul3A_1350 = arith.mulf %get3A_1347, %mul3A_1349 : vector<16xf32>
        %slice3A_1351 = vector.extract_strided_slice %get3A_310 {offsets = [10], sizes = [1], strides = [1]} : vector<16xf32> to vector<1xf32>
        %squeeze3A_1352 = vector.extract %slice3A_1351[0] : f32 from vector<1xf32>
        %get3A_1353 = arith.constant 0 : i32
        %get3A_1354 = arith.index_cast %get3A_1353 : i32 to index
        %get3A_1355 = arith.constant 0 : index
        %get3A_1356 = tpu.vector_load %arg24[%get3A_1354, %get3A_1355] {strides = array<i32>} : memref<4x128xf32, #tpu.memory_space<vmem>>, vector<16xf32>,
        %mul3A_1357 = vector.broadcast %squeeze3A_1352 : f32 to vector<16xf32>
        %mul3A_1358 = arith.mulf %mul3A_1357, %get3A_1356 : vector<16xf32>
        %add3A_1359 = arith.addf %mul3A_1350, %mul3A_1358 : vector<16xf32>
        %slice3A_1360 = vector.extract_strided_slice %get3A_314 {offsets = [10], sizes = [1], strides = [1]} : vector<16xf32> to vector<1xf32>
        %squeeze3A_1361 = vector.extract %slice3A_1360[0] : f32 from vector<1xf32>
        %get3A_1362 = arith.constant 1 : i32
        %get3A_1363 = arith.index_cast %get3A_1362 : i32 to index
        %get3A_1364 = arith.constant 0 : index
        %get3A_1365 = tpu.vector_load %arg24[%get3A_1363, %get3A_1364] {strides = array<i32>} : memref<4x128xf32, #tpu.memory_space<vmem>>, vector<16xf32>,
        %mul3A_1366 = vector.broadcast %squeeze3A_1361 : f32 to vector<16xf32>
        %mul3A_1367 = arith.mulf %mul3A_1366, %get3A_1365 : vector<16xf32>
        %add3A_1368 = arith.addf %add3A_1359, %mul3A_1367 : vector<16xf32>
        %slice3A_1369 = vector.extract_strided_slice %get3A_318 {offsets = [10], sizes = [1], strides = [1]} : vector<16xf32> to vector<1xf32>
        %squeeze3A_1370 = vector.extract %slice3A_1369[0] : f32 from vector<1xf32>
        %get3A_1371 = arith.constant 2 : i32
        %get3A_1372 = arith.index_cast %get3A_1371 : i32 to index
        %get3A_1373 = arith.constant 0 : index
        %get3A_1374 = tpu.vector_load %arg24[%get3A_1372, %get3A_1373] {strides = array<i32>} : memref<4x128xf32, #tpu.memory_space<vmem>>, vector<16xf32>,
        %mul3A_1375 = vector.broadcast %squeeze3A_1370 : f32 to vector<16xf32>
        %mul3A_1376 = arith.mulf %mul3A_1375, %get3A_1374 : vector<16xf32>
        %add3A_1377 = arith.addf %add3A_1368, %mul3A_1376 : vector<16xf32>
        %slice3A_1378 = vector.extract_strided_slice %get3A_322 {offsets = [10], sizes = [1], strides = [1]} : vector<16xf32> to vector<1xf32>
        %squeeze3A_1379 = vector.extract %slice3A_1378[0] : f32 from vector<1xf32>
        %get3A_1380 = arith.constant 3 : i32
        %get3A_1381 = arith.index_cast %get3A_1380 : i32 to index
        %get3A_1382 = arith.constant 0 : index
        %get3A_1383 = tpu.vector_load %arg24[%get3A_1381, %get3A_1382] {strides = array<i32>} : memref<4x128xf32, #tpu.memory_space<vmem>>, vector<16xf32>,
        %mul3A_1384 = vector.broadcast %squeeze3A_1379 : f32 to vector<16xf32>
        %mul3A_1385 = arith.mulf %mul3A_1384, %get3A_1383 : vector<16xf32>
        %add3A_1386 = arith.addf %add3A_1377, %mul3A_1385 : vector<16xf32>
        %mul3A_1387 = arith.constant 4 : i32
        %mul3A_1388 = arith.muli %mul3A_1387, %scan3A_305 : i32
        %add3A_1389 = arith.constant 2 : i32
        %add3A_1390 = arith.addi %mul3A_1388, %add3A_1389 : i32
        %swap3A_1391 = arith.index_cast %add3A_1390 : i32 to index
        %swap3A_1392 = arith.constant 64 : index
        %swap3A_1393 = tpu.vector_load %arg23[%swap3A_1391, %swap3A_1392] {strides = array<i32>} : memref<32x128xf32, #tpu.memory_space<vmem>>, vector<16xf32>,
        tpu.vector_store %arg23[%swap3A_1391, %swap3A_1392], %add3A_1386 {strides = array<i32>} : memref<32x128xf32, #tpu.memory_space<vmem>>, vector<16xf32>,
        %get3A_1394 = arith.index_cast %add3A_1344 : i32 to index
        %get3A_1395 = arith.constant 16 : index
        %get3A_1396 = tpu.vector_load %arg13[%get3A_1394, %get3A_1395] {strides = array<i32>} : memref<128x128xf32, #tpu.memory_space<vmem>>, vector<16xf32>,
        %mul3A_1397 = arith.constant 1.000000e+01 : f32
        %mul3A_1398 = vector.broadcast %mul3A_1397 : f32 to vector<16xf32>
        %mul3A_1399 = arith.mulf %get3A_1396, %mul3A_1398 : vector<16xf32>
        %slice3A_1400 = vector.extract_strided_slice %get3A_310 {offsets = [10], sizes = [1], strides = [1]} : vector<16xf32> to vector<1xf32>
        %squeeze3A_1401 = vector.extract %slice3A_1400[0] : f32 from vector<1xf32>
        %get3A_1402 = arith.constant 0 : i32
        %get3A_1403 = arith.index_cast %get3A_1402 : i32 to index
        %get3A_1404 = arith.constant 16 : index
        %get3A_1405 = tpu.vector_load %arg24[%get3A_1403, %get3A_1404] {strides = array<i32>} : memref<4x128xf32, #tpu.memory_space<vmem>>, vector<16xf32>,
        %mul3A_1406 = vector.broadcast %squeeze3A_1401 : f32 to vector<16xf32>
        %mul3A_1407 = arith.mulf %mul3A_1406, %get3A_1405 : vector<16xf32>
        %add3A_1408 = arith.addf %mul3A_1399, %mul3A_1407 : vector<16xf32>
        %slice3A_1409 = vector.extract_strided_slice %get3A_314 {offsets = [10], sizes = [1], strides = [1]} : vector<16xf32> to vector<1xf32>
        %squeeze3A_1410 = vector.extract %slice3A_1409[0] : f32 from vector<1xf32>
        %get3A_1411 = arith.constant 1 : i32
        %get3A_1412 = arith.index_cast %get3A_1411 : i32 to index
        %get3A_1413 = arith.constant 16 : index
        %get3A_1414 = tpu.vector_load %arg24[%get3A_1412, %get3A_1413] {strides = array<i32>} : memref<4x128xf32, #tpu.memory_space<vmem>>, vector<16xf32>,
        %mul3A_1415 = vector.broadcast %squeeze3A_1410 : f32 to vector<16xf32>
        %mul3A_1416 = arith.mulf %mul3A_1415, %get3A_1414 : vector<16xf32>
        %add3A_1417 = arith.addf %add3A_1408, %mul3A_1416 : vector<16xf32>
        %slice3A_1418 = vector.extract_strided_slice %get3A_318 {offsets = [10], sizes = [1], strides = [1]} : vector<16xf32> to vector<1xf32>
        %squeeze3A_1419 = vector.extract %slice3A_1418[0] : f32 from vector<1xf32>
        %get3A_1420 = arith.constant 2 : i32
        %get3A_1421 = arith.index_cast %get3A_1420 : i32 to index
        %get3A_1422 = arith.constant 16 : index
        %get3A_1423 = tpu.vector_load %arg24[%get3A_1421, %get3A_1422] {strides = array<i32>} : memref<4x128xf32, #tpu.memory_space<vmem>>, vector<16xf32>,
        %mul3A_1424 = vector.broadcast %squeeze3A_1419 : f32 to vector<16xf32>
        %mul3A_1425 = arith.mulf %mul3A_1424, %get3A_1423 : vector<16xf32>
        %add3A_1426 = arith.addf %add3A_1417, %mul3A_1425 : vector<16xf32>
        %slice3A_1427 = vector.extract_strided_slice %get3A_322 {offsets = [10], sizes = [1], strides = [1]} : vector<16xf32> to vector<1xf32>
        %squeeze3A_1428 = vector.extract %slice3A_1427[0] : f32 from vector<1xf32>
        %get3A_1429 = arith.constant 3 : i32
        %get3A_1430 = arith.index_cast %get3A_1429 : i32 to index
        %get3A_1431 = arith.constant 16 : index
        %get3A_1432 = tpu.vector_load %arg24[%get3A_1430, %get3A_1431] {strides = array<i32>} : memref<4x128xf32, #tpu.memory_space<vmem>>, vector<16xf32>,
        %mul3A_1433 = vector.broadcast %squeeze3A_1428 : f32 to vector<16xf32>
        %mul3A_1434 = arith.mulf %mul3A_1433, %get3A_1432 : vector<16xf32>
        %add3A_1435 = arith.addf %add3A_1426, %mul3A_1434 : vector<16xf32>
        %mul3A_1436 = arith.constant 4 : i32
        %mul3A_1437 = arith.muli %mul3A_1436, %scan3A_305 : i32
        %add3A_1438 = arith.constant 2 : i32
        %add3A_1439 = arith.addi %mul3A_1437, %add3A_1438 : i32
        %swap3A_1440 = arith.index_cast %add3A_1439 : i32 to index
        %swap3A_1441 = arith.constant 80 : index
        %swap3A_1442 = tpu.vector_load %arg23[%swap3A_1440, %swap3A_1441] {strides = array<i32>} : memref<32x128xf32, #tpu.memory_space<vmem>>, vector<16xf32>,
        tpu.vector_store %arg23[%swap3A_1440, %swap3A_1441], %add3A_1435 {strides = array<i32>} : memref<32x128xf32, #tpu.memory_space<vmem>>, vector<16xf32>,
        %mul3A_1443 = arith.constant 16 : i32
        %mul3A_1444 = arith.muli %scan3A_305, %mul3A_1443 : i32
        %add3A_1445 = arith.constant 11 : i32
        %add3A_1446 = arith.addi %mul3A_1444, %add3A_1445 : i32
        %get3A_1447 = arith.index_cast %add3A_1446 : i32 to index
        %get3A_1448 = arith.constant 0 : index
        %get3A_1449 = tpu.vector_load %arg13[%get3A_1447, %get3A_1448] {strides = array<i32>} : memref<128x128xf32, #tpu.memory_space<vmem>>, vector<16xf32>,
        %mul3A_1450 = arith.constant 1.000000e+01 : f32
        %mul3A_1451 = vector.broadcast %mul3A_1450 : f32 to vector<16xf32>
        %mul3A_1452 = arith.mulf %get3A_1449, %mul3A_1451 : vector<16xf32>
        %slice3A_1453 = vector.extract_strided_slice %get3A_310 {offsets = [11], sizes = [1], strides = [1]} : vector<16xf32> to vector<1xf32>
        %squeeze3A_1454 = vector.extract %slice3A_1453[0] : f32 from vector<1xf32>
        %get3A_1455 = arith.constant 0 : i32
        %get3A_1456 = arith.index_cast %get3A_1455 : i32 to index
        %get3A_1457 = arith.constant 0 : index
        %get3A_1458 = tpu.vector_load %arg24[%get3A_1456, %get3A_1457] {strides = array<i32>} : memref<4x128xf32, #tpu.memory_space<vmem>>, vector<16xf32>,
        %mul3A_1459 = vector.broadcast %squeeze3A_1454 : f32 to vector<16xf32>
        %mul3A_1460 = arith.mulf %mul3A_1459, %get3A_1458 : vector<16xf32>
        %add3A_1461 = arith.addf %mul3A_1452, %mul3A_1460 : vector<16xf32>
        %slice3A_1462 = vector.extract_strided_slice %get3A_314 {offsets = [11], sizes = [1], strides = [1]} : vector<16xf32> to vector<1xf32>
        %squeeze3A_1463 = vector.extract %slice3A_1462[0] : f32 from vector<1xf32>
        %get3A_1464 = arith.constant 1 : i32
        %get3A_1465 = arith.index_cast %get3A_1464 : i32 to index
        %get3A_1466 = arith.constant 0 : index
        %get3A_1467 = tpu.vector_load %arg24[%get3A_1465, %get3A_1466] {strides = array<i32>} : memref<4x128xf32, #tpu.memory_space<vmem>>, vector<16xf32>,
        %mul3A_1468 = vector.broadcast %squeeze3A_1463 : f32 to vector<16xf32>
        %mul3A_1469 = arith.mulf %mul3A_1468, %get3A_1467 : vector<16xf32>
        %add3A_1470 = arith.addf %add3A_1461, %mul3A_1469 : vector<16xf32>
        %slice3A_1471 = vector.extract_strided_slice %get3A_318 {offsets = [11], sizes = [1], strides = [1]} : vector<16xf32> to vector<1xf32>
        %squeeze3A_1472 = vector.extract %slice3A_1471[0] : f32 from vector<1xf32>
        %get3A_1473 = arith.constant 2 : i32
        %get3A_1474 = arith.index_cast %get3A_1473 : i32 to index
        %get3A_1475 = arith.constant 0 : index
        %get3A_1476 = tpu.vector_load %arg24[%get3A_1474, %get3A_1475] {strides = array<i32>} : memref<4x128xf32, #tpu.memory_space<vmem>>, vector<16xf32>,
        %mul3A_1477 = vector.broadcast %squeeze3A_1472 : f32 to vector<16xf32>
        %mul3A_1478 = arith.mulf %mul3A_1477, %get3A_1476 : vector<16xf32>
        %add3A_1479 = arith.addf %add3A_1470, %mul3A_1478 : vector<16xf32>
        %slice3A_1480 = vector.extract_strided_slice %get3A_322 {offsets = [11], sizes = [1], strides = [1]} : vector<16xf32> to vector<1xf32>
        %squeeze3A_1481 = vector.extract %slice3A_1480[0] : f32 from vector<1xf32>
        %get3A_1482 = arith.constant 3 : i32
        %get3A_1483 = arith.index_cast %get3A_1482 : i32 to index
        %get3A_1484 = arith.constant 0 : index
        %get3A_1485 = tpu.vector_load %arg24[%get3A_1483, %get3A_1484] {strides = array<i32>} : memref<4x128xf32, #tpu.memory_space<vmem>>, vector<16xf32>,
        %mul3A_1486 = vector.broadcast %squeeze3A_1481 : f32 to vector<16xf32>
        %mul3A_1487 = arith.mulf %mul3A_1486, %get3A_1485 : vector<16xf32>
        %add3A_1488 = arith.addf %add3A_1479, %mul3A_1487 : vector<16xf32>
        %mul3A_1489 = arith.constant 4 : i32
        %mul3A_1490 = arith.muli %mul3A_1489, %scan3A_305 : i32
        %add3A_1491 = arith.constant 2 : i32
        %add3A_1492 = arith.addi %mul3A_1490, %add3A_1491 : i32
        %swap3A_1493 = arith.index_cast %add3A_1492 : i32 to index
        %swap3A_1494 = arith.constant 96 : index
        %swap3A_1495 = tpu.vector_load %arg23[%swap3A_1493, %swap3A_1494] {strides = array<i32>} : memref<32x128xf32, #tpu.memory_space<vmem>>, vector<16xf32>,
        tpu.vector_store %arg23[%swap3A_1493, %swap3A_1494], %add3A_1488 {strides = array<i32>} : memref<32x128xf32, #tpu.memory_space<vmem>>, vector<16xf32>,
        %get3A_1496 = arith.index_cast %add3A_1446 : i32 to index
        %get3A_1497 = arith.constant 16 : index
        %get3A_1498 = tpu.vector_load %arg13[%get3A_1496, %get3A_1497] {strides = array<i32>} : memref<128x128xf32, #tpu.memory_space<vmem>>, vector<16xf32>,
        %mul3A_1499 = arith.constant 1.000000e+01 : f32
        %mul3A_1500 = vector.broadcast %mul3A_1499 : f32 to vector<16xf32>
        %mul3A_1501 = arith.mulf %get3A_1498, %mul3A_1500 : vector<16xf32>
        %slice3A_1502 = vector.extract_strided_slice %get3A_310 {offsets = [11], sizes = [1], strides = [1]} : vector<16xf32> to vector<1xf32>
        %squeeze3A_1503 = vector.extract %slice3A_1502[0] : f32 from vector<1xf32>
        %get3A_1504 = arith.constant 0 : i32
        %get3A_1505 = arith.index_cast %get3A_1504 : i32 to index
        %get3A_1506 = arith.constant 16 : index
        %get3A_1507 = tpu.vector_load %arg24[%get3A_1505, %get3A_1506] {strides = array<i32>} : memref<4x128xf32, #tpu.memory_space<vmem>>, vector<16xf32>,
        %mul3A_1508 = vector.broadcast %squeeze3A_1503 : f32 to vector<16xf32>
        %mul3A_1509 = arith.mulf %mul3A_1508, %get3A_1507 : vector<16xf32>
        %add3A_1510 = arith.addf %mul3A_1501, %mul3A_1509 : vector<16xf32>
        %slice3A_1511 = vector.extract_strided_slice %get3A_314 {offsets = [11], sizes = [1], strides = [1]} : vector<16xf32> to vector<1xf32>
        %squeeze3A_1512 = vector.extract %slice3A_1511[0] : f32 from vector<1xf32>
        %get3A_1513 = arith.constant 1 : i32
        %get3A_1514 = arith.index_cast %get3A_1513 : i32 to index
        %get3A_1515 = arith.constant 16 : index
        %get3A_1516 = tpu.vector_load %arg24[%get3A_1514, %get3A_1515] {strides = array<i32>} : memref<4x128xf32, #tpu.memory_space<vmem>>, vector<16xf32>,
        %mul3A_1517 = vector.broadcast %squeeze3A_1512 : f32 to vector<16xf32>
        %mul3A_1518 = arith.mulf %mul3A_1517, %get3A_1516 : vector<16xf32>
        %add3A_1519 = arith.addf %add3A_1510, %mul3A_1518 : vector<16xf32>
        %slice3A_1520 = vector.extract_strided_slice %get3A_318 {offsets = [11], sizes = [1], strides = [1]} : vector<16xf32> to vector<1xf32>
        %squeeze3A_1521 = vector.extract %slice3A_1520[0] : f32 from vector<1xf32>
        %get3A_1522 = arith.constant 2 : i32
        %get3A_1523 = arith.index_cast %get3A_1522 : i32 to index
        %get3A_1524 = arith.constant 16 : index
        %get3A_1525 = tpu.vector_load %arg24[%get3A_1523, %get3A_1524] {strides = array<i32>} : memref<4x128xf32, #tpu.memory_space<vmem>>, vector<16xf32>,
        %mul3A_1526 = vector.broadcast %squeeze3A_1521 : f32 to vector<16xf32>
        %mul3A_1527 = arith.mulf %mul3A_1526, %get3A_1525 : vector<16xf32>
        %add3A_1528 = arith.addf %add3A_1519, %mul3A_1527 : vector<16xf32>
        %slice3A_1529 = vector.extract_strided_slice %get3A_322 {offsets = [11], sizes = [1], strides = [1]} : vector<16xf32> to vector<1xf32>
        %squeeze3A_1530 = vector.extract %slice3A_1529[0] : f32 from vector<1xf32>
        %get3A_1531 = arith.constant 3 : i32
        %get3A_1532 = arith.index_cast %get3A_1531 : i32 to index
        %get3A_1533 = arith.constant 16 : index
        %get3A_1534 = tpu.vector_load %arg24[%get3A_1532, %get3A_1533] {strides = array<i32>} : memref<4x128xf32, #tpu.memory_space<vmem>>, vector<16xf32>,
        %mul3A_1535 = vector.broadcast %squeeze3A_1530 : f32 to vector<16xf32>
        %mul3A_1536 = arith.mulf %mul3A_1535, %get3A_1534 : vector<16xf32>
        %add3A_1537 = arith.addf %add3A_1528, %mul3A_1536 : vector<16xf32>
        %mul3A_1538 = arith.constant 4 : i32
        %mul3A_1539 = arith.muli %mul3A_1538, %scan3A_305 : i32
        %add3A_1540 = arith.constant 2 : i32
        %add3A_1541 = arith.addi %mul3A_1539, %add3A_1540 : i32
        %swap3A_1542 = arith.index_cast %add3A_1541 : i32 to index
        %swap3A_1543 = arith.constant 112 : index
        %swap3A_1544 = tpu.vector_load %arg23[%swap3A_1542, %swap3A_1543] {strides = array<i32>} : memref<32x128xf32, #tpu.memory_space<vmem>>, vector<16xf32>,
        tpu.vector_store %arg23[%swap3A_1542, %swap3A_1543], %add3A_1537 {strides = array<i32>} : memref<32x128xf32, #tpu.memory_space<vmem>>, vector<16xf32>,
        %mul3A_1545 = arith.constant 16 : i32
        %mul3A_1546 = arith.muli %scan3A_305, %mul3A_1545 : i32
        %add3A_1547 = arith.constant 12 : i32
        %add3A_1548 = arith.addi %mul3A_1546, %add3A_1547 : i32
        %get3A_1549 = arith.index_cast %add3A_1548 : i32 to index
        %get3A_1550 = arith.constant 0 : index
        %get3A_1551 = tpu.vector_load %arg13[%get3A_1549, %get3A_1550] {strides = array<i32>} : memref<128x128xf32, #tpu.memory_space<vmem>>, vector<16xf32>,
        %mul3A_1552 = arith.constant 1.000000e+01 : f32
        %mul3A_1553 = vector.broadcast %mul3A_1552 : f32 to vector<16xf32>
        %mul3A_1554 = arith.mulf %get3A_1551, %mul3A_1553 : vector<16xf32>
        %slice3A_1555 = vector.extract_strided_slice %get3A_310 {offsets = [12], sizes = [1], strides = [1]} : vector<16xf32> to vector<1xf32>
        %squeeze3A_1556 = vector.extract %slice3A_1555[0] : f32 from vector<1xf32>
        %get3A_1557 = arith.constant 0 : i32
        %get3A_1558 = arith.index_cast %get3A_1557 : i32 to index
        %get3A_1559 = arith.constant 0 : index
        %get3A_1560 = tpu.vector_load %arg24[%get3A_1558, %get3A_1559] {strides = array<i32>} : memref<4x128xf32, #tpu.memory_space<vmem>>, vector<16xf32>,
        %mul3A_1561 = vector.broadcast %squeeze3A_1556 : f32 to vector<16xf32>
        %mul3A_1562 = arith.mulf %mul3A_1561, %get3A_1560 : vector<16xf32>
        %add3A_1563 = arith.addf %mul3A_1554, %mul3A_1562 : vector<16xf32>
        %slice3A_1564 = vector.extract_strided_slice %get3A_314 {offsets = [12], sizes = [1], strides = [1]} : vector<16xf32> to vector<1xf32>
        %squeeze3A_1565 = vector.extract %slice3A_1564[0] : f32 from vector<1xf32>
        %get3A_1566 = arith.constant 1 : i32
        %get3A_1567 = arith.index_cast %get3A_1566 : i32 to index
        %get3A_1568 = arith.constant 0 : index
        %get3A_1569 = tpu.vector_load %arg24[%get3A_1567, %get3A_1568] {strides = array<i32>} : memref<4x128xf32, #tpu.memory_space<vmem>>, vector<16xf32>,
        %mul3A_1570 = vector.broadcast %squeeze3A_1565 : f32 to vector<16xf32>
        %mul3A_1571 = arith.mulf %mul3A_1570, %get3A_1569 : vector<16xf32>
        %add3A_1572 = arith.addf %add3A_1563, %mul3A_1571 : vector<16xf32>
        %slice3A_1573 = vector.extract_strided_slice %get3A_318 {offsets = [12], sizes = [1], strides = [1]} : vector<16xf32> to vector<1xf32>
        %squeeze3A_1574 = vector.extract %slice3A_1573[0] : f32 from vector<1xf32>
        %get3A_1575 = arith.constant 2 : i32
        %get3A_1576 = arith.index_cast %get3A_1575 : i32 to index
        %get3A_1577 = arith.constant 0 : index
        %get3A_1578 = tpu.vector_load %arg24[%get3A_1576, %get3A_1577] {strides = array<i32>} : memref<4x128xf32, #tpu.memory_space<vmem>>, vector<16xf32>,
        %mul3A_1579 = vector.broadcast %squeeze3A_1574 : f32 to vector<16xf32>
        %mul3A_1580 = arith.mulf %mul3A_1579, %get3A_1578 : vector<16xf32>
        %add3A_1581 = arith.addf %add3A_1572, %mul3A_1580 : vector<16xf32>
        %slice3A_1582 = vector.extract_strided_slice %get3A_322 {offsets = [12], sizes = [1], strides = [1]} : vector<16xf32> to vector<1xf32>
        %squeeze3A_1583 = vector.extract %slice3A_1582[0] : f32 from vector<1xf32>
        %get3A_1584 = arith.constant 3 : i32
        %get3A_1585 = arith.index_cast %get3A_1584 : i32 to index
        %get3A_1586 = arith.constant 0 : index
        %get3A_1587 = tpu.vector_load %arg24[%get3A_1585, %get3A_1586] {strides = array<i32>} : memref<4x128xf32, #tpu.memory_space<vmem>>, vector<16xf32>,
        %mul3A_1588 = vector.broadcast %squeeze3A_1583 : f32 to vector<16xf32>
        %mul3A_1589 = arith.mulf %mul3A_1588, %get3A_1587 : vector<16xf32>
        %add3A_1590 = arith.addf %add3A_1581, %mul3A_1589 : vector<16xf32>
        %mul3A_1591 = arith.constant 4 : i32
        %mul3A_1592 = arith.muli %mul3A_1591, %scan3A_305 : i32
        %add3A_1593 = arith.constant 3 : i32
        %add3A_1594 = arith.addi %mul3A_1592, %add3A_1593 : i32
        %swap3A_1595 = arith.index_cast %add3A_1594 : i32 to index
        %swap3A_1596 = arith.constant 0 : index
        %swap3A_1597 = tpu.vector_load %arg23[%swap3A_1595, %swap3A_1596] {strides = array<i32>} : memref<32x128xf32, #tpu.memory_space<vmem>>, vector<16xf32>,
        tpu.vector_store %arg23[%swap3A_1595, %swap3A_1596], %add3A_1590 {strides = array<i32>} : memref<32x128xf32, #tpu.memory_space<vmem>>, vector<16xf32>,
        %get3A_1598 = arith.index_cast %add3A_1548 : i32 to index
        %get3A_1599 = arith.constant 16 : index
        %get3A_1600 = tpu.vector_load %arg13[%get3A_1598, %get3A_1599] {strides = array<i32>} : memref<128x128xf32, #tpu.memory_space<vmem>>, vector<16xf32>,
        %mul3A_1601 = arith.constant 1.000000e+01 : f32
        %mul3A_1602 = vector.broadcast %mul3A_1601 : f32 to vector<16xf32>
        %mul3A_1603 = arith.mulf %get3A_1600, %mul3A_1602 : vector<16xf32>
        %slice3A_1604 = vector.extract_strided_slice %get3A_310 {offsets = [12], sizes = [1], strides = [1]} : vector<16xf32> to vector<1xf32>
        %squeeze3A_1605 = vector.extract %slice3A_1604[0] : f32 from vector<1xf32>
        %get3A_1606 = arith.constant 0 : i32
        %get3A_1607 = arith.index_cast %get3A_1606 : i32 to index
        %get3A_1608 = arith.constant 16 : index
        %get3A_1609 = tpu.vector_load %arg24[%get3A_1607, %get3A_1608] {strides = array<i32>} : memref<4x128xf32, #tpu.memory_space<vmem>>, vector<16xf32>,
        %mul3A_1610 = vector.broadcast %squeeze3A_1605 : f32 to vector<16xf32>
        %mul3A_1611 = arith.mulf %mul3A_1610, %get3A_1609 : vector<16xf32>
        %add3A_1612 = arith.addf %mul3A_1603, %mul3A_1611 : vector<16xf32>
        %slice3A_1613 = vector.extract_strided_slice %get3A_314 {offsets = [12], sizes = [1], strides = [1]} : vector<16xf32> to vector<1xf32>
        %squeeze3A_1614 = vector.extract %slice3A_1613[0] : f32 from vector<1xf32>
        %get3A_1615 = arith.constant 1 : i32
        %get3A_1616 = arith.index_cast %get3A_1615 : i32 to index
        %get3A_1617 = arith.constant 16 : index
        %get3A_1618 = tpu.vector_load %arg24[%get3A_1616, %get3A_1617] {strides = array<i32>} : memref<4x128xf32, #tpu.memory_space<vmem>>, vector<16xf32>,
        %mul3A_1619 = vector.broadcast %squeeze3A_1614 : f32 to vector<16xf32>
        %mul3A_1620 = arith.mulf %mul3A_1619, %get3A_1618 : vector<16xf32>
        %add3A_1621 = arith.addf %add3A_1612, %mul3A_1620 : vector<16xf32>
        %slice3A_1622 = vector.extract_strided_slice %get3A_318 {offsets = [12], sizes = [1], strides = [1]} : vector<16xf32> to vector<1xf32>
        %squeeze3A_1623 = vector.extract %slice3A_1622[0] : f32 from vector<1xf32>
        %get3A_1624 = arith.constant 2 : i32
        %get3A_1625 = arith.index_cast %get3A_1624 : i32 to index
        %get3A_1626 = arith.constant 16 : index
        %get3A_1627 = tpu.vector_load %arg24[%get3A_1625, %get3A_1626] {strides = array<i32>} : memref<4x128xf32, #tpu.memory_space<vmem>>, vector<16xf32>,
        %mul3A_1628 = vector.broadcast %squeeze3A_1623 : f32 to vector<16xf32>
        %mul3A_1629 = arith.mulf %mul3A_1628, %get3A_1627 : vector<16xf32>
        %add3A_1630 = arith.addf %add3A_1621, %mul3A_1629 : vector<16xf32>
        %slice3A_1631 = vector.extract_strided_slice %get3A_322 {offsets = [12], sizes = [1], strides = [1]} : vector<16xf32> to vector<1xf32>
        %squeeze3A_1632 = vector.extract %slice3A_1631[0] : f32 from vector<1xf32>
        %get3A_1633 = arith.constant 3 : i32
        %get3A_1634 = arith.index_cast %get3A_1633 : i32 to index
        %get3A_1635 = arith.constant 16 : index
        %get3A_1636 = tpu.vector_load %arg24[%get3A_1634, %get3A_1635] {strides = array<i32>} : memref<4x128xf32, #tpu.memory_space<vmem>>, vector<16xf32>,
        %mul3A_1637 = vector.broadcast %squeeze3A_1632 : f32 to vector<16xf32>
        %mul3A_1638 = arith.mulf %mul3A_1637, %get3A_1636 : vector<16xf32>
        %add3A_1639 = arith.addf %add3A_1630, %mul3A_1638 : vector<16xf32>
        %mul3A_1640 = arith.constant 4 : i32
        %mul3A_1641 = arith.muli %mul3A_1640, %scan3A_305 : i32
        %add3A_1642 = arith.constant 3 : i32
        %add3A_1643 = arith.addi %mul3A_1641, %add3A_1642 : i32
        %swap3A_1644 = arith.index_cast %add3A_1643 : i32 to index
        %swap3A_1645 = arith.constant 16 : index
        %swap3A_1646 = tpu.vector_load %arg23[%swap3A_1644, %swap3A_1645] {strides = array<i32>} : memref<32x128xf32, #tpu.memory_space<vmem>>, vector<16xf32>,
        tpu.vector_store %arg23[%swap3A_1644, %swap3A_1645], %add3A_1639 {strides = array<i32>} : memref<32x128xf32, #tpu.memory_space<vmem>>, vector<16xf32>,
        %mul3A_1647 = arith.constant 16 : i32
        %mul3A_1648 = arith.muli %scan3A_305, %mul3A_1647 : i32
        %add3A_1649 = arith.constant 13 : i32
        %add3A_1650 = arith.addi %mul3A_1648, %add3A_1649 : i32
        %get3A_1651 = arith.index_cast %add3A_1650 : i32 to index
        %get3A_1652 = arith.constant 0 : index
        %get3A_1653 = tpu.vector_load %arg13[%get3A_1651, %get3A_1652] {strides = array<i32>} : memref<128x128xf32, #tpu.memory_space<vmem>>, vector<16xf32>,
        %mul3A_1654 = arith.constant 1.000000e+01 : f32
        %mul3A_1655 = vector.broadcast %mul3A_1654 : f32 to vector<16xf32>
        %mul3A_1656 = arith.mulf %get3A_1653, %mul3A_1655 : vector<16xf32>
        %slice3A_1657 = vector.extract_strided_slice %get3A_310 {offsets = [13], sizes = [1], strides = [1]} : vector<16xf32> to vector<1xf32>
        %squeeze3A_1658 = vector.extract %slice3A_1657[0] : f32 from vector<1xf32>
        %get3A_1659 = arith.constant 0 : i32
        %get3A_1660 = arith.index_cast %get3A_1659 : i32 to index
        %get3A_1661 = arith.constant 0 : index
        %get3A_1662 = tpu.vector_load %arg24[%get3A_1660, %get3A_1661] {strides = array<i32>} : memref<4x128xf32, #tpu.memory_space<vmem>>, vector<16xf32>,
        %mul3A_1663 = vector.broadcast %squeeze3A_1658 : f32 to vector<16xf32>
        %mul3A_1664 = arith.mulf %mul3A_1663, %get3A_1662 : vector<16xf32>
        %add3A_1665 = arith.addf %mul3A_1656, %mul3A_1664 : vector<16xf32>
        %slice3A_1666 = vector.extract_strided_slice %get3A_314 {offsets = [13], sizes = [1], strides = [1]} : vector<16xf32> to vector<1xf32>
        %squeeze3A_1667 = vector.extract %slice3A_1666[0] : f32 from vector<1xf32>
        %get3A_1668 = arith.constant 1 : i32
        %get3A_1669 = arith.index_cast %get3A_1668 : i32 to index
        %get3A_1670 = arith.constant 0 : index
        %get3A_1671 = tpu.vector_load %arg24[%get3A_1669, %get3A_1670] {strides = array<i32>} : memref<4x128xf32, #tpu.memory_space<vmem>>, vector<16xf32>,
        %mul3A_1672 = vector.broadcast %squeeze3A_1667 : f32 to vector<16xf32>
        %mul3A_1673 = arith.mulf %mul3A_1672, %get3A_1671 : vector<16xf32>
        %add3A_1674 = arith.addf %add3A_1665, %mul3A_1673 : vector<16xf32>
        %slice3A_1675 = vector.extract_strided_slice %get3A_318 {offsets = [13], sizes = [1], strides = [1]} : vector<16xf32> to vector<1xf32>
        %squeeze3A_1676 = vector.extract %slice3A_1675[0] : f32 from vector<1xf32>
        %get3A_1677 = arith.constant 2 : i32
        %get3A_1678 = arith.index_cast %get3A_1677 : i32 to index
        %get3A_1679 = arith.constant 0 : index
        %get3A_1680 = tpu.vector_load %arg24[%get3A_1678, %get3A_1679] {strides = array<i32>} : memref<4x128xf32, #tpu.memory_space<vmem>>, vector<16xf32>,
        %mul3A_1681 = vector.broadcast %squeeze3A_1676 : f32 to vector<16xf32>
        %mul3A_1682 = arith.mulf %mul3A_1681, %get3A_1680 : vector<16xf32>
        %add3A_1683 = arith.addf %add3A_1674, %mul3A_1682 : vector<16xf32>
        %slice3A_1684 = vector.extract_strided_slice %get3A_322 {offsets = [13], sizes = [1], strides = [1]} : vector<16xf32> to vector<1xf32>
        %squeeze3A_1685 = vector.extract %slice3A_1684[0] : f32 from vector<1xf32>
        %get3A_1686 = arith.constant 3 : i32
        %get3A_1687 = arith.index_cast %get3A_1686 : i32 to index
        %get3A_1688 = arith.constant 0 : index
        %get3A_1689 = tpu.vector_load %arg24[%get3A_1687, %get3A_1688] {strides = array<i32>} : memref<4x128xf32, #tpu.memory_space<vmem>>, vector<16xf32>,
        %mul3A_1690 = vector.broadcast %squeeze3A_1685 : f32 to vector<16xf32>
        %mul3A_1691 = arith.mulf %mul3A_1690, %get3A_1689 : vector<16xf32>
        %add3A_1692 = arith.addf %add3A_1683, %mul3A_1691 : vector<16xf32>
        %mul3A_1693 = arith.constant 4 : i32
        %mul3A_1694 = arith.muli %mul3A_1693, %scan3A_305 : i32
        %add3A_1695 = arith.constant 3 : i32
        %add3A_1696 = arith.addi %mul3A_1694, %add3A_1695 : i32
        %swap3A_1697 = arith.index_cast %add3A_1696 : i32 to index
        %swap3A_1698 = arith.constant 32 : index
        %swap3A_1699 = tpu.vector_load %arg23[%swap3A_1697, %swap3A_1698] {strides = array<i32>} : memref<32x128xf32, #tpu.memory_space<vmem>>, vector<16xf32>,
        tpu.vector_store %arg23[%swap3A_1697, %swap3A_1698], %add3A_1692 {strides = array<i32>} : memref<32x128xf32, #tpu.memory_space<vmem>>, vector<16xf32>,
        %get3A_1700 = arith.index_cast %add3A_1650 : i32 to index
        %get3A_1701 = arith.constant 16 : index
        %get3A_1702 = tpu.vector_load %arg13[%get3A_1700, %get3A_1701] {strides = array<i32>} : memref<128x128xf32, #tpu.memory_space<vmem>>, vector<16xf32>,
        %mul3A_1703 = arith.constant 1.000000e+01 : f32
        %mul3A_1704 = vector.broadcast %mul3A_1703 : f32 to vector<16xf32>
        %mul3A_1705 = arith.mulf %get3A_1702, %mul3A_1704 : vector<16xf32>
        %slice3A_1706 = vector.extract_strided_slice %get3A_310 {offsets = [13], sizes = [1], strides = [1]} : vector<16xf32> to vector<1xf32>
        %squeeze3A_1707 = vector.extract %slice3A_1706[0] : f32 from vector<1xf32>
        %get3A_1708 = arith.constant 0 : i32
        %get3A_1709 = arith.index_cast %get3A_1708 : i32 to index
        %get3A_1710 = arith.constant 16 : index
        %get3A_1711 = tpu.vector_load %arg24[%get3A_1709, %get3A_1710] {strides = array<i32>} : memref<4x128xf32, #tpu.memory_space<vmem>>, vector<16xf32>,
        %mul3A_1712 = vector.broadcast %squeeze3A_1707 : f32 to vector<16xf32>
        %mul3A_1713 = arith.mulf %mul3A_1712, %get3A_1711 : vector<16xf32>
        %add3A_1714 = arith.addf %mul3A_1705, %mul3A_1713 : vector<16xf32>
        %slice3A_1715 = vector.extract_strided_slice %get3A_314 {offsets = [13], sizes = [1], strides = [1]} : vector<16xf32> to vector<1xf32>
        %squeeze3A_1716 = vector.extract %slice3A_1715[0] : f32 from vector<1xf32>
        %get3A_1717 = arith.constant 1 : i32
        %get3A_1718 = arith.index_cast %get3A_1717 : i32 to index
        %get3A_1719 = arith.constant 16 : index
        %get3A_1720 = tpu.vector_load %arg24[%get3A_1718, %get3A_1719] {strides = array<i32>} : memref<4x128xf32, #tpu.memory_space<vmem>>, vector<16xf32>,
        %mul3A_1721 = vector.broadcast %squeeze3A_1716 : f32 to vector<16xf32>
        %mul3A_1722 = arith.mulf %mul3A_1721, %get3A_1720 : vector<16xf32>
        %add3A_1723 = arith.addf %add3A_1714, %mul3A_1722 : vector<16xf32>
        %slice3A_1724 = vector.extract_strided_slice %get3A_318 {offsets = [13], sizes = [1], strides = [1]} : vector<16xf32> to vector<1xf32>
        %squeeze3A_1725 = vector.extract %slice3A_1724[0] : f32 from vector<1xf32>
        %get3A_1726 = arith.constant 2 : i32
        %get3A_1727 = arith.index_cast %get3A_1726 : i32 to index
        %get3A_1728 = arith.constant 16 : index
        %get3A_1729 = tpu.vector_load %arg24[%get3A_1727, %get3A_1728] {strides = array<i32>} : memref<4x128xf32, #tpu.memory_space<vmem>>, vector<16xf32>,
        %mul3A_1730 = vector.broadcast %squeeze3A_1725 : f32 to vector<16xf32>
        %mul3A_1731 = arith.mulf %mul3A_1730, %get3A_1729 : vector<16xf32>
        %add3A_1732 = arith.addf %add3A_1723, %mul3A_1731 : vector<16xf32>
        %slice3A_1733 = vector.extract_strided_slice %get3A_322 {offsets = [13], sizes = [1], strides = [1]} : vector<16xf32> to vector<1xf32>
        %squeeze3A_1734 = vector.extract %slice3A_1733[0] : f32 from vector<1xf32>
        %get3A_1735 = arith.constant 3 : i32
        %get3A_1736 = arith.index_cast %get3A_1735 : i32 to index
        %get3A_1737 = arith.constant 16 : index
        %get3A_1738 = tpu.vector_load %arg24[%get3A_1736, %get3A_1737] {strides = array<i32>} : memref<4x128xf32, #tpu.memory_space<vmem>>, vector<16xf32>,
        %mul3A_1739 = vector.broadcast %squeeze3A_1734 : f32 to vector<16xf32>
        %mul3A_1740 = arith.mulf %mul3A_1739, %get3A_1738 : vector<16xf32>
        %add3A_1741 = arith.addf %add3A_1732, %mul3A_1740 : vector<16xf32>
        %mul3A_1742 = arith.constant 4 : i32
        %mul3A_1743 = arith.muli %mul3A_1742, %scan3A_305 : i32
        %add3A_1744 = arith.constant 3 : i32
        %add3A_1745 = arith.addi %mul3A_1743, %add3A_1744 : i32
        %swap3A_1746 = arith.index_cast %add3A_1745 : i32 to index
        %swap3A_1747 = arith.constant 48 : index
        %swap3A_1748 = tpu.vector_load %arg23[%swap3A_1746, %swap3A_1747] {strides = array<i32>} : memref<32x128xf32, #tpu.memory_space<vmem>>, vector<16xf32>,
        tpu.vector_store %arg23[%swap3A_1746, %swap3A_1747], %add3A_1741 {strides = array<i32>} : memref<32x128xf32, #tpu.memory_space<vmem>>, vector<16xf32>,
        %mul3A_1749 = arith.constant 16 : i32
        %mul3A_1750 = arith.muli %scan3A_305, %mul3A_1749 : i32
        %add3A_1751 = arith.constant 14 : i32
        %add3A_1752 = arith.addi %mul3A_1750, %add3A_1751 : i32
        %get3A_1753 = arith.index_cast %add3A_1752 : i32 to index
        %get3A_1754 = arith.constant 0 : index
        %get3A_1755 = tpu.vector_load %arg13[%get3A_1753, %get3A_1754] {strides = array<i32>} : memref<128x128xf32, #tpu.memory_space<vmem>>, vector<16xf32>,
        %mul3A_1756 = arith.constant 1.000000e+01 : f32
        %mul3A_1757 = vector.broadcast %mul3A_1756 : f32 to vector<16xf32>
        %mul3A_1758 = arith.mulf %get3A_1755, %mul3A_1757 : vector<16xf32>
        %slice3A_1759 = vector.extract_strided_slice %get3A_310 {offsets = [14], sizes = [1], strides = [1]} : vector<16xf32> to vector<1xf32>
        %squeeze3A_1760 = vector.extract %slice3A_1759[0] : f32 from vector<1xf32>
        %get3A_1761 = arith.constant 0 : i32
        %get3A_1762 = arith.index_cast %get3A_1761 : i32 to index
        %get3A_1763 = arith.constant 0 : index
        %get3A_1764 = tpu.vector_load %arg24[%get3A_1762, %get3A_1763] {strides = array<i32>} : memref<4x128xf32, #tpu.memory_space<vmem>>, vector<16xf32>,
        %mul3A_1765 = vector.broadcast %squeeze3A_1760 : f32 to vector<16xf32>
        %mul3A_1766 = arith.mulf %mul3A_1765, %get3A_1764 : vector<16xf32>
        %add3A_1767 = arith.addf %mul3A_1758, %mul3A_1766 : vector<16xf32>
        %slice3A_1768 = vector.extract_strided_slice %get3A_314 {offsets = [14], sizes = [1], strides = [1]} : vector<16xf32> to vector<1xf32>
        %squeeze3A_1769 = vector.extract %slice3A_1768[0] : f32 from vector<1xf32>
        %get3A_1770 = arith.constant 1 : i32
        %get3A_1771 = arith.index_cast %get3A_1770 : i32 to index
        %get3A_1772 = arith.constant 0 : index
        %get3A_1773 = tpu.vector_load %arg24[%get3A_1771, %get3A_1772] {strides = array<i32>} : memref<4x128xf32, #tpu.memory_space<vmem>>, vector<16xf32>,
        %mul3A_1774 = vector.broadcast %squeeze3A_1769 : f32 to vector<16xf32>
        %mul3A_1775 = arith.mulf %mul3A_1774, %get3A_1773 : vector<16xf32>
        %add3A_1776 = arith.addf %add3A_1767, %mul3A_1775 : vector<16xf32>
        %slice3A_1777 = vector.extract_strided_slice %get3A_318 {offsets = [14], sizes = [1], strides = [1]} : vector<16xf32> to vector<1xf32>
        %squeeze3A_1778 = vector.extract %slice3A_1777[0] : f32 from vector<1xf32>
        %get3A_1779 = arith.constant 2 : i32
        %get3A_1780 = arith.index_cast %get3A_1779 : i32 to index
        %get3A_1781 = arith.constant 0 : index
        %get3A_1782 = tpu.vector_load %arg24[%get3A_1780, %get3A_1781] {strides = array<i32>} : memref<4x128xf32, #tpu.memory_space<vmem>>, vector<16xf32>,
        %mul3A_1783 = vector.broadcast %squeeze3A_1778 : f32 to vector<16xf32>
        %mul3A_1784 = arith.mulf %mul3A_1783, %get3A_1782 : vector<16xf32>
        %add3A_1785 = arith.addf %add3A_1776, %mul3A_1784 : vector<16xf32>
        %slice3A_1786 = vector.extract_strided_slice %get3A_322 {offsets = [14], sizes = [1], strides = [1]} : vector<16xf32> to vector<1xf32>
        %squeeze3A_1787 = vector.extract %slice3A_1786[0] : f32 from vector<1xf32>
        %get3A_1788 = arith.constant 3 : i32
        %get3A_1789 = arith.index_cast %get3A_1788 : i32 to index
        %get3A_1790 = arith.constant 0 : index
        %get3A_1791 = tpu.vector_load %arg24[%get3A_1789, %get3A_1790] {strides = array<i32>} : memref<4x128xf32, #tpu.memory_space<vmem>>, vector<16xf32>,
        %mul3A_1792 = vector.broadcast %squeeze3A_1787 : f32 to vector<16xf32>
        %mul3A_1793 = arith.mulf %mul3A_1792, %get3A_1791 : vector<16xf32>
        %add3A_1794 = arith.addf %add3A_1785, %mul3A_1793 : vector<16xf32>
        %mul3A_1795 = arith.constant 4 : i32
        %mul3A_1796 = arith.muli %mul3A_1795, %scan3A_305 : i32
        %add3A_1797 = arith.constant 3 : i32
        %add3A_1798 = arith.addi %mul3A_1796, %add3A_1797 : i32
        %swap3A_1799 = arith.index_cast %add3A_1798 : i32 to index
        %swap3A_1800 = arith.constant 64 : index
        %swap3A_1801 = tpu.vector_load %arg23[%swap3A_1799, %swap3A_1800] {strides = array<i32>} : memref<32x128xf32, #tpu.memory_space<vmem>>, vector<16xf32>,
        tpu.vector_store %arg23[%swap3A_1799, %swap3A_1800], %add3A_1794 {strides = array<i32>} : memref<32x128xf32, #tpu.memory_space<vmem>>, vector<16xf32>,
        %get3A_1802 = arith.index_cast %add3A_1752 : i32 to index
        %get3A_1803 = arith.constant 16 : index
        %get3A_1804 = tpu.vector_load %arg13[%get3A_1802, %get3A_1803] {strides = array<i32>} : memref<128x128xf32, #tpu.memory_space<vmem>>, vector<16xf32>,
        %mul3A_1805 = arith.constant 1.000000e+01 : f32
        %mul3A_1806 = vector.broadcast %mul3A_1805 : f32 to vector<16xf32>
        %mul3A_1807 = arith.mulf %get3A_1804, %mul3A_1806 : vector<16xf32>
        %slice3A_1808 = vector.extract_strided_slice %get3A_310 {offsets = [14], sizes = [1], strides = [1]} : vector<16xf32> to vector<1xf32>
        %squeeze3A_1809 = vector.extract %slice3A_1808[0] : f32 from vector<1xf32>
        %get3A_1810 = arith.constant 0 : i32
        %get3A_1811 = arith.index_cast %get3A_1810 : i32 to index
        %get3A_1812 = arith.constant 16 : index
        %get3A_1813 = tpu.vector_load %arg24[%get3A_1811, %get3A_1812] {strides = array<i32>} : memref<4x128xf32, #tpu.memory_space<vmem>>, vector<16xf32>,
        %mul3A_1814 = vector.broadcast %squeeze3A_1809 : f32 to vector<16xf32>
        %mul3A_1815 = arith.mulf %mul3A_1814, %get3A_1813 : vector<16xf32>
        %add3A_1816 = arith.addf %mul3A_1807, %mul3A_1815 : vector<16xf32>
        %slice3A_1817 = vector.extract_strided_slice %get3A_314 {offsets = [14], sizes = [1], strides = [1]} : vector<16xf32> to vector<1xf32>
        %squeeze3A_1818 = vector.extract %slice3A_1817[0] : f32 from vector<1xf32>
        %get3A_1819 = arith.constant 1 : i32
        %get3A_1820 = arith.index_cast %get3A_1819 : i32 to index
        %get3A_1821 = arith.constant 16 : index
        %get3A_1822 = tpu.vector_load %arg24[%get3A_1820, %get3A_1821] {strides = array<i32>} : memref<4x128xf32, #tpu.memory_space<vmem>>, vector<16xf32>,
        %mul3A_1823 = vector.broadcast %squeeze3A_1818 : f32 to vector<16xf32>
        %mul3A_1824 = arith.mulf %mul3A_1823, %get3A_1822 : vector<16xf32>
        %add3A_1825 = arith.addf %add3A_1816, %mul3A_1824 : vector<16xf32>
        %slice3A_1826 = vector.extract_strided_slice %get3A_318 {offsets = [14], sizes = [1], strides = [1]} : vector<16xf32> to vector<1xf32>
        %squeeze3A_1827 = vector.extract %slice3A_1826[0] : f32 from vector<1xf32>
        %get3A_1828 = arith.constant 2 : i32
        %get3A_1829 = arith.index_cast %get3A_1828 : i32 to index
        %get3A_1830 = arith.constant 16 : index
        %get3A_1831 = tpu.vector_load %arg24[%get3A_1829, %get3A_1830] {strides = array<i32>} : memref<4x128xf32, #tpu.memory_space<vmem>>, vector<16xf32>,
        %mul3A_1832 = vector.broadcast %squeeze3A_1827 : f32 to vector<16xf32>
        %mul3A_1833 = arith.mulf %mul3A_1832, %get3A_1831 : vector<16xf32>
        %add3A_1834 = arith.addf %add3A_1825, %mul3A_1833 : vector<16xf32>
        %slice3A_1835 = vector.extract_strided_slice %get3A_322 {offsets = [14], sizes = [1], strides = [1]} : vector<16xf32> to vector<1xf32>
        %squeeze3A_1836 = vector.extract %slice3A_1835[0] : f32 from vector<1xf32>
        %get3A_1837 = arith.constant 3 : i32
        %get3A_1838 = arith.index_cast %get3A_1837 : i32 to index
        %get3A_1839 = arith.constant 16 : index
        %get3A_1840 = tpu.vector_load %arg24[%get3A_1838, %get3A_1839] {strides = array<i32>} : memref<4x128xf32, #tpu.memory_space<vmem>>, vector<16xf32>,
        %mul3A_1841 = vector.broadcast %squeeze3A_1836 : f32 to vector<16xf32>
        %mul3A_1842 = arith.mulf %mul3A_1841, %get3A_1840 : vector<16xf32>
        %add3A_1843 = arith.addf %add3A_1834, %mul3A_1842 : vector<16xf32>
        %mul3A_1844 = arith.constant 4 : i32
        %mul3A_1845 = arith.muli %mul3A_1844, %scan3A_305 : i32
        %add3A_1846 = arith.constant 3 : i32
        %add3A_1847 = arith.addi %mul3A_1845, %add3A_1846 : i32
        %swap3A_1848 = arith.index_cast %add3A_1847 : i32 to index
        %swap3A_1849 = arith.constant 80 : index
        %swap3A_1850 = tpu.vector_load %arg23[%swap3A_1848, %swap3A_1849] {strides = array<i32>} : memref<32x128xf32, #tpu.memory_space<vmem>>, vector<16xf32>,
        tpu.vector_store %arg23[%swap3A_1848, %swap3A_1849], %add3A_1843 {strides = array<i32>} : memref<32x128xf32, #tpu.memory_space<vmem>>, vector<16xf32>,
        %mul3A_1851 = arith.constant 16 : i32
        %mul3A_1852 = arith.muli %scan3A_305, %mul3A_1851 : i32
        %add3A_1853 = arith.constant 15 : i32
        %add3A_1854 = arith.addi %mul3A_1852, %add3A_1853 : i32
        %get3A_1855 = arith.index_cast %add3A_1854 : i32 to index
        %get3A_1856 = arith.constant 0 : index
        %get3A_1857 = tpu.vector_load %arg13[%get3A_1855, %get3A_1856] {strides = array<i32>} : memref<128x128xf32, #tpu.memory_space<vmem>>, vector<16xf32>,
        %mul3A_1858 = arith.constant 1.000000e+01 : f32
        %mul3A_1859 = vector.broadcast %mul3A_1858 : f32 to vector<16xf32>
        %mul3A_1860 = arith.mulf %get3A_1857, %mul3A_1859 : vector<16xf32>
        %slice3A_1861 = vector.extract_strided_slice %get3A_310 {offsets = [15], sizes = [1], strides = [1]} : vector<16xf32> to vector<1xf32>
        %squeeze3A_1862 = vector.extract %slice3A_1861[0] : f32 from vector<1xf32>
        %get3A_1863 = arith.constant 0 : i32
        %get3A_1864 = arith.index_cast %get3A_1863 : i32 to index
        %get3A_1865 = arith.constant 0 : index
        %get3A_1866 = tpu.vector_load %arg24[%get3A_1864, %get3A_1865] {strides = array<i32>} : memref<4x128xf32, #tpu.memory_space<vmem>>, vector<16xf32>,
        %mul3A_1867 = vector.broadcast %squeeze3A_1862 : f32 to vector<16xf32>
        %mul3A_1868 = arith.mulf %mul3A_1867, %get3A_1866 : vector<16xf32>
        %add3A_1869 = arith.addf %mul3A_1860, %mul3A_1868 : vector<16xf32>
        %slice3A_1870 = vector.extract_strided_slice %get3A_314 {offsets = [15], sizes = [1], strides = [1]} : vector<16xf32> to vector<1xf32>
        %squeeze3A_1871 = vector.extract %slice3A_1870[0] : f32 from vector<1xf32>
        %get3A_1872 = arith.constant 1 : i32
        %get3A_1873 = arith.index_cast %get3A_1872 : i32 to index
        %get3A_1874 = arith.constant 0 : index
        %get3A_1875 = tpu.vector_load %arg24[%get3A_1873, %get3A_1874] {strides = array<i32>} : memref<4x128xf32, #tpu.memory_space<vmem>>, vector<16xf32>,
        %mul3A_1876 = vector.broadcast %squeeze3A_1871 : f32 to vector<16xf32>
        %mul3A_1877 = arith.mulf %mul3A_1876, %get3A_1875 : vector<16xf32>
        %add3A_1878 = arith.addf %add3A_1869, %mul3A_1877 : vector<16xf32>
        %slice3A_1879 = vector.extract_strided_slice %get3A_318 {offsets = [15], sizes = [1], strides = [1]} : vector<16xf32> to vector<1xf32>
        %squeeze3A_1880 = vector.extract %slice3A_1879[0] : f32 from vector<1xf32>
        %get3A_1881 = arith.constant 2 : i32
        %get3A_1882 = arith.index_cast %get3A_1881 : i32 to index
        %get3A_1883 = arith.constant 0 : index
        %get3A_1884 = tpu.vector_load %arg24[%get3A_1882, %get3A_1883] {strides = array<i32>} : memref<4x128xf32, #tpu.memory_space<vmem>>, vector<16xf32>,
        %mul3A_1885 = vector.broadcast %squeeze3A_1880 : f32 to vector<16xf32>
        %mul3A_1886 = arith.mulf %mul3A_1885, %get3A_1884 : vector<16xf32>
        %add3A_1887 = arith.addf %add3A_1878, %mul3A_1886 : vector<16xf32>
        %slice3A_1888 = vector.extract_strided_slice %get3A_322 {offsets = [15], sizes = [1], strides = [1]} : vector<16xf32> to vector<1xf32>
        %squeeze3A_1889 = vector.extract %slice3A_1888[0] : f32 from vector<1xf32>
        %get3A_1890 = arith.constant 3 : i32
        %get3A_1891 = arith.index_cast %get3A_1890 : i32 to index
        %get3A_1892 = arith.constant 0 : index
        %get3A_1893 = tpu.vector_load %arg24[%get3A_1891, %get3A_1892] {strides = array<i32>} : memref<4x128xf32, #tpu.memory_space<vmem>>, vector<16xf32>,
        %mul3A_1894 = vector.broadcast %squeeze3A_1889 : f32 to vector<16xf32>
        %mul3A_1895 = arith.mulf %mul3A_1894, %get3A_1893 : vector<16xf32>
        %add3A_1896 = arith.addf %add3A_1887, %mul3A_1895 : vector<16xf32>
        %mul3A_1897 = arith.constant 4 : i32
        %mul3A_1898 = arith.muli %mul3A_1897, %scan3A_305 : i32
        %add3A_1899 = arith.constant 3 : i32
        %add3A_1900 = arith.addi %mul3A_1898, %add3A_1899 : i32
        %swap3A_1901 = arith.index_cast %add3A_1900 : i32 to index
        %swap3A_1902 = arith.constant 96 : index
        %swap3A_1903 = tpu.vector_load %arg23[%swap3A_1901, %swap3A_1902] {strides = array<i32>} : memref<32x128xf32, #tpu.memory_space<vmem>>, vector<16xf32>,
        tpu.vector_store %arg23[%swap3A_1901, %swap3A_1902], %add3A_1896 {strides = array<i32>} : memref<32x128xf32, #tpu.memory_space<vmem>>, vector<16xf32>,
        %get3A_1904 = arith.index_cast %add3A_1854 : i32 to index
        %get3A_1905 = arith.constant 16 : index
        %get3A_1906 = tpu.vector_load %arg13[%get3A_1904, %get3A_1905] {strides = array<i32>} : memref<128x128xf32, #tpu.memory_space<vmem>>, vector<16xf32>,
        %mul3A_1907 = arith.constant 1.000000e+01 : f32
        %mul3A_1908 = vector.broadcast %mul3A_1907 : f32 to vector<16xf32>
        %mul3A_1909 = arith.mulf %get3A_1906, %mul3A_1908 : vector<16xf32>
        %slice3A_1910 = vector.extract_strided_slice %get3A_310 {offsets = [15], sizes = [1], strides = [1]} : vector<16xf32> to vector<1xf32>
        %squeeze3A_1911 = vector.extract %slice3A_1910[0] : f32 from vector<1xf32>
        %get3A_1912 = arith.constant 0 : i32
        %get3A_1913 = arith.index_cast %get3A_1912 : i32 to index
        %get3A_1914 = arith.constant 16 : index
        %get3A_1915 = tpu.vector_load %arg24[%get3A_1913, %get3A_1914] {strides = array<i32>} : memref<4x128xf32, #tpu.memory_space<vmem>>, vector<16xf32>,
        %mul3A_1916 = vector.broadcast %squeeze3A_1911 : f32 to vector<16xf32>
        %mul3A_1917 = arith.mulf %mul3A_1916, %get3A_1915 : vector<16xf32>
        %add3A_1918 = arith.addf %mul3A_1909, %mul3A_1917 : vector<16xf32>
        %slice3A_1919 = vector.extract_strided_slice %get3A_314 {offsets = [15], sizes = [1], strides = [1]} : vector<16xf32> to vector<1xf32>
        %squeeze3A_1920 = vector.extract %slice3A_1919[0] : f32 from vector<1xf32>
        %get3A_1921 = arith.constant 1 : i32
        %get3A_1922 = arith.index_cast %get3A_1921 : i32 to index
        %get3A_1923 = arith.constant 16 : index
        %get3A_1924 = tpu.vector_load %arg24[%get3A_1922, %get3A_1923] {strides = array<i32>} : memref<4x128xf32, #tpu.memory_space<vmem>>, vector<16xf32>,
        %mul3A_1925 = vector.broadcast %squeeze3A_1920 : f32 to vector<16xf32>
        %mul3A_1926 = arith.mulf %mul3A_1925, %get3A_1924 : vector<16xf32>
        %add3A_1927 = arith.addf %add3A_1918, %mul3A_1926 : vector<16xf32>
        %slice3A_1928 = vector.extract_strided_slice %get3A_318 {offsets = [15], sizes = [1], strides = [1]} : vector<16xf32> to vector<1xf32>
        %squeeze3A_1929 = vector.extract %slice3A_1928[0] : f32 from vector<1xf32>
        %get3A_1930 = arith.constant 2 : i32
        %get3A_1931 = arith.index_cast %get3A_1930 : i32 to index
        %get3A_1932 = arith.constant 16 : index
        %get3A_1933 = tpu.vector_load %arg24[%get3A_1931, %get3A_1932] {strides = array<i32>} : memref<4x128xf32, #tpu.memory_space<vmem>>, vector<16xf32>,
        %mul3A_1934 = vector.broadcast %squeeze3A_1929 : f32 to vector<16xf32>
        %mul3A_1935 = arith.mulf %mul3A_1934, %get3A_1933 : vector<16xf32>
        %add3A_1936 = arith.addf %add3A_1927, %mul3A_1935 : vector<16xf32>
        %slice3A_1937 = vector.extract_strided_slice %get3A_322 {offsets = [15], sizes = [1], strides = [1]} : vector<16xf32> to vector<1xf32>
        %squeeze3A_1938 = vector.extract %slice3A_1937[0] : f32 from vector<1xf32>
        %get3A_1939 = arith.constant 3 : i32
        %get3A_1940 = arith.index_cast %get3A_1939 : i32 to index
        %get3A_1941 = arith.constant 16 : index
        %get3A_1942 = tpu.vector_load %arg24[%get3A_1940, %get3A_1941] {strides = array<i32>} : memref<4x128xf32, #tpu.memory_space<vmem>>, vector<16xf32>,
        %mul3A_1943 = vector.broadcast %squeeze3A_1938 : f32 to vector<16xf32>
        %mul3A_1944 = arith.mulf %mul3A_1943, %get3A_1942 : vector<16xf32>
        %add3A_1945 = arith.addf %add3A_1936, %mul3A_1944 : vector<16xf32>
        %mul3A_1946 = arith.constant 4 : i32
        %mul3A_1947 = arith.muli %mul3A_1946, %scan3A_305 : i32
        %add3A_1948 = arith.constant 3 : i32
        %add3A_1949 = arith.addi %mul3A_1947, %add3A_1948 : i32
        %swap3A_1950 = arith.index_cast %add3A_1949 : i32 to index
        %swap3A_1951 = arith.constant 112 : index
        %swap3A_1952 = tpu.vector_load %arg23[%swap3A_1950, %swap3A_1951] {strides = array<i32>} : memref<32x128xf32, #tpu.memory_space<vmem>>, vector<16xf32>,
        tpu.vector_store %arg23[%swap3A_1950, %swap3A_1951], %add3A_1945 {strides = array<i32>} : memref<32x128xf32, #tpu.memory_space<vmem>>, vector<16xf32>,
        %scan3A_1953 = arith.constant 0 : i32
        scf.yield %scan3A_1953 : i32
      }
      %scan3A_264 = arith.constant 8 : i32
      %mul3A_265 = arith.constant 128 : i32
      %mul3A_266 = arith.muli %add3A_241, %mul3A_265 : i32
      %add3A_267 = arith.addi %mul3A_2, %mul3A_266 : i32
      %jit3A_268 = arith.constant 4 : i32
      %div3A_269 = arith.divsi %add3A_267, %jit3A_268 : i32
      %sign3A_270 = arith.constant 0 : i32
      %sign3A_271 = arith.cmpi sgt, %add3A_267, %sign3A_270 : i32
      %sign3A_272 = arith.extui %sign3A_271 : i1 to i32
      %sign3A_273 = arith.constant 0 : i32
      %sign3A_274 = arith.cmpi slt, %add3A_267, %sign3A_273 : i32
      %sign3A_275 = arith.extui %sign3A_274 : i1 to i32
      %sign3A_276 = arith.subi %sign3A_272, %sign3A_275 : i32
      %sign3A_277 = arith.constant 0 : i32
      %sign3A_278 = arith.cmpi sgt, %jit3A_268, %sign3A_277 : i32
      %sign3A_279 = arith.extui %sign3A_278 : i1 to i32
      %sign3A_280 = arith.constant 0 : i32
      %sign3A_281 = arith.cmpi slt, %jit3A_268, %sign3A_280 : i32
      %sign3A_282 = arith.extui %sign3A_281 : i1 to i32
      %sign3A_283 = arith.subi %sign3A_279, %sign3A_282 : i32
      %ne3A_284 = arith.cmpi ne, %sign3A_276, %sign3A_283 : i32
      %rem3A_285 = arith.remsi %add3A_267, %jit3A_268 : i32
      %ne3A_286 = arith.constant 0 : i32
      %ne3A_287 = arith.cmpi ne, %rem3A_285, %ne3A_286 : i32
      %and3A_288 = arith.andi %ne3A_284, %ne3A_287 : i1
      %sub3A_289 = arith.constant 1 : i32
      %sub3A_290 = arith.subi %div3A_269, %sub3A_289 : i32
      %select_n3A_291 = arith.select %and3A_288, %sub3A_290, %div3A_269 : i32
      %multiple_of3A_292 = tpu.assume_multiple %select_n3A_291, 32 : i32
      %dma_start3A_293 = arith.constant 0 : i32
      %dma_start3A_294 = tpu.memref_slice %arg9[%multiple_of3A_292, %dma_start3A_293] : memref<26624x128xf32, #tpu.memory_space<hbm>> -> memref<32x128xf32, #tpu.memory_space<hbm>>
      %dma_start3A_295 = arith.constant 0 : i32
      %dma_start3A_296 = tpu.memref_slice %arg9[%multiple_of3A_292, %dma_start3A_295] : memref<26624x128xf32, #tpu.memory_space<hbm>> -> memref<32x128xf32, #tpu.memory_space<hbm>>
      tpu.enqueue_dma source(%arg23 : memref<32x128xf32, #tpu.memory_space<vmem>>) target(%dma_start3A_296 : memref<32x128xf32, #tpu.memory_space<hbm>>) target_semaphore(%arg28 : memref<!tpu.dma_semaphore, #tpu.memory_space<semaphore_mem>>)
      %add3A_297 = arith.constant 2 : i32
      %add3A_298 = arith.addi %add3A_241, %add3A_297 : i32
      %lt3A_299 = arith.constant 26 : i32
      %lt3A_300 = arith.cmpi slt, %add3A_298, %lt3A_299 : i32
      %convert_element_type3A_301 = arith.extui %lt3A_300 : i1 to i32
      %cond3A_302 = arith.constant 0 : i32
      %cond3A_303 = arith.cmpi ne, %convert_element_type3A_301, %cond3A_302 : i32
      scf.if %cond3A_303 {
        %add3A_305 = arith.constant 2 : i32
        %add3A_306 = arith.addi %add3A_241, %add3A_305 : i32
        %mul3A_307 = arith.constant 128 : i32
        %mul3A_308 = arith.muli %add3A_306, %mul3A_307 : i32
        %add3A_309 = arith.addi %mul3A_2, %mul3A_308 : i32
        %multiple_of3A_310 = tpu.assume_multiple %add3A_309, 128 : i32
        "tpu.region"() ({
          %run_scoped3A = tpu.sem_alloc : memref<!tpu.dma_semaphore, #tpu.memory_space<semaphore_mem>>
          %dma_start3A_322 = tpu.memref_slice %arg2[%multiple_of3A_310] : memref<106496xi32, #tpu.memory_space<hbm>> -> memref<128xi32, #tpu.memory_space<hbm>>
          %dma_start3A_323 = tpu.memref_slice %arg2[%multiple_of3A_310] : memref<106496xi32, #tpu.memory_space<hbm>> -> memref<128xi32, #tpu.memory_space<hbm>>
          tpu.enqueue_dma source(%dma_start3A_323 : memref<128xi32, #tpu.memory_space<hbm>>) target(%arg11 : memref<128xi32, #tpu.memory_space<vmem>>) target_semaphore(%run_scoped3A : memref<!tpu.dma_semaphore, #tpu.memory_space<semaphore_mem>>)
          %dma_wait3A_324 = tpu.memref_slice %arg2[%multiple_of3A_310] : memref<106496xi32, #tpu.memory_space<hbm>> -> memref<128xi32, #tpu.memory_space<hbm>>
          %dma_wait3A_325 = tpu.memref_slice %arg2[%multiple_of3A_310] : memref<106496xi32, #tpu.memory_space<hbm>> -> memref<128xi32, #tpu.memory_space<hbm>>
          tpu.wait_dma2 semaphore(%run_scoped3A : memref<!tpu.dma_semaphore, #tpu.memory_space<semaphore_mem>>) src(%dma_wait3A_325 : memref<128xi32, #tpu.memory_space<hbm>>) dst(%arg11 : memref<128xi32, #tpu.memory_space<vmem>>)
          tpu.yield
        }) : () -> ()
        %dma_start3A_311 = arith.constant 0 : i32
        %dma_start3A_312 = arith.constant 0 : i32
        %dma_start3A_313 = tpu.memref_slice %arg3[%dma_start3A_311, %dma_start3A_312] : memref<1000000x128xf32, #tpu.memory_space<hbm>> -> memref<1000000x128xf32, #tpu.memory_space<hbm>>
        tpu.enqueue_indirect_dma source(%dma_start3A_313 : memref<1000000x128xf32, #tpu.memory_space<hbm>>) target(%arg13 : memref<128x128xf32, #tpu.memory_space<vmem>>) offsets(%arg11 : memref<128xi32, #tpu.memory_space<vmem>>) semaphore(%arg26 : memref<!tpu.dma_semaphore, #tpu.memory_space<semaphore_mem>>)
        %dma_start3A_314 = arith.constant 0 : i32
        %dma_start3A_315 = tpu.memref_slice %arg4[%dma_start3A_314] : memref<1000000xf32, #tpu.memory_space<hbm>> -> memref<1000000xf32, #tpu.memory_space<hbm>>
        tpu.enqueue_indirect_dma source(%dma_start3A_315 : memref<1000000xf32, #tpu.memory_space<hbm>>) target(%arg18 : memref<128xf32, #tpu.memory_space<vmem>>) offsets(%arg11 : memref<128xi32, #tpu.memory_space<vmem>>) semaphore(%arg26 : memref<!tpu.dma_semaphore, #tpu.memory_space<semaphore_mem>>)
        %dma_start3A_316 = arith.constant 0 : i32
        %dma_start3A_317 = tpu.memref_slice %arg5[%dma_start3A_316] : memref<1000000xf32, #tpu.memory_space<hbm>> -> memref<1000000xf32, #tpu.memory_space<hbm>>
        tpu.enqueue_indirect_dma source(%dma_start3A_317 : memref<1000000xf32, #tpu.memory_space<hbm>>) target(%arg19 : memref<128xf32, #tpu.memory_space<vmem>>) offsets(%arg11 : memref<128xi32, #tpu.memory_space<vmem>>) semaphore(%arg26 : memref<!tpu.dma_semaphore, #tpu.memory_space<semaphore_mem>>)
        %dma_start3A_318 = arith.constant 0 : i32
        %dma_start3A_319 = tpu.memref_slice %arg6[%dma_start3A_318] : memref<1000000xf32, #tpu.memory_space<hbm>> -> memref<1000000xf32, #tpu.memory_space<hbm>>
        tpu.enqueue_indirect_dma source(%dma_start3A_319 : memref<1000000xf32, #tpu.memory_space<hbm>>) target(%arg20 : memref<128xf32, #tpu.memory_space<vmem>>) offsets(%arg11 : memref<128xi32, #tpu.memory_space<vmem>>) semaphore(%arg26 : memref<!tpu.dma_semaphore, #tpu.memory_space<semaphore_mem>>)
        %dma_start3A_320 = arith.constant 0 : i32
        %dma_start3A_321 = tpu.memref_slice %arg7[%dma_start3A_320] : memref<1000000xf32, #tpu.memory_space<hbm>> -> memref<1000000xf32, #tpu.memory_space<hbm>>
        tpu.enqueue_indirect_dma source(%dma_start3A_321 : memref<1000000xf32, #tpu.memory_space<hbm>>) target(%arg21 : memref<128xf32, #tpu.memory_space<vmem>>) offsets(%arg11 : memref<128xi32, #tpu.memory_space<vmem>>) semaphore(%arg26 : memref<!tpu.dma_semaphore, #tpu.memory_space<semaphore_mem>>)
      } else {
      }
      %scan3A_304 = arith.constant 0 : i32
      scf.yield %scan3A_304 : i32
    }
    %scan3A_120 = arith.constant 13 : i32
    %add3A_121 = arith.constant 3072 : i32
    %add3A_122 = arith.addi %mul3A_2, %add3A_121 : i32
    %jit3A = arith.constant 4 : i32
    %div3A = arith.divsi %add3A_122, %jit3A : i32
    %sign3A = arith.constant 0 : i32
    %sign3A_123 = arith.cmpi sgt, %add3A_122, %sign3A : i32
    %sign3A_124 = arith.extui %sign3A_123 : i1 to i32
    %sign3A_125 = arith.constant 0 : i32
    %sign3A_126 = arith.cmpi slt, %add3A_122, %sign3A_125 : i32
    %sign3A_127 = arith.extui %sign3A_126 : i1 to i32
    %sign3A_128 = arith.subi %sign3A_124, %sign3A_127 : i32
    %sign3A_129 = arith.constant 0 : i32
    %sign3A_130 = arith.cmpi sgt, %jit3A, %sign3A_129 : i32
    %sign3A_131 = arith.extui %sign3A_130 : i1 to i32
    %sign3A_132 = arith.constant 0 : i32
    %sign3A_133 = arith.cmpi slt, %jit3A, %sign3A_132 : i32
    %sign3A_134 = arith.extui %sign3A_133 : i1 to i32
    %sign3A_135 = arith.subi %sign3A_131, %sign3A_134 : i32
    %ne3A = arith.cmpi ne, %sign3A_128, %sign3A_135 : i32
    %rem3A = arith.remsi %add3A_122, %jit3A : i32
    %ne3A_136 = arith.constant 0 : i32
    %ne3A_137 = arith.cmpi ne, %rem3A, %ne3A_136 : i32
    %and3A = arith.andi %ne3A, %ne3A_137 : i1
    %sub3A = arith.constant 1 : i32
    %sub3A_138 = arith.subi %div3A, %sub3A : i32
    %select_n3A = arith.select %and3A, %sub3A_138, %div3A : i32
    %multiple_of3A_139 = tpu.assume_multiple %select_n3A, 32 : i32
    %dma_wait3A = arith.constant 0 : i32
    %dma_wait3A_140 = tpu.memref_slice %arg9[%multiple_of3A_139, %dma_wait3A] : memref<26624x128xf32, #tpu.memory_space<hbm>> -> memref<32x128xf32, #tpu.memory_space<hbm>>
    %dma_wait3A_141 = arith.constant 0 : i32
    %dma_wait3A_142 = tpu.memref_slice %arg9[%multiple_of3A_139, %dma_wait3A_141] : memref<26624x128xf32, #tpu.memory_space<hbm>> -> memref<32x128xf32, #tpu.memory_space<hbm>>
    tpu.wait_dma2 semaphore(%arg27 : memref<!tpu.dma_semaphore, #tpu.memory_space<semaphore_mem>>) src(%arg22 : memref<32x128xf32, #tpu.memory_space<vmem>>) dst(%dma_wait3A_142 : memref<32x128xf32, #tpu.memory_space<hbm>>)
    %add3A_143 = arith.constant 3200 : i32
    %add3A_144 = arith.addi %mul3A_2, %add3A_143 : i32
    %jit3A_145 = arith.constant 4 : i32
    %div3A_146 = arith.divsi %add3A_144, %jit3A_145 : i32
    %sign3A_147 = arith.constant 0 : i32
    %sign3A_148 = arith.cmpi sgt, %add3A_144, %sign3A_147 : i32
    %sign3A_149 = arith.extui %sign3A_148 : i1 to i32
    %sign3A_150 = arith.constant 0 : i32
    %sign3A_151 = arith.cmpi slt, %add3A_144, %sign3A_150 : i32
    %sign3A_152 = arith.extui %sign3A_151 : i1 to i32
    %sign3A_153 = arith.subi %sign3A_149, %sign3A_152 : i32
    %sign3A_154 = arith.constant 0 : i32
    %sign3A_155 = arith.cmpi sgt, %jit3A_145, %sign3A_154 : i32
    %sign3A_156 = arith.extui %sign3A_155 : i1 to i32
    %sign3A_157 = arith.constant 0 : i32
    %sign3A_158 = arith.cmpi slt, %jit3A_145, %sign3A_157 : i32
    %sign3A_159 = arith.extui %sign3A_158 : i1 to i32
    %sign3A_160 = arith.subi %sign3A_156, %sign3A_159 : i32
    %ne3A_161 = arith.cmpi ne, %sign3A_153, %sign3A_160 : i32
    %rem3A_162 = arith.remsi %add3A_144, %jit3A_145 : i32
    %ne3A_163 = arith.constant 0 : i32
    %ne3A_164 = arith.cmpi ne, %rem3A_162, %ne3A_163 : i32
    %and3A_165 = arith.andi %ne3A_161, %ne3A_164 : i1
    %sub3A_166 = arith.constant 1 : i32
    %sub3A_167 = arith.subi %div3A_146, %sub3A_166 : i32
    %select_n3A_168 = arith.select %and3A_165, %sub3A_167, %div3A_146 : i32
    %multiple_of3A_169 = tpu.assume_multiple %select_n3A_168, 32 : i32
    %dma_wait3A_170 = arith.constant 0 : i32
    %dma_wait3A_171 = tpu.memref_slice %arg9[%multiple_of3A_169, %dma_wait3A_170] : memref<26624x128xf32, #tpu.memory_space<hbm>> -> memref<32x128xf32, #tpu.memory_space<hbm>>
    %dma_wait3A_172 = arith.constant 0 : i32
    %dma_wait3A_173 = tpu.memref_slice %arg9[%multiple_of3A_169, %dma_wait3A_172] : memref<26624x128xf32, #tpu.memory_space<hbm>> -> memref<32x128xf32, #tpu.memory_space<hbm>>
    tpu.wait_dma2 semaphore(%arg28 : memref<!tpu.dma_semaphore, #tpu.memory_space<semaphore_mem>>) src(%arg23 : memref<32x128xf32, #tpu.memory_space<vmem>>) dst(%dma_wait3A_173 : memref<32x128xf32, #tpu.memory_space<hbm>>)
    return
  }
}

</mosaic_0001>

<sc_bundles>
// kernel: kernel.3.cloned.1.call-start
scs
__scs_entry_jumppad:
0x0: {  	(pc) =	sbr.rel $0x88, $3  }
0x1: {  	(tag) =	ssettag $0x0;
	lr =	simm.s32 $0x1  }
0x2: {  	[smem:$0x3F9D] =	sst lr;
	_ =	strace $0xD0000000  }
0x3: {  	_ = 	snop  }
0x4: {  	_ = 	snop  }
0x5: {  	_ = 	snop  }
0x6: {  	_ = 	snop  }
0x7: {  	_ = 	snop  }
__scs_overlays_trampoline_lowered:
0x8: {  	[smem:$0x3FAC] =	sst s0  }
0x9: {  	[smem:$0x3FAD] =	sst s1  }
0xa: {  	[smem:$0x3FAE] =	sst s2  }
0xb: {  	[smem:$0x3FAF] =	sst s3  }
0xc: {  	[smem:$0x3FB0] =	sst s4  }
0xd: {  	[smem:$0x3FB1] =	sst s5  }
0xe: {  	[smem:$0x3FB2] =	sst s6  }
0xf: {  	[smem:$0x3FB3] =	sst s7  }
0x10: {  	[smem:$0x3FB4] =	sst s8  }
0x11: {  	[smem:$0x3FB5] =	sst s9;
	s0 =	simm.s32 @!p0 $0x0  }
0x12: {  	s1 =	sld [smem:$0x3F9B];
	s0 =	simm.s32 @p0 $0x1  }
0x13: {  	[smem:$0x3FB6] =	sst s0;
	s0 =	simm.s32 @!p1 $0x0  }
0x14: {  	s2 =	sld [smem:$0x3F9A];
	s0 =	simm.s32 @p1 $0x1  }
0x15: {  	[smem:$0x3FB7] =	sst s0;
	s0 =	simm.s32 @!p2 $0x0  }
0x16: {  	s3 =	sld [smem:$0x3FDB];
	s0 =	simm.s32 @p2 $0x1  }
0x17: {  	s4 =	simm.s32 $0x1BF5;
	[smem:$0x3FB9] =	sst s0  }
0x18: {  	s0 =	sld [smem:$0x3F9C];
	_ =	swait.ge [sflag:s4], $0x0  }
0x19: {  	s7 =	sld [smem:$0x3F9D]  }
0x1a: {  	s8 =	sadd.s32 $0xFFFFE003, lr  }
0x1b: {  	s9 =	sadd.s32 $0xFFFFFEF7, lr;
	s5 =	simm.s32 $0xFFFFFFFF;
	p2 =	slt.u32 s8, $0xFFFFF086  }
0x1c: {  	p1 =	slt.u32 s9, $0xF7A;
	s5 =	simm.s32 @!p2 $0x0  }
0x1d: {  	s5 =	simm.s32 @p1 $0x1;
	p0 =	seq.s32 s7, s2  }
0x1e: {  	s7 =	smul.u32 @!p0 $0xF7A, s2;
	p2 =	seq.s32 @!p0 s5, $0x0  }
0x1f: {  	s9 =	smul.u32 $0xF7A, s1;
	s8 =	simm.s32 @!p0 $0x1BF5;
	p2 =	por !p2, p0  }
0x20: {  	[sflag:s8] =	ssyncset.s32 @!p0 $0xFFFFF086;
	s6 =	sadd.s32 @!p0 s3, s7;
	s7 =	simm.s32 @!p0 $0x108  }
0x21: {  	s3 =	sadd.s32 s3, s9;
	s6 =	sadd.s32 @!p0 $0x88, s6;
	s7 =	simm.s32 @p2 $0x1082  }
0x22: {  	[simem:s7], [sflag:s8] =	dma.local @!p0 [hbm:s6], $0xF7A  }
0x23: {  	s9 =	sor.u32 $0xD0000000, s2;
	s6 =	simm.s32 $0x108;
	_ =	swait.ge @!p0 [sflag:s8], $0x0  }
0x24: {  	s3 =	sadd.s32 $0x88, s3;
	s6 =	simm.s32 @!p1 $0x1082;
	[sflag:s4] =	ssyncset.s32 $0xFFFFF086  }
0x25: {  	[simem:s6], [sflag:s4] =	dma.local [hbm:s3], $0xF7A  }
0x26: {  	[smem:$0x3F9D] =	sst s1;
	(tag) =	ssettag s2;
	_ =	strace s9  }
0x27: {  	s1 =	sld [smem:$0x3FAD]  }
0x28: {  	s2 =	sld [smem:$0x3FAE]  }
0x29: {  	s4 =	sld [smem:$0x3FB0]  }
0x2a: {  	p0 =	seq.s32 s5, $0x0;
	s5 =	sld [smem:$0x3FB1]  }
0x2b: {  	s6 =	sld [smem:$0x3FB2]  }
0x2c: {  	s7 =	sld [smem:$0x3FB3]  }
0x2d: {  	s3 =	simm.s32 $0x108;
	s8 =	sld [smem:$0x3FB4]  }
0x2e: {  	s3 =	simm.s32 @!p0 $0x1082;
	s9 =	sld [smem:$0x3FB5]  }
0x2f: {  	lr =	sadd.s32 s0, s3;
	s0 =	sld [smem:$0x3FAC]  }
0x30: {  	s3 =	sld [smem:$0x3FAF]  }
0x31: {  	[smem:$0x3FB8] =	sst s10  }
0x32: {  	s10 =	sld [smem:$0x3FB6];
	_ =	sdelay $0x3  }
0x33: {  	p0 =	seq.s32 s10, $0x1;
	s10 =	sld [smem:$0x3FB8];
	_ =	sdelay $0x3  }
0x34: {  	[smem:$0x3FB8] =	sst s10  }
0x35: {  	s10 =	sld [smem:$0x3FB7];
	_ =	sdelay $0x3  }
0x36: {  	p1 =	seq.s32 s10, $0x1;
	s10 =	sld [smem:$0x3FB8];
	_ =	sdelay $0x3  }
0x37: {  	[smem:$0x3FB8] =	sst s10  }
0x38: {  	s10 =	sld [smem:$0x3FB9]  }
0x39: {  	_ = 	snop;
	(pc) =	sbr.ind lr, $3  }
0x3a: {  	_ = 	snop  }
0x3b: {  	_ = 	snop  }
0x3c: {  	p2 =	seq.s32 s10, $0x1;
	s10 =	sld [smem:$0x3FB8]  }
0x3d: {  	_ =	shalt  }
0x3e: {  	_ =	shalt  }
0x3f: {  	_ =	shalt  }
0x40: {  	_ =	shalt  }
0x41: {  	_ =	shalt  }
0x42: {  	_ =	shalt  }
0x43: {  	_ =	shalt  }
0x44: {  	_ =	shalt  }
0x45: {  	_ =	shalt  }
0x46: {  	_ =	shalt  }
0x47: {  	_ =	shalt  }
0x48: {  	_ =	shalt  }
0x49: {  	_ =	shalt  }
0x4a: {  	_ =	shalt  }
0x4b: {  	_ =	shalt  }
0x4c: {  	_ =	shalt  }
0x4d: {  	_ =	shalt  }
0x4e: {  	_ =	shalt  }
0x4f: {  	_ =	shalt  }
0x50: {  	_ =	shalt  }
0x51: {  	_ =	shalt  }
0x52: {  	_ =	shalt  }
0x53: {  	_ =	shalt  }
0x54: {  	_ =	shalt  }
0x55: {  	_ =	shalt  }
0x56: {  	_ =	shalt  }
0x57: {  	_ =	shalt  }
0x58: {  	_ =	shalt  }
0x59: {  	_ =	shalt  }
0x5a: {  	_ =	shalt  }
0x5b: {  	_ =	shalt  }
0x5c: {  	_ =	shalt  }
0x5d: {  	_ =	shalt  }
0x5e: {  	_ =	shalt  }
0x5f: {  	_ =	shalt  }
0x60: {  	_ =	shalt  }
0x61: {  	_ =	shalt  }
0x62: {  	_ =	shalt  }
0x63: {  	_ =	shalt  }
0x64: {  	_ =	shalt  }
0x65: {  	_ =	shalt  }
0x66: {  	_ =	shalt  }
0x67: {  	_ =	shalt  }
0x68: {  	_ =	shalt  }
0x69: {  	_ =	shalt  }
0x6a: {  	_ =	shalt  }
0x6b: {  	_ =	shalt  }
0x6c: {  	_ =	shalt  }
0x6d: {  	_ =	shalt  }
0x6e: {  	_ =	shalt  }
0x6f: {  	_ =	shalt  }
0x70: {  	_ =	shalt  }
0x71: {  	_ =	shalt  }
0x72: {  	_ =	shalt  }
0x73: {  	_ =	shalt  }
0x74: {  	_ =	shalt  }
0x75: {  	_ =	shalt  }
0x76: {  	_ =	shalt  }
0x77: {  	_ =	shalt  }
0x78: {  	_ =	shalt  }
0x79: {  	_ =	shalt  }
0x7a: {  	_ =	shalt  }
0x7b: {  	_ =	shalt  }
0x7c: {  	_ =	shalt  }
0x7d: {  	_ =	shalt  }
0x7e: {  	_ =	shalt  }
0x7f: {  	_ =	shalt  }
0x80: {  	_ =	shalt  }
0x81: {  	_ =	shalt  }
0x82: {  	_ =	shalt  }
0x83: {  	_ =	shalt  }
0x84: {  	_ =	shalt  }
0x85: {  	_ =	shalt  }
0x86: {  	_ =	shalt  }
0x87: {  	_ =	shalt  }
.Lfunc_end0:
.L_simem_size_0:
called_computation_lowered:
.L_overlay_start_0:
0x88: {  	s2 =	sld [smem:$0x3FD9]  }
0x89: {  	s3 =	sld [smem:$0x3FFE];
	_ =	sdelay $0x1  }
0x8a: {  	s1 =	srdreg.scid  }
0x8b: {  	s0 =	sand.u32 $0x1, s1  }
0x8c: {  	s17 =	sshll.u32 s0, $0xA;
	s2 =	sadd.s32 s3, s2  }
0x8d: {  	s2 =	sadd.s32 s2, s17  }
0x8e: {  	[smem:$0x3FC4] =	sst s2  }
0x8f: {  	_ = 	snop  }
0x90: {  	s2 =	sld [smem:$0x3FD0];
	(tm) =	ssettm $0x1  }
0x91: {  	s18 =	sld [smem:$0x3FFB];
	_ =	sdelay $0x3  }
0x92: {  	_ =	strace s18  }
0x93: {  	s3 =	sld [smem:$0x3FFC];
	_ =	sdelay $0x3  }
0x94: {  	_ =	strace s3  }
0x95: {  	s3 =	sld [smem:$0x3FFD];
	_ =	sdelay $0x3  }
0x96: {  	_ =	strace s3  }
0x97: {  	_ =	strace $0x8FFFFFFF  }
0x98: {  	s19 =	sld [smem:$0x3FDB];
	_ =	sdelay $0x1  }
0x99: {  	s4 =	simm.s32 $_scs_section_size  }
0x9a: {  	s5 =	simm.s32 $_size__tile_overlayer_lowered;
	s6 =	simm.s32 $_tile_overlayer_lowered  }
0x9b: {  	s22 =	simm.s32 $0x1BFF;
	s21 =	sshll.u32 s6, $0x1;
	s3 =	sadd.s32 s4, s19  }
0x9c: {  	s7 =	simm.s32 $0x0;
	s20 =	sshll.u32 s5, $0x1;
	s5 =	sadd.s32 s21, s3  }
0x9d: {  	[timem:s7], [sflag:s22] =	dma.local [hbm:s5], s20  }
0x9e: {  	_ =	swait.ge [sflag:s22], s20  }
0x9f: {  	s4 =	ssub.s32 $0x0, s20;
	[sflag:s22] =	ssyncset.done $0x0  }
0xa0: {  	[sflag:s22] =	ssyncadd.s32 s4;
	_ =	sdelay $0x1  }
0xa1: {  	s23 =	simm.s32 $0x1B8B  }
0xa2: {  	_ =	swait.ge [sflag:s23], $0x1  }
0xa3: {  	[sflag:s23] =	ssyncset.done $0x0  }
0xa4: {  	s25 =	simm.s32 $0x1B8E;
	s24 =	sld [smem:$0x3FFE];
	[sflag:s23] =	ssyncadd.s32 $0xFFFFFFFF  }
0xa5: {  	s26 =	simm.s32 $execute0_lowered;
	[smem:$0x3FD2] =	sst s25  }
0xa6: {  	s5 =	sshll.u32 s26, $0x1;
	_ =	strace $0x80000046;
	[dreg:$0x1] =	wrdreg $0xFFFFFFFF  }
0xa7: {  	s28 =	simm.s32 $_size_execute0_lowered;
	s3 =	sadd.s32 s3, s5;
	[dreg:$0x0] =	wrdreg $0x0  }
0xa8: {  	s5 =	sshll.u32 s28, $0x1;
	[dreg:$0x2] =	wrdreg s3  }
0xa9: {  	[dreg:$0x3] =	wrdreg s5  }
0xaa: {  	[dreg:$0x4] =	wrdreg $0xC0  }
0xab: {  	_ =	task [dreg:s7], $0x5FFFF  }
0xac: {  	[dreg:$0x1] =	wrdreg $0xFFFFFFFF  }
0xad: {  	[dreg:$0x0] =	wrdreg $0x60  }
0xae: {  	[dreg:$0x2] =	wrdreg s24  }
0xaf: {  	[dreg:$0x3] =	wrdreg s2  }
0xb0: {  	[dreg:$0x4] =	wrdreg $0x9  }
0xb1: {  	_ =	task.clear_ibuf [dreg:s7], $0x5FFFF;
	_ =	strace $0x90000046  }
0xb2: {  	s29 =	simm.s32 $0x9;
	_ =	strace $0x80000048  }
0xb3: {  	_ =	swait.ge [sflag:s29], $0x1  }
0xb4: {  	[sflag:s29] =	ssyncadd.s32 $0xFFFFFFFF  }
0xb5: {  	_ =	strace $0x90000048  }
0xb6: {  	_ =	sfence  }
0xb7: {  	s30 =	sld [smem:$0x0];
	_ =	sdelay $0x2  }
0xb8: {  	s31 =	sshll.u32 s1, $0xD;
	s1 =	sshrl.u32 s1, $0x2  }
0xb9: {  	s3 =	sand.u32 $0x4000, s31;
	s1 =	sadd.s32 s1, s30  }
0xba: {  	s0 =	sor.u32 s3, s0;
	s1 =	sshll.u32 s1, $0x11  }
0xbb: {  	s0 =	sor.u32 s1, s0  }
0xbc: {  	s0 =	sadd.s32 $0x8F2B, s0  }
0xbd: {  	[sflag:s0] =	ssyncadd.remote.s32 $0x1  }
0xbe: {  	_ =	sfence.sel $0xFFFF  }
0xbf: {  	[dreg:$0x0] =	wrdreg $0xFFFFFFFF;
	(pc) =	sbr.abs _section_cstart, $3  }
0xc0: {  	[dreg:$0x1] =	wrdreg $0xFFFFFFFF  }
0xc1: {  	_ =	task.clear_ibuf [dreg:s7], $0x2FFFF;
	_ =	strace $0x9FFFFFFF  }
0xc2: {  	(tm) =	ssettm $0x7FFFFFFF  }
0xc3: {  	_ =	shalt  }
tec
execute0_lowered:
.L_overlay_start_1:
0x0: {  	(tag) =	ssettag $0x1  }
0x1: {  	s1 =	rddreg [dreg:$0x0]  }
0x2: {  	s3 =	rddreg [dreg:$0x1];
	s4 =	simm.s32 $0x0;
	s0 =	srdreg.scid  }
0x3: {  	s2 =	stileid.u32;
	s19 =	simm.s32 $0x5;
	s20 =	simm.s32 $0x80  }
0x4: {  	s28 =	simm.s32 $0x8300;
	s29 =	simm.s32 $0x8380;
	s30 =	simm.s32 $0x8400  }
0x5: {  	s31 =	simm.s32 $0x8480;
	s18 =	simm.s32 $0x2;
	s21 =	simm.s32 $0x9500  }
0x6: {  	s23 =	simm.s32 $0x4;
	s24 =	simm.s32 $0x0;
	[smem:$0x7FF] =	sst s4  }
0x7: {  	s0 =	sand.u32 $0x1, s0;
	s5 =	sadd.s32 $0xFC0000, s1;
	s6 =	sadd.s32 $0xFA1600, s1  }
0x8: {  	s2 =	sshll.u32 s2, $0x1;
	s7 =	sadd.s32 $0xF82C00, s1;
	s8 =	sadd.s32 $0xF64200, s1  }
0x9: {  	s9 =	sadd.s32 $0xF45800, s1;
	s12 =	sadd.s32 $0x3400, s1;
	s2 =	sor.u32 s0, s2  }
0xa: {  	_ =	strace $0x80000047;
	s0 =	ssub.s32 $0x2, s0;
	s10 =	smul.u32 $0xD00, s2  }
0xb: {  	[dreg:$0x3] =	wrdreg s12;
	s26 =	sshrl.u32 s0, $0x1;
	s13 =	smul.u32 $0x1A000, s2  }
.Ltmp0:
0xc: {  	s2 =	simm.s32 $0x8500;
	s0 =	ssub.s32 s0, s26;
	(pc) =	sbr.rel .LBB2_1-.Ltmp0, $4  }
0xd: {  	s26 =	simm.s32 $0x4100;
	s11 =	sshrl.u32 s10, $0x3;
	s0 =	smax.u32 s0, $0x1  }
0xe: {  	s14 =	sadd.s32 $0x100, s10;
	s11 =	sadd.s32 s1, s11;
	[dreg:$0x6] =	wrdreg s0  }
0xf: {  	s15 =	sor.u32 $0x80, s10;
	[dreg:$0x4] =	wrdreg s11;
	s11 =	sadd.s32 $0x10, s11  }
0x10: {  	s16 =	sadd.s32 $0x180, s10;
	s0 =	simm.s32 $0x1;
	[dreg:$0x5] =	wrdreg s11  }
.LBB2_8:
0x11: {  	s10 =	simm.s32 $0x3  }
0x12: {  	_ =	swait.ge [sflag:s10], $0x1000  }
0x13: {  	[sflag:s10] =	ssyncset.done $0x0  }
0x14: {  	[sflag:s10] =	ssyncadd.s32 $0xFFFFF000  }
0x15: {  	_ =	swait.ge [sflag:s23], $0x1000  }
0x16: {  	s24 =	sadd.s32 $0x1, s24;
	s25 =	rddreg [dreg:$0x6]  }
0x17: {  	p0 =	sne.s32 s24, s25  }
.Ltmp1:
0x18: {  	_ = 	snop;
	(pc) =	sbr.rel @!p0 .LBB2_9-.Ltmp1, $3  }
0x19: {  	_ =	sdelay $0x1  }
0x1a: {  	[sflag:s23] =	ssyncset.done $0x0  }
0x1b: {  	[sflag:s23] =	ssyncadd.s32 $0xFFFFF000  }
.LBB2_1:
0x1c: {  	s10 =	rddreg [dreg:$0x3];
	s11 =	simm.s32 $0xA500  }
0x1d: {  	[tilespmem:s11], [sflag:$0x5] =	stream.linear.gather [hbm4b:s10+s4], $0x200, $0x38;
	[tilespmem:$0xA700] =	vst v63  }
0x1e: {  	_ =	swait.ge [sflag:s19], $0x200  }
0x1f: {  	[sflag:s19] =	ssyncset.done $0x0  }
0x20: {  	[sflag:s19] =	ssyncadd.s32 $0xFFFFFE00  }
0x21: {  	v0 =	vld [tilespmem:$0xA500]  }
0x22: {  	v1 =	vld [tilespmem:$0xA510]  }
0x23: {  	v2 =	vld [tilespmem:$0xA580]  }
0x24: {  	v3 =	vld [tilespmem:$0xA590]  }
0x25: {  	v4 =	vld [tilespmem:$0xA600]  }
0x26: {  	v5 =	vld [tilespmem:$0xA610];
	v0 =	vmul.f32 $1.000000000e+01, v0  }
0x27: {  	v6 =	vld [tilespmem:$0xA680];
	v1 =	vmul.f32 $1.000000000e+01, v1  }
0x28: {  	v58 =	vld [tilespmem:$0xA690];
	v57 =	vmul.f32 $1.000000000e+01, v2;
	[tilespmem:$0xA500] =	vst v0  }
0x29: {  	v59 =	vmul.f32 $1.000000000e+01, v3;
	[tilespmem:$0xA510] =	vst v1  }
0x2a: {  	v60 =	vmul.f32 $1.000000000e+01, v4;
	[tilespmem:$0xA580] =	vst v57  }
0x2b: {  	v61 =	vmul.f32 $1.000000000e+01, v5;
	[tilespmem:$0xA590] =	vst v59  }
0x2c: {  	v62 =	vmul.f32 $1.000000000e+01, v6;
	[tilespmem:$0xA600] =	vst v60  }
0x2d: {  	v63 =	vmul.f32 $1.000000000e+01, v58;
	[tilespmem:$0xA610] =	vst v61  }
0x2e: {  	[tilespmem:$0xA680] =	vst v62  }
0x2f: {  	s22 =	rddreg [dreg:$0x4];
	[tilespmem:$0xA690] =	vst v63  }
0x30: {  	[tilespmem:s4], [sflag:$0x5] =	stream.linear.gather [hbm4b:s22+s4], $0x80, $0x38;
	[tilespmem:$0xA700] =	vst v63  }
0x31: {  	_ =	swait.ge [sflag:s19], $0x80  }
0x32: {  	[sflag:s19] =	ssyncset.done $0x0  }
0x33: {  	s25 =	simm.s32 $0x100;
	[sflag:s19] =	ssyncadd.s32 $0xFFFFFF80  }
0x34: {  	[tilespmem:s25], [sflag:$0x1] =	stream.indirect.gather [hbm4b:s5+s20], $0x80, s4, s20, $0xb8;
	[tilespmem:$0xA700] =	vst v63  }
0x35: {  	s11 =	simm.s32 $0x8100  }
0x36: {  	[tilespmem:s11], [sflag:$0x1] =	stream.indirect.gather [hbm4b:s6+s20], $0x1, s4, s20, $0xb8;
	[tilespmem:$0xA700] =	vst v63  }
0x37: {  	s12 =	simm.s32 $0x8180  }
0x38: {  	[tilespmem:s12], [sflag:$0x1] =	stream.indirect.gather [hbm4b:s7+s20], $0x1, s4, s20, $0xb8;
	[tilespmem:$0xA700] =	vst v63  }
0x39: {  	s17 =	simm.s32 $0x8200  }
0x3a: {  	[tilespmem:s17], [sflag:$0x1] =	stream.indirect.gather [hbm4b:s8+s20], $0x1, s4, s20, $0xb8;
	[tilespmem:$0xA700] =	vst v63  }
0x3b: {  	s22 =	simm.s32 $0x8280  }
0x3c: {  	[tilespmem:s22], [sflag:$0x1] =	stream.indirect.gather [hbm4b:s9+s20], $0x1, s4, s20, $0xb8;
	[tilespmem:$0xA700] =	vst v63  }
0x3d: {  	s25 =	rddreg [dreg:$0x5]  }
0x3e: {  	[tilespmem:s20], [sflag:$0x5] =	stream.linear.gather [hbm4b:s25+s4], $0x80, $0x38;
	[tilespmem:$0xA700] =	vst v63  }
0x3f: {  	_ =	swait.ge [sflag:s19], $0x80  }
0x40: {  	[sflag:s19] =	ssyncset.done $0x0  }
0x41: {  	[sflag:s19] =	ssyncadd.s32 $0xFFFFFF80  }
0x42: {  	[tilespmem:s26], [sflag:$0x2] =	stream.indirect.gather [hbm4b:s5+s20], $0x80, s20, s20, $0xb8;
	[tilespmem:$0xA700] =	vst v63  }
0x43: {  	_ = 	snop  }
0x44: {  	[tilespmem:s28], [sflag:$0x2] =	stream.indirect.gather [hbm4b:s6+s20], $0x1, s20, s20, $0xb8;
	[tilespmem:$0xA700] =	vst v63  }
0x45: {  	_ = 	snop  }
0x46: {  	[tilespmem:s29], [sflag:$0x2] =	stream.indirect.gather [hbm4b:s7+s20], $0x1, s20, s20, $0xb8;
	[tilespmem:$0xA700] =	vst v63  }
0x47: {  	_ = 	snop  }
0x48: {  	[tilespmem:s30], [sflag:$0x2] =	stream.indirect.gather [hbm4b:s8+s20], $0x1, s20, s20, $0xb8;
	[tilespmem:$0xA700] =	vst v63  }
0x49: {  	s25 =	simm.s32 $0x0  }
0x4a: {  	[tilespmem:s31], [sflag:$0x2] =	stream.indirect.gather [hbm4b:s9+s20], $0x1, s20, s20, $0xb8;
	[tilespmem:$0xA700] =	vst v63  }
.LBB2_2:
0x4b: {  	_ =	swait.ge [sflag:s0], $0x4000  }
0x4c: {  	[sflag:s0] =	ssyncset.done $0x0  }
0x4d: {  	[sflag:s0] =	ssyncadd.s32 $0xFFFFC000  }
0x4e: {  	_ =	swait.ge [sflag:s0], $0x80  }
0x4f: {  	[sflag:s0] =	ssyncset.done $0x0  }
0x50: {  	[sflag:s0] =	ssyncadd.s32 $0xFFFFFF80  }
0x51: {  	_ =	swait.ge [sflag:s0], $0x80  }
0x52: {  	[sflag:s0] =	ssyncset.done $0x0  }
0x53: {  	[sflag:s0] =	ssyncadd.s32 $0xFFFFFF80  }
0x54: {  	_ =	swait.ge [sflag:s0], $0x80  }
0x55: {  	[sflag:s0] =	ssyncset.done $0x0  }
0x56: {  	[sflag:s0] =	ssyncadd.s32 $0xFFFFFF80  }
0x57: {  	_ =	swait.ge [sflag:s0], $0x80  }
0x58: {  	p0 =	seq.s32 s25, $0x0;
	[sflag:s0] =	ssyncset.done $0x0  }
0x59: {  	s11 =	simm.s32 @!p0 $0x3;
	[sflag:s0] =	ssyncadd.s32 $0xFFFFFF80  }
0x5a: {  	_ =	swait.ge @!p0 [sflag:s11], $0x1000  }
0x5b: {  	s10 =	sshll.u32 s25, $0x8;
	s12 =	simm.s32 $0x0;
	[sflag:s11] =	ssyncset.done @!p0 $0x0  }
0x5c: {  	s17 =	simm.s32 $0x8600;
	[sflag:s11] =	ssyncadd.s32 @!p0 $0xFFFFF000;
	s11 =	simm.s32 $0x500  }
.LBB2_3:
0x5d: {  	s22 =	sshra.s32 s12, $0x2;
	v4 =	vld [tilespmem:s11+$0xFFFFFC00]  }
0x5e: {  	v3 =	vld [tilespmem:s22+$0x8100]  }
0x5f: {  	v5 =	vld [tilespmem:$0xA500]  }
0x60: {  	v2 =	vld [tilespmem:s22+$0x8180]  }
0x61: {  	v6 =	vld [tilespmem:$0xA580]  }
0x62: {  	v1 =	vld [tilespmem:s22+$0x8200]  }
0x63: {  	v8 =	vld [tilespmem:$0xA600];
	v7 =	vbroadcast v3, $0x0  }
0x64: {  	v0 =	vld [tilespmem:s22+$0x8280];
	v4 =	vmul.f32 $1.000000000e+01, v4  }
0x65: {  	v9 =	vbroadcast v2, $0x0;
	v5 =	vmul.f32 v5, v7  }
0x66: {  	v10 =	vld [tilespmem:$0xA680]  }
0x67: {  	v57 =	vbroadcast v1, $0x0;
	v56 =	vmul.f32 v6, v9;
	v4 =	vadd.f32 v5, v4;
	_ =	sdelay $0x1  }
0x68: {  	v59 =	vbroadcast v0, $0x0;
	v58 =	vmul.f32 v8, v57;
	v4 =	vadd.f32 v56, v4;
	_ =	sdelay $0x1  }
0x69: {  	v60 =	vmul.f32 v10, v59;
	v4 =	vadd.f32 v58, v4;
	_ =	sdelay $0x1  }
0x6a: {  	v4 =	vadd.f32 v60, v4;
	_ =	sdelay $0x1  }
0x6b: {  	[tilespmem:s17+$0xFFFFFF00] =	vst v4  }
0x6c: {  	v4 =	vld [tilespmem:s11+$0xFFFFFC10]  }
0x6d: {  	v61 =	vld [tilespmem:$0xA510];
	_ =	sdelay $0x1  }
0x6e: {  	v62 =	vld [tilespmem:$0xA590];
	_ =	sdelay $0x1  }
0x6f: {  	v11 =	vld [tilespmem:$0xA610]  }
0x70: {  	v4 =	vmul.f32 $1.000000000e+01, v4;
	v5 =	vmul.f32 v61, v7  }
0x71: {  	v63 =	vld [tilespmem:$0xA690]  }
0x72: {  	v10 =	vmul.f32 v62, v9;
	v4 =	vadd.f32 v5, v4;
	_ =	sdelay $0x1  }
0x73: {  	v11 =	vmul.f32 v11, v57;
	v4 =	vadd.f32 v10, v4;
	_ =	sdelay $0x1  }
0x74: {  	v12 =	vmul.f32 v63, v59;
	v4 =	vadd.f32 v11, v4;
	_ =	sdelay $0x1  }
0x75: {  	v4 =	vadd.f32 v12, v4;
	_ =	sdelay $0x1  }
0x76: {  	[tilespmem:s17+$0xFFFFFF10] =	vst v4  }
0x77: {  	v4 =	vld [tilespmem:s11+$0xFFFFFC80]  }
0x78: {  	v13 =	vld [tilespmem:$0xA500];
	_ =	sdelay $0x1  }
0x79: {  	v14 =	vld [tilespmem:$0xA580]  }
0x7a: {  	v15 =	vbroadcast v3, $0x1  }
0x7b: {  	v17 =	vbroadcast v2, $0x1;
	v16 =	vld [tilespmem:$0xA600]  }
0x7c: {  	v4 =	vmul.f32 $1.000000000e+01, v4;
	v5 =	vmul.f32 v13, v15  }
0x7d: {  	v18 =	vld [tilespmem:$0xA680]  }
0x7e: {  	v20 =	vbroadcast v1, $0x1;
	v19 =	vmul.f32 v14, v17;
	v4 =	vadd.f32 v5, v4;
	_ =	sdelay $0x1  }
0x7f: {  	v22 =	vbroadcast v0, $0x1;
	v21 =	vmul.f32 v16, v20;
	v4 =	vadd.f32 v19, v4;
	_ =	sdelay $0x1  }
0x80: {  	v23 =	vmul.f32 v18, v22;
	v4 =	vadd.f32 v21, v4;
	_ =	sdelay $0x1  }
0x81: {  	v4 =	vadd.f32 v23, v4;
	_ =	sdelay $0x1  }
0x82: {  	[tilespmem:s17+$0xFFFFFF20] =	vst v4  }
0x83: {  	v4 =	vld [tilespmem:s11+$0xFFFFFC90]  }
0x84: {  	v24 =	vld [tilespmem:$0xA510];
	_ =	sdelay $0x1  }
0x85: {  	v25 =	vld [tilespmem:$0xA590];
	_ =	sdelay $0x1  }
0x86: {  	v26 =	vld [tilespmem:$0xA610]  }
0x87: {  	v4 =	vmul.f32 $1.000000000e+01, v4;
	v5 =	vmul.f32 v24, v15  }
0x88: {  	v27 =	vld [tilespmem:$0xA690]  }
0x89: {  	v28 =	vmul.f32 v25, v17;
	v4 =	vadd.f32 v5, v4;
	_ =	sdelay $0x1  }
0x8a: {  	v29 =	vmul.f32 v26, v20;
	v4 =	vadd.f32 v28, v4;
	_ =	sdelay $0x1  }
0x8b: {  	v30 =	vmul.f32 v27, v22;
	v4 =	vadd.f32 v29, v4;
	_ =	sdelay $0x1  }
0x8c: {  	v4 =	vadd.f32 v30, v4;
	_ =	sdelay $0x1  }
0x8d: {  	[tilespmem:s17+$0xFFFFFF30] =	vst v4  }
0x8e: {  	v4 =	vld [tilespmem:s11+$0xFFFFFD00]  }
0x8f: {  	v31 =	vld [tilespmem:$0xA500];
	_ =	sdelay $0x1  }
0x90: {  	v32 =	vld [tilespmem:$0xA580]  }
0x91: {  	v33 =	vbroadcast v3, $0x2  }
0x92: {  	v35 =	vbroadcast v2, $0x2;
	v34 =	vld [tilespmem:$0xA600]  }
0x93: {  	v4 =	vmul.f32 $1.000000000e+01, v4;
	v5 =	vmul.f32 v31, v33  }
0x94: {  	v36 =	vld [tilespmem:$0xA680]  }
0x95: {  	v38 =	vbroadcast v1, $0x2;
	v37 =	vmul.f32 v32, v35;
	v4 =	vadd.f32 v5, v4;
	_ =	sdelay $0x1  }
0x96: {  	v40 =	vbroadcast v0, $0x2;
	v39 =	vmul.f32 v34, v38;
	v4 =	vadd.f32 v37, v4;
	_ =	sdelay $0x1  }
0x97: {  	v41 =	vmul.f32 v36, v40;
	v4 =	vadd.f32 v39, v4;
	_ =	sdelay $0x1  }
0x98: {  	v4 =	vadd.f32 v41, v4;
	_ =	sdelay $0x1  }
0x99: {  	[tilespmem:s17+$0xFFFFFF40] =	vst v4  }
0x9a: {  	v4 =	vld [tilespmem:s11+$0xFFFFFD10]  }
0x9b: {  	v42 =	vld [tilespmem:$0xA510];
	_ =	sdelay $0x1  }
0x9c: {  	v43 =	vld [tilespmem:$0xA590];
	_ =	sdelay $0x1  }
0x9d: {  	v44 =	vld [tilespmem:$0xA610]  }
0x9e: {  	v4 =	vmul.f32 $1.000000000e+01, v4;
	v5 =	vmul.f32 v42, v33  }
0x9f: {  	v45 =	vld [tilespmem:$0xA690]  }
0xa0: {  	v46 =	vmul.f32 v43, v35;
	v4 =	vadd.f32 v5, v4;
	_ =	sdelay $0x1  }
0xa1: {  	v47 =	vmul.f32 v44, v38;
	v4 =	vadd.f32 v46, v4;
	_ =	sdelay $0x1  }
0xa2: {  	v48 =	vmul.f32 v45, v40;
	v4 =	vadd.f32 v47, v4;
	_ =	sdelay $0x1  }
0xa3: {  	v4 =	vadd.f32 v48, v4;
	_ =	sdelay $0x1  }
0xa4: {  	[tilespmem:s17+$0xFFFFFF50] =	vst v4  }
0xa5: {  	v4 =	vld [tilespmem:s11+$0xFFFFFD80]  }
0xa6: {  	v49 =	vld [tilespmem:$0xA500];
	_ =	sdelay $0x1  }
0xa7: {  	v50 =	vld [tilespmem:$0xA580]  }
0xa8: {  	v51 =	vbroadcast v3, $0x3  }
0xa9: {  	v53 =	vbroadcast v2, $0x3;
	v52 =	vld [tilespmem:$0xA600]  }
0xaa: {  	v4 =	vmul.f32 $1.000000000e+01, v4;
	v5 =	vmul.f32 v49, v51  }
0xab: {  	v54 =	vld [tilespmem:$0xA680]  }
0xac: {  	v56 =	vbroadcast v1, $0x3;
	v55 =	vmul.f32 v50, v53;
	v4 =	vadd.f32 v5, v4;
	_ =	sdelay $0x1  }
0xad: {  	v58 =	vbroadcast v0, $0x3;
	v57 =	vmul.f32 v52, v56;
	v4 =	vadd.f32 v55, v4;
	_ =	sdelay $0x1  }
0xae: {  	v59 =	vmul.f32 v54, v58;
	v4 =	vadd.f32 v57, v4;
	_ =	sdelay $0x1  }
0xaf: {  	v4 =	vadd.f32 v59, v4;
	_ =	sdelay $0x1  }
0xb0: {  	[tilespmem:s17+$0xFFFFFF60] =	vst v4  }
0xb1: {  	v4 =	vld [tilespmem:s11+$0xFFFFFD90]  }
0xb2: {  	v60 =	vld [tilespmem:$0xA510];
	_ =	sdelay $0x1  }
0xb3: {  	v61 =	vld [tilespmem:$0xA590];
	_ =	sdelay $0x1  }
0xb4: {  	v62 =	vld [tilespmem:$0xA610]  }
0xb5: {  	v4 =	vmul.f32 $1.000000000e+01, v4;
	v5 =	vmul.f32 v60, v51  }
0xb6: {  	v63 =	vld [tilespmem:$0xA690]  }
0xb7: {  	v10 =	vmul.f32 v61, v53;
	v4 =	vadd.f32 v5, v4;
	_ =	sdelay $0x1  }
0xb8: {  	v11 =	vmul.f32 v62, v56;
	v4 =	vadd.f32 v10, v4;
	_ =	sdelay $0x1  }
0xb9: {  	v12 =	vmul.f32 v63, v58;
	v4 =	vadd.f32 v11, v4;
	_ =	sdelay $0x1  }
0xba: {  	v4 =	vadd.f32 v12, v4;
	_ =	sdelay $0x1  }
0xbb: {  	[tilespmem:s17+$0xFFFFFF70] =	vst v4  }
0xbc: {  	v4 =	vld [tilespmem:s11+$0xFFFFFE00]  }
0xbd: {  	v13 =	vld [tilespmem:$0xA500];
	_ =	sdelay $0x1  }
0xbe: {  	v14 =	vld [tilespmem:$0xA580]  }
0xbf: {  	v15 =	vbroadcast v3, $0x4  }
0xc0: {  	v17 =	vbroadcast v2, $0x4;
	v16 =	vld [tilespmem:$0xA600]  }
0xc1: {  	v4 =	vmul.f32 $1.000000000e+01, v4;
	v5 =	vmul.f32 v13, v15  }
0xc2: {  	v18 =	vld [tilespmem:$0xA680]  }
0xc3: {  	v20 =	vbroadcast v1, $0x4;
	v19 =	vmul.f32 v14, v17;
	v4 =	vadd.f32 v5, v4;
	_ =	sdelay $0x1  }
0xc4: {  	v22 =	vbroadcast v0, $0x4;
	v21 =	vmul.f32 v16, v20;
	v4 =	vadd.f32 v19, v4;
	_ =	sdelay $0x1  }
0xc5: {  	v23 =	vmul.f32 v18, v22;
	v4 =	vadd.f32 v21, v4;
	_ =	sdelay $0x1  }
0xc6: {  	v4 =	vadd.f32 v23, v4;
	_ =	sdelay $0x1  }
0xc7: {  	[tilespmem:s17+$0xFFFFFF80] =	vst v4  }
0xc8: {  	v4 =	vld [tilespmem:s11+$0xFFFFFE10]  }
0xc9: {  	v24 =	vld [tilespmem:$0xA510];
	_ =	sdelay $0x1  }
0xca: {  	v25 =	vld [tilespmem:$0xA590];
	_ =	sdelay $0x1  }
0xcb: {  	v26 =	vld [tilespmem:$0xA610]  }
0xcc: {  	v4 =	vmul.f32 $1.000000000e+01, v4;
	v5 =	vmul.f32 v24, v15  }
0xcd: {  	v27 =	vld [tilespmem:$0xA690]  }
0xce: {  	v28 =	vmul.f32 v25, v17;
	v4 =	vadd.f32 v5, v4;
	_ =	sdelay $0x1  }
0xcf: {  	v29 =	vmul.f32 v26, v20;
	v4 =	vadd.f32 v28, v4;
	_ =	sdelay $0x1  }
0xd0: {  	v30 =	vmul.f32 v27, v22;
	v4 =	vadd.f32 v29, v4;
	_ =	sdelay $0x1  }
0xd1: {  	v4 =	vadd.f32 v30, v4;
	_ =	sdelay $0x1  }
0xd2: {  	[tilespmem:s17+$0xFFFFFF90] =	vst v4  }
0xd3: {  	v4 =	vld [tilespmem:s11+$0xFFFFFE80]  }
0xd4: {  	v31 =	vld [tilespmem:$0xA500];
	_ =	sdelay $0x1  }
0xd5: {  	v32 =	vld [tilespmem:$0xA580]  }
0xd6: {  	v33 =	vbroadcast v3, $0x5  }
0xd7: {  	v35 =	vbroadcast v2, $0x5;
	v34 =	vld [tilespmem:$0xA600]  }
0xd8: {  	v4 =	vmul.f32 $1.000000000e+01, v4;
	v5 =	vmul.f32 v31, v33  }
0xd9: {  	v36 =	vld [tilespmem:$0xA680]  }
0xda: {  	v38 =	vbroadcast v1, $0x5;
	v37 =	vmul.f32 v32, v35;
	v4 =	vadd.f32 v5, v4;
	_ =	sdelay $0x1  }
0xdb: {  	v40 =	vbroadcast v0, $0x5;
	v39 =	vmul.f32 v34, v38;
	v4 =	vadd.f32 v37, v4;
	_ =	sdelay $0x1  }
0xdc: {  	v41 =	vmul.f32 v36, v40;
	v4 =	vadd.f32 v39, v4;
	_ =	sdelay $0x1  }
0xdd: {  	v4 =	vadd.f32 v41, v4;
	_ =	sdelay $0x1  }
0xde: {  	[tilespmem:s17+$0xFFFFFFA0] =	vst v4  }
0xdf: {  	v4 =	vld [tilespmem:s11+$0xFFFFFE90]  }
0xe0: {  	v42 =	vld [tilespmem:$0xA510];
	_ =	sdelay $0x1  }
0xe1: {  	v43 =	vld [tilespmem:$0xA590];
	_ =	sdelay $0x1  }
0xe2: {  	v44 =	vld [tilespmem:$0xA610]  }
0xe3: {  	v4 =	vmul.f32 $1.000000000e+01, v4;
	v5 =	vmul.f32 v42, v33  }
0xe4: {  	v45 =	vld [tilespmem:$0xA690]  }
0xe5: {  	v46 =	vmul.f32 v43, v35;
	v4 =	vadd.f32 v5, v4;
	_ =	sdelay $0x1  }
0xe6: {  	v47 =	vmul.f32 v44, v38;
	v4 =	vadd.f32 v46, v4;
	_ =	sdelay $0x1  }
0xe7: {  	v48 =	vmul.f32 v45, v40;
	v4 =	vadd.f32 v47, v4;
	_ =	sdelay $0x1  }
0xe8: {  	v4 =	vadd.f32 v48, v4;
	_ =	sdelay $0x1  }
0xe9: {  	[tilespmem:s17+$0xFFFFFFB0] =	vst v4  }
0xea: {  	v4 =	vld [tilespmem:s11+$0xFFFFFF00]  }
0xeb: {  	v49 =	vld [tilespmem:$0xA500];
	_ =	sdelay $0x1  }
0xec: {  	v50 =	vld [tilespmem:$0xA580]  }
0xed: {  	v51 =	vbroadcast v3, $0x6  }
0xee: {  	v53 =	vbroadcast v2, $0x6;
	v52 =	vld [tilespmem:$0xA600]  }
0xef: {  	v4 =	vmul.f32 $1.000000000e+01, v4;
	v5 =	vmul.f32 v49, v51  }
0xf0: {  	v54 =	vld [tilespmem:$0xA680]  }
0xf1: {  	v56 =	vbroadcast v1, $0x6;
	v55 =	vmul.f32 v50, v53;
	v4 =	vadd.f32 v5, v4;
	_ =	sdelay $0x1  }
0xf2: {  	v58 =	vbroadcast v0, $0x6;
	v57 =	vmul.f32 v52, v56;
	v4 =	vadd.f32 v55, v4;
	_ =	sdelay $0x1  }
0xf3: {  	v59 =	vmul.f32 v54, v58;
	v4 =	vadd.f32 v57, v4;
	_ =	sdelay $0x1  }
0xf4: {  	v4 =	vadd.f32 v59, v4;
	_ =	sdelay $0x1  }
0xf5: {  	[tilespmem:s17+$0xFFFFFFC0] =	vst v4  }
0xf6: {  	v4 =	vld [tilespmem:s11+$0xFFFFFF10]  }
0xf7: {  	v60 =	vld [tilespmem:$0xA510];
	_ =	sdelay $0x1  }
0xf8: {  	v61 =	vld [tilespmem:$0xA590];
	_ =	sdelay $0x1  }
0xf9: {  	v62 =	vld [tilespmem:$0xA610]  }
0xfa: {  	v4 =	vmul.f32 $1.000000000e+01, v4;
	v5 =	vmul.f32 v60, v51  }
0xfb: {  	v63 =	vld [tilespmem:$0xA690]  }
0xfc: {  	v10 =	vmul.f32 v61, v53;
	v4 =	vadd.f32 v5, v4;
	_ =	sdelay $0x1  }
0xfd: {  	v11 =	vmul.f32 v62, v56;
	v4 =	vadd.f32 v10, v4;
	_ =	sdelay $0x1  }
0xfe: {  	v12 =	vmul.f32 v63, v58;
	v4 =	vadd.f32 v11, v4;
	_ =	sdelay $0x1  }
0xff: {  	v4 =	vadd.f32 v12, v4;
	_ =	sdelay $0x1  }
0x100: {  	[tilespmem:s17+$0xFFFFFFD0] =	vst v4  }
0x101: {  	v4 =	vld [tilespmem:s11+$0xFFFFFF80]  }
0x102: {  	v13 =	vld [tilespmem:$0xA500];
	_ =	sdelay $0x1  }
0x103: {  	v14 =	vld [tilespmem:$0xA580]  }
0x104: {  	v15 =	vbroadcast v3, $0x7  }
0x105: {  	v17 =	vbroadcast v2, $0x7;
	v16 =	vld [tilespmem:$0xA600]  }
0x106: {  	v4 =	vmul.f32 $1.000000000e+01, v4;
	v5 =	vmul.f32 v13, v15  }
0x107: {  	v18 =	vld [tilespmem:$0xA680]  }
0x108: {  	v20 =	vbroadcast v1, $0x7;
	v19 =	vmul.f32 v14, v17;
	v4 =	vadd.f32 v5, v4;
	_ =	sdelay $0x1  }
0x109: {  	v22 =	vbroadcast v0, $0x7;
	v21 =	vmul.f32 v16, v20;
	v4 =	vadd.f32 v19, v4;
	_ =	sdelay $0x1  }
0x10a: {  	v23 =	vmul.f32 v18, v22;
	v4 =	vadd.f32 v21, v4;
	_ =	sdelay $0x1  }
0x10b: {  	v4 =	vadd.f32 v23, v4;
	_ =	sdelay $0x1  }
0x10c: {  	[tilespmem:s17+$0xFFFFFFE0] =	vst v4  }
0x10d: {  	v4 =	vld [tilespmem:s11+$0xFFFFFF90]  }
0x10e: {  	v24 =	vld [tilespmem:$0xA510];
	_ =	sdelay $0x1  }
0x10f: {  	v25 =	vld [tilespmem:$0xA590];
	_ =	sdelay $0x1  }
0x110: {  	v26 =	vld [tilespmem:$0xA610]  }
0x111: {  	v4 =	vmul.f32 $1.000000000e+01, v4;
	v5 =	vmul.f32 v24, v15  }
0x112: {  	v27 =	vld [tilespmem:$0xA690]  }
0x113: {  	v28 =	vmul.f32 v25, v17;
	v4 =	vadd.f32 v5, v4;
	_ =	sdelay $0x1  }
0x114: {  	v29 =	vmul.f32 v26, v20;
	v4 =	vadd.f32 v28, v4;
	_ =	sdelay $0x1  }
0x115: {  	v30 =	vmul.f32 v27, v22;
	v4 =	vadd.f32 v29, v4;
	_ =	sdelay $0x1  }
0x116: {  	v4 =	vadd.f32 v30, v4;
	_ =	sdelay $0x1  }
0x117: {  	[tilespmem:s17+$0xFFFFFFF0] =	vst v4  }
0x118: {  	v4 =	vld [tilespmem:s11+$0x0]  }
0x119: {  	v31 =	vld [tilespmem:$0xA500];
	_ =	sdelay $0x1  }
0x11a: {  	v32 =	vld [tilespmem:$0xA580]  }
0x11b: {  	v33 =	vbroadcast v3, $0x8  }
0x11c: {  	v35 =	vbroadcast v2, $0x8;
	v34 =	vld [tilespmem:$0xA600]  }
0x11d: {  	v4 =	vmul.f32 $1.000000000e+01, v4;
	v5 =	vmul.f32 v31, v33  }
0x11e: {  	v36 =	vld [tilespmem:$0xA680]  }
0x11f: {  	v38 =	vbroadcast v1, $0x8;
	v37 =	vmul.f32 v32, v35;
	v4 =	vadd.f32 v5, v4;
	_ =	sdelay $0x1  }
0x120: {  	v40 =	vbroadcast v0, $0x8;
	v39 =	vmul.f32 v34, v38;
	v4 =	vadd.f32 v37, v4;
	_ =	sdelay $0x1  }
0x121: {  	v41 =	vmul.f32 v36, v40;
	v4 =	vadd.f32 v39, v4;
	_ =	sdelay $0x1  }
0x122: {  	v4 =	vadd.f32 v41, v4;
	_ =	sdelay $0x1  }
0x123: {  	[tilespmem:s17+$0x0] =	vst v4  }
0x124: {  	v4 =	vld [tilespmem:s11+$0x10]  }
0x125: {  	v42 =	vld [tilespmem:$0xA510];
	_ =	sdelay $0x1  }
0x126: {  	v43 =	vld [tilespmem:$0xA590];
	_ =	sdelay $0x1  }
0x127: {  	v44 =	vld [tilespmem:$0xA610]  }
0x128: {  	v4 =	vmul.f32 $1.000000000e+01, v4;
	v5 =	vmul.f32 v42, v33  }
0x129: {  	v45 =	vld [tilespmem:$0xA690]  }
0x12a: {  	v46 =	vmul.f32 v43, v35;
	v4 =	vadd.f32 v5, v4;
	_ =	sdelay $0x1  }
0x12b: {  	v47 =	vmul.f32 v44, v38;
	v4 =	vadd.f32 v46, v4;
	_ =	sdelay $0x1  }
0x12c: {  	v48 =	vmul.f32 v45, v40;
	v4 =	vadd.f32 v47, v4;
	_ =	sdelay $0x1  }
0x12d: {  	v4 =	vadd.f32 v48, v4;
	_ =	sdelay $0x1  }
0x12e: {  	[tilespmem:s17+$0x10] =	vst v4  }
0x12f: {  	v4 =	vld [tilespmem:s11+$0x80]  }
0x130: {  	v49 =	vld [tilespmem:$0xA500];
	_ =	sdelay $0x1  }
0x131: {  	v50 =	vld [tilespmem:$0xA580]  }
0x132: {  	v51 =	vbroadcast v3, $0x9  }
0x133: {  	v53 =	vbroadcast v2, $0x9;
	v52 =	vld [tilespmem:$0xA600]  }
0x134: {  	v4 =	vmul.f32 $1.000000000e+01, v4;
	v5 =	vmul.f32 v49, v51  }
0x135: {  	v54 =	vld [tilespmem:$0xA680]  }
0x136: {  	v56 =	vbroadcast v1, $0x9;
	v55 =	vmul.f32 v50, v53;
	v4 =	vadd.f32 v5, v4;
	_ =	sdelay $0x1  }
0x137: {  	v58 =	vbroadcast v0, $0x9;
	v57 =	vmul.f32 v52, v56;
	v4 =	vadd.f32 v55, v4;
	_ =	sdelay $0x1  }
0x138: {  	v59 =	vmul.f32 v54, v58;
	v4 =	vadd.f32 v57, v4;
	_ =	sdelay $0x1  }
0x139: {  	v4 =	vadd.f32 v59, v4;
	_ =	sdelay $0x1  }
0x13a: {  	[tilespmem:s17+$0x20] =	vst v4  }
0x13b: {  	v4 =	vld [tilespmem:s11+$0x90]  }
0x13c: {  	v60 =	vld [tilespmem:$0xA510];
	_ =	sdelay $0x1  }
0x13d: {  	v61 =	vld [tilespmem:$0xA590];
	_ =	sdelay $0x1  }
0x13e: {  	v62 =	vld [tilespmem:$0xA610]  }
0x13f: {  	v4 =	vmul.f32 $1.000000000e+01, v4;
	v5 =	vmul.f32 v60, v51  }
0x140: {  	v63 =	vld [tilespmem:$0xA690]  }
0x141: {  	v12 =	vmul.f32 v61, v53;
	v4 =	vadd.f32 v5, v4;
	_ =	sdelay $0x1  }
0x142: {  	v13 =	vmul.f32 v62, v56;
	v4 =	vadd.f32 v12, v4;
	_ =	sdelay $0x1  }
0x143: {  	v14 =	vmul.f32 v63, v58;
	v4 =	vadd.f32 v13, v4;
	_ =	sdelay $0x1  }
0x144: {  	v4 =	vadd.f32 v14, v4;
	_ =	sdelay $0x1  }
0x145: {  	[tilespmem:s17+$0x30] =	vst v4  }
0x146: {  	v4 =	vld [tilespmem:s11+$0x100]  }
0x147: {  	v15 =	vld [tilespmem:$0xA500];
	_ =	sdelay $0x1  }
0x148: {  	v16 =	vld [tilespmem:$0xA580]  }
0x149: {  	v17 =	vbroadcast v3, $0xA  }
0x14a: {  	v19 =	vbroadcast v2, $0xA;
	v18 =	vld [tilespmem:$0xA600]  }
0x14b: {  	v4 =	vmul.f32 $1.000000000e+01, v4;
	v5 =	vmul.f32 v15, v17  }
0x14c: {  	v20 =	vld [tilespmem:$0xA680]  }
0x14d: {  	v22 =	vbroadcast v1, $0xA;
	v21 =	vmul.f32 v16, v19;
	v4 =	vadd.f32 v5, v4;
	_ =	sdelay $0x1  }
0x14e: {  	v24 =	vbroadcast v0, $0xA;
	v23 =	vmul.f32 v18, v22;
	v4 =	vadd.f32 v21, v4;
	_ =	sdelay $0x1  }
0x14f: {  	v25 =	vmul.f32 v20, v24;
	v4 =	vadd.f32 v23, v4;
	_ =	sdelay $0x1  }
0x150: {  	v4 =	vadd.f32 v25, v4;
	_ =	sdelay $0x1  }
0x151: {  	[tilespmem:s17+$0x40] =	vst v4  }
0x152: {  	v4 =	vld [tilespmem:s11+$0x110]  }
0x153: {  	v26 =	vld [tilespmem:$0xA510];
	_ =	sdelay $0x1  }
0x154: {  	v27 =	vld [tilespmem:$0xA590];
	_ =	sdelay $0x1  }
0x155: {  	v28 =	vld [tilespmem:$0xA610]  }
0x156: {  	v4 =	vmul.f32 $1.000000000e+01, v4;
	v5 =	vmul.f32 v26, v17  }
0x157: {  	v29 =	vld [tilespmem:$0xA690]  }
0x158: {  	v30 =	vmul.f32 v27, v19;
	v4 =	vadd.f32 v5, v4;
	_ =	sdelay $0x1  }
0x159: {  	v31 =	vmul.f32 v28, v22;
	v4 =	vadd.f32 v30, v4;
	_ =	sdelay $0x1  }
0x15a: {  	v32 =	vmul.f32 v29, v24;
	v4 =	vadd.f32 v31, v4;
	_ =	sdelay $0x1  }
0x15b: {  	v4 =	vadd.f32 v32, v4;
	_ =	sdelay $0x1  }
0x15c: {  	[tilespmem:s17+$0x50] =	vst v4  }
0x15d: {  	v4 =	vld [tilespmem:s11+$0x180]  }
0x15e: {  	v33 =	vld [tilespmem:$0xA500];
	_ =	sdelay $0x1  }
0x15f: {  	v34 =	vld [tilespmem:$0xA580]  }
0x160: {  	v35 =	vbroadcast v3, $0xB  }
0x161: {  	v37 =	vbroadcast v2, $0xB;
	v36 =	vld [tilespmem:$0xA600]  }
0x162: {  	v4 =	vmul.f32 $1.000000000e+01, v4;
	v5 =	vmul.f32 v33, v35  }
0x163: {  	v38 =	vld [tilespmem:$0xA680]  }
0x164: {  	v40 =	vbroadcast v1, $0xB;
	v39 =	vmul.f32 v34, v37;
	v4 =	vadd.f32 v5, v4;
	_ =	sdelay $0x1  }
0x165: {  	v42 =	vbroadcast v0, $0xB;
	v41 =	vmul.f32 v36, v40;
	v4 =	vadd.f32 v39, v4;
	_ =	sdelay $0x1  }
0x166: {  	v43 =	vmul.f32 v38, v42;
	v4 =	vadd.f32 v41, v4;
	_ =	sdelay $0x1  }
0x167: {  	v4 =	vadd.f32 v43, v4;
	_ =	sdelay $0x1  }
0x168: {  	[tilespmem:s17+$0x60] =	vst v4  }
0x169: {  	v4 =	vld [tilespmem:s11+$0x190]  }
0x16a: {  	v44 =	vld [tilespmem:$0xA510];
	_ =	sdelay $0x1  }
0x16b: {  	v45 =	vld [tilespmem:$0xA590];
	_ =	sdelay $0x1  }
0x16c: {  	v46 =	vld [tilespmem:$0xA610]  }
0x16d: {  	v4 =	vmul.f32 $1.000000000e+01, v4;
	v5 =	vmul.f32 v44, v35  }
0x16e: {  	v47 =	vld [tilespmem:$0xA690]  }
0x16f: {  	v48 =	vmul.f32 v45, v37;
	v4 =	vadd.f32 v5, v4;
	_ =	sdelay $0x1  }
0x170: {  	v49 =	vmul.f32 v46, v40;
	v4 =	vadd.f32 v48, v4;
	_ =	sdelay $0x1  }
0x171: {  	v50 =	vmul.f32 v47, v42;
	v4 =	vadd.f32 v49, v4;
	_ =	sdelay $0x1  }
0x172: {  	v4 =	vadd.f32 v50, v4;
	_ =	sdelay $0x1  }
0x173: {  	[tilespmem:s17+$0x70] =	vst v4  }
0x174: {  	v4 =	vld [tilespmem:s11+$0x200]  }
0x175: {  	v51 =	vld [tilespmem:$0xA500];
	_ =	sdelay $0x1  }
0x176: {  	v52 =	vld [tilespmem:$0xA580]  }
0x177: {  	v53 =	vbroadcast v3, $0xC  }
0x178: {  	v55 =	vbroadcast v2, $0xC;
	v54 =	vld [tilespmem:$0xA600]  }
0x179: {  	v4 =	vmul.f32 $1.000000000e+01, v4;
	v5 =	vmul.f32 v51, v53  }
0x17a: {  	v56 =	vld [tilespmem:$0xA680]  }
0x17b: {  	v58 =	vbroadcast v1, $0xC;
	v57 =	vmul.f32 v52, v55;
	v4 =	vadd.f32 v5, v4;
	_ =	sdelay $0x1  }
0x17c: {  	v60 =	vbroadcast v0, $0xC;
	v59 =	vmul.f32 v54, v58;
	v4 =	vadd.f32 v57, v4;
	_ =	sdelay $0x1  }
0x17d: {  	v61 =	vmul.f32 v56, v60;
	v4 =	vadd.f32 v59, v4;
	_ =	sdelay $0x1  }
0x17e: {  	v4 =	vadd.f32 v61, v4;
	_ =	sdelay $0x1  }
0x17f: {  	[tilespmem:s17+$0x80] =	vst v4  }
0x180: {  	v4 =	vld [tilespmem:s11+$0x210]  }
0x181: {  	v62 =	vld [tilespmem:$0xA510];
	_ =	sdelay $0x1  }
0x182: {  	v63 =	vld [tilespmem:$0xA590];
	_ =	sdelay $0x1  }
0x183: {  	v12 =	vld [tilespmem:$0xA610]  }
0x184: {  	v4 =	vmul.f32 $1.000000000e+01, v4;
	v5 =	vmul.f32 v62, v53  }
0x185: {  	v13 =	vld [tilespmem:$0xA690]  }
0x186: {  	v14 =	vmul.f32 v63, v55;
	v4 =	vadd.f32 v5, v4;
	_ =	sdelay $0x1  }
0x187: {  	v15 =	vmul.f32 v12, v58;
	v4 =	vadd.f32 v14, v4;
	_ =	sdelay $0x1  }
0x188: {  	v16 =	vmul.f32 v13, v60;
	v4 =	vadd.f32 v15, v4;
	_ =	sdelay $0x1  }
0x189: {  	v4 =	vadd.f32 v16, v4;
	_ =	sdelay $0x1  }
0x18a: {  	[tilespmem:s17+$0x90] =	vst v4  }
0x18b: {  	v4 =	vld [tilespmem:s11+$0x280]  }
0x18c: {  	v17 =	vld [tilespmem:$0xA500];
	_ =	sdelay $0x1  }
0x18d: {  	v18 =	vld [tilespmem:$0xA580]  }
0x18e: {  	v19 =	vbroadcast v3, $0xD  }
0x18f: {  	v21 =	vbroadcast v2, $0xD;
	v20 =	vld [tilespmem:$0xA600]  }
0x190: {  	v4 =	vmul.f32 $1.000000000e+01, v4;
	v5 =	vmul.f32 v17, v19  }
0x191: {  	v22 =	vld [tilespmem:$0xA680]  }
0x192: {  	v24 =	vbroadcast v1, $0xD;
	v23 =	vmul.f32 v18, v21;
	v4 =	vadd.f32 v5, v4;
	_ =	sdelay $0x1  }
0x193: {  	v26 =	vbroadcast v0, $0xD;
	v25 =	vmul.f32 v20, v24;
	v4 =	vadd.f32 v23, v4;
	_ =	sdelay $0x1  }
0x194: {  	v27 =	vmul.f32 v22, v26;
	v4 =	vadd.f32 v25, v4;
	_ =	sdelay $0x1  }
0x195: {  	v4 =	vadd.f32 v27, v4;
	_ =	sdelay $0x1  }
0x196: {  	[tilespmem:s17+$0xA0] =	vst v4  }
0x197: {  	v4 =	vld [tilespmem:s11+$0x290]  }
0x198: {  	v28 =	vld [tilespmem:$0xA510];
	_ =	sdelay $0x1  }
0x199: {  	v29 =	vld [tilespmem:$0xA590];
	_ =	sdelay $0x1  }
0x19a: {  	v30 =	vld [tilespmem:$0xA610]  }
0x19b: {  	v4 =	vmul.f32 $1.000000000e+01, v4;
	v5 =	vmul.f32 v28, v19  }
0x19c: {  	v31 =	vld [tilespmem:$0xA690]  }
0x19d: {  	v32 =	vmul.f32 v29, v21;
	v4 =	vadd.f32 v5, v4;
	_ =	sdelay $0x1  }
0x19e: {  	v33 =	vmul.f32 v30, v24;
	v4 =	vadd.f32 v32, v4;
	_ =	sdelay $0x1  }
0x19f: {  	v34 =	vmul.f32 v31, v26;
	v4 =	vadd.f32 v33, v4;
	_ =	sdelay $0x1  }
0x1a0: {  	v4 =	vadd.f32 v34, v4;
	_ =	sdelay $0x1  }
0x1a1: {  	[tilespmem:s17+$0xB0] =	vst v4  }
0x1a2: {  	v4 =	vld [tilespmem:s11+$0x300]  }
0x1a3: {  	v35 =	vld [tilespmem:$0xA500];
	_ =	sdelay $0x1  }
0x1a4: {  	v36 =	vld [tilespmem:$0xA580]  }
0x1a5: {  	v37 =	vbroadcast v3, $0xE  }
0x1a6: {  	v39 =	vbroadcast v2, $0xE;
	v38 =	vld [tilespmem:$0xA600]  }
0x1a7: {  	v4 =	vmul.f32 $1.000000000e+01, v4;
	v5 =	vmul.f32 v35, v37  }
0x1a8: {  	v40 =	vld [tilespmem:$0xA680]  }
0x1a9: {  	v42 =	vbroadcast v1, $0xE;
	v41 =	vmul.f32 v36, v39;
	v4 =	vadd.f32 v5, v4;
	_ =	sdelay $0x1  }
0x1aa: {  	v44 =	vbroadcast v0, $0xE;
	v43 =	vmul.f32 v38, v42;
	v4 =	vadd.f32 v41, v4;
	_ =	sdelay $0x1  }
0x1ab: {  	v45 =	vmul.f32 v40, v44;
	v4 =	vadd.f32 v43, v4;
	_ =	sdelay $0x1  }
0x1ac: {  	v4 =	vadd.f32 v45, v4;
	_ =	sdelay $0x1  }
0x1ad: {  	[tilespmem:s17+$0xC0] =	vst v4  }
0x1ae: {  	v4 =	vld [tilespmem:s11+$0x310]  }
0x1af: {  	v46 =	vld [tilespmem:$0xA510];
	_ =	sdelay $0x1  }
0x1b0: {  	v47 =	vld [tilespmem:$0xA590];
	_ =	sdelay $0x1  }
0x1b1: {  	v48 =	vld [tilespmem:$0xA610]  }
0x1b2: {  	v4 =	vmul.f32 $1.000000000e+01, v4;
	v5 =	vmul.f32 v46, v37  }
0x1b3: {  	v49 =	vld [tilespmem:$0xA690]  }
0x1b4: {  	v50 =	vmul.f32 v47, v39;
	v4 =	vadd.f32 v5, v4;
	_ =	sdelay $0x1  }
0x1b5: {  	v51 =	vmul.f32 v48, v42;
	v4 =	vadd.f32 v50, v4;
	_ =	sdelay $0x1  }
0x1b6: {  	v52 =	vmul.f32 v49, v44;
	v4 =	vadd.f32 v51, v4;
	_ =	sdelay $0x1  }
0x1b7: {  	v4 =	vadd.f32 v52, v4;
	_ =	sdelay $0x1  }
0x1b8: {  	[tilespmem:s17+$0xD0] =	vst v4  }
0x1b9: {  	v4 =	vld [tilespmem:s11+$0x380]  }
0x1ba: {  	v53 =	vld [tilespmem:$0xA500];
	_ =	sdelay $0x1  }
0x1bb: {  	v54 =	vld [tilespmem:$0xA580]  }
0x1bc: {  	v3 =	vbroadcast v3, $0xF  }
0x1bd: {  	v2 =	vbroadcast v2, $0xF;
	v55 =	vld [tilespmem:$0xA600]  }
0x1be: {  	v4 =	vmul.f32 $1.000000000e+01, v4;
	v5 =	vmul.f32 v53, v3  }
0x1bf: {  	v56 =	vld [tilespmem:$0xA680]  }
0x1c0: {  	v1 =	vbroadcast v1, $0xF;
	v57 =	vmul.f32 v54, v2;
	v4 =	vadd.f32 v5, v4;
	_ =	sdelay $0x1  }
0x1c1: {  	v0 =	vbroadcast v0, $0xF;
	v58 =	vmul.f32 v55, v1;
	v4 =	vadd.f32 v57, v4;
	_ =	sdelay $0x1  }
0x1c2: {  	v59 =	vmul.f32 v56, v0;
	v4 =	vadd.f32 v58, v4;
	_ =	sdelay $0x1  }
0x1c3: {  	v4 =	vadd.f32 v59, v4;
	_ =	sdelay $0x1  }
0x1c4: {  	[tilespmem:s17+$0xE0] =	vst v4  }
0x1c5: {  	v4 =	vld [tilespmem:s11+$0x390]  }
0x1c6: {  	v60 =	vld [tilespmem:$0xA510];
	_ =	sdelay $0x1  }
0x1c7: {  	v61 =	vld [tilespmem:$0xA590];
	_ =	sdelay $0x1  }
0x1c8: {  	v62 =	vld [tilespmem:$0xA610]  }
0x1c9: {  	v4 =	vmul.f32 $1.000000000e+01, v4;
	v3 =	vmul.f32 v60, v3  }
0x1ca: {  	v63 =	vld [tilespmem:$0xA690]  }
0x1cb: {  	v2 =	vmul.f32 v61, v2;
	v3 =	vadd.f32 v3, v4;
	_ =	sdelay $0x1  }
0x1cc: {  	v1 =	vmul.f32 v62, v1;
	v2 =	vadd.f32 v2, v3  }
0x1cd: {  	p1 =	sne.s32 s12, $0x1C0  }
.Ltmp2:
0x1ce: {  	v0 =	vmul.f32 v63, v0;
	v1 =	vadd.f32 v1, v2;
	(pc) =	sbr.rel @p1 .LBB2_3-.Ltmp2, $3  }
0x1cf: {  	_ = 	snop  }
0x1d0: {  	v0 =	vadd.f32 v0, v1;
	_ =	sdelay $0x1  }
0x1d1: {  	s12 =	sadd.s32 $0x40, s12;
	s11 =	sadd.s32 $0x800, s11;
	[tilespmem:s17+$0xF0] =	vst v0;
	s17 =	sadd.s32 $0x200, s17  }
0x1d2: {  	s11 =	sshll.u32 s25, $0xD  }
0x1d3: {  	s11 =	sadd.s32 s13, s11  }
0x1d4: {  	s11 =	sshrl.u32 s11, $0x3  }
0x1d5: {  	p1 =	seq.s32 s25, $0xC;
	s11 =	sadd.s32 s3, s11  }
0x1d6: {  	[hbm4b:s11+s4] =	stream.linear.scatter [tilespmem:s2], [sflag:$0x3], $0x1000, $0x38;
	[tilespmem:$0xA700] =	vst v63  }
0x1d7: {  	s11 =	sadd.s32 @!p1 s10, s14  }
0x1d8: {  	s11 =	sshrl.u32 @!p1 s11, $0x3  }
0x1d9: {  	s12 =	simm.s32 @!p1 $0x0;
	s11 =	sadd.s32 @!p1 s1, s11  }
0x1da: {  	[tilespmem:s12], [sflag:$0x5] =	stream.linear.gather @!p1 [hbm4b:s11+s12], $0x80, $0x38;
	[tilespmem:$0xA700] =	vst v63  }
0x1db: {  	s11 =	simm.s32 @!p1 $0x5  }
0x1dc: {  	_ =	swait.ge @!p1 [sflag:s11], $0x80  }
0x1dd: {  	[sflag:s11] =	ssyncset.done @!p1 $0x0  }
0x1de: {  	s17 =	simm.s32 @!p1 $0x100;
	[sflag:s11] =	ssyncadd.s32 @!p1 $0xFFFFFF80;
	s11 =	simm.s32 @!p1 $0x80  }
0x1df: {  	[tilespmem:s17], [sflag:$0x1] =	stream.indirect.gather @!p1 [hbm4b:s5+s11], $0x80, s12, s11, $0xb8;
	[tilespmem:$0xA700] =	vst v63  }
0x1e0: {  	s17 =	simm.s32 @!p1 $0x8100  }
0x1e1: {  	[tilespmem:s17], [sflag:$0x1] =	stream.indirect.gather @!p1 [hbm4b:s6+s11], $0x1, s12, s11, $0xb8;
	[tilespmem:$0xA700] =	vst v63  }
0x1e2: {  	s17 =	simm.s32 @!p1 $0x8180  }
0x1e3: {  	[tilespmem:s17], [sflag:$0x1] =	stream.indirect.gather @!p1 [hbm4b:s7+s11], $0x1, s12, s11, $0xb8;
	[tilespmem:$0xA700] =	vst v63  }
0x1e4: {  	s17 =	simm.s32 @!p1 $0x8200  }
0x1e5: {  	[tilespmem:s17], [sflag:$0x1] =	stream.indirect.gather @!p1 [hbm4b:s8+s11], $0x1, s12, s11, $0xb8;
	[tilespmem:$0xA700] =	vst v63  }
0x1e6: {  	s17 =	simm.s32 @!p1 $0x8280  }
0x1e7: {  	[tilespmem:s17], [sflag:$0x1] =	stream.indirect.gather @!p1 [hbm4b:s9+s11], $0x1, s12, s11, $0xb8;
	[tilespmem:$0xA700] =	vst v63  }
0x1e8: {  	_ =	swait.ge [sflag:s18], $0x4000  }
0x1e9: {  	[sflag:s18] =	ssyncset.done $0x0  }
0x1ea: {  	[sflag:s18] =	ssyncadd.s32 $0xFFFFC000  }
0x1eb: {  	_ =	swait.ge [sflag:s18], $0x80  }
0x1ec: {  	[sflag:s18] =	ssyncset.done $0x0  }
0x1ed: {  	[sflag:s18] =	ssyncadd.s32 $0xFFFFFF80  }
0x1ee: {  	_ =	swait.ge [sflag:s18], $0x80  }
0x1ef: {  	[sflag:s18] =	ssyncset.done $0x0  }
0x1f0: {  	[sflag:s18] =	ssyncadd.s32 $0xFFFFFF80  }
0x1f1: {  	_ =	swait.ge [sflag:s18], $0x80  }
0x1f2: {  	[sflag:s18] =	ssyncset.done $0x0  }
0x1f3: {  	[sflag:s18] =	ssyncadd.s32 $0xFFFFFF80  }
0x1f4: {  	_ =	swait.ge [sflag:s18], $0x80  }
0x1f5: {  	[sflag:s18] =	ssyncset.done $0x0  }
0x1f6: {  	s11 =	simm.s32 @!p0 $0x4;
	[sflag:s18] =	ssyncadd.s32 $0xFFFFFF80  }
0x1f7: {  	_ =	swait.ge @!p0 [sflag:s11], $0x1000  }
0x1f8: {  	s12 =	simm.s32 $0x0;
	[sflag:s11] =	ssyncset.done @!p0 $0x0  }
0x1f9: {  	s17 =	simm.s32 $0x9600;
	[sflag:s11] =	ssyncadd.s32 @!p0 $0xFFFFF000;
	s11 =	simm.s32 $0x4500  }
.LBB2_5:
0x1fa: {  	s22 =	sshra.s32 s12, $0x2;
	v4 =	vld [tilespmem:s11+$0xFFFFFC00]  }
0x1fb: {  	v3 =	vld [tilespmem:s22+$0x8300]  }
0x1fc: {  	v5 =	vld [tilespmem:$0xA500]  }
0x1fd: {  	v2 =	vld [tilespmem:s22+$0x8380]  }
0x1fe: {  	v6 =	vld [tilespmem:$0xA580]  }
0x1ff: {  	v1 =	vld [tilespmem:s22+$0x8400]  }
0x200: {  	v8 =	vld [tilespmem:$0xA600];
	v7 =	vbroadcast v3, $0x0  }
0x201: {  	v0 =	vld [tilespmem:s22+$0x8480];
	v4 =	vmul.f32 $1.000000000e+01, v4  }
0x202: {  	v9 =	vbroadcast v2, $0x0;
	v5 =	vmul.f32 v5, v7  }
0x203: {  	v10 =	vld [tilespmem:$0xA680]  }
0x204: {  	v57 =	vbroadcast v1, $0x0;
	v56 =	vmul.f32 v6, v9;
	v4 =	vadd.f32 v5, v4;
	_ =	sdelay $0x1  }
0x205: {  	v59 =	vbroadcast v0, $0x0;
	v58 =	vmul.f32 v8, v57;
	v4 =	vadd.f32 v56, v4;
	_ =	sdelay $0x1  }
0x206: {  	v60 =	vmul.f32 v10, v59;
	v4 =	vadd.f32 v58, v4;
	_ =	sdelay $0x1  }
0x207: {  	v4 =	vadd.f32 v60, v4;
	_ =	sdelay $0x1  }
0x208: {  	[tilespmem:s17+$0xFFFFFF00] =	vst v4  }
0x209: {  	v4 =	vld [tilespmem:s11+$0xFFFFFC10]  }
0x20a: {  	v61 =	vld [tilespmem:$0xA510];
	_ =	sdelay $0x1  }
0x20b: {  	v62 =	vld [tilespmem:$0xA590];
	_ =	sdelay $0x1  }
0x20c: {  	v11 =	vld [tilespmem:$0xA610]  }
0x20d: {  	v4 =	vmul.f32 $1.000000000e+01, v4;
	v5 =	vmul.f32 v61, v7  }
0x20e: {  	v63 =	vld [tilespmem:$0xA690]  }
0x20f: {  	v10 =	vmul.f32 v62, v9;
	v4 =	vadd.f32 v5, v4;
	_ =	sdelay $0x1  }
0x210: {  	v11 =	vmul.f32 v11, v57;
	v4 =	vadd.f32 v10, v4;
	_ =	sdelay $0x1  }
0x211: {  	v12 =	vmul.f32 v63, v59;
	v4 =	vadd.f32 v11, v4;
	_ =	sdelay $0x1  }
0x212: {  	v4 =	vadd.f32 v12, v4;
	_ =	sdelay $0x1  }
0x213: {  	[tilespmem:s17+$0xFFFFFF10] =	vst v4  }
0x214: {  	v4 =	vld [tilespmem:s11+$0xFFFFFC80]  }
0x215: {  	v13 =	vld [tilespmem:$0xA500];
	_ =	sdelay $0x1  }
0x216: {  	v14 =	vld [tilespmem:$0xA580]  }
0x217: {  	v15 =	vbroadcast v3, $0x1  }
0x218: {  	v17 =	vbroadcast v2, $0x1;
	v16 =	vld [tilespmem:$0xA600]  }
0x219: {  	v4 =	vmul.f32 $1.000000000e+01, v4;
	v5 =	vmul.f32 v13, v15  }
0x21a: {  	v18 =	vld [tilespmem:$0xA680]  }
0x21b: {  	v20 =	vbroadcast v1, $0x1;
	v19 =	vmul.f32 v14, v17;
	v4 =	vadd.f32 v5, v4;
	_ =	sdelay $0x1  }
0x21c: {  	v22 =	vbroadcast v0, $0x1;
	v21 =	vmul.f32 v16, v20;
	v4 =	vadd.f32 v19, v4;
	_ =	sdelay $0x1  }
0x21d: {  	v23 =	vmul.f32 v18, v22;
	v4 =	vadd.f32 v21, v4;
	_ =	sdelay $0x1  }
0x21e: {  	v4 =	vadd.f32 v23, v4;
	_ =	sdelay $0x1  }
0x21f: {  	[tilespmem:s17+$0xFFFFFF20] =	vst v4  }
0x220: {  	v4 =	vld [tilespmem:s11+$0xFFFFFC90]  }
0x221: {  	v24 =	vld [tilespmem:$0xA510];
	_ =	sdelay $0x1  }
0x222: {  	v25 =	vld [tilespmem:$0xA590];
	_ =	sdelay $0x1  }
0x223: {  	v26 =	vld [tilespmem:$0xA610]  }
0x224: {  	v4 =	vmul.f32 $1.000000000e+01, v4;
	v5 =	vmul.f32 v24, v15  }
0x225: {  	v27 =	vld [tilespmem:$0xA690]  }
0x226: {  	v28 =	vmul.f32 v25, v17;
	v4 =	vadd.f32 v5, v4;
	_ =	sdelay $0x1  }
0x227: {  	v29 =	vmul.f32 v26, v20;
	v4 =	vadd.f32 v28, v4;
	_ =	sdelay $0x1  }
0x228: {  	v30 =	vmul.f32 v27, v22;
	v4 =	vadd.f32 v29, v4;
	_ =	sdelay $0x1  }
0x229: {  	v4 =	vadd.f32 v30, v4;
	_ =	sdelay $0x1  }
0x22a: {  	[tilespmem:s17+$0xFFFFFF30] =	vst v4  }
0x22b: {  	v4 =	vld [tilespmem:s11+$0xFFFFFD00]  }
0x22c: {  	v31 =	vld [tilespmem:$0xA500];
	_ =	sdelay $0x1  }
0x22d: {  	v32 =	vld [tilespmem:$0xA580]  }
0x22e: {  	v33 =	vbroadcast v3, $0x2  }
0x22f: {  	v35 =	vbroadcast v2, $0x2;
	v34 =	vld [tilespmem:$0xA600]  }
0x230: {  	v4 =	vmul.f32 $1.000000000e+01, v4;
	v5 =	vmul.f32 v31, v33  }
0x231: {  	v36 =	vld [tilespmem:$0xA680]  }
0x232: {  	v38 =	vbroadcast v1, $0x2;
	v37 =	vmul.f32 v32, v35;
	v4 =	vadd.f32 v5, v4;
	_ =	sdelay $0x1  }
0x233: {  	v40 =	vbroadcast v0, $0x2;
	v39 =	vmul.f32 v34, v38;
	v4 =	vadd.f32 v37, v4;
	_ =	sdelay $0x1  }
0x234: {  	v41 =	vmul.f32 v36, v40;
	v4 =	vadd.f32 v39, v4;
	_ =	sdelay $0x1  }
0x235: {  	v4 =	vadd.f32 v41, v4;
	_ =	sdelay $0x1  }
0x236: {  	[tilespmem:s17+$0xFFFFFF40] =	vst v4  }
0x237: {  	v4 =	vld [tilespmem:s11+$0xFFFFFD10]  }
0x238: {  	v42 =	vld [tilespmem:$0xA510];
	_ =	sdelay $0x1  }
0x239: {  	v43 =	vld [tilespmem:$0xA590];
	_ =	sdelay $0x1  }
0x23a: {  	v44 =	vld [tilespmem:$0xA610]  }
0x23b: {  	v4 =	vmul.f32 $1.000000000e+01, v4;
	v5 =	vmul.f32 v42, v33  }
0x23c: {  	v45 =	vld [tilespmem:$0xA690]  }
0x23d: {  	v46 =	vmul.f32 v43, v35;
	v4 =	vadd.f32 v5, v4;
	_ =	sdelay $0x1  }
0x23e: {  	v47 =	vmul.f32 v44, v38;
	v4 =	vadd.f32 v46, v4;
	_ =	sdelay $0x1  }
0x23f: {  	v48 =	vmul.f32 v45, v40;
	v4 =	vadd.f32 v47, v4;
	_ =	sdelay $0x1  }
0x240: {  	v4 =	vadd.f32 v48, v4;
	_ =	sdelay $0x1  }
0x241: {  	[tilespmem:s17+$0xFFFFFF50] =	vst v4  }
0x242: {  	v4 =	vld [tilespmem:s11+$0xFFFFFD80]  }
0x243: {  	v49 =	vld [tilespmem:$0xA500];
	_ =	sdelay $0x1  }
0x244: {  	v50 =	vld [tilespmem:$0xA580]  }
0x245: {  	v51 =	vbroadcast v3, $0x3  }
0x246: {  	v53 =	vbroadcast v2, $0x3;
	v52 =	vld [tilespmem:$0xA600]  }
0x247: {  	v4 =	vmul.f32 $1.000000000e+01, v4;
	v5 =	vmul.f32 v49, v51  }
0x248: {  	v54 =	vld [tilespmem:$0xA680]  }
0x249: {  	v56 =	vbroadcast v1, $0x3;
	v55 =	vmul.f32 v50, v53;
	v4 =	vadd.f32 v5, v4;
	_ =	sdelay $0x1  }
0x24a: {  	v58 =	vbroadcast v0, $0x3;
	v57 =	vmul.f32 v52, v56;
	v4 =	vadd.f32 v55, v4;
	_ =	sdelay $0x1  }
0x24b: {  	v59 =	vmul.f32 v54, v58;
	v4 =	vadd.f32 v57, v4;
	_ =	sdelay $0x1  }
0x24c: {  	v4 =	vadd.f32 v59, v4;
	_ =	sdelay $0x1  }
0x24d: {  	[tilespmem:s17+$0xFFFFFF60] =	vst v4  }
0x24e: {  	v4 =	vld [tilespmem:s11+$0xFFFFFD90]  }
0x24f: {  	v60 =	vld [tilespmem:$0xA510];
	_ =	sdelay $0x1  }
0x250: {  	v61 =	vld [tilespmem:$0xA590];
	_ =	sdelay $0x1  }
0x251: {  	v62 =	vld [tilespmem:$0xA610]  }
0x252: {  	v4 =	vmul.f32 $1.000000000e+01, v4;
	v5 =	vmul.f32 v60, v51  }
0x253: {  	v63 =	vld [tilespmem:$0xA690]  }
0x254: {  	v10 =	vmul.f32 v61, v53;
	v4 =	vadd.f32 v5, v4;
	_ =	sdelay $0x1  }
0x255: {  	v11 =	vmul.f32 v62, v56;
	v4 =	vadd.f32 v10, v4;
	_ =	sdelay $0x1  }
0x256: {  	v12 =	vmul.f32 v63, v58;
	v4 =	vadd.f32 v11, v4;
	_ =	sdelay $0x1  }
0x257: {  	v4 =	vadd.f32 v12, v4;
	_ =	sdelay $0x1  }
0x258: {  	[tilespmem:s17+$0xFFFFFF70] =	vst v4  }
0x259: {  	v4 =	vld [tilespmem:s11+$0xFFFFFE00]  }
0x25a: {  	v13 =	vld [tilespmem:$0xA500];
	_ =	sdelay $0x1  }
0x25b: {  	v14 =	vld [tilespmem:$0xA580]  }
0x25c: {  	v15 =	vbroadcast v3, $0x4  }
0x25d: {  	v17 =	vbroadcast v2, $0x4;
	v16 =	vld [tilespmem:$0xA600]  }
0x25e: {  	v4 =	vmul.f32 $1.000000000e+01, v4;
	v5 =	vmul.f32 v13, v15  }
0x25f: {  	v18 =	vld [tilespmem:$0xA680]  }
0x260: {  	v20 =	vbroadcast v1, $0x4;
	v19 =	vmul.f32 v14, v17;
	v4 =	vadd.f32 v5, v4;
	_ =	sdelay $0x1  }
0x261: {  	v22 =	vbroadcast v0, $0x4;
	v21 =	vmul.f32 v16, v20;
	v4 =	vadd.f32 v19, v4;
	_ =	sdelay $0x1  }
0x262: {  	v23 =	vmul.f32 v18, v22;
	v4 =	vadd.f32 v21, v4;
	_ =	sdelay $0x1  }
0x263: {  	v4 =	vadd.f32 v23, v4;
	_ =	sdelay $0x1  }
0x264: {  	[tilespmem:s17+$0xFFFFFF80] =	vst v4  }
0x265: {  	v4 =	vld [tilespmem:s11+$0xFFFFFE10]  }
0x266: {  	v24 =	vld [tilespmem:$0xA510];
	_ =	sdelay $0x1  }
0x267: {  	v25 =	vld [tilespmem:$0xA590];
	_ =	sdelay $0x1  }
0x268: {  	v26 =	vld [tilespmem:$0xA610]  }
0x269: {  	v4 =	vmul.f32 $1.000000000e+01, v4;
	v5 =	vmul.f32 v24, v15  }
0x26a: {  	v27 =	vld [tilespmem:$0xA690]  }
0x26b: {  	v28 =	vmul.f32 v25, v17;
	v4 =	vadd.f32 v5, v4;
	_ =	sdelay $0x1  }
0x26c: {  	v29 =	vmul.f32 v26, v20;
	v4 =	vadd.f32 v28, v4;
	_ =	sdelay $0x1  }
0x26d: {  	v30 =	vmul.f32 v27, v22;
	v4 =	vadd.f32 v29, v4;
	_ =	sdelay $0x1  }
0x26e: {  	v4 =	vadd.f32 v30, v4;
	_ =	sdelay $0x1  }
0x26f: {  	[tilespmem:s17+$0xFFFFFF90] =	vst v4  }
0x270: {  	v4 =	vld [tilespmem:s11+$0xFFFFFE80]  }
0x271: {  	v31 =	vld [tilespmem:$0xA500];
	_ =	sdelay $0x1  }
0x272: {  	v32 =	vld [tilespmem:$0xA580]  }
0x273: {  	v33 =	vbroadcast v3, $0x5  }
0x274: {  	v35 =	vbroadcast v2, $0x5;
	v34 =	vld [tilespmem:$0xA600]  }
0x275: {  	v4 =	vmul.f32 $1.000000000e+01, v4;
	v5 =	vmul.f32 v31, v33  }
0x276: {  	v36 =	vld [tilespmem:$0xA680]  }
0x277: {  	v38 =	vbroadcast v1, $0x5;
	v37 =	vmul.f32 v32, v35;
	v4 =	vadd.f32 v5, v4;
	_ =	sdelay $0x1  }
0x278: {  	v40 =	vbroadcast v0, $0x5;
	v39 =	vmul.f32 v34, v38;
	v4 =	vadd.f32 v37, v4;
	_ =	sdelay $0x1  }
0x279: {  	v41 =	vmul.f32 v36, v40;
	v4 =	vadd.f32 v39, v4;
	_ =	sdelay $0x1  }
0x27a: {  	v4 =	vadd.f32 v41, v4;
	_ =	sdelay $0x1  }
0x27b: {  	[tilespmem:s17+$0xFFFFFFA0] =	vst v4  }
0x27c: {  	v4 =	vld [tilespmem:s11+$0xFFFFFE90]  }
0x27d: {  	v42 =	vld [tilespmem:$0xA510];
	_ =	sdelay $0x1  }
0x27e: {  	v43 =	vld [tilespmem:$0xA590];
	_ =	sdelay $0x1  }
0x27f: {  	v44 =	vld [tilespmem:$0xA610]  }
0x280: {  	v4 =	vmul.f32 $1.000000000e+01, v4;
	v5 =	vmul.f32 v42, v33  }
0x281: {  	v45 =	vld [tilespmem:$0xA690]  }
0x282: {  	v46 =	vmul.f32 v43, v35;
	v4 =	vadd.f32 v5, v4;
	_ =	sdelay $0x1  }
0x283: {  	v47 =	vmul.f32 v44, v38;
	v4 =	vadd.f32 v46, v4;
	_ =	sdelay $0x1  }
0x284: {  	v48 =	vmul.f32 v45, v40;
	v4 =	vadd.f32 v47, v4;
	_ =	sdelay $0x1  }
0x285: {  	v4 =	vadd.f32 v48, v4;
	_ =	sdelay $0x1  }
0x286: {  	[tilespmem:s17+$0xFFFFFFB0] =	vst v4  }
0x287: {  	v4 =	vld [tilespmem:s11+$0xFFFFFF00]  }
0x288: {  	v49 =	vld [tilespmem:$0xA500];
	_ =	sdelay $0x1  }
0x289: {  	v50 =	vld [tilespmem:$0xA580]  }
0x28a: {  	v51 =	vbroadcast v3, $0x6  }
0x28b: {  	v53 =	vbroadcast v2, $0x6;
	v52 =	vld [tilespmem:$0xA600]  }
0x28c: {  	v4 =	vmul.f32 $1.000000000e+01, v4;
	v5 =	vmul.f32 v49, v51  }
0x28d: {  	v54 =	vld [tilespmem:$0xA680]  }
0x28e: {  	v56 =	vbroadcast v1, $0x6;
	v55 =	vmul.f32 v50, v53;
	v4 =	vadd.f32 v5, v4;
	_ =	sdelay $0x1  }
0x28f: {  	v58 =	vbroadcast v0, $0x6;
	v57 =	vmul.f32 v52, v56;
	v4 =	vadd.f32 v55, v4;
	_ =	sdelay $0x1  }
0x290: {  	v59 =	vmul.f32 v54, v58;
	v4 =	vadd.f32 v57, v4;
	_ =	sdelay $0x1  }
0x291: {  	v4 =	vadd.f32 v59, v4;
	_ =	sdelay $0x1  }
0x292: {  	[tilespmem:s17+$0xFFFFFFC0] =	vst v4  }
0x293: {  	v4 =	vld [tilespmem:s11+$0xFFFFFF10]  }
0x294: {  	v60 =	vld [tilespmem:$0xA510];
	_ =	sdelay $0x1  }
0x295: {  	v61 =	vld [tilespmem:$0xA590];
	_ =	sdelay $0x1  }
0x296: {  	v62 =	vld [tilespmem:$0xA610]  }
0x297: {  	v4 =	vmul.f32 $1.000000000e+01, v4;
	v5 =	vmul.f32 v60, v51  }
0x298: {  	v63 =	vld [tilespmem:$0xA690]  }
0x299: {  	v10 =	vmul.f32 v61, v53;
	v4 =	vadd.f32 v5, v4;
	_ =	sdelay $0x1  }
0x29a: {  	v11 =	vmul.f32 v62, v56;
	v4 =	vadd.f32 v10, v4;
	_ =	sdelay $0x1  }
0x29b: {  	v12 =	vmul.f32 v63, v58;
	v4 =	vadd.f32 v11, v4;
	_ =	sdelay $0x1  }
0x29c: {  	v4 =	vadd.f32 v12, v4;
	_ =	sdelay $0x1  }
0x29d: {  	[tilespmem:s17+$0xFFFFFFD0] =	vst v4  }
0x29e: {  	v4 =	vld [tilespmem:s11+$0xFFFFFF80]  }
0x29f: {  	v13 =	vld [tilespmem:$0xA500];
	_ =	sdelay $0x1  }
0x2a0: {  	v14 =	vld [tilespmem:$0xA580]  }
0x2a1: {  	v15 =	vbroadcast v3, $0x7  }
0x2a2: {  	v17 =	vbroadcast v2, $0x7;
	v16 =	vld [tilespmem:$0xA600]  }
0x2a3: {  	v4 =	vmul.f32 $1.000000000e+01, v4;
	v5 =	vmul.f32 v13, v15  }
0x2a4: {  	v18 =	vld [tilespmem:$0xA680]  }
0x2a5: {  	v20 =	vbroadcast v1, $0x7;
	v19 =	vmul.f32 v14, v17;
	v4 =	vadd.f32 v5, v4;
	_ =	sdelay $0x1  }
0x2a6: {  	v22 =	vbroadcast v0, $0x7;
	v21 =	vmul.f32 v16, v20;
	v4 =	vadd.f32 v19, v4;
	_ =	sdelay $0x1  }
0x2a7: {  	v23 =	vmul.f32 v18, v22;
	v4 =	vadd.f32 v21, v4;
	_ =	sdelay $0x1  }
0x2a8: {  	v4 =	vadd.f32 v23, v4;
	_ =	sdelay $0x1  }
0x2a9: {  	[tilespmem:s17+$0xFFFFFFE0] =	vst v4  }
0x2aa: {  	v4 =	vld [tilespmem:s11+$0xFFFFFF90]  }
0x2ab: {  	v24 =	vld [tilespmem:$0xA510];
	_ =	sdelay $0x1  }
0x2ac: {  	v25 =	vld [tilespmem:$0xA590];
	_ =	sdelay $0x1  }
0x2ad: {  	v26 =	vld [tilespmem:$0xA610]  }
0x2ae: {  	v4 =	vmul.f32 $1.000000000e+01, v4;
	v5 =	vmul.f32 v24, v15  }
0x2af: {  	v27 =	vld [tilespmem:$0xA690]  }
0x2b0: {  	v28 =	vmul.f32 v25, v17;
	v4 =	vadd.f32 v5, v4;
	_ =	sdelay $0x1  }
0x2b1: {  	v29 =	vmul.f32 v26, v20;
	v4 =	vadd.f32 v28, v4;
	_ =	sdelay $0x1  }
0x2b2: {  	v30 =	vmul.f32 v27, v22;
	v4 =	vadd.f32 v29, v4;
	_ =	sdelay $0x1  }
0x2b3: {  	v4 =	vadd.f32 v30, v4;
	_ =	sdelay $0x1  }
0x2b4: {  	[tilespmem:s17+$0xFFFFFFF0] =	vst v4  }
0x2b5: {  	v4 =	vld [tilespmem:s11+$0x0]  }
0x2b6: {  	v31 =	vld [tilespmem:$0xA500];
	_ =	sdelay $0x1  }
0x2b7: {  	v32 =	vld [tilespmem:$0xA580]  }
0x2b8: {  	v33 =	vbroadcast v3, $0x8  }
0x2b9: {  	v35 =	vbroadcast v2, $0x8;
	v34 =	vld [tilespmem:$0xA600]  }
0x2ba: {  	v4 =	vmul.f32 $1.000000000e+01, v4;
	v5 =	vmul.f32 v31, v33  }
0x2bb: {  	v36 =	vld [tilespmem:$0xA680]  }
0x2bc: {  	v38 =	vbroadcast v1, $0x8;
	v37 =	vmul.f32 v32, v35;
	v4 =	vadd.f32 v5, v4;
	_ =	sdelay $0x1  }
0x2bd: {  	v40 =	vbroadcast v0, $0x8;
	v39 =	vmul.f32 v34, v38;
	v4 =	vadd.f32 v37, v4;
	_ =	sdelay $0x1  }
0x2be: {  	v41 =	vmul.f32 v36, v40;
	v4 =	vadd.f32 v39, v4;
	_ =	sdelay $0x1  }
0x2bf: {  	v4 =	vadd.f32 v41, v4;
	_ =	sdelay $0x1  }
0x2c0: {  	[tilespmem:s17+$0x0] =	vst v4  }
0x2c1: {  	v4 =	vld [tilespmem:s11+$0x10]  }
0x2c2: {  	v42 =	vld [tilespmem:$0xA510];
	_ =	sdelay $0x1  }
0x2c3: {  	v43 =	vld [tilespmem:$0xA590];
	_ =	sdelay $0x1  }
0x2c4: {  	v44 =	vld [tilespmem:$0xA610]  }
0x2c5: {  	v4 =	vmul.f32 $1.000000000e+01, v4;
	v5 =	vmul.f32 v42, v33  }
0x2c6: {  	v45 =	vld [tilespmem:$0xA690]  }
0x2c7: {  	v46 =	vmul.f32 v43, v35;
	v4 =	vadd.f32 v5, v4;
	_ =	sdelay $0x1  }
0x2c8: {  	v47 =	vmul.f32 v44, v38;
	v4 =	vadd.f32 v46, v4;
	_ =	sdelay $0x1  }
0x2c9: {  	v48 =	vmul.f32 v45, v40;
	v4 =	vadd.f32 v47, v4;
	_ =	sdelay $0x1  }
0x2ca: {  	v4 =	vadd.f32 v48, v4;
	_ =	sdelay $0x1  }
0x2cb: {  	[tilespmem:s17+$0x10] =	vst v4  }
0x2cc: {  	v4 =	vld [tilespmem:s11+$0x80]  }
0x2cd: {  	v49 =	vld [tilespmem:$0xA500];
	_ =	sdelay $0x1  }
0x2ce: {  	v50 =	vld [tilespmem:$0xA580]  }
0x2cf: {  	v51 =	vbroadcast v3, $0x9  }
0x2d0: {  	v53 =	vbroadcast v2, $0x9;
	v52 =	vld [tilespmem:$0xA600]  }
0x2d1: {  	v4 =	vmul.f32 $1.000000000e+01, v4;
	v5 =	vmul.f32 v49, v51  }
0x2d2: {  	v54 =	vld [tilespmem:$0xA680]  }
0x2d3: {  	v56 =	vbroadcast v1, $0x9;
	v55 =	vmul.f32 v50, v53;
	v4 =	vadd.f32 v5, v4;
	_ =	sdelay $0x1  }
0x2d4: {  	v58 =	vbroadcast v0, $0x9;
	v57 =	vmul.f32 v52, v56;
	v4 =	vadd.f32 v55, v4;
	_ =	sdelay $0x1  }
0x2d5: {  	v59 =	vmul.f32 v54, v58;
	v4 =	vadd.f32 v57, v4;
	_ =	sdelay $0x1  }
0x2d6: {  	v4 =	vadd.f32 v59, v4;
	_ =	sdelay $0x1  }
0x2d7: {  	[tilespmem:s17+$0x20] =	vst v4  }
0x2d8: {  	v4 =	vld [tilespmem:s11+$0x90]  }
0x2d9: {  	v60 =	vld [tilespmem:$0xA510];
	_ =	sdelay $0x1  }
0x2da: {  	v61 =	vld [tilespmem:$0xA590];
	_ =	sdelay $0x1  }
0x2db: {  	v62 =	vld [tilespmem:$0xA610]  }
0x2dc: {  	v4 =	vmul.f32 $1.000000000e+01, v4;
	v5 =	vmul.f32 v60, v51  }
0x2dd: {  	v63 =	vld [tilespmem:$0xA690]  }
0x2de: {  	v12 =	vmul.f32 v61, v53;
	v4 =	vadd.f32 v5, v4;
	_ =	sdelay $0x1  }
0x2df: {  	v13 =	vmul.f32 v62, v56;
	v4 =	vadd.f32 v12, v4;
	_ =	sdelay $0x1  }
0x2e0: {  	v14 =	vmul.f32 v63, v58;
	v4 =	vadd.f32 v13, v4;
	_ =	sdelay $0x1  }
0x2e1: {  	v4 =	vadd.f32 v14, v4;
	_ =	sdelay $0x1  }
0x2e2: {  	[tilespmem:s17+$0x30] =	vst v4  }
0x2e3: {  	v4 =	vld [tilespmem:s11+$0x100]  }
0x2e4: {  	v15 =	vld [tilespmem:$0xA500];
	_ =	sdelay $0x1  }
0x2e5: {  	v16 =	vld [tilespmem:$0xA580]  }
0x2e6: {  	v17 =	vbroadcast v3, $0xA  }
0x2e7: {  	v19 =	vbroadcast v2, $0xA;
	v18 =	vld [tilespmem:$0xA600]  }
0x2e8: {  	v4 =	vmul.f32 $1.000000000e+01, v4;
	v5 =	vmul.f32 v15, v17  }
0x2e9: {  	v20 =	vld [tilespmem:$0xA680]  }
0x2ea: {  	v22 =	vbroadcast v1, $0xA;
	v21 =	vmul.f32 v16, v19;
	v4 =	vadd.f32 v5, v4;
	_ =	sdelay $0x1  }
0x2eb: {  	v24 =	vbroadcast v0, $0xA;
	v23 =	vmul.f32 v18, v22;
	v4 =	vadd.f32 v21, v4;
	_ =	sdelay $0x1  }
0x2ec: {  	v25 =	vmul.f32 v20, v24;
	v4 =	vadd.f32 v23, v4;
	_ =	sdelay $0x1  }
0x2ed: {  	v4 =	vadd.f32 v25, v4;
	_ =	sdelay $0x1  }
0x2ee: {  	[tilespmem:s17+$0x40] =	vst v4  }
0x2ef: {  	v4 =	vld [tilespmem:s11+$0x110]  }
0x2f0: {  	v26 =	vld [tilespmem:$0xA510];
	_ =	sdelay $0x1  }
0x2f1: {  	v27 =	vld [tilespmem:$0xA590];
	_ =	sdelay $0x1  }
0x2f2: {  	v28 =	vld [tilespmem:$0xA610]  }
0x2f3: {  	v4 =	vmul.f32 $1.000000000e+01, v4;
	v5 =	vmul.f32 v26, v17  }
0x2f4: {  	v29 =	vld [tilespmem:$0xA690]  }
0x2f5: {  	v30 =	vmul.f32 v27, v19;
	v4 =	vadd.f32 v5, v4;
	_ =	sdelay $0x1  }
0x2f6: {  	v31 =	vmul.f32 v28, v22;
	v4 =	vadd.f32 v30, v4;
	_ =	sdelay $0x1  }
0x2f7: {  	v32 =	vmul.f32 v29, v24;
	v4 =	vadd.f32 v31, v4;
	_ =	sdelay $0x1  }
0x2f8: {  	v4 =	vadd.f32 v32, v4;
	_ =	sdelay $0x1  }
0x2f9: {  	[tilespmem:s17+$0x50] =	vst v4  }
0x2fa: {  	v4 =	vld [tilespmem:s11+$0x180]  }
0x2fb: {  	v33 =	vld [tilespmem:$0xA500];
	_ =	sdelay $0x1  }
0x2fc: {  	v34 =	vld [tilespmem:$0xA580]  }
0x2fd: {  	v35 =	vbroadcast v3, $0xB  }
0x2fe: {  	v37 =	vbroadcast v2, $0xB;
	v36 =	vld [tilespmem:$0xA600]  }
0x2ff: {  	v4 =	vmul.f32 $1.000000000e+01, v4;
	v5 =	vmul.f32 v33, v35  }
0x300: {  	v38 =	vld [tilespmem:$0xA680]  }
0x301: {  	v40 =	vbroadcast v1, $0xB;
	v39 =	vmul.f32 v34, v37;
	v4 =	vadd.f32 v5, v4;
	_ =	sdelay $0x1  }
0x302: {  	v42 =	vbroadcast v0, $0xB;
	v41 =	vmul.f32 v36, v40;
	v4 =	vadd.f32 v39, v4;
	_ =	sdelay $0x1  }
0x303: {  	v43 =	vmul.f32 v38, v42;
	v4 =	vadd.f32 v41, v4;
	_ =	sdelay $0x1  }
0x304: {  	v4 =	vadd.f32 v43, v4;
	_ =	sdelay $0x1  }
0x305: {  	[tilespmem:s17+$0x60] =	vst v4  }
0x306: {  	v4 =	vld [tilespmem:s11+$0x190]  }
0x307: {  	v44 =	vld [tilespmem:$0xA510];
	_ =	sdelay $0x1  }
0x308: {  	v45 =	vld [tilespmem:$0xA590];
	_ =	sdelay $0x1  }
0x309: {  	v46 =	vld [tilespmem:$0xA610]  }
0x30a: {  	v4 =	vmul.f32 $1.000000000e+01, v4;
	v5 =	vmul.f32 v44, v35  }
0x30b: {  	v47 =	vld [tilespmem:$0xA690]  }
0x30c: {  	v48 =	vmul.f32 v45, v37;
	v4 =	vadd.f32 v5, v4;
	_ =	sdelay $0x1  }
0x30d: {  	v49 =	vmul.f32 v46, v40;
	v4 =	vadd.f32 v48, v4;
	_ =	sdelay $0x1  }
0x30e: {  	v50 =	vmul.f32 v47, v42;
	v4 =	vadd.f32 v49, v4;
	_ =	sdelay $0x1  }
0x30f: {  	v4 =	vadd.f32 v50, v4;
	_ =	sdelay $0x1  }
0x310: {  	[tilespmem:s17+$0x70] =	vst v4  }
0x311: {  	v4 =	vld [tilespmem:s11+$0x200]  }
0x312: {  	v51 =	vld [tilespmem:$0xA500];
	_ =	sdelay $0x1  }
0x313: {  	v52 =	vld [tilespmem:$0xA580]  }
0x314: {  	v53 =	vbroadcast v3, $0xC  }
0x315: {  	v55 =	vbroadcast v2, $0xC;
	v54 =	vld [tilespmem:$0xA600]  }
0x316: {  	v4 =	vmul.f32 $1.000000000e+01, v4;
	v5 =	vmul.f32 v51, v53  }
0x317: {  	v56 =	vld [tilespmem:$0xA680]  }
0x318: {  	v58 =	vbroadcast v1, $0xC;
	v57 =	vmul.f32 v52, v55;
	v4 =	vadd.f32 v5, v4;
	_ =	sdelay $0x1  }
0x319: {  	v60 =	vbroadcast v0, $0xC;
	v59 =	vmul.f32 v54, v58;
	v4 =	vadd.f32 v57, v4;
	_ =	sdelay $0x1  }
0x31a: {  	v61 =	vmul.f32 v56, v60;
	v4 =	vadd.f32 v59, v4;
	_ =	sdelay $0x1  }
0x31b: {  	v4 =	vadd.f32 v61, v4;
	_ =	sdelay $0x1  }
0x31c: {  	[tilespmem:s17+$0x80] =	vst v4  }
0x31d: {  	v4 =	vld [tilespmem:s11+$0x210]  }
0x31e: {  	v62 =	vld [tilespmem:$0xA510];
	_ =	sdelay $0x1  }
0x31f: {  	v63 =	vld [tilespmem:$0xA590];
	_ =	sdelay $0x1  }
0x320: {  	v12 =	vld [tilespmem:$0xA610]  }
0x321: {  	v4 =	vmul.f32 $1.000000000e+01, v4;
	v5 =	vmul.f32 v62, v53  }
0x322: {  	v13 =	vld [tilespmem:$0xA690]  }
0x323: {  	v14 =	vmul.f32 v63, v55;
	v4 =	vadd.f32 v5, v4;
	_ =	sdelay $0x1  }
0x324: {  	v15 =	vmul.f32 v12, v58;
	v4 =	vadd.f32 v14, v4;
	_ =	sdelay $0x1  }
0x325: {  	v16 =	vmul.f32 v13, v60;
	v4 =	vadd.f32 v15, v4;
	_ =	sdelay $0x1  }
0x326: {  	v4 =	vadd.f32 v16, v4;
	_ =	sdelay $0x1  }
0x327: {  	[tilespmem:s17+$0x90] =	vst v4  }
0x328: {  	v4 =	vld [tilespmem:s11+$0x280]  }
0x329: {  	v17 =	vld [tilespmem:$0xA500];
	_ =	sdelay $0x1  }
0x32a: {  	v18 =	vld [tilespmem:$0xA580]  }
0x32b: {  	v19 =	vbroadcast v3, $0xD  }
0x32c: {  	v21 =	vbroadcast v2, $0xD;
	v20 =	vld [tilespmem:$0xA600]  }
0x32d: {  	v4 =	vmul.f32 $1.000000000e+01, v4;
	v5 =	vmul.f32 v17, v19  }
0x32e: {  	v22 =	vld [tilespmem:$0xA680]  }
0x32f: {  	v24 =	vbroadcast v1, $0xD;
	v23 =	vmul.f32 v18, v21;
	v4 =	vadd.f32 v5, v4;
	_ =	sdelay $0x1  }
0x330: {  	v26 =	vbroadcast v0, $0xD;
	v25 =	vmul.f32 v20, v24;
	v4 =	vadd.f32 v23, v4;
	_ =	sdelay $0x1  }
0x331: {  	v27 =	vmul.f32 v22, v26;
	v4 =	vadd.f32 v25, v4;
	_ =	sdelay $0x1  }
0x332: {  	v4 =	vadd.f32 v27, v4;
	_ =	sdelay $0x1  }
0x333: {  	[tilespmem:s17+$0xA0] =	vst v4  }
0x334: {  	v4 =	vld [tilespmem:s11+$0x290]  }
0x335: {  	v28 =	vld [tilespmem:$0xA510];
	_ =	sdelay $0x1  }
0x336: {  	v29 =	vld [tilespmem:$0xA590];
	_ =	sdelay $0x1  }
0x337: {  	v30 =	vld [tilespmem:$0xA610]  }
0x338: {  	v4 =	vmul.f32 $1.000000000e+01, v4;
	v5 =	vmul.f32 v28, v19  }
0x339: {  	v31 =	vld [tilespmem:$0xA690]  }
0x33a: {  	v32 =	vmul.f32 v29, v21;
	v4 =	vadd.f32 v5, v4;
	_ =	sdelay $0x1  }
0x33b: {  	v33 =	vmul.f32 v30, v24;
	v4 =	vadd.f32 v32, v4;
	_ =	sdelay $0x1  }
0x33c: {  	v34 =	vmul.f32 v31, v26;
	v4 =	vadd.f32 v33, v4;
	_ =	sdelay $0x1  }
0x33d: {  	v4 =	vadd.f32 v34, v4;
	_ =	sdelay $0x1  }
0x33e: {  	[tilespmem:s17+$0xB0] =	vst v4  }
0x33f: {  	v4 =	vld [tilespmem:s11+$0x300]  }
0x340: {  	v35 =	vld [tilespmem:$0xA500];
	_ =	sdelay $0x1  }
0x341: {  	v36 =	vld [tilespmem:$0xA580]  }
0x342: {  	v37 =	vbroadcast v3, $0xE  }
0x343: {  	v39 =	vbroadcast v2, $0xE;
	v38 =	vld [tilespmem:$0xA600]  }
0x344: {  	v4 =	vmul.f32 $1.000000000e+01, v4;
	v5 =	vmul.f32 v35, v37  }
0x345: {  	v40 =	vld [tilespmem:$0xA680]  }
0x346: {  	v42 =	vbroadcast v1, $0xE;
	v41 =	vmul.f32 v36, v39;
	v4 =	vadd.f32 v5, v4;
	_ =	sdelay $0x1  }
0x347: {  	v44 =	vbroadcast v0, $0xE;
	v43 =	vmul.f32 v38, v42;
	v4 =	vadd.f32 v41, v4;
	_ =	sdelay $0x1  }
0x348: {  	v45 =	vmul.f32 v40, v44;
	v4 =	vadd.f32 v43, v4;
	_ =	sdelay $0x1  }
0x349: {  	v4 =	vadd.f32 v45, v4;
	_ =	sdelay $0x1  }
0x34a: {  	[tilespmem:s17+$0xC0] =	vst v4  }
0x34b: {  	v4 =	vld [tilespmem:s11+$0x310]  }
0x34c: {  	v46 =	vld [tilespmem:$0xA510];
	_ =	sdelay $0x1  }
0x34d: {  	v47 =	vld [tilespmem:$0xA590];
	_ =	sdelay $0x1  }
0x34e: {  	v48 =	vld [tilespmem:$0xA610]  }
0x34f: {  	v4 =	vmul.f32 $1.000000000e+01, v4;
	v5 =	vmul.f32 v46, v37  }
0x350: {  	v49 =	vld [tilespmem:$0xA690]  }
0x351: {  	v50 =	vmul.f32 v47, v39;
	v4 =	vadd.f32 v5, v4;
	_ =	sdelay $0x1  }
0x352: {  	v51 =	vmul.f32 v48, v42;
	v4 =	vadd.f32 v50, v4;
	_ =	sdelay $0x1  }
0x353: {  	v52 =	vmul.f32 v49, v44;
	v4 =	vadd.f32 v51, v4;
	_ =	sdelay $0x1  }
0x354: {  	v4 =	vadd.f32 v52, v4;
	_ =	sdelay $0x1  }
0x355: {  	[tilespmem:s17+$0xD0] =	vst v4  }
0x356: {  	v4 =	vld [tilespmem:s11+$0x380]  }
0x357: {  	v53 =	vld [tilespmem:$0xA500];
	_ =	sdelay $0x1  }
0x358: {  	v54 =	vld [tilespmem:$0xA580]  }
0x359: {  	v3 =	vbroadcast v3, $0xF  }
0x35a: {  	v2 =	vbroadcast v2, $0xF;
	v55 =	vld [tilespmem:$0xA600]  }
0x35b: {  	v4 =	vmul.f32 $1.000000000e+01, v4;
	v5 =	vmul.f32 v53, v3  }
0x35c: {  	v56 =	vld [tilespmem:$0xA680]  }
0x35d: {  	v1 =	vbroadcast v1, $0xF;
	v57 =	vmul.f32 v54, v2;
	v4 =	vadd.f32 v5, v4;
	_ =	sdelay $0x1  }
0x35e: {  	v0 =	vbroadcast v0, $0xF;
	v58 =	vmul.f32 v55, v1;
	v4 =	vadd.f32 v57, v4;
	_ =	sdelay $0x1  }
0x35f: {  	v59 =	vmul.f32 v56, v0;
	v4 =	vadd.f32 v58, v4;
	_ =	sdelay $0x1  }
0x360: {  	v4 =	vadd.f32 v59, v4;
	_ =	sdelay $0x1  }
0x361: {  	[tilespmem:s17+$0xE0] =	vst v4  }
0x362: {  	v4 =	vld [tilespmem:s11+$0x390]  }
0x363: {  	v60 =	vld [tilespmem:$0xA510];
	_ =	sdelay $0x1  }
0x364: {  	v61 =	vld [tilespmem:$0xA590];
	_ =	sdelay $0x1  }
0x365: {  	v62 =	vld [tilespmem:$0xA610]  }
0x366: {  	v4 =	vmul.f32 $1.000000000e+01, v4;
	v3 =	vmul.f32 v60, v3  }
0x367: {  	v63 =	vld [tilespmem:$0xA690]  }
0x368: {  	v2 =	vmul.f32 v61, v2;
	v3 =	vadd.f32 v3, v4;
	_ =	sdelay $0x1  }
0x369: {  	v1 =	vmul.f32 v62, v1;
	v2 =	vadd.f32 v2, v3  }
0x36a: {  	p0 =	sne.s32 s12, $0x1C0  }
.Ltmp3:
0x36b: {  	v0 =	vmul.f32 v63, v0;
	v1 =	vadd.f32 v1, v2;
	(pc) =	sbr.rel @p0 .LBB2_5-.Ltmp3, $3  }
0x36c: {  	_ = 	snop  }
0x36d: {  	v0 =	vadd.f32 v0, v1;
	_ =	sdelay $0x1  }
0x36e: {  	s12 =	sadd.s32 $0x40, s12;
	s11 =	sadd.s32 $0x800, s11;
	[tilespmem:s17+$0xF0] =	vst v0;
	s17 =	sadd.s32 $0x200, s17  }
.Ltmp4:
0x36f: {  	s11 =	sadd.s32 s10, s15;
	(pc) =	sbr.rel @p1 .LBB2_8-.Ltmp4, $4  }
0x370: {  	s11 =	sshll.u32 s11, $0x2  }
0x371: {  	s11 =	sand.u32 $0x1FFFFE00, s11  }
0x372: {  	s11 =	sadd.s32 s3, s11  }
0x373: {  	[hbm4b:s11+s4] =	stream.linear.scatter [tilespmem:s21], [sflag:$0x4], $0x1000, $0x38;
	[tilespmem:$0xA700] =	vst v63  }
0x374: {  	s10 =	sadd.s32 s10, s16  }
0x375: {  	s10 =	sshrl.u32 s10, $0x3  }
0x376: {  	s10 =	sadd.s32 s1, s10  }
0x377: {  	[tilespmem:s20], [sflag:$0x5] =	stream.linear.gather [hbm4b:s10+s4], $0x80, $0x38;
	[tilespmem:$0xA700] =	vst v63  }
0x378: {  	_ =	swait.ge [sflag:s19], $0x80  }
0x379: {  	[sflag:s19] =	ssyncset.done $0x0  }
0x37a: {  	[sflag:s19] =	ssyncadd.s32 $0xFFFFFF80  }
0x37b: {  	[tilespmem:s26], [sflag:$0x2] =	stream.indirect.gather [hbm4b:s5+s20], $0x80, s20, s20, $0xb8;
	[tilespmem:$0xA700] =	vst v63  }
0x37c: {  	_ = 	snop  }
0x37d: {  	[tilespmem:s28], [sflag:$0x2] =	stream.indirect.gather [hbm4b:s6+s20], $0x1, s20, s20, $0xb8;
	[tilespmem:$0xA700] =	vst v63  }
0x37e: {  	_ = 	snop  }
0x37f: {  	[tilespmem:s29], [sflag:$0x2] =	stream.indirect.gather [hbm4b:s7+s20], $0x1, s20, s20, $0xb8;
	[tilespmem:$0xA700] =	vst v63  }
.Ltmp5:
0x380: {  	_ = 	snop;
	(pc) =	sbr.rel .LBB2_2-.Ltmp5, $4  }
0x381: {  	_ = 	snop  }
0x382: {  	[tilespmem:s30], [sflag:$0x2] =	stream.indirect.gather [hbm4b:s8+s20], $0x1, s20, s20, $0xb8;
	[tilespmem:$0xA700] =	vst v63  }
0x383: {  	s25 =	sadd.s32 $0x1, s25  }
0x384: {  	[tilespmem:s31], [sflag:$0x2] =	stream.indirect.gather [hbm4b:s9+s20], $0x1, s20, s20, $0xb8;
	[tilespmem:$0xA700] =	vst v63  }
.LBB2_9:
0x385: {  	_ =	sfence.sel $0x180000  }
0x386: {  	[bflag:$0x0] =	sbarrier.arrive $0xFFFF  }
0x387: {  	_ =	strace $0x90000047  }
0x388: {  	s0 =	stileid.u32;
	[bflag:$0x2] =	sbarrier.arrive $0xFFFF  }
0x389: {  	p0 =	sne.s32 s0, $0x0;
	s0 =	rddreg [dreg:$0x2]  }
0x38a: {  	s0 =	sadd.s32 @!p0 $0x100000, s0  }
0x38b: {  	[sflag:s0] =	ssyncadd.tile.s32 @!p0 $0x1;
	_ =	shalt  }
.Lfunc_end2:
_tile_overlayer_lowered:
.L_overlay_start_2:
0x38c: {  	(tag) =	ssettag $0x2  }
0x38d: {  	s0 =	rddreg [dreg:$0x0];
	s2 =	stileid.u32  }
0x38e: {  	s1 =	rddreg [dreg:$0x1];
	p0 =	sne.s32 s2, $0x0  }
0x38f: {  	s3 =	rddreg [dreg:$0x2];
	[bflag:$0x3] =	sbarrier.arrive $0xFFFF;
	s2 =	simm.s32 @!p0 $0x1C05  }
0x390: {  	[timem:s3], [sflag:s2] =	dma.local @!p0 [hbm:s0], s1  }
0x391: {  	s0 =	simm.s32 @!p0 $0x5  }
0x392: {  	_ =	swait.ge @!p0 [sflag:s0], s1  }
0x393: {  	s1 =	ssub.s32 @!p0 $0x0, s1;
	[sflag:s0] =	ssyncset.done @!p0 $0x0  }
0x394: {  	[sflag:s0] =	ssyncadd.s32 @!p0 s1  }
0x395: {  	[bflag:$0x3] =	sbarrier.arrive $0xFFFF  }
0x396: {  	_ =	shalt  }

</sc_bundles>
